<compile_context>
chip_gen: v7x
topology: tpu7x:2x2x1
jax: 0.10.2.dev20260603
libtpu: 0.0.44.dev20260713+nightly
codegen_flags: <defaults>
</compile_context>

<pallas_src>
import functools

import jax
import jax.numpy as jnp
from jax import lax
from jax.experimental import pallas as pl
from jax.experimental.pallas import tpu as pltpu
from jax.experimental.pallas import tpu_sc as plsc

N = 100000
E = 1600000
EP = 1638400
K = 1024
F = 16
RPT1 = 6248
BN = 2000


def _mesh():
    return plsc.VectorSubcoreMesh(core_axis_name="c", subcore_axis_name="s")


@functools.partial(
    pl.kernel,
    out_type=jax.ShapeDtypeStruct((2 * N,), jnp.float32),
    mesh=_mesh(),
    compiler_params=pltpu.CompilerParams(use_tc_tiling_on_sc=False),
    scratch_types=[
        pltpu.VMEM((K // 128, 128), jnp.int32),
        pltpu.VMEM((K,), jnp.float32),
        pltpu.VMEM((K,), jnp.float32),
        pltpu.VMEM_SHARED((N,), jnp.float32),
    ],
)
def _deg_pass(dst2_hbm, w_hbm, out_hbm, dst_v, w_v, z_v, acc_sh):
    c = lax.axis_index("c")
    s = lax.axis_index("s")

    def zv(i, _):
        z_v[pl.ds(i * 16, 16)] = jnp.zeros((16,), jnp.float32)
        return 0

    lax.fori_loop(0, K // 16, zv, 0, unroll=8)

    base = pl.multiple_of(s * RPT1, 8)
    for j in range(3):
        pltpu.sync_copy(z_v, acc_sh.at[pl.ds(base + j * K, K)])
    pltpu.sync_copy(z_v.at[pl.ds(0, RPT1 - 3 * K)],
                    acc_sh.at[pl.ds(base + 3 * K, RPT1 - 3 * K)])

    @pl.when(s == 15)
    def _():
        pltpu.sync_copy(z_v.at[pl.ds(0, N - 16 * RPT1)],
                        acc_sh.at[pl.ds(16 * RPT1, N - 16 * RPT1)])

    plsc.subcore_barrier()

    ept = EP // 32
    ebase = (c * 16 + s) * ept
    rbase = ebase // 128

    def chunk(i, _):
        eo = pl.multiple_of(ebase + i * K, K)
        ro = pl.multiple_of(rbase + i * (K // 128), K // 128)
        pltpu.sync_copy(dst2_hbm.at[pl.ds(ro, K // 128), :], dst_v)
        pltpu.sync_copy(w_hbm.at[pl.ds(eo, K)], w_v)

        def scat(j, _):
            pltpu.sync_copy(w_v.at[pl.ds(j * 128, 128)],
                            acc_sh.at[dst_v.at[j]], add=True)
            return 0

        lax.fori_loop(0, K // 128, scat, 0)
        return 0

    lax.fori_loop(0, ept // K, chunk, 0)
    plsc.subcore_barrier()

    obase = pl.multiple_of(c * N + base, 8)
    for j in range(3):
        pltpu.sync_copy(acc_sh.at[pl.ds(base + j * K, K)], z_v)
        pltpu.sync_copy(z_v, out_hbm.at[pl.ds(obase + j * K, K)])
    tl = RPT1 - 3 * K
    pltpu.sync_copy(acc_sh.at[pl.ds(base + 3 * K, tl)], z_v.at[pl.ds(0, tl)])
    pltpu.sync_copy(z_v.at[pl.ds(0, tl)], out_hbm.at[pl.ds(obase + 3 * K, tl)])

    @pl.when(s == 15)
    def _():
        ot = pl.multiple_of(c * N + 16 * RPT1, 8)
        nr = N - 16 * RPT1
        pltpu.sync_copy(acc_sh.at[pl.ds(16 * RPT1, nr)], z_v.at[pl.ds(0, nr)])
        pltpu.sync_copy(z_v.at[pl.ds(0, nr)], out_hbm.at[pl.ds(ot, nr)])


def _make_agg(col_split):
    ept = EP // 16 if col_split else EP // 32
    nt = 2 * N if col_split else N

    @functools.partial(
        pl.kernel,
        out_type=jax.ShapeDtypeStruct((2, N, F), jnp.float32),
        mesh=_mesh(),
        compiler_params=pltpu.CompilerParams(use_tc_tiling_on_sc=False),
        scratch_types=[
            pltpu.VMEM((K,), jnp.int32),
            pltpu.VMEM((K // 128, 128), jnp.int32),
            pltpu.VMEM((K,), jnp.float32),
            pltpu.VMEM((K, F), jnp.float32),
            pltpu.VMEM_SHARED((N, F), jnp.float32),
            pltpu.SemaphoreType.DMA,
        ],
    )
    def agg(table_hbm, src_hbm, dst2_hbm, w_hbm, out_hbm,
            src_v, dst_v, w_v, rows_v, acc_sh, sem):
        c = lax.axis_index("c")
        s = lax.axis_index("s")

        def zr(i, _):
            rows_v[i] = jnp.zeros((F,), jnp.float32)
            return 0

        lax.fori_loop(0, K, zr, 0, unroll=8)

        base = pl.multiple_of(s * RPT1, 8)
        rem = RPT1 - 3 * K
        nr = N - 16 * RPT1
        for j in range(3):
            pltpu.sync_copy(rows_v, acc_sh.at[pl.ds(base + j * K, K), :])
        pltpu.sync_copy(rows_v.at[pl.ds(0, rem), :],
                        acc_sh.at[pl.ds(base + 3 * K, rem), :])

        @pl.when(s == 15)
        def _():
            pltpu.sync_copy(rows_v.at[pl.ds(0, nr), :],
                            acc_sh.at[pl.ds(16 * RPT1, nr), :])

        plsc.subcore_barrier()

        if col_split:
            ebase = s * ept
        else:
            ebase = (c * 16 + s) * ept
        rbase = ebase // 128
        coff = c * N

        def chunk(i, _):
            eo = pl.multiple_of(ebase + i * K, K)
            ro = pl.multiple_of(rbase + i * (K // 128), K // 128)
            pltpu.sync_copy(src_hbm.at[pl.ds(eo, K)], src_v)
            pltpu.sync_copy(dst2_hbm.at[pl.ds(ro, K // 128), :], dst_v)
            pltpu.sync_copy(w_hbm.at[pl.ds(eo, K)], w_v)
            if col_split:
                def addo(j, _):
                    sl = pl.ds(j * 16, 16)
                    src_v[sl] = src_v[sl] + coff
                    return 0

                lax.fori_loop(0, K // 16, addo, 0, unroll=8)
            pltpu.async_copy(table_hbm.at[src_v], rows_v, sem).wait()

            def mul(i, _):
                wvec = w_v[pl.ds(i * 16, 16)]
                eb = i * 16
                for j in range(16):
                    rows_v[eb + j] = rows_v[eb + j] * wvec[j]
                return 0

            lax.fori_loop(0, K // 16, mul, 0)

            def scat(j, _):
                pltpu.sync_copy(rows_v.at[pl.ds(j * 128, 128), :],
                                acc_sh.at[dst_v.at[j]], add=True)
                return 0

            lax.fori_loop(0, K // 128, scat, 0)
            return 0

        lax.fori_loop(0, ept // K, chunk, 0)
        plsc.subcore_barrier()

        for j in range(3):
            pltpu.sync_copy(acc_sh.at[pl.ds(base + j * K, K), :],
                            out_hbm.at[c, pl.ds(base + j * K, K), :])
        pltpu.sync_copy(acc_sh.at[pl.ds(base + 3 * K, rem), :],
                        out_hbm.at[c, pl.ds(base + 3 * K, rem), :])

        @pl.when(s == 15)
        def _():
            pltpu.sync_copy(acc_sh.at[pl.ds(16 * RPT1, nr), :],
                            out_hbm.at[c, pl.ds(16 * RPT1, nr), :])

    return agg


_agg_edge = _make_agg(False)
_agg_col = _make_agg(True)


def _row_spec(width):
    return pl.BlockSpec((BN, width), lambda i: (i, 0))


def _full_spec(r, cols):
    return pl.BlockSpec((r, cols), lambda i: (0, 0))


def _tc1_body(d0, d1, x, w1, dis_o, y_o):
    deg = d0[...] + d1[...] + 1.0
    dis = jnp.where(deg > 0, lax.rsqrt(deg), 0.0)
    dis_o[...] = dis
    y_o[...] = jnp.dot(x[...], w1[...],
                       preferred_element_type=jnp.float32) * dis


_tc1 = pl.pallas_call(
    _tc1_body,
    grid=(N // BN,),
    in_specs=[_row_spec(1), _row_spec(1), _row_spec(2), _full_spec(2, 16)],
    out_specs=[_row_spec(1), _row_spec(16)],
    out_shape=[jax.ShapeDtypeStruct((N, 1), jnp.float32),
               jax.ShapeDtypeStruct((N, 16), jnp.float32)],
)


def _tc2_body(a0, a1, y0, dis_r, b1, y1_o):
    dis = dis_r[...]
    h = jnp.maximum(dis * (a0[...] + a1[...] + y0[...]) + b1[...], 0.0)
    y1_o[...] = dis * h


_tc2 = pl.pallas_call(
    _tc2_body,
    grid=(N // BN,),
    in_specs=[_row_spec(16), _row_spec(16), _row_spec(16), _row_spec(1),
              _full_spec(1, 16)],
    out_specs=[_row_spec(16)],
    out_shape=[jax.ShapeDtypeStruct((N, 16), jnp.float32)],
)


def _tc3_body(a0, a1, y1, dis_r, w2, b2, y2a_o, y2b_o):
    dis = dis_r[...]
    g = dis * (a0[...] + a1[...] + y1[...])
    h2 = jnp.maximum(jnp.dot(g, w2[...],
                             preferred_element_type=jnp.float32) + b2[...],
                     0.0)
    y2 = dis * h2
    y2a_o[...] = y2[:, :16]
    y2b_o[...] = y2[:, 16:]


_tc3 = pl.pallas_call(
    _tc3_body,
    grid=(N // BN,),
    in_specs=[_row_spec(16), _row_spec(16), _row_spec(16), _row_spec(1),
              _full_spec(16, 32), _full_spec(1, 32)],
    out_specs=[_row_spec(16), _row_spec(16)],
    out_shape=[jax.ShapeDtypeStruct((N, 16), jnp.float32),
               jax.ShapeDtypeStruct((N, 16), jnp.float32)],
)


def _tc4_body(a0, a1, y2a, y2b, dis_r, w3a, w3b, b3, wl, bl, out_o):
    dis = dis_r[...]
    g3a = dis * (a0[...] + y2a[...])
    g3b = dis * (a1[...] + y2b[...])
    h3 = jnp.maximum(
        jnp.dot(g3a, w3a[...], preferred_element_type=jnp.float32)
        + jnp.dot(g3b, w3b[...], preferred_element_type=jnp.float32)
        + b3[...], 0.0)
    out_o[...] = jnp.dot(h3, wl[...],
                         preferred_element_type=jnp.float32) + bl[...]


_tc4 = pl.pallas_call(
    _tc4_body,
    grid=(N // BN,),
    in_specs=[_row_spec(16), _row_spec(16), _row_spec(16), _row_spec(16),
              _row_spec(1), _full_spec(16, 64), _full_spec(16, 64),
              _full_spec(1, 64), _full_spec(64, 1), _full_spec(1, 1)],
    out_specs=[_row_spec(1)],
    out_shape=[jax.ShapeDtypeStruct((N, 1), jnp.float32)],
)


def kernel(x, edge_index, edge_weight, W1, b1, W2, b2, W3, b3, Wl, bl):
    src = edge_index[0].astype(jnp.int32)
    dst = edge_index[1].astype(jnp.int32)
    w = edge_weight.astype(jnp.float32)

    pad = EP - E
    fill = lax.iota(jnp.int32, pad)
    src_p = jnp.concatenate([src, fill])
    dst2 = jnp.concatenate([dst, fill]).reshape(EP // 128, 128)
    w_p = jnp.concatenate([w, jnp.zeros((pad,), jnp.float32)])

    degp = _deg_pass(dst2, w_p).reshape(2, N)
    deg = degp[0] + degp[1] + 1.0
    dis = jnp.where(deg > 0, deg ** -0.5, 0.0)[:, None]
    y0 = (x @ W1) * dis

    aggA = _agg_edge(y0, src_p, dst2, w_p)
    h1 = jnp.maximum(dis * (aggA[0] + aggA[1] + y0) + b1, 0.0)
    y1 = dis * h1

    aggB = _agg_edge(y1, src_p, dst2, w_p)
    h2 = jnp.maximum((dis * (aggB[0] + aggB[1] + y1)) @ W2 + b2, 0.0)
    y2 = dis * h2

    y2cat = jnp.concatenate([y2[:, :16], y2[:, 16:]], axis=0)
    aggC = _agg_col(y2cat, src_p, dst2, w_p)
    agg3 = jnp.concatenate([aggC[0], aggC[1]], axis=1)
    h3 = jnp.maximum((dis * (agg3 + y2)) @ W3 + b3, 0.0)
    return h3 @ Wl + bl

# --- scband reference (transcript-rebuilt; emitter-appended) ---
"""Pipeline reference for scband-net-30777735643495 (READ-ONLY COPY).

The authoritative reference and input builder live on the scoring server;
editing this copy changes nothing except your own understanding.
"""

import jax, jax.numpy as jnp
import numpy as np

N = 100000
E = 1600000


def gcn_conv(x, src, dst, w, W, b, num_nodes):
    loop = jnp.arange(num_nodes)
    s = jnp.concatenate([src, loop])
    d = jnp.concatenate([dst, loop])
    ww = jnp.concatenate([w, jnp.ones((num_nodes,), dtype=w.dtype)])
    deg = jnp.zeros((num_nodes,), dtype=w.dtype).at[d].add(ww)
    dis = jnp.where(deg > 0, deg ** -0.5, 0.0)
    norm = dis[s] * ww * dis[d]
    h = x @ W
    out = jnp.zeros((num_nodes, h.shape[1]), dtype=h.dtype).at[d].add(h[s] * norm[:, None])
    return out + b


def setup_inputs(seed: int = 0):
    key = jax.random.key(seed)
    ks = jax.random.split(key, 12)
    x = jax.random.normal(ks[0], (N, 2), dtype=jnp.float32)
    edge_index = jax.random.randint(ks[1], (2, E), 0, N, dtype=jnp.int64) if jax.config.jax_enable_x64 else jax.random.randint(ks[1], (2, E), 0, N).astype(jnp.int32)
    edge_weight = jax.random.uniform(ks[2], (E,), dtype=jnp.float32)

    def glorot(k, shape):
        lim = (6.0 / (shape[0] + shape[1])) ** 0.5
        return jax.random.uniform(k, shape, minval=-lim, maxval=lim, dtype=jnp.float32)

    W1 = glorot(ks[3], (2, 16)); b1 = jnp.zeros((16,), jnp.float32)
    W2 = glorot(ks[4], (16, 32)); b2 = jnp.zeros((32,), jnp.float32)
    W3 = glorot(ks[5], (32, 64)); b3 = jnp.zeros((64,), jnp.float32)
    Wl = glorot(ks[6], (64, 1)); bl = jnp.zeros((1,), jnp.float32)
    return {"x": x, "edge_index": edge_index, "edge_weight": edge_weight,
            "W1": W1, "b1": b1, "W2": W2, "b2": b2, "W3": W3, "b3": b3,
            "Wl": Wl, "bl": bl}


def reference(x, edge_index, edge_weight, W1, b1, W2, b2, W3, b3, Wl, bl):
    src, dst = edge_index[0], edge_index[1]
    n = x.shape[0]
    h1 = jax.nn.relu(gcn_conv(x, src, dst, edge_weight, W1, b1, n))
    h2 = jax.nn.relu(gcn_conv(h1, src, dst, edge_weight, W2, b2, n))
    h3 = jax.nn.relu(gcn_conv(h2, src, dst, edge_weight, W3, b3, n))
    return h3 @ Wl + bl

if __name__ == "__main__":
    import jax
    _d = setup_inputs()
    print(jax.jit(kernel)(*tuple(_d.values())))

</pallas_src>

<mosaic_0001>
#map = affine_map<(d0, d1) -> (0, 0)>
#map1 = affine_map<(d0, d1) -> (0)>
#map2 = affine_map<(d0, d1) -> (0, 0, 0)>
module attributes {stable_mosaic.version = 14 : i64} {
  func.func @agg(%arg0: i32, %arg1: i32, %arg2: memref<100000x16xf32, #tpu.memory_space<hbm>>, %arg3: memref<1638400xi32, #tpu.memory_space<hbm>>, %arg4: memref<12800x128xi32, #tpu.memory_space<hbm>>, %arg5: memref<1638400xf32, #tpu.memory_space<hbm>>, %arg6: memref<2x100000x16xf32, #tpu.memory_space<hbm>>, %arg7: memref<1024xi32, #tpu.memory_space<vmem>>, %arg8: memref<8x128xi32, #tpu.memory_space<vmem>>, %arg9: memref<1024xf32, #tpu.memory_space<vmem>>, %arg10: memref<1024x16xf32, #tpu.memory_space<vmem>>, %arg11: memref<100000x16xf32, #tpu.memory_space<vmem_shared>>, %arg12: memref<!tpu.dma_semaphore, #tpu.memory_space<semaphore_mem>>) attributes {dimension_semantics = [#tpu.dimension_semantics<core_parallel>, #tpu.dimension_semantics<subcore_parallel>], iteration_bounds = array<i64: 2, 16>, scalar_prefetch = 0 : i64, scratch_operands = 6 : i64, tpu.core_type = #tpu.core_type<sc_vector_subcore>, window_params = [{transform_indices = #map}, {transform_indices = #map1}, {transform_indices = #map}, {transform_indices = #map1}, {transform_indices = #map2}]} {
    %scan3A = arith.constant 0 : i32
    %scan3A_0 = arith.constant 0 : i32
    %scan3A_1 = arith.constant 1024 : i32
    %scan3A_2 = arith.addi %scan3A_0, %scan3A_1 : i32
    %scan3A_3 = arith.constant 8 : i32
    %scan3A_4 = scf.for %scan3A_68 = %scan3A_0 to %scan3A_2 step %scan3A_3 iter_args(%scan3A_69 = %scan3A) -> (i32)  : i32 {
      %broadcast_in_dim3A = arith.constant 0.000000e+00 : f32
      %broadcast_in_dim3A_70 = vector.broadcast %broadcast_in_dim3A : f32 to vector<16xf32>
      %swap3A = arith.index_cast %scan3A_68 : i32 to index
      %swap3A_71 = arith.constant 0 : index
      %swap3A_72 = tpu.vector_load %arg10[%swap3A, %swap3A_71] {strides = array<i32>} : memref<1024x16xf32, #tpu.memory_space<vmem>>, vector<1x16xf32>,
      %swap3A_73 = vector.shape_cast %swap3A_72 : vector<1x16xf32> to vector<16xf32>
      %swap3A_74 = vector.shape_cast %broadcast_in_dim3A_70 : vector<16xf32> to vector<1x16xf32>
      tpu.vector_store %arg10[%swap3A, %swap3A_71], %swap3A_74 {strides = array<i32>} : memref<1024x16xf32, #tpu.memory_space<vmem>>, vector<1x16xf32>,
      %scan3A_75 = arith.constant 0 : i32
      %scan3A_76 = arith.constant 1 : i32
      %scan3A_77 = arith.addi %scan3A_68, %scan3A_76 : i32
      %broadcast_in_dim3A_78 = arith.constant 0.000000e+00 : f32
      %broadcast_in_dim3A_79 = vector.broadcast %broadcast_in_dim3A_78 : f32 to vector<16xf32>
      %swap3A_80 = arith.index_cast %scan3A_77 : i32 to index
      %swap3A_81 = arith.constant 0 : index
      %swap3A_82 = tpu.vector_load %arg10[%swap3A_80, %swap3A_81] {strides = array<i32>} : memref<1024x16xf32, #tpu.memory_space<vmem>>, vector<1x16xf32>,
      %swap3A_83 = vector.shape_cast %swap3A_82 : vector<1x16xf32> to vector<16xf32>
      %swap3A_84 = vector.shape_cast %broadcast_in_dim3A_79 : vector<16xf32> to vector<1x16xf32>
      tpu.vector_store %arg10[%swap3A_80, %swap3A_81], %swap3A_84 {strides = array<i32>} : memref<1024x16xf32, #tpu.memory_space<vmem>>, vector<1x16xf32>,
      %scan3A_85 = arith.constant 0 : i32
      %scan3A_86 = arith.constant 2 : i32
      %scan3A_87 = arith.addi %scan3A_68, %scan3A_86 : i32
      %broadcast_in_dim3A_88 = arith.constant 0.000000e+00 : f32
      %broadcast_in_dim3A_89 = vector.broadcast %broadcast_in_dim3A_88 : f32 to vector<16xf32>
      %swap3A_90 = arith.index_cast %scan3A_87 : i32 to index
      %swap3A_91 = arith.constant 0 : index
      %swap3A_92 = tpu.vector_load %arg10[%swap3A_90, %swap3A_91] {strides = array<i32>} : memref<1024x16xf32, #tpu.memory_space<vmem>>, vector<1x16xf32>,
      %swap3A_93 = vector.shape_cast %swap3A_92 : vector<1x16xf32> to vector<16xf32>
      %swap3A_94 = vector.shape_cast %broadcast_in_dim3A_89 : vector<16xf32> to vector<1x16xf32>
      tpu.vector_store %arg10[%swap3A_90, %swap3A_91], %swap3A_94 {strides = array<i32>} : memref<1024x16xf32, #tpu.memory_space<vmem>>, vector<1x16xf32>,
      %scan3A_95 = arith.constant 0 : i32
      %scan3A_96 = arith.constant 3 : i32
      %scan3A_97 = arith.addi %scan3A_68, %scan3A_96 : i32
      %broadcast_in_dim3A_98 = arith.constant 0.000000e+00 : f32
      %broadcast_in_dim3A_99 = vector.broadcast %broadcast_in_dim3A_98 : f32 to vector<16xf32>
      %swap3A_100 = arith.index_cast %scan3A_97 : i32 to index
      %swap3A_101 = arith.constant 0 : index
      %swap3A_102 = tpu.vector_load %arg10[%swap3A_100, %swap3A_101] {strides = array<i32>} : memref<1024x16xf32, #tpu.memory_space<vmem>>, vector<1x16xf32>,
      %swap3A_103 = vector.shape_cast %swap3A_102 : vector<1x16xf32> to vector<16xf32>
      %swap3A_104 = vector.shape_cast %broadcast_in_dim3A_99 : vector<16xf32> to vector<1x16xf32>
      tpu.vector_store %arg10[%swap3A_100, %swap3A_101], %swap3A_104 {strides = array<i32>} : memref<1024x16xf32, #tpu.memory_space<vmem>>, vector<1x16xf32>,
      %scan3A_105 = arith.constant 0 : i32
      %scan3A_106 = arith.constant 4 : i32
      %scan3A_107 = arith.addi %scan3A_68, %scan3A_106 : i32
      %broadcast_in_dim3A_108 = arith.constant 0.000000e+00 : f32
      %broadcast_in_dim3A_109 = vector.broadcast %broadcast_in_dim3A_108 : f32 to vector<16xf32>
      %swap3A_110 = arith.index_cast %scan3A_107 : i32 to index
      %swap3A_111 = arith.constant 0 : index
      %swap3A_112 = tpu.vector_load %arg10[%swap3A_110, %swap3A_111] {strides = array<i32>} : memref<1024x16xf32, #tpu.memory_space<vmem>>, vector<1x16xf32>,
      %swap3A_113 = vector.shape_cast %swap3A_112 : vector<1x16xf32> to vector<16xf32>
      %swap3A_114 = vector.shape_cast %broadcast_in_dim3A_109 : vector<16xf32> to vector<1x16xf32>
      tpu.vector_store %arg10[%swap3A_110, %swap3A_111], %swap3A_114 {strides = array<i32>} : memref<1024x16xf32, #tpu.memory_space<vmem>>, vector<1x16xf32>,
      %scan3A_115 = arith.constant 0 : i32
      %scan3A_116 = arith.constant 5 : i32
      %scan3A_117 = arith.addi %scan3A_68, %scan3A_116 : i32
      %broadcast_in_dim3A_118 = arith.constant 0.000000e+00 : f32
      %broadcast_in_dim3A_119 = vector.broadcast %broadcast_in_dim3A_118 : f32 to vector<16xf32>
      %swap3A_120 = arith.index_cast %scan3A_117 : i32 to index
      %swap3A_121 = arith.constant 0 : index
      %swap3A_122 = tpu.vector_load %arg10[%swap3A_120, %swap3A_121] {strides = array<i32>} : memref<1024x16xf32, #tpu.memory_space<vmem>>, vector<1x16xf32>,
      %swap3A_123 = vector.shape_cast %swap3A_122 : vector<1x16xf32> to vector<16xf32>
      %swap3A_124 = vector.shape_cast %broadcast_in_dim3A_119 : vector<16xf32> to vector<1x16xf32>
      tpu.vector_store %arg10[%swap3A_120, %swap3A_121], %swap3A_124 {strides = array<i32>} : memref<1024x16xf32, #tpu.memory_space<vmem>>, vector<1x16xf32>,
      %scan3A_125 = arith.constant 0 : i32
      %scan3A_126 = arith.constant 6 : i32
      %scan3A_127 = arith.addi %scan3A_68, %scan3A_126 : i32
      %broadcast_in_dim3A_128 = arith.constant 0.000000e+00 : f32
      %broadcast_in_dim3A_129 = vector.broadcast %broadcast_in_dim3A_128 : f32 to vector<16xf32>
      %swap3A_130 = arith.index_cast %scan3A_127 : i32 to index
      %swap3A_131 = arith.constant 0 : index
      %swap3A_132 = tpu.vector_load %arg10[%swap3A_130, %swap3A_131] {strides = array<i32>} : memref<1024x16xf32, #tpu.memory_space<vmem>>, vector<1x16xf32>,
      %swap3A_133 = vector.shape_cast %swap3A_132 : vector<1x16xf32> to vector<16xf32>
      %swap3A_134 = vector.shape_cast %broadcast_in_dim3A_129 : vector<16xf32> to vector<1x16xf32>
      tpu.vector_store %arg10[%swap3A_130, %swap3A_131], %swap3A_134 {strides = array<i32>} : memref<1024x16xf32, #tpu.memory_space<vmem>>, vector<1x16xf32>,
      %scan3A_135 = arith.constant 0 : i32
      %scan3A_136 = arith.constant 7 : i32
      %scan3A_137 = arith.addi %scan3A_68, %scan3A_136 : i32
      %broadcast_in_dim3A_138 = arith.constant 0.000000e+00 : f32
      %broadcast_in_dim3A_139 = vector.broadcast %broadcast_in_dim3A_138 : f32 to vector<16xf32>
      %swap3A_140 = arith.index_cast %scan3A_137 : i32 to index
      %swap3A_141 = arith.constant 0 : index
      %swap3A_142 = tpu.vector_load %arg10[%swap3A_140, %swap3A_141] {strides = array<i32>} : memref<1024x16xf32, #tpu.memory_space<vmem>>, vector<1x16xf32>,
      %swap3A_143 = vector.shape_cast %swap3A_142 : vector<1x16xf32> to vector<16xf32>
      %swap3A_144 = vector.shape_cast %broadcast_in_dim3A_139 : vector<16xf32> to vector<1x16xf32>
      tpu.vector_store %arg10[%swap3A_140, %swap3A_141], %swap3A_144 {strides = array<i32>} : memref<1024x16xf32, #tpu.memory_space<vmem>>, vector<1x16xf32>,
      %scan3A_145 = arith.constant 0 : i32
      scf.yield %scan3A_145 : i32
    }
    %scan3A_5 = arith.constant 1024 : i32
    %mul3A = arith.constant 6248 : i32
    %mul3A_6 = arith.muli %arg1, %mul3A : i32
    %multiple_of3A = tpu.assume_multiple %mul3A_6, 8 : i32
    %add3A = arith.constant 0 : i32
    %add3A_7 = arith.addi %multiple_of3A, %add3A : i32
    "tpu.region"() ({
      %run_scoped3A = tpu.sem_alloc : memref<!tpu.dma_semaphore, #tpu.memory_space<semaphore_mem>>
      %dma_start3A = arith.constant 0 : i32
      %dma_start3A_68 = tpu.memref_slice %arg11[%add3A_7, %dma_start3A] : memref<100000x16xf32, #tpu.memory_space<vmem_shared>> -> memref<1024x16xf32, #tpu.memory_space<vmem_shared>>
      %dma_start3A_69 = arith.constant 0 : i32
      %dma_start3A_70 = tpu.memref_slice %arg11[%add3A_7, %dma_start3A_69] : memref<100000x16xf32, #tpu.memory_space<vmem_shared>> -> memref<1024x16xf32, #tpu.memory_space<vmem_shared>>
      tpu.enqueue_dma source(%arg10 : memref<1024x16xf32, #tpu.memory_space<vmem>>) target(%dma_start3A_70 : memref<1024x16xf32, #tpu.memory_space<vmem_shared>>) target_semaphore(%run_scoped3A : memref<!tpu.dma_semaphore, #tpu.memory_space<semaphore_mem>>)
      %dma_wait3A = arith.constant 0 : i32
      %dma_wait3A_71 = tpu.memref_slice %arg11[%add3A_7, %dma_wait3A] : memref<100000x16xf32, #tpu.memory_space<vmem_shared>> -> memref<1024x16xf32, #tpu.memory_space<vmem_shared>>
      %dma_wait3A_72 = arith.constant 0 : i32
      %dma_wait3A_73 = tpu.memref_slice %arg11[%add3A_7, %dma_wait3A_72] : memref<100000x16xf32, #tpu.memory_space<vmem_shared>> -> memref<1024x16xf32, #tpu.memory_space<vmem_shared>>
      tpu.wait_dma2 semaphore(%run_scoped3A : memref<!tpu.dma_semaphore, #tpu.memory_space<semaphore_mem>>) src(%arg10 : memref<1024x16xf32, #tpu.memory_space<vmem>>) dst(%dma_wait3A_73 : memref<1024x16xf32, #tpu.memory_space<vmem_shared>>)
      tpu.yield
    }) : () -> ()
    %add3A_8 = arith.constant 1024 : i32
    %add3A_9 = arith.addi %multiple_of3A, %add3A_8 : i32
    "tpu.region"() ({
      %run_scoped3A = tpu.sem_alloc : memref<!tpu.dma_semaphore, #tpu.memory_space<semaphore_mem>>
      %dma_start3A = arith.constant 0 : i32
      %dma_start3A_68 = tpu.memref_slice %arg11[%add3A_9, %dma_start3A] : memref<100000x16xf32, #tpu.memory_space<vmem_shared>> -> memref<1024x16xf32, #tpu.memory_space<vmem_shared>>
      %dma_start3A_69 = arith.constant 0 : i32
      %dma_start3A_70 = tpu.memref_slice %arg11[%add3A_9, %dma_start3A_69] : memref<100000x16xf32, #tpu.memory_space<vmem_shared>> -> memref<1024x16xf32, #tpu.memory_space<vmem_shared>>
      tpu.enqueue_dma source(%arg10 : memref<1024x16xf32, #tpu.memory_space<vmem>>) target(%dma_start3A_70 : memref<1024x16xf32, #tpu.memory_space<vmem_shared>>) target_semaphore(%run_scoped3A : memref<!tpu.dma_semaphore, #tpu.memory_space<semaphore_mem>>)
      %dma_wait3A = arith.constant 0 : i32
      %dma_wait3A_71 = tpu.memref_slice %arg11[%add3A_9, %dma_wait3A] : memref<100000x16xf32, #tpu.memory_space<vmem_shared>> -> memref<1024x16xf32, #tpu.memory_space<vmem_shared>>
      %dma_wait3A_72 = arith.constant 0 : i32
      %dma_wait3A_73 = tpu.memref_slice %arg11[%add3A_9, %dma_wait3A_72] : memref<100000x16xf32, #tpu.memory_space<vmem_shared>> -> memref<1024x16xf32, #tpu.memory_space<vmem_shared>>
      tpu.wait_dma2 semaphore(%run_scoped3A : memref<!tpu.dma_semaphore, #tpu.memory_space<semaphore_mem>>) src(%arg10 : memref<1024x16xf32, #tpu.memory_space<vmem>>) dst(%dma_wait3A_73 : memref<1024x16xf32, #tpu.memory_space<vmem_shared>>)
      tpu.yield
    }) : () -> ()
    %add3A_10 = arith.constant 2048 : i32
    %add3A_11 = arith.addi %multiple_of3A, %add3A_10 : i32
    "tpu.region"() ({
      %run_scoped3A = tpu.sem_alloc : memref<!tpu.dma_semaphore, #tpu.memory_space<semaphore_mem>>
      %dma_start3A = arith.constant 0 : i32
      %dma_start3A_68 = tpu.memref_slice %arg11[%add3A_11, %dma_start3A] : memref<100000x16xf32, #tpu.memory_space<vmem_shared>> -> memref<1024x16xf32, #tpu.memory_space<vmem_shared>>
      %dma_start3A_69 = arith.constant 0 : i32
      %dma_start3A_70 = tpu.memref_slice %arg11[%add3A_11, %dma_start3A_69] : memref<100000x16xf32, #tpu.memory_space<vmem_shared>> -> memref<1024x16xf32, #tpu.memory_space<vmem_shared>>
      tpu.enqueue_dma source(%arg10 : memref<1024x16xf32, #tpu.memory_space<vmem>>) target(%dma_start3A_70 : memref<1024x16xf32, #tpu.memory_space<vmem_shared>>) target_semaphore(%run_scoped3A : memref<!tpu.dma_semaphore, #tpu.memory_space<semaphore_mem>>)
      %dma_wait3A = arith.constant 0 : i32
      %dma_wait3A_71 = tpu.memref_slice %arg11[%add3A_11, %dma_wait3A] : memref<100000x16xf32, #tpu.memory_space<vmem_shared>> -> memref<1024x16xf32, #tpu.memory_space<vmem_shared>>
      %dma_wait3A_72 = arith.constant 0 : i32
      %dma_wait3A_73 = tpu.memref_slice %arg11[%add3A_11, %dma_wait3A_72] : memref<100000x16xf32, #tpu.memory_space<vmem_shared>> -> memref<1024x16xf32, #tpu.memory_space<vmem_shared>>
      tpu.wait_dma2 semaphore(%run_scoped3A : memref<!tpu.dma_semaphore, #tpu.memory_space<semaphore_mem>>) src(%arg10 : memref<1024x16xf32, #tpu.memory_space<vmem>>) dst(%dma_wait3A_73 : memref<1024x16xf32, #tpu.memory_space<vmem_shared>>)
      tpu.yield
    }) : () -> ()
    %add3A_12 = arith.constant 3072 : i32
    %add3A_13 = arith.addi %multiple_of3A, %add3A_12 : i32
    "tpu.region"() ({
      %run_scoped3A = tpu.sem_alloc : memref<!tpu.dma_semaphore, #tpu.memory_space<semaphore_mem>>
      %dma_start3A = arith.constant 0 : i32
      %dma_start3A_68 = arith.constant 0 : i32
      %dma_start3A_69 = tpu.memref_slice %arg10[%dma_start3A, %dma_start3A_68] : memref<1024x16xf32, #tpu.memory_space<vmem>> -> memref<3176x16xf32, #tpu.memory_space<vmem>>
      %dma_start3A_70 = arith.constant 0 : i32
      %dma_start3A_71 = tpu.memref_slice %arg11[%add3A_13, %dma_start3A_70] : memref<100000x16xf32, #tpu.memory_space<vmem_shared>> -> memref<3176x16xf32, #tpu.memory_space<vmem_shared>>
      %dma_start3A_72 = arith.constant 0 : i32
      %dma_start3A_73 = tpu.memref_slice %arg11[%add3A_13, %dma_start3A_72] : memref<100000x16xf32, #tpu.memory_space<vmem_shared>> -> memref<3176x16xf32, #tpu.memory_space<vmem_shared>>
      %dma_start3A_74 = arith.constant 0 : i32
      %dma_start3A_75 = arith.constant 0 : i32
      %dma_start3A_76 = tpu.memref_slice %arg10[%dma_start3A_74, %dma_start3A_75] : memref<1024x16xf32, #tpu.memory_space<vmem>> -> memref<3176x16xf32, #tpu.memory_space<vmem>>
      tpu.enqueue_dma source(%dma_start3A_76 : memref<3176x16xf32, #tpu.memory_space<vmem>>) target(%dma_start3A_73 : memref<3176x16xf32, #tpu.memory_space<vmem_shared>>) target_semaphore(%run_scoped3A : memref<!tpu.dma_semaphore, #tpu.memory_space<semaphore_mem>>)
      %dma_wait3A = arith.constant 0 : i32
      %dma_wait3A_77 = arith.constant 0 : i32
      %dma_wait3A_78 = tpu.memref_slice %arg10[%dma_wait3A, %dma_wait3A_77] : memref<1024x16xf32, #tpu.memory_space<vmem>> -> memref<3176x16xf32, #tpu.memory_space<vmem>>
      %dma_wait3A_79 = arith.constant 0 : i32
      %dma_wait3A_80 = tpu.memref_slice %arg11[%add3A_13, %dma_wait3A_79] : memref<100000x16xf32, #tpu.memory_space<vmem_shared>> -> memref<3176x16xf32, #tpu.memory_space<vmem_shared>>
      %dma_wait3A_81 = arith.constant 0 : i32
      %dma_wait3A_82 = tpu.memref_slice %arg11[%add3A_13, %dma_wait3A_81] : memref<100000x16xf32, #tpu.memory_space<vmem_shared>> -> memref<3176x16xf32, #tpu.memory_space<vmem_shared>>
      %dma_wait3A_83 = arith.constant 0 : i32
      %dma_wait3A_84 = arith.constant 0 : i32
      %dma_wait3A_85 = tpu.memref_slice %arg10[%dma_wait3A_83, %dma_wait3A_84] : memref<1024x16xf32, #tpu.memory_space<vmem>> -> memref<3176x16xf32, #tpu.memory_space<vmem>>
      tpu.wait_dma2 semaphore(%run_scoped3A : memref<!tpu.dma_semaphore, #tpu.memory_space<semaphore_mem>>) src(%dma_wait3A_85 : memref<3176x16xf32, #tpu.memory_space<vmem>>) dst(%dma_wait3A_82 : memref<3176x16xf32, #tpu.memory_space<vmem_shared>>)
      tpu.yield
    }) : () -> ()
    %eq3A = arith.constant 15 : i32
    %eq3A_14 = arith.cmpi eq, %arg1, %eq3A : i32
    %convert_element_type3A = arith.extui %eq3A_14 : i1 to i32
    %cond3A = arith.constant 0 : i32
    %cond3A_15 = arith.cmpi ne, %convert_element_type3A, %cond3A : i32
    scf.if %cond3A_15 {
      "tpu.region"() ({
        %run_scoped3A = tpu.sem_alloc : memref<!tpu.dma_semaphore, #tpu.memory_space<semaphore_mem>>
        %dma_start3A = arith.constant 0 : i32
        %dma_start3A_68 = arith.constant 0 : i32
        %dma_start3A_69 = tpu.memref_slice %arg10[%dma_start3A, %dma_start3A_68] : memref<1024x16xf32, #tpu.memory_space<vmem>> -> memref<32x16xf32, #tpu.memory_space<vmem>>
        %dma_start3A_70 = arith.constant 99968 : i32
        %dma_start3A_71 = arith.constant 0 : i32
        %dma_start3A_72 = tpu.memref_slice %arg11[%dma_start3A_70, %dma_start3A_71] : memref<100000x16xf32, #tpu.memory_space<vmem_shared>> -> memref<32x16xf32, #tpu.memory_space<vmem_shared>>
        %dma_start3A_73 = arith.constant 99968 : i32
        %dma_start3A_74 = arith.constant 0 : i32
        %dma_start3A_75 = tpu.memref_slice %arg11[%dma_start3A_73, %dma_start3A_74] : memref<100000x16xf32, #tpu.memory_space<vmem_shared>> -> memref<32x16xf32, #tpu.memory_space<vmem_shared>>
        %dma_start3A_76 = arith.constant 0 : i32
        %dma_start3A_77 = arith.constant 0 : i32
        %dma_start3A_78 = tpu.memref_slice %arg10[%dma_start3A_76, %dma_start3A_77] : memref<1024x16xf32, #tpu.memory_space<vmem>> -> memref<32x16xf32, #tpu.memory_space<vmem>>
        tpu.enqueue_dma source(%dma_start3A_78 : memref<32x16xf32, #tpu.memory_space<vmem>>) target(%dma_start3A_75 : memref<32x16xf32, #tpu.memory_space<vmem_shared>>) target_semaphore(%run_scoped3A : memref<!tpu.dma_semaphore, #tpu.memory_space<semaphore_mem>>)
        %dma_wait3A = arith.constant 0 : i32
        %dma_wait3A_79 = arith.constant 0 : i32
        %dma_wait3A_80 = tpu.memref_slice %arg10[%dma_wait3A, %dma_wait3A_79] : memref<1024x16xf32, #tpu.memory_space<vmem>> -> memref<32x16xf32, #tpu.memory_space<vmem>>
        %dma_wait3A_81 = arith.constant 99968 : i32
        %dma_wait3A_82 = arith.constant 0 : i32
        %dma_wait3A_83 = tpu.memref_slice %arg11[%dma_wait3A_81, %dma_wait3A_82] : memref<100000x16xf32, #tpu.memory_space<vmem_shared>> -> memref<32x16xf32, #tpu.memory_space<vmem_shared>>
        %dma_wait3A_84 = arith.constant 99968 : i32
        %dma_wait3A_85 = arith.constant 0 : i32
        %dma_wait3A_86 = tpu.memref_slice %arg11[%dma_wait3A_84, %dma_wait3A_85] : memref<100000x16xf32, #tpu.memory_space<vmem_shared>> -> memref<32x16xf32, #tpu.memory_space<vmem_shared>>
        %dma_wait3A_87 = arith.constant 0 : i32
        %dma_wait3A_88 = arith.constant 0 : i32
        %dma_wait3A_89 = tpu.memref_slice %arg10[%dma_wait3A_87, %dma_wait3A_88] : memref<1024x16xf32, #tpu.memory_space<vmem>> -> memref<32x16xf32, #tpu.memory_space<vmem>>
        tpu.wait_dma2 semaphore(%run_scoped3A : memref<!tpu.dma_semaphore, #tpu.memory_space<semaphore_mem>>) src(%dma_wait3A_89 : memref<32x16xf32, #tpu.memory_space<vmem>>) dst(%dma_wait3A_86 : memref<32x16xf32, #tpu.memory_space<vmem_shared>>)
        tpu.yield
      }) : () -> ()
    } else {
    }
    %barrier3A = arith.constant 0 : index
    tpu.barrier barrier_id(%barrier3A)
    %mul3A_16 = arith.constant 16 : i32
    %mul3A_17 = arith.muli %arg0, %mul3A_16 : i32
    %add3A_18 = arith.addi %mul3A_17, %arg1 : i32
    %mul3A_19 = arith.constant 51200 : i32
    %mul3A_20 = arith.muli %add3A_18, %mul3A_19 : i32
    %jit3A = arith.constant 128 : i32
    %div3A = arith.divsi %mul3A_20, %jit3A : i32
    %sign3A = arith.constant 0 : i32
    %sign3A_21 = arith.cmpi sgt, %mul3A_20, %sign3A : i32
    %sign3A_22 = arith.extui %sign3A_21 : i1 to i32
    %sign3A_23 = arith.constant 0 : i32
    %sign3A_24 = arith.cmpi slt, %mul3A_20, %sign3A_23 : i32
    %sign3A_25 = arith.extui %sign3A_24 : i1 to i32
    %sign3A_26 = arith.subi %sign3A_22, %sign3A_25 : i32
    %sign3A_27 = arith.constant 0 : i32
    %sign3A_28 = arith.cmpi sgt, %jit3A, %sign3A_27 : i32
    %sign3A_29 = arith.extui %sign3A_28 : i1 to i32
    %sign3A_30 = arith.constant 0 : i32
    %sign3A_31 = arith.cmpi slt, %jit3A, %sign3A_30 : i32
    %sign3A_32 = arith.extui %sign3A_31 : i1 to i32
    %sign3A_33 = arith.subi %sign3A_29, %sign3A_32 : i32
    %ne3A = arith.cmpi ne, %sign3A_26, %sign3A_33 : i32
    %rem3A = arith.remsi %mul3A_20, %jit3A : i32
    %ne3A_34 = arith.constant 0 : i32
    %ne3A_35 = arith.cmpi ne, %rem3A, %ne3A_34 : i32
    %and3A = arith.andi %ne3A, %ne3A_35 : i1
    %sub3A = arith.constant 1 : i32
    %sub3A_36 = arith.subi %div3A, %sub3A : i32
    %select_n3A = arith.select %and3A, %sub3A_36, %div3A : i32
    %mul3A_37 = arith.constant 100000 : i32
    %mul3A_38 = arith.muli %arg0, %mul3A_37 : i32
    %scan3A_39 = arith.constant 0 : i32
    %scan3A_40 = arith.constant 0 : i32
    %scan3A_41 = arith.constant 50 : i32
    %scan3A_42 = arith.addi %scan3A_40, %scan3A_41 : i32
    %scan3A_43 = arith.constant 1 : i32
    %scan3A_44 = scf.for %scan3A_68 = %scan3A_40 to %scan3A_42 step %scan3A_43 iter_args(%scan3A_69 = %scan3A_39) -> (i32)  : i32 {
      %mul3A_70 = arith.constant 1024 : i32
      %mul3A_71 = arith.muli %scan3A_68, %mul3A_70 : i32
      %add3A_72 = arith.addi %mul3A_20, %mul3A_71 : i32
      %multiple_of3A_73 = tpu.assume_multiple %add3A_72, 1024 : i32
      %mul3A_74 = arith.constant 8 : i32
      %mul3A_75 = arith.muli %scan3A_68, %mul3A_74 : i32
      %add3A_76 = arith.addi %select_n3A, %mul3A_75 : i32
      %multiple_of3A_77 = tpu.assume_multiple %add3A_76, 8 : i32
      "tpu.region"() ({
        %run_scoped3A = tpu.sem_alloc : memref<!tpu.dma_semaphore, #tpu.memory_space<semaphore_mem>>
        %dma_start3A_97 = tpu.memref_slice %arg3[%multiple_of3A_73] : memref<1638400xi32, #tpu.memory_space<hbm>> -> memref<1024xi32, #tpu.memory_space<hbm>>
        %dma_start3A_98 = tpu.memref_slice %arg3[%multiple_of3A_73] : memref<1638400xi32, #tpu.memory_space<hbm>> -> memref<1024xi32, #tpu.memory_space<hbm>>
        tpu.enqueue_dma source(%dma_start3A_98 : memref<1024xi32, #tpu.memory_space<hbm>>) target(%arg7 : memref<1024xi32, #tpu.memory_space<vmem>>) target_semaphore(%run_scoped3A : memref<!tpu.dma_semaphore, #tpu.memory_space<semaphore_mem>>)
        %dma_wait3A_99 = tpu.memref_slice %arg3[%multiple_of3A_73] : memref<1638400xi32, #tpu.memory_space<hbm>> -> memref<1024xi32, #tpu.memory_space<hbm>>
        %dma_wait3A_100 = tpu.memref_slice %arg3[%multiple_of3A_73] : memref<1638400xi32, #tpu.memory_space<hbm>> -> memref<1024xi32, #tpu.memory_space<hbm>>
        tpu.wait_dma2 semaphore(%run_scoped3A : memref<!tpu.dma_semaphore, #tpu.memory_space<semaphore_mem>>) src(%dma_wait3A_100 : memref<1024xi32, #tpu.memory_space<hbm>>) dst(%arg7 : memref<1024xi32, #tpu.memory_space<vmem>>)
        tpu.yield
      }) : () -> ()
      "tpu.region"() ({
        %run_scoped3A = tpu.sem_alloc : memref<!tpu.dma_semaphore, #tpu.memory_space<semaphore_mem>>
        %dma_start3A_97 = arith.constant 0 : i32
        %dma_start3A_98 = tpu.memref_slice %arg4[%multiple_of3A_77, %dma_start3A_97] : memref<12800x128xi32, #tpu.memory_space<hbm>> -> memref<8x128xi32, #tpu.memory_space<hbm>>
        %dma_start3A_99 = arith.constant 0 : i32
        %dma_start3A_100 = tpu.memref_slice %arg4[%multiple_of3A_77, %dma_start3A_99] : memref<12800x128xi32, #tpu.memory_space<hbm>> -> memref<8x128xi32, #tpu.memory_space<hbm>>
        tpu.enqueue_dma source(%dma_start3A_100 : memref<8x128xi32, #tpu.memory_space<hbm>>) target(%arg8 : memref<8x128xi32, #tpu.memory_space<vmem>>) target_semaphore(%run_scoped3A : memref<!tpu.dma_semaphore, #tpu.memory_space<semaphore_mem>>)
        %dma_wait3A_101 = arith.constant 0 : i32
        %dma_wait3A_102 = tpu.memref_slice %arg4[%multiple_of3A_77, %dma_wait3A_101] : memref<12800x128xi32, #tpu.memory_space<hbm>> -> memref<8x128xi32, #tpu.memory_space<hbm>>
        %dma_wait3A_103 = arith.constant 0 : i32
        %dma_wait3A_104 = tpu.memref_slice %arg4[%multiple_of3A_77, %dma_wait3A_103] : memref<12800x128xi32, #tpu.memory_space<hbm>> -> memref<8x128xi32, #tpu.memory_space<hbm>>
        tpu.wait_dma2 semaphore(%run_scoped3A : memref<!tpu.dma_semaphore, #tpu.memory_space<semaphore_mem>>) src(%dma_wait3A_104 : memref<8x128xi32, #tpu.memory_space<hbm>>) dst(%arg8 : memref<8x128xi32, #tpu.memory_space<vmem>>)
        tpu.yield
      }) : () -> ()
      "tpu.region"() ({
        %run_scoped3A = tpu.sem_alloc : memref<!tpu.dma_semaphore, #tpu.memory_space<semaphore_mem>>
        %dma_start3A_97 = tpu.memref_slice %arg5[%multiple_of3A_73] : memref<1638400xf32, #tpu.memory_space<hbm>> -> memref<1024xf32, #tpu.memory_space<hbm>>
        %dma_start3A_98 = tpu.memref_slice %arg5[%multiple_of3A_73] : memref<1638400xf32, #tpu.memory_space<hbm>> -> memref<1024xf32, #tpu.memory_space<hbm>>
        tpu.enqueue_dma source(%dma_start3A_98 : memref<1024xf32, #tpu.memory_space<hbm>>) target(%arg9 : memref<1024xf32, #tpu.memory_space<vmem>>) target_semaphore(%run_scoped3A : memref<!tpu.dma_semaphore, #tpu.memory_space<semaphore_mem>>)
        %dma_wait3A_99 = tpu.memref_slice %arg5[%multiple_of3A_73] : memref<1638400xf32, #tpu.memory_space<hbm>> -> memref<1024xf32, #tpu.memory_space<hbm>>
        %dma_wait3A_100 = tpu.memref_slice %arg5[%multiple_of3A_73] : memref<1638400xf32, #tpu.memory_space<hbm>> -> memref<1024xf32, #tpu.memory_space<hbm>>
        tpu.wait_dma2 semaphore(%run_scoped3A : memref<!tpu.dma_semaphore, #tpu.memory_space<semaphore_mem>>) src(%dma_wait3A_100 : memref<1024xf32, #tpu.memory_space<hbm>>) dst(%arg9 : memref<1024xf32, #tpu.memory_space<vmem>>)
        tpu.yield
      }) : () -> ()
      %dma_start3A = arith.constant 0 : i32
      %dma_start3A_78 = arith.constant 0 : i32
      %dma_start3A_79 = tpu.memref_slice %arg2[%dma_start3A, %dma_start3A_78] : memref<100000x16xf32, #tpu.memory_space<hbm>> -> memref<100000x16xf32, #tpu.memory_space<hbm>>
      tpu.enqueue_indirect_dma source(%dma_start3A_79 : memref<100000x16xf32, #tpu.memory_space<hbm>>) target(%arg10 : memref<1024x16xf32, #tpu.memory_space<vmem>>) offsets(%arg7 : memref<1024xi32, #tpu.memory_space<vmem>>) semaphore(%arg12 : memref<!tpu.dma_semaphore, #tpu.memory_space<semaphore_mem>>)
      %dma_wait3A = arith.constant 0 : i32
      %dma_wait3A_80 = arith.constant 0 : i32
      %dma_wait3A_81 = tpu.memref_slice %arg2[%dma_wait3A, %dma_wait3A_80] : memref<100000x16xf32, #tpu.memory_space<hbm>> -> memref<100000x16xf32, #tpu.memory_space<hbm>>
      tpu.wait_indirect_dma semaphore(%arg12 : memref<!tpu.dma_semaphore, #tpu.memory_space<semaphore_mem>>) src(%dma_wait3A_81 : memref<100000x16xf32, #tpu.memory_space<hbm>>) dst(%arg10 : memref<1024x16xf32, #tpu.memory_space<vmem>>)
      %scan3A_82 = arith.constant 0 : i32
      %scan3A_83 = arith.constant 0 : i32
      %scan3A_84 = arith.constant 64 : i32
      %scan3A_85 = arith.addi %scan3A_83, %scan3A_84 : i32
      %scan3A_86 = arith.constant 1 : i32
      %scan3A_87 = scf.for %scan3A_97 = %scan3A_83 to %scan3A_85 step %scan3A_86 iter_args(%scan3A_98 = %scan3A_82) -> (i32)  : i32 {
        %mul3A_99 = arith.constant 16 : i32
        %mul3A_100 = arith.muli %scan3A_97, %mul3A_99 : i32
        %get3A = arith.index_cast %mul3A_100 : i32 to index
        %get3A_101 = tpu.vector_load %arg9[%get3A] {strides = array<i32>} : memref<1024xf32, #tpu.memory_space<vmem>>, vector<16xf32>,
        %get3A_102 = vector.shape_cast %get3A_101 : vector<16xf32> to vector<16xf32>
        %mul3A_103 = arith.constant 16 : i32
        %mul3A_104 = arith.muli %scan3A_97, %mul3A_103 : i32
        %add3A_105 = arith.constant 0 : i32
        %add3A_106 = arith.addi %mul3A_104, %add3A_105 : i32
        %get3A_107 = arith.index_cast %add3A_106 : i32 to index
        %get3A_108 = arith.constant 0 : index
        %get3A_109 = tpu.vector_load %arg10[%get3A_107, %get3A_108] {strides = array<i32>} : memref<1024x16xf32, #tpu.memory_space<vmem>>, vector<1x16xf32>,
        %get3A_110 = vector.shape_cast %get3A_109 : vector<1x16xf32> to vector<16xf32>
        %slice3A = vector.extract_strided_slice %get3A_102 {offsets = [0], sizes = [1], strides = [1]} : vector<16xf32> to vector<1xf32>
        %squeeze3A = vector.extract %slice3A[0] : f32 from vector<1xf32>
        %mul3A_111 = vector.broadcast %squeeze3A : f32 to vector<16xf32>
        %mul3A_112 = arith.mulf %get3A_110, %mul3A_111 : vector<16xf32>
        %add3A_113 = arith.constant 0 : i32
        %add3A_114 = arith.addi %mul3A_104, %add3A_113 : i32
        %swap3A = arith.index_cast %add3A_114 : i32 to index
        %swap3A_115 = arith.constant 0 : index
        %swap3A_116 = tpu.vector_load %arg10[%swap3A, %swap3A_115] {strides = array<i32>} : memref<1024x16xf32, #tpu.memory_space<vmem>>, vector<1x16xf32>,
        %swap3A_117 = vector.shape_cast %swap3A_116 : vector<1x16xf32> to vector<16xf32>
        %swap3A_118 = vector.shape_cast %mul3A_112 : vector<16xf32> to vector<1x16xf32>
        tpu.vector_store %arg10[%swap3A, %swap3A_115], %swap3A_118 {strides = array<i32>} : memref<1024x16xf32, #tpu.memory_space<vmem>>, vector<1x16xf32>,
        %add3A_119 = arith.constant 1 : i32
        %add3A_120 = arith.addi %mul3A_104, %add3A_119 : i32
        %get3A_121 = arith.index_cast %add3A_120 : i32 to index
        %get3A_122 = arith.constant 0 : index
        %get3A_123 = tpu.vector_load %arg10[%get3A_121, %get3A_122] {strides = array<i32>} : memref<1024x16xf32, #tpu.memory_space<vmem>>, vector<1x16xf32>,
        %get3A_124 = vector.shape_cast %get3A_123 : vector<1x16xf32> to vector<16xf32>
        %slice3A_125 = vector.extract_strided_slice %get3A_102 {offsets = [1], sizes = [1], strides = [1]} : vector<16xf32> to vector<1xf32>
        %squeeze3A_126 = vector.extract %slice3A_125[0] : f32 from vector<1xf32>
        %mul3A_127 = vector.broadcast %squeeze3A_126 : f32 to vector<16xf32>
        %mul3A_128 = arith.mulf %get3A_124, %mul3A_127 : vector<16xf32>
        %add3A_129 = arith.constant 1 : i32
        %add3A_130 = arith.addi %mul3A_104, %add3A_129 : i32
        %swap3A_131 = arith.index_cast %add3A_130 : i32 to index
        %swap3A_132 = arith.constant 0 : index
        %swap3A_133 = tpu.vector_load %arg10[%swap3A_131, %swap3A_132] {strides = array<i32>} : memref<1024x16xf32, #tpu.memory_space<vmem>>, vector<1x16xf32>,
        %swap3A_134 = vector.shape_cast %swap3A_133 : vector<1x16xf32> to vector<16xf32>
        %swap3A_135 = vector.shape_cast %mul3A_128 : vector<16xf32> to vector<1x16xf32>
        tpu.vector_store %arg10[%swap3A_131, %swap3A_132], %swap3A_135 {strides = array<i32>} : memref<1024x16xf32, #tpu.memory_space<vmem>>, vector<1x16xf32>,
        %add3A_136 = arith.constant 2 : i32
        %add3A_137 = arith.addi %mul3A_104, %add3A_136 : i32
        %get3A_138 = arith.index_cast %add3A_137 : i32 to index
        %get3A_139 = arith.constant 0 : index
        %get3A_140 = tpu.vector_load %arg10[%get3A_138, %get3A_139] {strides = array<i32>} : memref<1024x16xf32, #tpu.memory_space<vmem>>, vector<1x16xf32>,
        %get3A_141 = vector.shape_cast %get3A_140 : vector<1x16xf32> to vector<16xf32>
        %slice3A_142 = vector.extract_strided_slice %get3A_102 {offsets = [2], sizes = [1], strides = [1]} : vector<16xf32> to vector<1xf32>
        %squeeze3A_143 = vector.extract %slice3A_142[0] : f32 from vector<1xf32>
        %mul3A_144 = vector.broadcast %squeeze3A_143 : f32 to vector<16xf32>
        %mul3A_145 = arith.mulf %get3A_141, %mul3A_144 : vector<16xf32>
        %add3A_146 = arith.constant 2 : i32
        %add3A_147 = arith.addi %mul3A_104, %add3A_146 : i32
        %swap3A_148 = arith.index_cast %add3A_147 : i32 to index
        %swap3A_149 = arith.constant 0 : index
        %swap3A_150 = tpu.vector_load %arg10[%swap3A_148, %swap3A_149] {strides = array<i32>} : memref<1024x16xf32, #tpu.memory_space<vmem>>, vector<1x16xf32>,
        %swap3A_151 = vector.shape_cast %swap3A_150 : vector<1x16xf32> to vector<16xf32>
        %swap3A_152 = vector.shape_cast %mul3A_145 : vector<16xf32> to vector<1x16xf32>
        tpu.vector_store %arg10[%swap3A_148, %swap3A_149], %swap3A_152 {strides = array<i32>} : memref<1024x16xf32, #tpu.memory_space<vmem>>, vector<1x16xf32>,
        %add3A_153 = arith.constant 3 : i32
        %add3A_154 = arith.addi %mul3A_104, %add3A_153 : i32
        %get3A_155 = arith.index_cast %add3A_154 : i32 to index
        %get3A_156 = arith.constant 0 : index
        %get3A_157 = tpu.vector_load %arg10[%get3A_155, %get3A_156] {strides = array<i32>} : memref<1024x16xf32, #tpu.memory_space<vmem>>, vector<1x16xf32>,
        %get3A_158 = vector.shape_cast %get3A_157 : vector<1x16xf32> to vector<16xf32>
        %slice3A_159 = vector.extract_strided_slice %get3A_102 {offsets = [3], sizes = [1], strides = [1]} : vector<16xf32> to vector<1xf32>
        %squeeze3A_160 = vector.extract %slice3A_159[0] : f32 from vector<1xf32>
        %mul3A_161 = vector.broadcast %squeeze3A_160 : f32 to vector<16xf32>
        %mul3A_162 = arith.mulf %get3A_158, %mul3A_161 : vector<16xf32>
        %add3A_163 = arith.constant 3 : i32
        %add3A_164 = arith.addi %mul3A_104, %add3A_163 : i32
        %swap3A_165 = arith.index_cast %add3A_164 : i32 to index
        %swap3A_166 = arith.constant 0 : index
        %swap3A_167 = tpu.vector_load %arg10[%swap3A_165, %swap3A_166] {strides = array<i32>} : memref<1024x16xf32, #tpu.memory_space<vmem>>, vector<1x16xf32>,
        %swap3A_168 = vector.shape_cast %swap3A_167 : vector<1x16xf32> to vector<16xf32>
        %swap3A_169 = vector.shape_cast %mul3A_162 : vector<16xf32> to vector<1x16xf32>
        tpu.vector_store %arg10[%swap3A_165, %swap3A_166], %swap3A_169 {strides = array<i32>} : memref<1024x16xf32, #tpu.memory_space<vmem>>, vector<1x16xf32>,
        %add3A_170 = arith.constant 4 : i32
        %add3A_171 = arith.addi %mul3A_104, %add3A_170 : i32
        %get3A_172 = arith.index_cast %add3A_171 : i32 to index
        %get3A_173 = arith.constant 0 : index
        %get3A_174 = tpu.vector_load %arg10[%get3A_172, %get3A_173] {strides = array<i32>} : memref<1024x16xf32, #tpu.memory_space<vmem>>, vector<1x16xf32>,
        %get3A_175 = vector.shape_cast %get3A_174 : vector<1x16xf32> to vector<16xf32>
        %slice3A_176 = vector.extract_strided_slice %get3A_102 {offsets = [4], sizes = [1], strides = [1]} : vector<16xf32> to vector<1xf32>
        %squeeze3A_177 = vector.extract %slice3A_176[0] : f32 from vector<1xf32>
        %mul3A_178 = vector.broadcast %squeeze3A_177 : f32 to vector<16xf32>
        %mul3A_179 = arith.mulf %get3A_175, %mul3A_178 : vector<16xf32>
        %add3A_180 = arith.constant 4 : i32
        %add3A_181 = arith.addi %mul3A_104, %add3A_180 : i32
        %swap3A_182 = arith.index_cast %add3A_181 : i32 to index
        %swap3A_183 = arith.constant 0 : index
        %swap3A_184 = tpu.vector_load %arg10[%swap3A_182, %swap3A_183] {strides = array<i32>} : memref<1024x16xf32, #tpu.memory_space<vmem>>, vector<1x16xf32>,
        %swap3A_185 = vector.shape_cast %swap3A_184 : vector<1x16xf32> to vector<16xf32>
        %swap3A_186 = vector.shape_cast %mul3A_179 : vector<16xf32> to vector<1x16xf32>
        tpu.vector_store %arg10[%swap3A_182, %swap3A_183], %swap3A_186 {strides = array<i32>} : memref<1024x16xf32, #tpu.memory_space<vmem>>, vector<1x16xf32>,
        %add3A_187 = arith.constant 5 : i32
        %add3A_188 = arith.addi %mul3A_104, %add3A_187 : i32
        %get3A_189 = arith.index_cast %add3A_188 : i32 to index
        %get3A_190 = arith.constant 0 : index
        %get3A_191 = tpu.vector_load %arg10[%get3A_189, %get3A_190] {strides = array<i32>} : memref<1024x16xf32, #tpu.memory_space<vmem>>, vector<1x16xf32>,
        %get3A_192 = vector.shape_cast %get3A_191 : vector<1x16xf32> to vector<16xf32>
        %slice3A_193 = vector.extract_strided_slice %get3A_102 {offsets = [5], sizes = [1], strides = [1]} : vector<16xf32> to vector<1xf32>
        %squeeze3A_194 = vector.extract %slice3A_193[0] : f32 from vector<1xf32>
        %mul3A_195 = vector.broadcast %squeeze3A_194 : f32 to vector<16xf32>
        %mul3A_196 = arith.mulf %get3A_192, %mul3A_195 : vector<16xf32>
        %add3A_197 = arith.constant 5 : i32
        %add3A_198 = arith.addi %mul3A_104, %add3A_197 : i32
        %swap3A_199 = arith.index_cast %add3A_198 : i32 to index
        %swap3A_200 = arith.constant 0 : index
        %swap3A_201 = tpu.vector_load %arg10[%swap3A_199, %swap3A_200] {strides = array<i32>} : memref<1024x16xf32, #tpu.memory_space<vmem>>, vector<1x16xf32>,
        %swap3A_202 = vector.shape_cast %swap3A_201 : vector<1x16xf32> to vector<16xf32>
        %swap3A_203 = vector.shape_cast %mul3A_196 : vector<16xf32> to vector<1x16xf32>
        tpu.vector_store %arg10[%swap3A_199, %swap3A_200], %swap3A_203 {strides = array<i32>} : memref<1024x16xf32, #tpu.memory_space<vmem>>, vector<1x16xf32>,
        %add3A_204 = arith.constant 6 : i32
        %add3A_205 = arith.addi %mul3A_104, %add3A_204 : i32
        %get3A_206 = arith.index_cast %add3A_205 : i32 to index
        %get3A_207 = arith.constant 0 : index
        %get3A_208 = tpu.vector_load %arg10[%get3A_206, %get3A_207] {strides = array<i32>} : memref<1024x16xf32, #tpu.memory_space<vmem>>, vector<1x16xf32>,
        %get3A_209 = vector.shape_cast %get3A_208 : vector<1x16xf32> to vector<16xf32>
        %slice3A_210 = vector.extract_strided_slice %get3A_102 {offsets = [6], sizes = [1], strides = [1]} : vector<16xf32> to vector<1xf32>
        %squeeze3A_211 = vector.extract %slice3A_210[0] : f32 from vector<1xf32>
        %mul3A_212 = vector.broadcast %squeeze3A_211 : f32 to vector<16xf32>
        %mul3A_213 = arith.mulf %get3A_209, %mul3A_212 : vector<16xf32>
        %add3A_214 = arith.constant 6 : i32
        %add3A_215 = arith.addi %mul3A_104, %add3A_214 : i32
        %swap3A_216 = arith.index_cast %add3A_215 : i32 to index
        %swap3A_217 = arith.constant 0 : index
        %swap3A_218 = tpu.vector_load %arg10[%swap3A_216, %swap3A_217] {strides = array<i32>} : memref<1024x16xf32, #tpu.memory_space<vmem>>, vector<1x16xf32>,
        %swap3A_219 = vector.shape_cast %swap3A_218 : vector<1x16xf32> to vector<16xf32>
        %swap3A_220 = vector.shape_cast %mul3A_213 : vector<16xf32> to vector<1x16xf32>
        tpu.vector_store %arg10[%swap3A_216, %swap3A_217], %swap3A_220 {strides = array<i32>} : memref<1024x16xf32, #tpu.memory_space<vmem>>, vector<1x16xf32>,
        %add3A_221 = arith.constant 7 : i32
        %add3A_222 = arith.addi %mul3A_104, %add3A_221 : i32
        %get3A_223 = arith.index_cast %add3A_222 : i32 to index
        %get3A_224 = arith.constant 0 : index
        %get3A_225 = tpu.vector_load %arg10[%get3A_223, %get3A_224] {strides = array<i32>} : memref<1024x16xf32, #tpu.memory_space<vmem>>, vector<1x16xf32>,
        %get3A_226 = vector.shape_cast %get3A_225 : vector<1x16xf32> to vector<16xf32>
        %slice3A_227 = vector.extract_strided_slice %get3A_102 {offsets = [7], sizes = [1], strides = [1]} : vector<16xf32> to vector<1xf32>
        %squeeze3A_228 = vector.extract %slice3A_227[0] : f32 from vector<1xf32>
        %mul3A_229 = vector.broadcast %squeeze3A_228 : f32 to vector<16xf32>
        %mul3A_230 = arith.mulf %get3A_226, %mul3A_229 : vector<16xf32>
        %add3A_231 = arith.constant 7 : i32
        %add3A_232 = arith.addi %mul3A_104, %add3A_231 : i32
        %swap3A_233 = arith.index_cast %add3A_232 : i32 to index
        %swap3A_234 = arith.constant 0 : index
        %swap3A_235 = tpu.vector_load %arg10[%swap3A_233, %swap3A_234] {strides = array<i32>} : memref<1024x16xf32, #tpu.memory_space<vmem>>, vector<1x16xf32>,
        %swap3A_236 = vector.shape_cast %swap3A_235 : vector<1x16xf32> to vector<16xf32>
        %swap3A_237 = vector.shape_cast %mul3A_230 : vector<16xf32> to vector<1x16xf32>
        tpu.vector_store %arg10[%swap3A_233, %swap3A_234], %swap3A_237 {strides = array<i32>} : memref<1024x16xf32, #tpu.memory_space<vmem>>, vector<1x16xf32>,
        %add3A_238 = arith.constant 8 : i32
        %add3A_239 = arith.addi %mul3A_104, %add3A_238 : i32
        %get3A_240 = arith.index_cast %add3A_239 : i32 to index
        %get3A_241 = arith.constant 0 : index
        %get3A_242 = tpu.vector_load %arg10[%get3A_240, %get3A_241] {strides = array<i32>} : memref<1024x16xf32, #tpu.memory_space<vmem>>, vector<1x16xf32>,
        %get3A_243 = vector.shape_cast %get3A_242 : vector<1x16xf32> to vector<16xf32>
        %slice3A_244 = vector.extract_strided_slice %get3A_102 {offsets = [8], sizes = [1], strides = [1]} : vector<16xf32> to vector<1xf32>
        %squeeze3A_245 = vector.extract %slice3A_244[0] : f32 from vector<1xf32>
        %mul3A_246 = vector.broadcast %squeeze3A_245 : f32 to vector<16xf32>
        %mul3A_247 = arith.mulf %get3A_243, %mul3A_246 : vector<16xf32>
        %add3A_248 = arith.constant 8 : i32
        %add3A_249 = arith.addi %mul3A_104, %add3A_248 : i32
        %swap3A_250 = arith.index_cast %add3A_249 : i32 to index
        %swap3A_251 = arith.constant 0 : index
        %swap3A_252 = tpu.vector_load %arg10[%swap3A_250, %swap3A_251] {strides = array<i32>} : memref<1024x16xf32, #tpu.memory_space<vmem>>, vector<1x16xf32>,
        %swap3A_253 = vector.shape_cast %swap3A_252 : vector<1x16xf32> to vector<16xf32>
        %swap3A_254 = vector.shape_cast %mul3A_247 : vector<16xf32> to vector<1x16xf32>
        tpu.vector_store %arg10[%swap3A_250, %swap3A_251], %swap3A_254 {strides = array<i32>} : memref<1024x16xf32, #tpu.memory_space<vmem>>, vector<1x16xf32>,
        %add3A_255 = arith.constant 9 : i32
        %add3A_256 = arith.addi %mul3A_104, %add3A_255 : i32
        %get3A_257 = arith.index_cast %add3A_256 : i32 to index
        %get3A_258 = arith.constant 0 : index
        %get3A_259 = tpu.vector_load %arg10[%get3A_257, %get3A_258] {strides = array<i32>} : memref<1024x16xf32, #tpu.memory_space<vmem>>, vector<1x16xf32>,
        %get3A_260 = vector.shape_cast %get3A_259 : vector<1x16xf32> to vector<16xf32>
        %slice3A_261 = vector.extract_strided_slice %get3A_102 {offsets = [9], sizes = [1], strides = [1]} : vector<16xf32> to vector<1xf32>
        %squeeze3A_262 = vector.extract %slice3A_261[0] : f32 from vector<1xf32>
        %mul3A_263 = vector.broadcast %squeeze3A_262 : f32 to vector<16xf32>
        %mul3A_264 = arith.mulf %get3A_260, %mul3A_263 : vector<16xf32>
        %add3A_265 = arith.constant 9 : i32
        %add3A_266 = arith.addi %mul3A_104, %add3A_265 : i32
        %swap3A_267 = arith.index_cast %add3A_266 : i32 to index
        %swap3A_268 = arith.constant 0 : index
        %swap3A_269 = tpu.vector_load %arg10[%swap3A_267, %swap3A_268] {strides = array<i32>} : memref<1024x16xf32, #tpu.memory_space<vmem>>, vector<1x16xf32>,
        %swap3A_270 = vector.shape_cast %swap3A_269 : vector<1x16xf32> to vector<16xf32>
        %swap3A_271 = vector.shape_cast %mul3A_264 : vector<16xf32> to vector<1x16xf32>
        tpu.vector_store %arg10[%swap3A_267, %swap3A_268], %swap3A_271 {strides = array<i32>} : memref<1024x16xf32, #tpu.memory_space<vmem>>, vector<1x16xf32>,
        %add3A_272 = arith.constant 10 : i32
        %add3A_273 = arith.addi %mul3A_104, %add3A_272 : i32
        %get3A_274 = arith.index_cast %add3A_273 : i32 to index
        %get3A_275 = arith.constant 0 : index
        %get3A_276 = tpu.vector_load %arg10[%get3A_274, %get3A_275] {strides = array<i32>} : memref<1024x16xf32, #tpu.memory_space<vmem>>, vector<1x16xf32>,
        %get3A_277 = vector.shape_cast %get3A_276 : vector<1x16xf32> to vector<16xf32>
        %slice3A_278 = vector.extract_strided_slice %get3A_102 {offsets = [10], sizes = [1], strides = [1]} : vector<16xf32> to vector<1xf32>
        %squeeze3A_279 = vector.extract %slice3A_278[0] : f32 from vector<1xf32>
        %mul3A_280 = vector.broadcast %squeeze3A_279 : f32 to vector<16xf32>
        %mul3A_281 = arith.mulf %get3A_277, %mul3A_280 : vector<16xf32>
        %add3A_282 = arith.constant 10 : i32
        %add3A_283 = arith.addi %mul3A_104, %add3A_282 : i32
        %swap3A_284 = arith.index_cast %add3A_283 : i32 to index
        %swap3A_285 = arith.constant 0 : index
        %swap3A_286 = tpu.vector_load %arg10[%swap3A_284, %swap3A_285] {strides = array<i32>} : memref<1024x16xf32, #tpu.memory_space<vmem>>, vector<1x16xf32>,
        %swap3A_287 = vector.shape_cast %swap3A_286 : vector<1x16xf32> to vector<16xf32>
        %swap3A_288 = vector.shape_cast %mul3A_281 : vector<16xf32> to vector<1x16xf32>
        tpu.vector_store %arg10[%swap3A_284, %swap3A_285], %swap3A_288 {strides = array<i32>} : memref<1024x16xf32, #tpu.memory_space<vmem>>, vector<1x16xf32>,
        %add3A_289 = arith.constant 11 : i32
        %add3A_290 = arith.addi %mul3A_104, %add3A_289 : i32
        %get3A_291 = arith.index_cast %add3A_290 : i32 to index
        %get3A_292 = arith.constant 0 : index
        %get3A_293 = tpu.vector_load %arg10[%get3A_291, %get3A_292] {strides = array<i32>} : memref<1024x16xf32, #tpu.memory_space<vmem>>, vector<1x16xf32>,
        %get3A_294 = vector.shape_cast %get3A_293 : vector<1x16xf32> to vector<16xf32>
        %slice3A_295 = vector.extract_strided_slice %get3A_102 {offsets = [11], sizes = [1], strides = [1]} : vector<16xf32> to vector<1xf32>
        %squeeze3A_296 = vector.extract %slice3A_295[0] : f32 from vector<1xf32>
        %mul3A_297 = vector.broadcast %squeeze3A_296 : f32 to vector<16xf32>
        %mul3A_298 = arith.mulf %get3A_294, %mul3A_297 : vector<16xf32>
        %add3A_299 = arith.constant 11 : i32
        %add3A_300 = arith.addi %mul3A_104, %add3A_299 : i32
        %swap3A_301 = arith.index_cast %add3A_300 : i32 to index
        %swap3A_302 = arith.constant 0 : index
        %swap3A_303 = tpu.vector_load %arg10[%swap3A_301, %swap3A_302] {strides = array<i32>} : memref<1024x16xf32, #tpu.memory_space<vmem>>, vector<1x16xf32>,
        %swap3A_304 = vector.shape_cast %swap3A_303 : vector<1x16xf32> to vector<16xf32>
        %swap3A_305 = vector.shape_cast %mul3A_298 : vector<16xf32> to vector<1x16xf32>
        tpu.vector_store %arg10[%swap3A_301, %swap3A_302], %swap3A_305 {strides = array<i32>} : memref<1024x16xf32, #tpu.memory_space<vmem>>, vector<1x16xf32>,
        %add3A_306 = arith.constant 12 : i32
        %add3A_307 = arith.addi %mul3A_104, %add3A_306 : i32
        %get3A_308 = arith.index_cast %add3A_307 : i32 to index
        %get3A_309 = arith.constant 0 : index
        %get3A_310 = tpu.vector_load %arg10[%get3A_308, %get3A_309] {strides = array<i32>} : memref<1024x16xf32, #tpu.memory_space<vmem>>, vector<1x16xf32>,
        %get3A_311 = vector.shape_cast %get3A_310 : vector<1x16xf32> to vector<16xf32>
        %slice3A_312 = vector.extract_strided_slice %get3A_102 {offsets = [12], sizes = [1], strides = [1]} : vector<16xf32> to vector<1xf32>
        %squeeze3A_313 = vector.extract %slice3A_312[0] : f32 from vector<1xf32>
        %mul3A_314 = vector.broadcast %squeeze3A_313 : f32 to vector<16xf32>
        %mul3A_315 = arith.mulf %get3A_311, %mul3A_314 : vector<16xf32>
        %add3A_316 = arith.constant 12 : i32
        %add3A_317 = arith.addi %mul3A_104, %add3A_316 : i32
        %swap3A_318 = arith.index_cast %add3A_317 : i32 to index
        %swap3A_319 = arith.constant 0 : index
        %swap3A_320 = tpu.vector_load %arg10[%swap3A_318, %swap3A_319] {strides = array<i32>} : memref<1024x16xf32, #tpu.memory_space<vmem>>, vector<1x16xf32>,
        %swap3A_321 = vector.shape_cast %swap3A_320 : vector<1x16xf32> to vector<16xf32>
        %swap3A_322 = vector.shape_cast %mul3A_315 : vector<16xf32> to vector<1x16xf32>
        tpu.vector_store %arg10[%swap3A_318, %swap3A_319], %swap3A_322 {strides = array<i32>} : memref<1024x16xf32, #tpu.memory_space<vmem>>, vector<1x16xf32>,
        %add3A_323 = arith.constant 13 : i32
        %add3A_324 = arith.addi %mul3A_104, %add3A_323 : i32
        %get3A_325 = arith.index_cast %add3A_324 : i32 to index
        %get3A_326 = arith.constant 0 : index
        %get3A_327 = tpu.vector_load %arg10[%get3A_325, %get3A_326] {strides = array<i32>} : memref<1024x16xf32, #tpu.memory_space<vmem>>, vector<1x16xf32>,
        %get3A_328 = vector.shape_cast %get3A_327 : vector<1x16xf32> to vector<16xf32>
        %slice3A_329 = vector.extract_strided_slice %get3A_102 {offsets = [13], sizes = [1], strides = [1]} : vector<16xf32> to vector<1xf32>
        %squeeze3A_330 = vector.extract %slice3A_329[0] : f32 from vector<1xf32>
        %mul3A_331 = vector.broadcast %squeeze3A_330 : f32 to vector<16xf32>
        %mul3A_332 = arith.mulf %get3A_328, %mul3A_331 : vector<16xf32>
        %add3A_333 = arith.constant 13 : i32
        %add3A_334 = arith.addi %mul3A_104, %add3A_333 : i32
        %swap3A_335 = arith.index_cast %add3A_334 : i32 to index
        %swap3A_336 = arith.constant 0 : index
        %swap3A_337 = tpu.vector_load %arg10[%swap3A_335, %swap3A_336] {strides = array<i32>} : memref<1024x16xf32, #tpu.memory_space<vmem>>, vector<1x16xf32>,
        %swap3A_338 = vector.shape_cast %swap3A_337 : vector<1x16xf32> to vector<16xf32>
        %swap3A_339 = vector.shape_cast %mul3A_332 : vector<16xf32> to vector<1x16xf32>
        tpu.vector_store %arg10[%swap3A_335, %swap3A_336], %swap3A_339 {strides = array<i32>} : memref<1024x16xf32, #tpu.memory_space<vmem>>, vector<1x16xf32>,
        %add3A_340 = arith.constant 14 : i32
        %add3A_341 = arith.addi %mul3A_104, %add3A_340 : i32
        %get3A_342 = arith.index_cast %add3A_341 : i32 to index
        %get3A_343 = arith.constant 0 : index
        %get3A_344 = tpu.vector_load %arg10[%get3A_342, %get3A_343] {strides = array<i32>} : memref<1024x16xf32, #tpu.memory_space<vmem>>, vector<1x16xf32>,
        %get3A_345 = vector.shape_cast %get3A_344 : vector<1x16xf32> to vector<16xf32>
        %slice3A_346 = vector.extract_strided_slice %get3A_102 {offsets = [14], sizes = [1], strides = [1]} : vector<16xf32> to vector<1xf32>
        %squeeze3A_347 = vector.extract %slice3A_346[0] : f32 from vector<1xf32>
        %mul3A_348 = vector.broadcast %squeeze3A_347 : f32 to vector<16xf32>
        %mul3A_349 = arith.mulf %get3A_345, %mul3A_348 : vector<16xf32>
        %add3A_350 = arith.constant 14 : i32
        %add3A_351 = arith.addi %mul3A_104, %add3A_350 : i32
        %swap3A_352 = arith.index_cast %add3A_351 : i32 to index
        %swap3A_353 = arith.constant 0 : index
        %swap3A_354 = tpu.vector_load %arg10[%swap3A_352, %swap3A_353] {strides = array<i32>} : memref<1024x16xf32, #tpu.memory_space<vmem>>, vector<1x16xf32>,
        %swap3A_355 = vector.shape_cast %swap3A_354 : vector<1x16xf32> to vector<16xf32>
        %swap3A_356 = vector.shape_cast %mul3A_349 : vector<16xf32> to vector<1x16xf32>
        tpu.vector_store %arg10[%swap3A_352, %swap3A_353], %swap3A_356 {strides = array<i32>} : memref<1024x16xf32, #tpu.memory_space<vmem>>, vector<1x16xf32>,
        %add3A_357 = arith.constant 15 : i32
        %add3A_358 = arith.addi %mul3A_104, %add3A_357 : i32
        %get3A_359 = arith.index_cast %add3A_358 : i32 to index
        %get3A_360 = arith.constant 0 : index
        %get3A_361 = tpu.vector_load %arg10[%get3A_359, %get3A_360] {strides = array<i32>} : memref<1024x16xf32, #tpu.memory_space<vmem>>, vector<1x16xf32>,
        %get3A_362 = vector.shape_cast %get3A_361 : vector<1x16xf32> to vector<16xf32>
        %slice3A_363 = vector.extract_strided_slice %get3A_102 {offsets = [15], sizes = [1], strides = [1]} : vector<16xf32> to vector<1xf32>
        %squeeze3A_364 = vector.extract %slice3A_363[0] : f32 from vector<1xf32>
        %mul3A_365 = vector.broadcast %squeeze3A_364 : f32 to vector<16xf32>
        %mul3A_366 = arith.mulf %get3A_362, %mul3A_365 : vector<16xf32>
        %add3A_367 = arith.constant 15 : i32
        %add3A_368 = arith.addi %mul3A_104, %add3A_367 : i32
        %swap3A_369 = arith.index_cast %add3A_368 : i32 to index
        %swap3A_370 = arith.constant 0 : index
        %swap3A_371 = tpu.vector_load %arg10[%swap3A_369, %swap3A_370] {strides = array<i32>} : memref<1024x16xf32, #tpu.memory_space<vmem>>, vector<1x16xf32>,
        %swap3A_372 = vector.shape_cast %swap3A_371 : vector<1x16xf32> to vector<16xf32>
        %swap3A_373 = vector.shape_cast %mul3A_366 : vector<16xf32> to vector<1x16xf32>
        tpu.vector_store %arg10[%swap3A_369, %swap3A_370], %swap3A_373 {strides = array<i32>} : memref<1024x16xf32, #tpu.memory_space<vmem>>, vector<1x16xf32>,
        %scan3A_374 = arith.constant 0 : i32
        scf.yield %scan3A_374 : i32
      }
      %scan3A_88 = arith.constant 64 : i32
      %scan3A_89 = arith.constant 0 : i32
      %scan3A_90 = arith.constant 0 : i32
      %scan3A_91 = arith.constant 8 : i32
      %scan3A_92 = arith.addi %scan3A_90, %scan3A_91 : i32
      %scan3A_93 = arith.constant 1 : i32
      %scan3A_94 = scf.for %scan3A_97 = %scan3A_90 to %scan3A_92 step %scan3A_93 iter_args(%scan3A_98 = %scan3A_89) -> (i32)  : i32 {
        %mul3A_99 = arith.constant 128 : i32
        %mul3A_100 = arith.muli %scan3A_97, %mul3A_99 : i32
        "tpu.region"() ({
          %run_scoped3A = tpu.sem_alloc : memref<!tpu.dma_semaphore, #tpu.memory_space<semaphore_mem>>
          %dma_start3A_102 = arith.constant 0 : i32
          %dma_start3A_103 = tpu.memref_slice %arg10[%mul3A_100, %dma_start3A_102] : memref<1024x16xf32, #tpu.memory_space<vmem>> -> memref<128x16xf32, #tpu.memory_space<vmem>>
          %dma_start3A_104 = arith.constant 0 : i32
          %dma_start3A_105 = tpu.memref_slice %arg8[%scan3A_97, %dma_start3A_104] : memref<8x128xi32, #tpu.memory_space<vmem>> -> memref<1x128xi32, #tpu.memory_space<vmem>>
          %dma_start3A_106 = tpu.memref_squeeze %dma_start3A_105 : memref<1x128xi32, #tpu.memory_space<vmem>> -> memref<128xi32, #tpu.memory_space<vmem>>
          %dma_start3A_107 = arith.constant 0 : i32
          %dma_start3A_108 = arith.constant 0 : i32
          %dma_start3A_109 = tpu.memref_slice %arg11[%dma_start3A_107, %dma_start3A_108] : memref<100000x16xf32, #tpu.memory_space<vmem_shared>> -> memref<100000x16xf32, #tpu.memory_space<vmem_shared>>
          tpu.enqueue_indirect_dma source(%dma_start3A_103 : memref<128x16xf32, #tpu.memory_space<vmem>>) target(%dma_start3A_109 : memref<100000x16xf32, #tpu.memory_space<vmem_shared>>) offsets(%dma_start3A_106 : memref<128xi32, #tpu.memory_space<vmem>>) semaphore(%run_scoped3A : memref<!tpu.dma_semaphore, #tpu.memory_space<semaphore_mem>>) {add = true}
          %dma_wait3A_110 = arith.constant 0 : i32
          %dma_wait3A_111 = tpu.memref_slice %arg10[%mul3A_100, %dma_wait3A_110] : memref<1024x16xf32, #tpu.memory_space<vmem>> -> memref<128x16xf32, #tpu.memory_space<vmem>>
          %dma_wait3A_112 = arith.constant 0 : i32
          %dma_wait3A_113 = tpu.memref_slice %arg8[%scan3A_97, %dma_wait3A_112] : memref<8x128xi32, #tpu.memory_space<vmem>> -> memref<1x128xi32, #tpu.memory_space<vmem>>
          %dma_wait3A_114 = tpu.memref_squeeze %dma_wait3A_113 : memref<1x128xi32, #tpu.memory_space<vmem>> -> memref<128xi32, #tpu.memory_space<vmem>>
          %dma_wait3A_115 = arith.constant 0 : i32
          %dma_wait3A_116 = arith.constant 0 : i32
          %dma_wait3A_117 = tpu.memref_slice %arg11[%dma_wait3A_115, %dma_wait3A_116] : memref<100000x16xf32, #tpu.memory_space<vmem_shared>> -> memref<100000x16xf32, #tpu.memory_space<vmem_shared>>
          tpu.wait_indirect_dma semaphore(%run_scoped3A : memref<!tpu.dma_semaphore, #tpu.memory_space<semaphore_mem>>) src(%dma_wait3A_111 : memref<128x16xf32, #tpu.memory_space<vmem>>) dst(%dma_wait3A_117 : memref<100000x16xf32, #tpu.memory_space<vmem_shared>>)
          tpu.yield
        }) : () -> ()
        %scan3A_101 = arith.constant 0 : i32
        scf.yield %scan3A_101 : i32
      }
      %scan3A_95 = arith.constant 8 : i32
      %scan3A_96 = arith.constant 0 : i32
      scf.yield %scan3A_96 : i32
    }
    %scan3A_45 = arith.constant 50 : i32
    %barrier3A_46 = arith.constant 0 : index
    tpu.barrier barrier_id(%barrier3A_46)
    %add3A_47 = arith.constant 0 : i32
    %add3A_48 = arith.addi %multiple_of3A, %add3A_47 : i32
    %add3A_49 = arith.constant 0 : i32
    %add3A_50 = arith.addi %multiple_of3A, %add3A_49 : i32
    "tpu.region"() ({
      %run_scoped3A = tpu.sem_alloc : memref<!tpu.dma_semaphore, #tpu.memory_space<semaphore_mem>>
      %dma_start3A = arith.constant 0 : i32
      %dma_start3A_68 = tpu.memref_slice %arg6[%arg0, %add3A_50, %dma_start3A] : memref<2x100000x16xf32, #tpu.memory_space<hbm>> -> memref<1x1024x16xf32, #tpu.memory_space<hbm>>
      %dma_start3A_69 = tpu.memref_squeeze %dma_start3A_68 : memref<1x1024x16xf32, #tpu.memory_space<hbm>> -> memref<1024x16xf32, #tpu.memory_space<hbm>>
      %dma_start3A_70 = arith.constant 0 : i32
      %dma_start3A_71 = tpu.memref_slice %arg11[%add3A_48, %dma_start3A_70] : memref<100000x16xf32, #tpu.memory_space<vmem_shared>> -> memref<1024x16xf32, #tpu.memory_space<vmem_shared>>
      tpu.enqueue_dma source(%dma_start3A_71 : memref<1024x16xf32, #tpu.memory_space<vmem_shared>>) target(%dma_start3A_69 : memref<1024x16xf32, #tpu.memory_space<hbm>>) target_semaphore(%run_scoped3A : memref<!tpu.dma_semaphore, #tpu.memory_space<semaphore_mem>>)
      %dma_wait3A = arith.constant 0 : i32
      %dma_wait3A_72 = tpu.memref_slice %arg6[%arg0, %add3A_50, %dma_wait3A] : memref<2x100000x16xf32, #tpu.memory_space<hbm>> -> memref<1x1024x16xf32, #tpu.memory_space<hbm>>
      %dma_wait3A_73 = tpu.memref_squeeze %dma_wait3A_72 : memref<1x1024x16xf32, #tpu.memory_space<hbm>> -> memref<1024x16xf32, #tpu.memory_space<hbm>>
      %dma_wait3A_74 = arith.constant 0 : i32
      %dma_wait3A_75 = tpu.memref_slice %arg11[%add3A_48, %dma_wait3A_74] : memref<100000x16xf32, #tpu.memory_space<vmem_shared>> -> memref<1024x16xf32, #tpu.memory_space<vmem_shared>>
      tpu.wait_dma2 semaphore(%run_scoped3A : memref<!tpu.dma_semaphore, #tpu.memory_space<semaphore_mem>>) src(%dma_wait3A_75 : memref<1024x16xf32, #tpu.memory_space<vmem_shared>>) dst(%dma_wait3A_73 : memref<1024x16xf32, #tpu.memory_space<hbm>>)
      tpu.yield
    }) : () -> ()
    %add3A_51 = arith.constant 1024 : i32
    %add3A_52 = arith.addi %multiple_of3A, %add3A_51 : i32
    %add3A_53 = arith.constant 1024 : i32
    %add3A_54 = arith.addi %multiple_of3A, %add3A_53 : i32
    "tpu.region"() ({
      %run_scoped3A = tpu.sem_alloc : memref<!tpu.dma_semaphore, #tpu.memory_space<semaphore_mem>>
      %dma_start3A = arith.constant 0 : i32
      %dma_start3A_68 = tpu.memref_slice %arg6[%arg0, %add3A_54, %dma_start3A] : memref<2x100000x16xf32, #tpu.memory_space<hbm>> -> memref<1x1024x16xf32, #tpu.memory_space<hbm>>
      %dma_start3A_69 = tpu.memref_squeeze %dma_start3A_68 : memref<1x1024x16xf32, #tpu.memory_space<hbm>> -> memref<1024x16xf32, #tpu.memory_space<hbm>>
      %dma_start3A_70 = arith.constant 0 : i32
      %dma_start3A_71 = tpu.memref_slice %arg11[%add3A_52, %dma_start3A_70] : memref<100000x16xf32, #tpu.memory_space<vmem_shared>> -> memref<1024x16xf32, #tpu.memory_space<vmem_shared>>
      tpu.enqueue_dma source(%dma_start3A_71 : memref<1024x16xf32, #tpu.memory_space<vmem_shared>>) target(%dma_start3A_69 : memref<1024x16xf32, #tpu.memory_space<hbm>>) target_semaphore(%run_scoped3A : memref<!tpu.dma_semaphore, #tpu.memory_space<semaphore_mem>>)
      %dma_wait3A = arith.constant 0 : i32
      %dma_wait3A_72 = tpu.memref_slice %arg6[%arg0, %add3A_54, %dma_wait3A] : memref<2x100000x16xf32, #tpu.memory_space<hbm>> -> memref<1x1024x16xf32, #tpu.memory_space<hbm>>
      %dma_wait3A_73 = tpu.memref_squeeze %dma_wait3A_72 : memref<1x1024x16xf32, #tpu.memory_space<hbm>> -> memref<1024x16xf32, #tpu.memory_space<hbm>>
      %dma_wait3A_74 = arith.constant 0 : i32
      %dma_wait3A_75 = tpu.memref_slice %arg11[%add3A_52, %dma_wait3A_74] : memref<100000x16xf32, #tpu.memory_space<vmem_shared>> -> memref<1024x16xf32, #tpu.memory_space<vmem_shared>>
      tpu.wait_dma2 semaphore(%run_scoped3A : memref<!tpu.dma_semaphore, #tpu.memory_space<semaphore_mem>>) src(%dma_wait3A_75 : memref<1024x16xf32, #tpu.memory_space<vmem_shared>>) dst(%dma_wait3A_73 : memref<1024x16xf32, #tpu.memory_space<hbm>>)
      tpu.yield
    }) : () -> ()
    %add3A_55 = arith.constant 2048 : i32
    %add3A_56 = arith.addi %multiple_of3A, %add3A_55 : i32
    %add3A_57 = arith.constant 2048 : i32
    %add3A_58 = arith.addi %multiple_of3A, %add3A_57 : i32
    "tpu.region"() ({
      %run_scoped3A = tpu.sem_alloc : memref<!tpu.dma_semaphore, #tpu.memory_space<semaphore_mem>>
      %dma_start3A = arith.constant 0 : i32
      %dma_start3A_68 = tpu.memref_slice %arg6[%arg0, %add3A_58, %dma_start3A] : memref<2x100000x16xf32, #tpu.memory_space<hbm>> -> memref<1x1024x16xf32, #tpu.memory_space<hbm>>
      %dma_start3A_69 = tpu.memref_squeeze %dma_start3A_68 : memref<1x1024x16xf32, #tpu.memory_space<hbm>> -> memref<1024x16xf32, #tpu.memory_space<hbm>>
      %dma_start3A_70 = arith.constant 0 : i32
      %dma_start3A_71 = tpu.memref_slice %arg11[%add3A_56, %dma_start3A_70] : memref<100000x16xf32, #tpu.memory_space<vmem_shared>> -> memref<1024x16xf32, #tpu.memory_space<vmem_shared>>
      tpu.enqueue_dma source(%dma_start3A_71 : memref<1024x16xf32, #tpu.memory_space<vmem_shared>>) target(%dma_start3A_69 : memref<1024x16xf32, #tpu.memory_space<hbm>>) target_semaphore(%run_scoped3A : memref<!tpu.dma_semaphore, #tpu.memory_space<semaphore_mem>>)
      %dma_wait3A = arith.constant 0 : i32
      %dma_wait3A_72 = tpu.memref_slice %arg6[%arg0, %add3A_58, %dma_wait3A] : memref<2x100000x16xf32, #tpu.memory_space<hbm>> -> memref<1x1024x16xf32, #tpu.memory_space<hbm>>
      %dma_wait3A_73 = tpu.memref_squeeze %dma_wait3A_72 : memref<1x1024x16xf32, #tpu.memory_space<hbm>> -> memref<1024x16xf32, #tpu.memory_space<hbm>>
      %dma_wait3A_74 = arith.constant 0 : i32
      %dma_wait3A_75 = tpu.memref_slice %arg11[%add3A_56, %dma_wait3A_74] : memref<100000x16xf32, #tpu.memory_space<vmem_shared>> -> memref<1024x16xf32, #tpu.memory_space<vmem_shared>>
      tpu.wait_dma2 semaphore(%run_scoped3A : memref<!tpu.dma_semaphore, #tpu.memory_space<semaphore_mem>>) src(%dma_wait3A_75 : memref<1024x16xf32, #tpu.memory_space<vmem_shared>>) dst(%dma_wait3A_73 : memref<1024x16xf32, #tpu.memory_space<hbm>>)
      tpu.yield
    }) : () -> ()
    %add3A_59 = arith.constant 3072 : i32
    %add3A_60 = arith.addi %multiple_of3A, %add3A_59 : i32
    %add3A_61 = arith.constant 3072 : i32
    %add3A_62 = arith.addi %multiple_of3A, %add3A_61 : i32
    "tpu.region"() ({
      %run_scoped3A = tpu.sem_alloc : memref<!tpu.dma_semaphore, #tpu.memory_space<semaphore_mem>>
      %dma_start3A = arith.constant 0 : i32
      %dma_start3A_68 = tpu.memref_slice %arg6[%arg0, %add3A_62, %dma_start3A] : memref<2x100000x16xf32, #tpu.memory_space<hbm>> -> memref<1x3176x16xf32, #tpu.memory_space<hbm>>
      %dma_start3A_69 = tpu.memref_squeeze %dma_start3A_68 : memref<1x3176x16xf32, #tpu.memory_space<hbm>> -> memref<3176x16xf32, #tpu.memory_space<hbm>>
      %dma_start3A_70 = arith.constant 0 : i32
      %dma_start3A_71 = tpu.memref_slice %arg11[%add3A_60, %dma_start3A_70] : memref<100000x16xf32, #tpu.memory_space<vmem_shared>> -> memref<3176x16xf32, #tpu.memory_space<vmem_shared>>
      tpu.enqueue_dma source(%dma_start3A_71 : memref<3176x16xf32, #tpu.memory_space<vmem_shared>>) target(%dma_start3A_69 : memref<3176x16xf32, #tpu.memory_space<hbm>>) target_semaphore(%run_scoped3A : memref<!tpu.dma_semaphore, #tpu.memory_space<semaphore_mem>>)
      %dma_wait3A = arith.constant 0 : i32
      %dma_wait3A_72 = tpu.memref_slice %arg6[%arg0, %add3A_62, %dma_wait3A] : memref<2x100000x16xf32, #tpu.memory_space<hbm>> -> memref<1x3176x16xf32, #tpu.memory_space<hbm>>
      %dma_wait3A_73 = tpu.memref_squeeze %dma_wait3A_72 : memref<1x3176x16xf32, #tpu.memory_space<hbm>> -> memref<3176x16xf32, #tpu.memory_space<hbm>>
      %dma_wait3A_74 = arith.constant 0 : i32
      %dma_wait3A_75 = tpu.memref_slice %arg11[%add3A_60, %dma_wait3A_74] : memref<100000x16xf32, #tpu.memory_space<vmem_shared>> -> memref<3176x16xf32, #tpu.memory_space<vmem_shared>>
      tpu.wait_dma2 semaphore(%run_scoped3A : memref<!tpu.dma_semaphore, #tpu.memory_space<semaphore_mem>>) src(%dma_wait3A_75 : memref<3176x16xf32, #tpu.memory_space<vmem_shared>>) dst(%dma_wait3A_73 : memref<3176x16xf32, #tpu.memory_space<hbm>>)
      tpu.yield
    }) : () -> ()
    %eq3A_63 = arith.constant 15 : i32
    %eq3A_64 = arith.cmpi eq, %arg1, %eq3A_63 : i32
    %convert_element_type3A_65 = arith.extui %eq3A_64 : i1 to i32
    %cond3A_66 = arith.constant 0 : i32
    %cond3A_67 = arith.cmpi ne, %convert_element_type3A_65, %cond3A_66 : i32
    scf.if %cond3A_67 {
      "tpu.region"() ({
        %run_scoped3A = tpu.sem_alloc : memref<!tpu.dma_semaphore, #tpu.memory_space<semaphore_mem>>
        %dma_start3A = arith.constant 99968 : i32
        %dma_start3A_68 = arith.constant 0 : i32
        %dma_start3A_69 = tpu.memref_slice %arg6[%arg0, %dma_start3A, %dma_start3A_68] : memref<2x100000x16xf32, #tpu.memory_space<hbm>> -> memref<1x32x16xf32, #tpu.memory_space<hbm>>
        %dma_start3A_70 = tpu.memref_squeeze %dma_start3A_69 : memref<1x32x16xf32, #tpu.memory_space<hbm>> -> memref<32x16xf32, #tpu.memory_space<hbm>>
        %dma_start3A_71 = arith.constant 99968 : i32
        %dma_start3A_72 = arith.constant 0 : i32
        %dma_start3A_73 = tpu.memref_slice %arg11[%dma_start3A_71, %dma_start3A_72] : memref<100000x16xf32, #tpu.memory_space<vmem_shared>> -> memref<32x16xf32, #tpu.memory_space<vmem_shared>>
        tpu.enqueue_dma source(%dma_start3A_73 : memref<32x16xf32, #tpu.memory_space<vmem_shared>>) target(%dma_start3A_70 : memref<32x16xf32, #tpu.memory_space<hbm>>) target_semaphore(%run_scoped3A : memref<!tpu.dma_semaphore, #tpu.memory_space<semaphore_mem>>)
        %dma_wait3A = arith.constant 99968 : i32
        %dma_wait3A_74 = arith.constant 0 : i32
        %dma_wait3A_75 = tpu.memref_slice %arg6[%arg0, %dma_wait3A, %dma_wait3A_74] : memref<2x100000x16xf32, #tpu.memory_space<hbm>> -> memref<1x32x16xf32, #tpu.memory_space<hbm>>
        %dma_wait3A_76 = tpu.memref_squeeze %dma_wait3A_75 : memref<1x32x16xf32, #tpu.memory_space<hbm>> -> memref<32x16xf32, #tpu.memory_space<hbm>>
        %dma_wait3A_77 = arith.constant 99968 : i32
        %dma_wait3A_78 = arith.constant 0 : i32
        %dma_wait3A_79 = tpu.memref_slice %arg11[%dma_wait3A_77, %dma_wait3A_78] : memref<100000x16xf32, #tpu.memory_space<vmem_shared>> -> memref<32x16xf32, #tpu.memory_space<vmem_shared>>
        tpu.wait_dma2 semaphore(%run_scoped3A : memref<!tpu.dma_semaphore, #tpu.memory_space<semaphore_mem>>) src(%dma_wait3A_79 : memref<32x16xf32, #tpu.memory_space<vmem_shared>>) dst(%dma_wait3A_76 : memref<32x16xf32, #tpu.memory_space<hbm>>)
        tpu.yield
      }) : () -> ()
    } else {
    }
    return
  }
}

#map = affine_map<(d0, d1) -> (0, 0)>
#map1 = affine_map<(d0, d1) -> (0)>
#map2 = affine_map<(d0, d1) -> (0, 0, 0)>
module attributes {stable_mosaic.version = 14 : i64} {
  func.func @agg(%arg0: i32, %arg1: i32, %arg2: memref<100000x16xf32, #tpu.memory_space<hbm>>, %arg3: memref<1638400xi32, #tpu.memory_space<hbm>>, %arg4: memref<12800x128xi32, #tpu.memory_space<hbm>>, %arg5: memref<1638400xf32, #tpu.memory_space<hbm>>, %arg6: memref<2x100000x16xf32, #tpu.memory_space<hbm>>, %arg7: memref<1024xi32, #tpu.memory_space<vmem>>, %arg8: memref<8x128xi32, #tpu.memory_space<vmem>>, %arg9: memref<1024xf32, #tpu.memory_space<vmem>>, %arg10: memref<1024x16xf32, #tpu.memory_space<vmem>>, %arg11: memref<100000x16xf32, #tpu.memory_space<vmem_shared>>, %arg12: memref<!tpu.dma_semaphore, #tpu.memory_space<semaphore_mem>>) attributes {dimension_semantics = [#tpu.dimension_semantics<core_parallel>, #tpu.dimension_semantics<subcore_parallel>], iteration_bounds = array<i64: 2, 16>, scalar_prefetch = 0 : i64, scratch_operands = 6 : i64, tpu.core_type = #tpu.core_type<sc_vector_subcore>, window_params = [{transform_indices = #map}, {transform_indices = #map1}, {transform_indices = #map}, {transform_indices = #map1}, {transform_indices = #map2}]} {
    %scan3A = arith.constant 0 : i32
    %scan3A_0 = arith.constant 0 : i32
    %scan3A_1 = arith.constant 1024 : i32
    %scan3A_2 = arith.addi %scan3A_0, %scan3A_1 : i32
    %scan3A_3 = arith.constant 8 : i32
    %scan3A_4 = scf.for %scan3A_68 = %scan3A_0 to %scan3A_2 step %scan3A_3 iter_args(%scan3A_69 = %scan3A) -> (i32)  : i32 {
      %broadcast_in_dim3A = arith.constant 0.000000e+00 : f32
      %broadcast_in_dim3A_70 = vector.broadcast %broadcast_in_dim3A : f32 to vector<16xf32>
      %swap3A = arith.index_cast %scan3A_68 : i32 to index
      %swap3A_71 = arith.constant 0 : index
      %swap3A_72 = tpu.vector_load %arg10[%swap3A, %swap3A_71] {strides = array<i32>} : memref<1024x16xf32, #tpu.memory_space<vmem>>, vector<1x16xf32>,
      %swap3A_73 = vector.shape_cast %swap3A_72 : vector<1x16xf32> to vector<16xf32>
      %swap3A_74 = vector.shape_cast %broadcast_in_dim3A_70 : vector<16xf32> to vector<1x16xf32>
      tpu.vector_store %arg10[%swap3A, %swap3A_71], %swap3A_74 {strides = array<i32>} : memref<1024x16xf32, #tpu.memory_space<vmem>>, vector<1x16xf32>,
      %scan3A_75 = arith.constant 0 : i32
      %scan3A_76 = arith.constant 1 : i32
      %scan3A_77 = arith.addi %scan3A_68, %scan3A_76 : i32
      %broadcast_in_dim3A_78 = arith.constant 0.000000e+00 : f32
      %broadcast_in_dim3A_79 = vector.broadcast %broadcast_in_dim3A_78 : f32 to vector<16xf32>
      %swap3A_80 = arith.index_cast %scan3A_77 : i32 to index
      %swap3A_81 = arith.constant 0 : index
      %swap3A_82 = tpu.vector_load %arg10[%swap3A_80, %swap3A_81] {strides = array<i32>} : memref<1024x16xf32, #tpu.memory_space<vmem>>, vector<1x16xf32>,
      %swap3A_83 = vector.shape_cast %swap3A_82 : vector<1x16xf32> to vector<16xf32>
      %swap3A_84 = vector.shape_cast %broadcast_in_dim3A_79 : vector<16xf32> to vector<1x16xf32>
      tpu.vector_store %arg10[%swap3A_80, %swap3A_81], %swap3A_84 {strides = array<i32>} : memref<1024x16xf32, #tpu.memory_space<vmem>>, vector<1x16xf32>,
      %scan3A_85 = arith.constant 0 : i32
      %scan3A_86 = arith.constant 2 : i32
      %scan3A_87 = arith.addi %scan3A_68, %scan3A_86 : i32
      %broadcast_in_dim3A_88 = arith.constant 0.000000e+00 : f32
      %broadcast_in_dim3A_89 = vector.broadcast %broadcast_in_dim3A_88 : f32 to vector<16xf32>
      %swap3A_90 = arith.index_cast %scan3A_87 : i32 to index
      %swap3A_91 = arith.constant 0 : index
      %swap3A_92 = tpu.vector_load %arg10[%swap3A_90, %swap3A_91] {strides = array<i32>} : memref<1024x16xf32, #tpu.memory_space<vmem>>, vector<1x16xf32>,
      %swap3A_93 = vector.shape_cast %swap3A_92 : vector<1x16xf32> to vector<16xf32>
      %swap3A_94 = vector.shape_cast %broadcast_in_dim3A_89 : vector<16xf32> to vector<1x16xf32>
      tpu.vector_store %arg10[%swap3A_90, %swap3A_91], %swap3A_94 {strides = array<i32>} : memref<1024x16xf32, #tpu.memory_space<vmem>>, vector<1x16xf32>,
      %scan3A_95 = arith.constant 0 : i32
      %scan3A_96 = arith.constant 3 : i32
      %scan3A_97 = arith.addi %scan3A_68, %scan3A_96 : i32
      %broadcast_in_dim3A_98 = arith.constant 0.000000e+00 : f32
      %broadcast_in_dim3A_99 = vector.broadcast %broadcast_in_dim3A_98 : f32 to vector<16xf32>
      %swap3A_100 = arith.index_cast %scan3A_97 : i32 to index
      %swap3A_101 = arith.constant 0 : index
      %swap3A_102 = tpu.vector_load %arg10[%swap3A_100, %swap3A_101] {strides = array<i32>} : memref<1024x16xf32, #tpu.memory_space<vmem>>, vector<1x16xf32>,
      %swap3A_103 = vector.shape_cast %swap3A_102 : vector<1x16xf32> to vector<16xf32>
      %swap3A_104 = vector.shape_cast %broadcast_in_dim3A_99 : vector<16xf32> to vector<1x16xf32>
      tpu.vector_store %arg10[%swap3A_100, %swap3A_101], %swap3A_104 {strides = array<i32>} : memref<1024x16xf32, #tpu.memory_space<vmem>>, vector<1x16xf32>,
      %scan3A_105 = arith.constant 0 : i32
      %scan3A_106 = arith.constant 4 : i32
      %scan3A_107 = arith.addi %scan3A_68, %scan3A_106 : i32
      %broadcast_in_dim3A_108 = arith.constant 0.000000e+00 : f32
      %broadcast_in_dim3A_109 = vector.broadcast %broadcast_in_dim3A_108 : f32 to vector<16xf32>
      %swap3A_110 = arith.index_cast %scan3A_107 : i32 to index
      %swap3A_111 = arith.constant 0 : index
      %swap3A_112 = tpu.vector_load %arg10[%swap3A_110, %swap3A_111] {strides = array<i32>} : memref<1024x16xf32, #tpu.memory_space<vmem>>, vector<1x16xf32>,
      %swap3A_113 = vector.shape_cast %swap3A_112 : vector<1x16xf32> to vector<16xf32>
      %swap3A_114 = vector.shape_cast %broadcast_in_dim3A_109 : vector<16xf32> to vector<1x16xf32>
      tpu.vector_store %arg10[%swap3A_110, %swap3A_111], %swap3A_114 {strides = array<i32>} : memref<1024x16xf32, #tpu.memory_space<vmem>>, vector<1x16xf32>,
      %scan3A_115 = arith.constant 0 : i32
      %scan3A_116 = arith.constant 5 : i32
      %scan3A_117 = arith.addi %scan3A_68, %scan3A_116 : i32
      %broadcast_in_dim3A_118 = arith.constant 0.000000e+00 : f32
      %broadcast_in_dim3A_119 = vector.broadcast %broadcast_in_dim3A_118 : f32 to vector<16xf32>
      %swap3A_120 = arith.index_cast %scan3A_117 : i32 to index
      %swap3A_121 = arith.constant 0 : index
      %swap3A_122 = tpu.vector_load %arg10[%swap3A_120, %swap3A_121] {strides = array<i32>} : memref<1024x16xf32, #tpu.memory_space<vmem>>, vector<1x16xf32>,
      %swap3A_123 = vector.shape_cast %swap3A_122 : vector<1x16xf32> to vector<16xf32>
      %swap3A_124 = vector.shape_cast %broadcast_in_dim3A_119 : vector<16xf32> to vector<1x16xf32>
      tpu.vector_store %arg10[%swap3A_120, %swap3A_121], %swap3A_124 {strides = array<i32>} : memref<1024x16xf32, #tpu.memory_space<vmem>>, vector<1x16xf32>,
      %scan3A_125 = arith.constant 0 : i32
      %scan3A_126 = arith.constant 6 : i32
      %scan3A_127 = arith.addi %scan3A_68, %scan3A_126 : i32
      %broadcast_in_dim3A_128 = arith.constant 0.000000e+00 : f32
      %broadcast_in_dim3A_129 = vector.broadcast %broadcast_in_dim3A_128 : f32 to vector<16xf32>
      %swap3A_130 = arith.index_cast %scan3A_127 : i32 to index
      %swap3A_131 = arith.constant 0 : index
      %swap3A_132 = tpu.vector_load %arg10[%swap3A_130, %swap3A_131] {strides = array<i32>} : memref<1024x16xf32, #tpu.memory_space<vmem>>, vector<1x16xf32>,
      %swap3A_133 = vector.shape_cast %swap3A_132 : vector<1x16xf32> to vector<16xf32>
      %swap3A_134 = vector.shape_cast %broadcast_in_dim3A_129 : vector<16xf32> to vector<1x16xf32>
      tpu.vector_store %arg10[%swap3A_130, %swap3A_131], %swap3A_134 {strides = array<i32>} : memref<1024x16xf32, #tpu.memory_space<vmem>>, vector<1x16xf32>,
      %scan3A_135 = arith.constant 0 : i32
      %scan3A_136 = arith.constant 7 : i32
      %scan3A_137 = arith.addi %scan3A_68, %scan3A_136 : i32
      %broadcast_in_dim3A_138 = arith.constant 0.000000e+00 : f32
      %broadcast_in_dim3A_139 = vector.broadcast %broadcast_in_dim3A_138 : f32 to vector<16xf32>
      %swap3A_140 = arith.index_cast %scan3A_137 : i32 to index
      %swap3A_141 = arith.constant 0 : index
      %swap3A_142 = tpu.vector_load %arg10[%swap3A_140, %swap3A_141] {strides = array<i32>} : memref<1024x16xf32, #tpu.memory_space<vmem>>, vector<1x16xf32>,
      %swap3A_143 = vector.shape_cast %swap3A_142 : vector<1x16xf32> to vector<16xf32>
      %swap3A_144 = vector.shape_cast %broadcast_in_dim3A_139 : vector<16xf32> to vector<1x16xf32>
      tpu.vector_store %arg10[%swap3A_140, %swap3A_141], %swap3A_144 {strides = array<i32>} : memref<1024x16xf32, #tpu.memory_space<vmem>>, vector<1x16xf32>,
      %scan3A_145 = arith.constant 0 : i32
      scf.yield %scan3A_145 : i32
    }
    %scan3A_5 = arith.constant 1024 : i32
    %mul3A = arith.constant 6248 : i32
    %mul3A_6 = arith.muli %arg1, %mul3A : i32
    %multiple_of3A = tpu.assume_multiple %mul3A_6, 8 : i32
    %add3A = arith.constant 0 : i32
    %add3A_7 = arith.addi %multiple_of3A, %add3A : i32
    "tpu.region"() ({
      %run_scoped3A = tpu.sem_alloc : memref<!tpu.dma_semaphore, #tpu.memory_space<semaphore_mem>>
      %dma_start3A = arith.constant 0 : i32
      %dma_start3A_68 = tpu.memref_slice %arg11[%add3A_7, %dma_start3A] : memref<100000x16xf32, #tpu.memory_space<vmem_shared>> -> memref<1024x16xf32, #tpu.memory_space<vmem_shared>>
      %dma_start3A_69 = arith.constant 0 : i32
      %dma_start3A_70 = tpu.memref_slice %arg11[%add3A_7, %dma_start3A_69] : memref<100000x16xf32, #tpu.memory_space<vmem_shared>> -> memref<1024x16xf32, #tpu.memory_space<vmem_shared>>
      tpu.enqueue_dma source(%arg10 : memref<1024x16xf32, #tpu.memory_space<vmem>>) target(%dma_start3A_70 : memref<1024x16xf32, #tpu.memory_space<vmem_shared>>) target_semaphore(%run_scoped3A : memref<!tpu.dma_semaphore, #tpu.memory_space<semaphore_mem>>)
      %dma_wait3A = arith.constant 0 : i32
      %dma_wait3A_71 = tpu.memref_slice %arg11[%add3A_7, %dma_wait3A] : memref<100000x16xf32, #tpu.memory_space<vmem_shared>> -> memref<1024x16xf32, #tpu.memory_space<vmem_shared>>
      %dma_wait3A_72 = arith.constant 0 : i32
      %dma_wait3A_73 = tpu.memref_slice %arg11[%add3A_7, %dma_wait3A_72] : memref<100000x16xf32, #tpu.memory_space<vmem_shared>> -> memref<1024x16xf32, #tpu.memory_space<vmem_shared>>
      tpu.wait_dma2 semaphore(%run_scoped3A : memref<!tpu.dma_semaphore, #tpu.memory_space<semaphore_mem>>) src(%arg10 : memref<1024x16xf32, #tpu.memory_space<vmem>>) dst(%dma_wait3A_73 : memref<1024x16xf32, #tpu.memory_space<vmem_shared>>)
      tpu.yield
    }) : () -> ()
    %add3A_8 = arith.constant 1024 : i32
    %add3A_9 = arith.addi %multiple_of3A, %add3A_8 : i32
    "tpu.region"() ({
      %run_scoped3A = tpu.sem_alloc : memref<!tpu.dma_semaphore, #tpu.memory_space<semaphore_mem>>
      %dma_start3A = arith.constant 0 : i32
      %dma_start3A_68 = tpu.memref_slice %arg11[%add3A_9, %dma_start3A] : memref<100000x16xf32, #tpu.memory_space<vmem_shared>> -> memref<1024x16xf32, #tpu.memory_space<vmem_shared>>
      %dma_start3A_69 = arith.constant 0 : i32
      %dma_start3A_70 = tpu.memref_slice %arg11[%add3A_9, %dma_start3A_69] : memref<100000x16xf32, #tpu.memory_space<vmem_shared>> -> memref<1024x16xf32, #tpu.memory_space<vmem_shared>>
      tpu.enqueue_dma source(%arg10 : memref<1024x16xf32, #tpu.memory_space<vmem>>) target(%dma_start3A_70 : memref<1024x16xf32, #tpu.memory_space<vmem_shared>>) target_semaphore(%run_scoped3A : memref<!tpu.dma_semaphore, #tpu.memory_space<semaphore_mem>>)
      %dma_wait3A = arith.constant 0 : i32
      %dma_wait3A_71 = tpu.memref_slice %arg11[%add3A_9, %dma_wait3A] : memref<100000x16xf32, #tpu.memory_space<vmem_shared>> -> memref<1024x16xf32, #tpu.memory_space<vmem_shared>>
      %dma_wait3A_72 = arith.constant 0 : i32
      %dma_wait3A_73 = tpu.memref_slice %arg11[%add3A_9, %dma_wait3A_72] : memref<100000x16xf32, #tpu.memory_space<vmem_shared>> -> memref<1024x16xf32, #tpu.memory_space<vmem_shared>>
      tpu.wait_dma2 semaphore(%run_scoped3A : memref<!tpu.dma_semaphore, #tpu.memory_space<semaphore_mem>>) src(%arg10 : memref<1024x16xf32, #tpu.memory_space<vmem>>) dst(%dma_wait3A_73 : memref<1024x16xf32, #tpu.memory_space<vmem_shared>>)
      tpu.yield
    }) : () -> ()
    %add3A_10 = arith.constant 2048 : i32
    %add3A_11 = arith.addi %multiple_of3A, %add3A_10 : i32
    "tpu.region"() ({
      %run_scoped3A = tpu.sem_alloc : memref<!tpu.dma_semaphore, #tpu.memory_space<semaphore_mem>>
      %dma_start3A = arith.constant 0 : i32
      %dma_start3A_68 = tpu.memref_slice %arg11[%add3A_11, %dma_start3A] : memref<100000x16xf32, #tpu.memory_space<vmem_shared>> -> memref<1024x16xf32, #tpu.memory_space<vmem_shared>>
      %dma_start3A_69 = arith.constant 0 : i32
      %dma_start3A_70 = tpu.memref_slice %arg11[%add3A_11, %dma_start3A_69] : memref<100000x16xf32, #tpu.memory_space<vmem_shared>> -> memref<1024x16xf32, #tpu.memory_space<vmem_shared>>
      tpu.enqueue_dma source(%arg10 : memref<1024x16xf32, #tpu.memory_space<vmem>>) target(%dma_start3A_70 : memref<1024x16xf32, #tpu.memory_space<vmem_shared>>) target_semaphore(%run_scoped3A : memref<!tpu.dma_semaphore, #tpu.memory_space<semaphore_mem>>)
      %dma_wait3A = arith.constant 0 : i32
      %dma_wait3A_71 = tpu.memref_slice %arg11[%add3A_11, %dma_wait3A] : memref<100000x16xf32, #tpu.memory_space<vmem_shared>> -> memref<1024x16xf32, #tpu.memory_space<vmem_shared>>
      %dma_wait3A_72 = arith.constant 0 : i32
      %dma_wait3A_73 = tpu.memref_slice %arg11[%add3A_11, %dma_wait3A_72] : memref<100000x16xf32, #tpu.memory_space<vmem_shared>> -> memref<1024x16xf32, #tpu.memory_space<vmem_shared>>
      tpu.wait_dma2 semaphore(%run_scoped3A : memref<!tpu.dma_semaphore, #tpu.memory_space<semaphore_mem>>) src(%arg10 : memref<1024x16xf32, #tpu.memory_space<vmem>>) dst(%dma_wait3A_73 : memref<1024x16xf32, #tpu.memory_space<vmem_shared>>)
      tpu.yield
    }) : () -> ()
    %add3A_12 = arith.constant 3072 : i32
    %add3A_13 = arith.addi %multiple_of3A, %add3A_12 : i32
    "tpu.region"() ({
      %run_scoped3A = tpu.sem_alloc : memref<!tpu.dma_semaphore, #tpu.memory_space<semaphore_mem>>
      %dma_start3A = arith.constant 0 : i32
      %dma_start3A_68 = arith.constant 0 : i32
      %dma_start3A_69 = tpu.memref_slice %arg10[%dma_start3A, %dma_start3A_68] : memref<1024x16xf32, #tpu.memory_space<vmem>> -> memref<3176x16xf32, #tpu.memory_space<vmem>>
      %dma_start3A_70 = arith.constant 0 : i32
      %dma_start3A_71 = tpu.memref_slice %arg11[%add3A_13, %dma_start3A_70] : memref<100000x16xf32, #tpu.memory_space<vmem_shared>> -> memref<3176x16xf32, #tpu.memory_space<vmem_shared>>
      %dma_start3A_72 = arith.constant 0 : i32
      %dma_start3A_73 = tpu.memref_slice %arg11[%add3A_13, %dma_start3A_72] : memref<100000x16xf32, #tpu.memory_space<vmem_shared>> -> memref<3176x16xf32, #tpu.memory_space<vmem_shared>>
      %dma_start3A_74 = arith.constant 0 : i32
      %dma_start3A_75 = arith.constant 0 : i32
      %dma_start3A_76 = tpu.memref_slice %arg10[%dma_start3A_74, %dma_start3A_75] : memref<1024x16xf32, #tpu.memory_space<vmem>> -> memref<3176x16xf32, #tpu.memory_space<vmem>>
      tpu.enqueue_dma source(%dma_start3A_76 : memref<3176x16xf32, #tpu.memory_space<vmem>>) target(%dma_start3A_73 : memref<3176x16xf32, #tpu.memory_space<vmem_shared>>) target_semaphore(%run_scoped3A : memref<!tpu.dma_semaphore, #tpu.memory_space<semaphore_mem>>)
      %dma_wait3A = arith.constant 0 : i32
      %dma_wait3A_77 = arith.constant 0 : i32
      %dma_wait3A_78 = tpu.memref_slice %arg10[%dma_wait3A, %dma_wait3A_77] : memref<1024x16xf32, #tpu.memory_space<vmem>> -> memref<3176x16xf32, #tpu.memory_space<vmem>>
      %dma_wait3A_79 = arith.constant 0 : i32
      %dma_wait3A_80 = tpu.memref_slice %arg11[%add3A_13, %dma_wait3A_79] : memref<100000x16xf32, #tpu.memory_space<vmem_shared>> -> memref<3176x16xf32, #tpu.memory_space<vmem_shared>>
      %dma_wait3A_81 = arith.constant 0 : i32
      %dma_wait3A_82 = tpu.memref_slice %arg11[%add3A_13, %dma_wait3A_81] : memref<100000x16xf32, #tpu.memory_space<vmem_shared>> -> memref<3176x16xf32, #tpu.memory_space<vmem_shared>>
      %dma_wait3A_83 = arith.constant 0 : i32
      %dma_wait3A_84 = arith.constant 0 : i32
      %dma_wait3A_85 = tpu.memref_slice %arg10[%dma_wait3A_83, %dma_wait3A_84] : memref<1024x16xf32, #tpu.memory_space<vmem>> -> memref<3176x16xf32, #tpu.memory_space<vmem>>
      tpu.wait_dma2 semaphore(%run_scoped3A : memref<!tpu.dma_semaphore, #tpu.memory_space<semaphore_mem>>) src(%dma_wait3A_85 : memref<3176x16xf32, #tpu.memory_space<vmem>>) dst(%dma_wait3A_82 : memref<3176x16xf32, #tpu.memory_space<vmem_shared>>)
      tpu.yield
    }) : () -> ()
    %eq3A = arith.constant 15 : i32
    %eq3A_14 = arith.cmpi eq, %arg1, %eq3A : i32
    %convert_element_type3A = arith.extui %eq3A_14 : i1 to i32
    %cond3A = arith.constant 0 : i32
    %cond3A_15 = arith.cmpi ne, %convert_element_type3A, %cond3A : i32
    scf.if %cond3A_15 {
      "tpu.region"() ({
        %run_scoped3A = tpu.sem_alloc : memref<!tpu.dma_semaphore, #tpu.memory_space<semaphore_mem>>
        %dma_start3A = arith.constant 0 : i32
        %dma_start3A_68 = arith.constant 0 : i32
        %dma_start3A_69 = tpu.memref_slice %arg10[%dma_start3A, %dma_start3A_68] : memref<1024x16xf32, #tpu.memory_space<vmem>> -> memref<32x16xf32, #tpu.memory_space<vmem>>
        %dma_start3A_70 = arith.constant 99968 : i32
        %dma_start3A_71 = arith.constant 0 : i32
        %dma_start3A_72 = tpu.memref_slice %arg11[%dma_start3A_70, %dma_start3A_71] : memref<100000x16xf32, #tpu.memory_space<vmem_shared>> -> memref<32x16xf32, #tpu.memory_space<vmem_shared>>
        %dma_start3A_73 = arith.constant 99968 : i32
        %dma_start3A_74 = arith.constant 0 : i32
        %dma_start3A_75 = tpu.memref_slice %arg11[%dma_start3A_73, %dma_start3A_74] : memref<100000x16xf32, #tpu.memory_space<vmem_shared>> -> memref<32x16xf32, #tpu.memory_space<vmem_shared>>
        %dma_start3A_76 = arith.constant 0 : i32
        %dma_start3A_77 = arith.constant 0 : i32
        %dma_start3A_78 = tpu.memref_slice %arg10[%dma_start3A_76, %dma_start3A_77] : memref<1024x16xf32, #tpu.memory_space<vmem>> -> memref<32x16xf32, #tpu.memory_space<vmem>>
        tpu.enqueue_dma source(%dma_start3A_78 : memref<32x16xf32, #tpu.memory_space<vmem>>) target(%dma_start3A_75 : memref<32x16xf32, #tpu.memory_space<vmem_shared>>) target_semaphore(%run_scoped3A : memref<!tpu.dma_semaphore, #tpu.memory_space<semaphore_mem>>)
        %dma_wait3A = arith.constant 0 : i32
        %dma_wait3A_79 = arith.constant 0 : i32
        %dma_wait3A_80 = tpu.memref_slice %arg10[%dma_wait3A, %dma_wait3A_79] : memref<1024x16xf32, #tpu.memory_space<vmem>> -> memref<32x16xf32, #tpu.memory_space<vmem>>
        %dma_wait3A_81 = arith.constant 99968 : i32
        %dma_wait3A_82 = arith.constant 0 : i32
        %dma_wait3A_83 = tpu.memref_slice %arg11[%dma_wait3A_81, %dma_wait3A_82] : memref<100000x16xf32, #tpu.memory_space<vmem_shared>> -> memref<32x16xf32, #tpu.memory_space<vmem_shared>>
        %dma_wait3A_84 = arith.constant 99968 : i32
        %dma_wait3A_85 = arith.constant 0 : i32
        %dma_wait3A_86 = tpu.memref_slice %arg11[%dma_wait3A_84, %dma_wait3A_85] : memref<100000x16xf32, #tpu.memory_space<vmem_shared>> -> memref<32x16xf32, #tpu.memory_space<vmem_shared>>
        %dma_wait3A_87 = arith.constant 0 : i32
        %dma_wait3A_88 = arith.constant 0 : i32
        %dma_wait3A_89 = tpu.memref_slice %arg10[%dma_wait3A_87, %dma_wait3A_88] : memref<1024x16xf32, #tpu.memory_space<vmem>> -> memref<32x16xf32, #tpu.memory_space<vmem>>
        tpu.wait_dma2 semaphore(%run_scoped3A : memref<!tpu.dma_semaphore, #tpu.memory_space<semaphore_mem>>) src(%dma_wait3A_89 : memref<32x16xf32, #tpu.memory_space<vmem>>) dst(%dma_wait3A_86 : memref<32x16xf32, #tpu.memory_space<vmem_shared>>)
        tpu.yield
      }) : () -> ()
    } else {
    }
    %barrier3A = arith.constant 0 : index
    tpu.barrier barrier_id(%barrier3A)
    %mul3A_16 = arith.constant 16 : i32
    %mul3A_17 = arith.muli %arg0, %mul3A_16 : i32
    %add3A_18 = arith.addi %mul3A_17, %arg1 : i32
    %mul3A_19 = arith.constant 51200 : i32
    %mul3A_20 = arith.muli %add3A_18, %mul3A_19 : i32
    %jit3A = arith.constant 128 : i32
    %div3A = arith.divsi %mul3A_20, %jit3A : i32
    %sign3A = arith.constant 0 : i32
    %sign3A_21 = arith.cmpi sgt, %mul3A_20, %sign3A : i32
    %sign3A_22 = arith.extui %sign3A_21 : i1 to i32
    %sign3A_23 = arith.constant 0 : i32
    %sign3A_24 = arith.cmpi slt, %mul3A_20, %sign3A_23 : i32
    %sign3A_25 = arith.extui %sign3A_24 : i1 to i32
    %sign3A_26 = arith.subi %sign3A_22, %sign3A_25 : i32
    %sign3A_27 = arith.constant 0 : i32
    %sign3A_28 = arith.cmpi sgt, %jit3A, %sign3A_27 : i32
    %sign3A_29 = arith.extui %sign3A_28 : i1 to i32
    %sign3A_30 = arith.constant 0 : i32
    %sign3A_31 = arith.cmpi slt, %jit3A, %sign3A_30 : i32
    %sign3A_32 = arith.extui %sign3A_31 : i1 to i32
    %sign3A_33 = arith.subi %sign3A_29, %sign3A_32 : i32
    %ne3A = arith.cmpi ne, %sign3A_26, %sign3A_33 : i32
    %rem3A = arith.remsi %mul3A_20, %jit3A : i32
    %ne3A_34 = arith.constant 0 : i32
    %ne3A_35 = arith.cmpi ne, %rem3A, %ne3A_34 : i32
    %and3A = arith.andi %ne3A, %ne3A_35 : i1
    %sub3A = arith.constant 1 : i32
    %sub3A_36 = arith.subi %div3A, %sub3A : i32
    %select_n3A = arith.select %and3A, %sub3A_36, %div3A : i32
    %mul3A_37 = arith.constant 100000 : i32
    %mul3A_38 = arith.muli %arg0, %mul3A_37 : i32
    %scan3A_39 = arith.constant 0 : i32
    %scan3A_40 = arith.constant 0 : i32
    %scan3A_41 = arith.constant 50 : i32
    %scan3A_42 = arith.addi %scan3A_40, %scan3A_41 : i32
    %scan3A_43 = arith.constant 1 : i32
    %scan3A_44 = scf.for %scan3A_68 = %scan3A_40 to %scan3A_42 step %scan3A_43 iter_args(%scan3A_69 = %scan3A_39) -> (i32)  : i32 {
      %mul3A_70 = arith.constant 1024 : i32
      %mul3A_71 = arith.muli %scan3A_68, %mul3A_70 : i32
      %add3A_72 = arith.addi %mul3A_20, %mul3A_71 : i32
      %multiple_of3A_73 = tpu.assume_multiple %add3A_72, 1024 : i32
      %mul3A_74 = arith.constant 8 : i32
      %mul3A_75 = arith.muli %scan3A_68, %mul3A_74 : i32
      %add3A_76 = arith.addi %select_n3A, %mul3A_75 : i32
      %multiple_of3A_77 = tpu.assume_multiple %add3A_76, 8 : i32
      "tpu.region"() ({
        %run_scoped3A = tpu.sem_alloc : memref<!tpu.dma_semaphore, #tpu.memory_space<semaphore_mem>>
        %dma_start3A_97 = tpu.memref_slice %arg3[%multiple_of3A_73] : memref<1638400xi32, #tpu.memory_space<hbm>> -> memref<1024xi32, #tpu.memory_space<hbm>>
        %dma_start3A_98 = tpu.memref_slice %arg3[%multiple_of3A_73] : memref<1638400xi32, #tpu.memory_space<hbm>> -> memref<1024xi32, #tpu.memory_space<hbm>>
        tpu.enqueue_dma source(%dma_start3A_98 : memref<1024xi32, #tpu.memory_space<hbm>>) target(%arg7 : memref<1024xi32, #tpu.memory_space<vmem>>) target_semaphore(%run_scoped3A : memref<!tpu.dma_semaphore, #tpu.memory_space<semaphore_mem>>)
        %dma_wait3A_99 = tpu.memref_slice %arg3[%multiple_of3A_73] : memref<1638400xi32, #tpu.memory_space<hbm>> -> memref<1024xi32, #tpu.memory_space<hbm>>
        %dma_wait3A_100 = tpu.memref_slice %arg3[%multiple_of3A_73] : memref<1638400xi32, #tpu.memory_space<hbm>> -> memref<1024xi32, #tpu.memory_space<hbm>>
        tpu.wait_dma2 semaphore(%run_scoped3A : memref<!tpu.dma_semaphore, #tpu.memory_space<semaphore_mem>>) src(%dma_wait3A_100 : memref<1024xi32, #tpu.memory_space<hbm>>) dst(%arg7 : memref<1024xi32, #tpu.memory_space<vmem>>)
        tpu.yield
      }) : () -> ()
      "tpu.region"() ({
        %run_scoped3A = tpu.sem_alloc : memref<!tpu.dma_semaphore, #tpu.memory_space<semaphore_mem>>
        %dma_start3A_97 = arith.constant 0 : i32
        %dma_start3A_98 = tpu.memref_slice %arg4[%multiple_of3A_77, %dma_start3A_97] : memref<12800x128xi32, #tpu.memory_space<hbm>> -> memref<8x128xi32, #tpu.memory_space<hbm>>
        %dma_start3A_99 = arith.constant 0 : i32
        %dma_start3A_100 = tpu.memref_slice %arg4[%multiple_of3A_77, %dma_start3A_99] : memref<12800x128xi32, #tpu.memory_space<hbm>> -> memref<8x128xi32, #tpu.memory_space<hbm>>
        tpu.enqueue_dma source(%dma_start3A_100 : memref<8x128xi32, #tpu.memory_space<hbm>>) target(%arg8 : memref<8x128xi32, #tpu.memory_space<vmem>>) target_semaphore(%run_scoped3A : memref<!tpu.dma_semaphore, #tpu.memory_space<semaphore_mem>>)
        %dma_wait3A_101 = arith.constant 0 : i32
        %dma_wait3A_102 = tpu.memref_slice %arg4[%multiple_of3A_77, %dma_wait3A_101] : memref<12800x128xi32, #tpu.memory_space<hbm>> -> memref<8x128xi32, #tpu.memory_space<hbm>>
        %dma_wait3A_103 = arith.constant 0 : i32
        %dma_wait3A_104 = tpu.memref_slice %arg4[%multiple_of3A_77, %dma_wait3A_103] : memref<12800x128xi32, #tpu.memory_space<hbm>> -> memref<8x128xi32, #tpu.memory_space<hbm>>
        tpu.wait_dma2 semaphore(%run_scoped3A : memref<!tpu.dma_semaphore, #tpu.memory_space<semaphore_mem>>) src(%dma_wait3A_104 : memref<8x128xi32, #tpu.memory_space<hbm>>) dst(%arg8 : memref<8x128xi32, #tpu.memory_space<vmem>>)
        tpu.yield
      }) : () -> ()
      "tpu.region"() ({
        %run_scoped3A = tpu.sem_alloc : memref<!tpu.dma_semaphore, #tpu.memory_space<semaphore_mem>>
        %dma_start3A_97 = tpu.memref_slice %arg5[%multiple_of3A_73] : memref<1638400xf32, #tpu.memory_space<hbm>> -> memref<1024xf32, #tpu.memory_space<hbm>>
        %dma_start3A_98 = tpu.memref_slice %arg5[%multiple_of3A_73] : memref<1638400xf32, #tpu.memory_space<hbm>> -> memref<1024xf32, #tpu.memory_space<hbm>>
        tpu.enqueue_dma source(%dma_start3A_98 : memref<1024xf32, #tpu.memory_space<hbm>>) target(%arg9 : memref<1024xf32, #tpu.memory_space<vmem>>) target_semaphore(%run_scoped3A : memref<!tpu.dma_semaphore, #tpu.memory_space<semaphore_mem>>)
        %dma_wait3A_99 = tpu.memref_slice %arg5[%multiple_of3A_73] : memref<1638400xf32, #tpu.memory_space<hbm>> -> memref<1024xf32, #tpu.memory_space<hbm>>
        %dma_wait3A_100 = tpu.memref_slice %arg5[%multiple_of3A_73] : memref<1638400xf32, #tpu.memory_space<hbm>> -> memref<1024xf32, #tpu.memory_space<hbm>>
        tpu.wait_dma2 semaphore(%run_scoped3A : memref<!tpu.dma_semaphore, #tpu.memory_space<semaphore_mem>>) src(%dma_wait3A_100 : memref<1024xf32, #tpu.memory_space<hbm>>) dst(%arg9 : memref<1024xf32, #tpu.memory_space<vmem>>)
        tpu.yield
      }) : () -> ()
      %dma_start3A = arith.constant 0 : i32
      %dma_start3A_78 = arith.constant 0 : i32
      %dma_start3A_79 = tpu.memref_slice %arg2[%dma_start3A, %dma_start3A_78] : memref<100000x16xf32, #tpu.memory_space<hbm>> -> memref<100000x16xf32, #tpu.memory_space<hbm>>
      tpu.enqueue_indirect_dma source(%dma_start3A_79 : memref<100000x16xf32, #tpu.memory_space<hbm>>) target(%arg10 : memref<1024x16xf32, #tpu.memory_space<vmem>>) offsets(%arg7 : memref<1024xi32, #tpu.memory_space<vmem>>) semaphore(%arg12 : memref<!tpu.dma_semaphore, #tpu.memory_space<semaphore_mem>>)
      %dma_wait3A = arith.constant 0 : i32
      %dma_wait3A_80 = arith.constant 0 : i32
      %dma_wait3A_81 = tpu.memref_slice %arg2[%dma_wait3A, %dma_wait3A_80] : memref<100000x16xf32, #tpu.memory_space<hbm>> -> memref<100000x16xf32, #tpu.memory_space<hbm>>
      tpu.wait_indirect_dma semaphore(%arg12 : memref<!tpu.dma_semaphore, #tpu.memory_space<semaphore_mem>>) src(%dma_wait3A_81 : memref<100000x16xf32, #tpu.memory_space<hbm>>) dst(%arg10 : memref<1024x16xf32, #tpu.memory_space<vmem>>)
      %scan3A_82 = arith.constant 0 : i32
      %scan3A_83 = arith.constant 0 : i32
      %scan3A_84 = arith.constant 64 : i32
      %scan3A_85 = arith.addi %scan3A_83, %scan3A_84 : i32
      %scan3A_86 = arith.constant 1 : i32
      %scan3A_87 = scf.for %scan3A_97 = %scan3A_83 to %scan3A_85 step %scan3A_86 iter_args(%scan3A_98 = %scan3A_82) -> (i32)  : i32 {
        %mul3A_99 = arith.constant 16 : i32
        %mul3A_100 = arith.muli %scan3A_97, %mul3A_99 : i32
        %get3A = arith.index_cast %mul3A_100 : i32 to index
        %get3A_101 = tpu.vector_load %arg9[%get3A] {strides = array<i32>} : memref<1024xf32, #tpu.memory_space<vmem>>, vector<16xf32>,
        %get3A_102 = vector.shape_cast %get3A_101 : vector<16xf32> to vector<16xf32>
        %mul3A_103 = arith.constant 16 : i32
        %mul3A_104 = arith.muli %scan3A_97, %mul3A_103 : i32
        %add3A_105 = arith.constant 0 : i32
        %add3A_106 = arith.addi %mul3A_104, %add3A_105 : i32
        %get3A_107 = arith.index_cast %add3A_106 : i32 to index
        %get3A_108 = arith.constant 0 : index
        %get3A_109 = tpu.vector_load %arg10[%get3A_107, %get3A_108] {strides = array<i32>} : memref<1024x16xf32, #tpu.memory_space<vmem>>, vector<1x16xf32>,
        %get3A_110 = vector.shape_cast %get3A_109 : vector<1x16xf32> to vector<16xf32>
        %slice3A = vector.extract_strided_slice %get3A_102 {offsets = [0], sizes = [1], strides = [1]} : vector<16xf32> to vector<1xf32>
        %squeeze3A = vector.extract %slice3A[0] : f32 from vector<1xf32>
        %mul3A_111 = vector.broadcast %squeeze3A : f32 to vector<16xf32>
        %mul3A_112 = arith.mulf %get3A_110, %mul3A_111 : vector<16xf32>
        %add3A_113 = arith.constant 0 : i32
        %add3A_114 = arith.addi %mul3A_104, %add3A_113 : i32
        %swap3A = arith.index_cast %add3A_114 : i32 to index
        %swap3A_115 = arith.constant 0 : index
        %swap3A_116 = tpu.vector_load %arg10[%swap3A, %swap3A_115] {strides = array<i32>} : memref<1024x16xf32, #tpu.memory_space<vmem>>, vector<1x16xf32>,
        %swap3A_117 = vector.shape_cast %swap3A_116 : vector<1x16xf32> to vector<16xf32>
        %swap3A_118 = vector.shape_cast %mul3A_112 : vector<16xf32> to vector<1x16xf32>
        tpu.vector_store %arg10[%swap3A, %swap3A_115], %swap3A_118 {strides = array<i32>} : memref<1024x16xf32, #tpu.memory_space<vmem>>, vector<1x16xf32>,
        %add3A_119 = arith.constant 1 : i32
        %add3A_120 = arith.addi %mul3A_104, %add3A_119 : i32
        %get3A_121 = arith.index_cast %add3A_120 : i32 to index
        %get3A_122 = arith.constant 0 : index
        %get3A_123 = tpu.vector_load %arg10[%get3A_121, %get3A_122] {strides = array<i32>} : memref<1024x16xf32, #tpu.memory_space<vmem>>, vector<1x16xf32>,
        %get3A_124 = vector.shape_cast %get3A_123 : vector<1x16xf32> to vector<16xf32>
        %slice3A_125 = vector.extract_strided_slice %get3A_102 {offsets = [1], sizes = [1], strides = [1]} : vector<16xf32> to vector<1xf32>
        %squeeze3A_126 = vector.extract %slice3A_125[0] : f32 from vector<1xf32>
        %mul3A_127 = vector.broadcast %squeeze3A_126 : f32 to vector<16xf32>
        %mul3A_128 = arith.mulf %get3A_124, %mul3A_127 : vector<16xf32>
        %add3A_129 = arith.constant 1 : i32
        %add3A_130 = arith.addi %mul3A_104, %add3A_129 : i32
        %swap3A_131 = arith.index_cast %add3A_130 : i32 to index
        %swap3A_132 = arith.constant 0 : index
        %swap3A_133 = tpu.vector_load %arg10[%swap3A_131, %swap3A_132] {strides = array<i32>} : memref<1024x16xf32, #tpu.memory_space<vmem>>, vector<1x16xf32>,
        %swap3A_134 = vector.shape_cast %swap3A_133 : vector<1x16xf32> to vector<16xf32>
        %swap3A_135 = vector.shape_cast %mul3A_128 : vector<16xf32> to vector<1x16xf32>
        tpu.vector_store %arg10[%swap3A_131, %swap3A_132], %swap3A_135 {strides = array<i32>} : memref<1024x16xf32, #tpu.memory_space<vmem>>, vector<1x16xf32>,
        %add3A_136 = arith.constant 2 : i32
        %add3A_137 = arith.addi %mul3A_104, %add3A_136 : i32
        %get3A_138 = arith.index_cast %add3A_137 : i32 to index
        %get3A_139 = arith.constant 0 : index
        %get3A_140 = tpu.vector_load %arg10[%get3A_138, %get3A_139] {strides = array<i32>} : memref<1024x16xf32, #tpu.memory_space<vmem>>, vector<1x16xf32>,
        %get3A_141 = vector.shape_cast %get3A_140 : vector<1x16xf32> to vector<16xf32>
        %slice3A_142 = vector.extract_strided_slice %get3A_102 {offsets = [2], sizes = [1], strides = [1]} : vector<16xf32> to vector<1xf32>
        %squeeze3A_143 = vector.extract %slice3A_142[0] : f32 from vector<1xf32>
        %mul3A_144 = vector.broadcast %squeeze3A_143 : f32 to vector<16xf32>
        %mul3A_145 = arith.mulf %get3A_141, %mul3A_144 : vector<16xf32>
        %add3A_146 = arith.constant 2 : i32
        %add3A_147 = arith.addi %mul3A_104, %add3A_146 : i32
        %swap3A_148 = arith.index_cast %add3A_147 : i32 to index
        %swap3A_149 = arith.constant 0 : index
        %swap3A_150 = tpu.vector_load %arg10[%swap3A_148, %swap3A_149] {strides = array<i32>} : memref<1024x16xf32, #tpu.memory_space<vmem>>, vector<1x16xf32>,
        %swap3A_151 = vector.shape_cast %swap3A_150 : vector<1x16xf32> to vector<16xf32>
        %swap3A_152 = vector.shape_cast %mul3A_145 : vector<16xf32> to vector<1x16xf32>
        tpu.vector_store %arg10[%swap3A_148, %swap3A_149], %swap3A_152 {strides = array<i32>} : memref<1024x16xf32, #tpu.memory_space<vmem>>, vector<1x16xf32>,
        %add3A_153 = arith.constant 3 : i32
        %add3A_154 = arith.addi %mul3A_104, %add3A_153 : i32
        %get3A_155 = arith.index_cast %add3A_154 : i32 to index
        %get3A_156 = arith.constant 0 : index
        %get3A_157 = tpu.vector_load %arg10[%get3A_155, %get3A_156] {strides = array<i32>} : memref<1024x16xf32, #tpu.memory_space<vmem>>, vector<1x16xf32>,
        %get3A_158 = vector.shape_cast %get3A_157 : vector<1x16xf32> to vector<16xf32>
        %slice3A_159 = vector.extract_strided_slice %get3A_102 {offsets = [3], sizes = [1], strides = [1]} : vector<16xf32> to vector<1xf32>
        %squeeze3A_160 = vector.extract %slice3A_159[0] : f32 from vector<1xf32>
        %mul3A_161 = vector.broadcast %squeeze3A_160 : f32 to vector<16xf32>
        %mul3A_162 = arith.mulf %get3A_158, %mul3A_161 : vector<16xf32>
        %add3A_163 = arith.constant 3 : i32
        %add3A_164 = arith.addi %mul3A_104, %add3A_163 : i32
        %swap3A_165 = arith.index_cast %add3A_164 : i32 to index
        %swap3A_166 = arith.constant 0 : index
        %swap3A_167 = tpu.vector_load %arg10[%swap3A_165, %swap3A_166] {strides = array<i32>} : memref<1024x16xf32, #tpu.memory_space<vmem>>, vector<1x16xf32>,
        %swap3A_168 = vector.shape_cast %swap3A_167 : vector<1x16xf32> to vector<16xf32>
        %swap3A_169 = vector.shape_cast %mul3A_162 : vector<16xf32> to vector<1x16xf32>
        tpu.vector_store %arg10[%swap3A_165, %swap3A_166], %swap3A_169 {strides = array<i32>} : memref<1024x16xf32, #tpu.memory_space<vmem>>, vector<1x16xf32>,
        %add3A_170 = arith.constant 4 : i32
        %add3A_171 = arith.addi %mul3A_104, %add3A_170 : i32
        %get3A_172 = arith.index_cast %add3A_171 : i32 to index
        %get3A_173 = arith.constant 0 : index
        %get3A_174 = tpu.vector_load %arg10[%get3A_172, %get3A_173] {strides = array<i32>} : memref<1024x16xf32, #tpu.memory_space<vmem>>, vector<1x16xf32>,
        %get3A_175 = vector.shape_cast %get3A_174 : vector<1x16xf32> to vector<16xf32>
        %slice3A_176 = vector.extract_strided_slice %get3A_102 {offsets = [4], sizes = [1], strides = [1]} : vector<16xf32> to vector<1xf32>
        %squeeze3A_177 = vector.extract %slice3A_176[0] : f32 from vector<1xf32>
        %mul3A_178 = vector.broadcast %squeeze3A_177 : f32 to vector<16xf32>
        %mul3A_179 = arith.mulf %get3A_175, %mul3A_178 : vector<16xf32>
        %add3A_180 = arith.constant 4 : i32
        %add3A_181 = arith.addi %mul3A_104, %add3A_180 : i32
        %swap3A_182 = arith.index_cast %add3A_181 : i32 to index
        %swap3A_183 = arith.constant 0 : index
        %swap3A_184 = tpu.vector_load %arg10[%swap3A_182, %swap3A_183] {strides = array<i32>} : memref<1024x16xf32, #tpu.memory_space<vmem>>, vector<1x16xf32>,
        %swap3A_185 = vector.shape_cast %swap3A_184 : vector<1x16xf32> to vector<16xf32>
        %swap3A_186 = vector.shape_cast %mul3A_179 : vector<16xf32> to vector<1x16xf32>
        tpu.vector_store %arg10[%swap3A_182, %swap3A_183], %swap3A_186 {strides = array<i32>} : memref<1024x16xf32, #tpu.memory_space<vmem>>, vector<1x16xf32>,
        %add3A_187 = arith.constant 5 : i32
        %add3A_188 = arith.addi %mul3A_104, %add3A_187 : i32
        %get3A_189 = arith.index_cast %add3A_188 : i32 to index
        %get3A_190 = arith.constant 0 : index
        %get3A_191 = tpu.vector_load %arg10[%get3A_189, %get3A_190] {strides = array<i32>} : memref<1024x16xf32, #tpu.memory_space<vmem>>, vector<1x16xf32>,
        %get3A_192 = vector.shape_cast %get3A_191 : vector<1x16xf32> to vector<16xf32>
        %slice3A_193 = vector.extract_strided_slice %get3A_102 {offsets = [5], sizes = [1], strides = [1]} : vector<16xf32> to vector<1xf32>
        %squeeze3A_194 = vector.extract %slice3A_193[0] : f32 from vector<1xf32>
        %mul3A_195 = vector.broadcast %squeeze3A_194 : f32 to vector<16xf32>
        %mul3A_196 = arith.mulf %get3A_192, %mul3A_195 : vector<16xf32>
        %add3A_197 = arith.constant 5 : i32
        %add3A_198 = arith.addi %mul3A_104, %add3A_197 : i32
        %swap3A_199 = arith.index_cast %add3A_198 : i32 to index
        %swap3A_200 = arith.constant 0 : index
        %swap3A_201 = tpu.vector_load %arg10[%swap3A_199, %swap3A_200] {strides = array<i32>} : memref<1024x16xf32, #tpu.memory_space<vmem>>, vector<1x16xf32>,
        %swap3A_202 = vector.shape_cast %swap3A_201 : vector<1x16xf32> to vector<16xf32>
        %swap3A_203 = vector.shape_cast %mul3A_196 : vector<16xf32> to vector<1x16xf32>
        tpu.vector_store %arg10[%swap3A_199, %swap3A_200], %swap3A_203 {strides = array<i32>} : memref<1024x16xf32, #tpu.memory_space<vmem>>, vector<1x16xf32>,
        %add3A_204 = arith.constant 6 : i32
        %add3A_205 = arith.addi %mul3A_104, %add3A_204 : i32
        %get3A_206 = arith.index_cast %add3A_205 : i32 to index
        %get3A_207 = arith.constant 0 : index
        %get3A_208 = tpu.vector_load %arg10[%get3A_206, %get3A_207] {strides = array<i32>} : memref<1024x16xf32, #tpu.memory_space<vmem>>, vector<1x16xf32>,
        %get3A_209 = vector.shape_cast %get3A_208 : vector<1x16xf32> to vector<16xf32>
        %slice3A_210 = vector.extract_strided_slice %get3A_102 {offsets = [6], sizes = [1], strides = [1]} : vector<16xf32> to vector<1xf32>
        %squeeze3A_211 = vector.extract %slice3A_210[0] : f32 from vector<1xf32>
        %mul3A_212 = vector.broadcast %squeeze3A_211 : f32 to vector<16xf32>
        %mul3A_213 = arith.mulf %get3A_209, %mul3A_212 : vector<16xf32>
        %add3A_214 = arith.constant 6 : i32
        %add3A_215 = arith.addi %mul3A_104, %add3A_214 : i32
        %swap3A_216 = arith.index_cast %add3A_215 : i32 to index
        %swap3A_217 = arith.constant 0 : index
        %swap3A_218 = tpu.vector_load %arg10[%swap3A_216, %swap3A_217] {strides = array<i32>} : memref<1024x16xf32, #tpu.memory_space<vmem>>, vector<1x16xf32>,
        %swap3A_219 = vector.shape_cast %swap3A_218 : vector<1x16xf32> to vector<16xf32>
        %swap3A_220 = vector.shape_cast %mul3A_213 : vector<16xf32> to vector<1x16xf32>
        tpu.vector_store %arg10[%swap3A_216, %swap3A_217], %swap3A_220 {strides = array<i32>} : memref<1024x16xf32, #tpu.memory_space<vmem>>, vector<1x16xf32>,
        %add3A_221 = arith.constant 7 : i32
        %add3A_222 = arith.addi %mul3A_104, %add3A_221 : i32
        %get3A_223 = arith.index_cast %add3A_222 : i32 to index
        %get3A_224 = arith.constant 0 : index
        %get3A_225 = tpu.vector_load %arg10[%get3A_223, %get3A_224] {strides = array<i32>} : memref<1024x16xf32, #tpu.memory_space<vmem>>, vector<1x16xf32>,
        %get3A_226 = vector.shape_cast %get3A_225 : vector<1x16xf32> to vector<16xf32>
        %slice3A_227 = vector.extract_strided_slice %get3A_102 {offsets = [7], sizes = [1], strides = [1]} : vector<16xf32> to vector<1xf32>
        %squeeze3A_228 = vector.extract %slice3A_227[0] : f32 from vector<1xf32>
        %mul3A_229 = vector.broadcast %squeeze3A_228 : f32 to vector<16xf32>
        %mul3A_230 = arith.mulf %get3A_226, %mul3A_229 : vector<16xf32>
        %add3A_231 = arith.constant 7 : i32
        %add3A_232 = arith.addi %mul3A_104, %add3A_231 : i32
        %swap3A_233 = arith.index_cast %add3A_232 : i32 to index
        %swap3A_234 = arith.constant 0 : index
        %swap3A_235 = tpu.vector_load %arg10[%swap3A_233, %swap3A_234] {strides = array<i32>} : memref<1024x16xf32, #tpu.memory_space<vmem>>, vector<1x16xf32>,
        %swap3A_236 = vector.shape_cast %swap3A_235 : vector<1x16xf32> to vector<16xf32>
        %swap3A_237 = vector.shape_cast %mul3A_230 : vector<16xf32> to vector<1x16xf32>
        tpu.vector_store %arg10[%swap3A_233, %swap3A_234], %swap3A_237 {strides = array<i32>} : memref<1024x16xf32, #tpu.memory_space<vmem>>, vector<1x16xf32>,
        %add3A_238 = arith.constant 8 : i32
        %add3A_239 = arith.addi %mul3A_104, %add3A_238 : i32
        %get3A_240 = arith.index_cast %add3A_239 : i32 to index
        %get3A_241 = arith.constant 0 : index
        %get3A_242 = tpu.vector_load %arg10[%get3A_240, %get3A_241] {strides = array<i32>} : memref<1024x16xf32, #tpu.memory_space<vmem>>, vector<1x16xf32>,
        %get3A_243 = vector.shape_cast %get3A_242 : vector<1x16xf32> to vector<16xf32>
        %slice3A_244 = vector.extract_strided_slice %get3A_102 {offsets = [8], sizes = [1], strides = [1]} : vector<16xf32> to vector<1xf32>
        %squeeze3A_245 = vector.extract %slice3A_244[0] : f32 from vector<1xf32>
        %mul3A_246 = vector.broadcast %squeeze3A_245 : f32 to vector<16xf32>
        %mul3A_247 = arith.mulf %get3A_243, %mul3A_246 : vector<16xf32>
        %add3A_248 = arith.constant 8 : i32
        %add3A_249 = arith.addi %mul3A_104, %add3A_248 : i32
        %swap3A_250 = arith.index_cast %add3A_249 : i32 to index
        %swap3A_251 = arith.constant 0 : index
        %swap3A_252 = tpu.vector_load %arg10[%swap3A_250, %swap3A_251] {strides = array<i32>} : memref<1024x16xf32, #tpu.memory_space<vmem>>, vector<1x16xf32>,
        %swap3A_253 = vector.shape_cast %swap3A_252 : vector<1x16xf32> to vector<16xf32>
        %swap3A_254 = vector.shape_cast %mul3A_247 : vector<16xf32> to vector<1x16xf32>
        tpu.vector_store %arg10[%swap3A_250, %swap3A_251], %swap3A_254 {strides = array<i32>} : memref<1024x16xf32, #tpu.memory_space<vmem>>, vector<1x16xf32>,
        %add3A_255 = arith.constant 9 : i32
        %add3A_256 = arith.addi %mul3A_104, %add3A_255 : i32
        %get3A_257 = arith.index_cast %add3A_256 : i32 to index
        %get3A_258 = arith.constant 0 : index
        %get3A_259 = tpu.vector_load %arg10[%get3A_257, %get3A_258] {strides = array<i32>} : memref<1024x16xf32, #tpu.memory_space<vmem>>, vector<1x16xf32>,
        %get3A_260 = vector.shape_cast %get3A_259 : vector<1x16xf32> to vector<16xf32>
        %slice3A_261 = vector.extract_strided_slice %get3A_102 {offsets = [9], sizes = [1], strides = [1]} : vector<16xf32> to vector<1xf32>
        %squeeze3A_262 = vector.extract %slice3A_261[0] : f32 from vector<1xf32>
        %mul3A_263 = vector.broadcast %squeeze3A_262 : f32 to vector<16xf32>
        %mul3A_264 = arith.mulf %get3A_260, %mul3A_263 : vector<16xf32>
        %add3A_265 = arith.constant 9 : i32
        %add3A_266 = arith.addi %mul3A_104, %add3A_265 : i32
        %swap3A_267 = arith.index_cast %add3A_266 : i32 to index
        %swap3A_268 = arith.constant 0 : index
        %swap3A_269 = tpu.vector_load %arg10[%swap3A_267, %swap3A_268] {strides = array<i32>} : memref<1024x16xf32, #tpu.memory_space<vmem>>, vector<1x16xf32>,
        %swap3A_270 = vector.shape_cast %swap3A_269 : vector<1x16xf32> to vector<16xf32>
        %swap3A_271 = vector.shape_cast %mul3A_264 : vector<16xf32> to vector<1x16xf32>
        tpu.vector_store %arg10[%swap3A_267, %swap3A_268], %swap3A_271 {strides = array<i32>} : memref<1024x16xf32, #tpu.memory_space<vmem>>, vector<1x16xf32>,
        %add3A_272 = arith.constant 10 : i32
        %add3A_273 = arith.addi %mul3A_104, %add3A_272 : i32
        %get3A_274 = arith.index_cast %add3A_273 : i32 to index
        %get3A_275 = arith.constant 0 : index
        %get3A_276 = tpu.vector_load %arg10[%get3A_274, %get3A_275] {strides = array<i32>} : memref<1024x16xf32, #tpu.memory_space<vmem>>, vector<1x16xf32>,
        %get3A_277 = vector.shape_cast %get3A_276 : vector<1x16xf32> to vector<16xf32>
        %slice3A_278 = vector.extract_strided_slice %get3A_102 {offsets = [10], sizes = [1], strides = [1]} : vector<16xf32> to vector<1xf32>
        %squeeze3A_279 = vector.extract %slice3A_278[0] : f32 from vector<1xf32>
        %mul3A_280 = vector.broadcast %squeeze3A_279 : f32 to vector<16xf32>
        %mul3A_281 = arith.mulf %get3A_277, %mul3A_280 : vector<16xf32>
        %add3A_282 = arith.constant 10 : i32
        %add3A_283 = arith.addi %mul3A_104, %add3A_282 : i32
        %swap3A_284 = arith.index_cast %add3A_283 : i32 to index
        %swap3A_285 = arith.constant 0 : index
        %swap3A_286 = tpu.vector_load %arg10[%swap3A_284, %swap3A_285] {strides = array<i32>} : memref<1024x16xf32, #tpu.memory_space<vmem>>, vector<1x16xf32>,
        %swap3A_287 = vector.shape_cast %swap3A_286 : vector<1x16xf32> to vector<16xf32>
        %swap3A_288 = vector.shape_cast %mul3A_281 : vector<16xf32> to vector<1x16xf32>
        tpu.vector_store %arg10[%swap3A_284, %swap3A_285], %swap3A_288 {strides = array<i32>} : memref<1024x16xf32, #tpu.memory_space<vmem>>, vector<1x16xf32>,
        %add3A_289 = arith.constant 11 : i32
        %add3A_290 = arith.addi %mul3A_104, %add3A_289 : i32
        %get3A_291 = arith.index_cast %add3A_290 : i32 to index
        %get3A_292 = arith.constant 0 : index
        %get3A_293 = tpu.vector_load %arg10[%get3A_291, %get3A_292] {strides = array<i32>} : memref<1024x16xf32, #tpu.memory_space<vmem>>, vector<1x16xf32>,
        %get3A_294 = vector.shape_cast %get3A_293 : vector<1x16xf32> to vector<16xf32>
        %slice3A_295 = vector.extract_strided_slice %get3A_102 {offsets = [11], sizes = [1], strides = [1]} : vector<16xf32> to vector<1xf32>
        %squeeze3A_296 = vector.extract %slice3A_295[0] : f32 from vector<1xf32>
        %mul3A_297 = vector.broadcast %squeeze3A_296 : f32 to vector<16xf32>
        %mul3A_298 = arith.mulf %get3A_294, %mul3A_297 : vector<16xf32>
        %add3A_299 = arith.constant 11 : i32
        %add3A_300 = arith.addi %mul3A_104, %add3A_299 : i32
        %swap3A_301 = arith.index_cast %add3A_300 : i32 to index
        %swap3A_302 = arith.constant 0 : index
        %swap3A_303 = tpu.vector_load %arg10[%swap3A_301, %swap3A_302] {strides = array<i32>} : memref<1024x16xf32, #tpu.memory_space<vmem>>, vector<1x16xf32>,
        %swap3A_304 = vector.shape_cast %swap3A_303 : vector<1x16xf32> to vector<16xf32>
        %swap3A_305 = vector.shape_cast %mul3A_298 : vector<16xf32> to vector<1x16xf32>
        tpu.vector_store %arg10[%swap3A_301, %swap3A_302], %swap3A_305 {strides = array<i32>} : memref<1024x16xf32, #tpu.memory_space<vmem>>, vector<1x16xf32>,
        %add3A_306 = arith.constant 12 : i32
        %add3A_307 = arith.addi %mul3A_104, %add3A_306 : i32
        %get3A_308 = arith.index_cast %add3A_307 : i32 to index
        %get3A_309 = arith.constant 0 : index
        %get3A_310 = tpu.vector_load %arg10[%get3A_308, %get3A_309] {strides = array<i32>} : memref<1024x16xf32, #tpu.memory_space<vmem>>, vector<1x16xf32>,
        %get3A_311 = vector.shape_cast %get3A_310 : vector<1x16xf32> to vector<16xf32>
        %slice3A_312 = vector.extract_strided_slice %get3A_102 {offsets = [12], sizes = [1], strides = [1]} : vector<16xf32> to vector<1xf32>
        %squeeze3A_313 = vector.extract %slice3A_312[0] : f32 from vector<1xf32>
        %mul3A_314 = vector.broadcast %squeeze3A_313 : f32 to vector<16xf32>
        %mul3A_315 = arith.mulf %get3A_311, %mul3A_314 : vector<16xf32>
        %add3A_316 = arith.constant 12 : i32
        %add3A_317 = arith.addi %mul3A_104, %add3A_316 : i32
        %swap3A_318 = arith.index_cast %add3A_317 : i32 to index
        %swap3A_319 = arith.constant 0 : index
        %swap3A_320 = tpu.vector_load %arg10[%swap3A_318, %swap3A_319] {strides = array<i32>} : memref<1024x16xf32, #tpu.memory_space<vmem>>, vector<1x16xf32>,
        %swap3A_321 = vector.shape_cast %swap3A_320 : vector<1x16xf32> to vector<16xf32>
        %swap3A_322 = vector.shape_cast %mul3A_315 : vector<16xf32> to vector<1x16xf32>
        tpu.vector_store %arg10[%swap3A_318, %swap3A_319], %swap3A_322 {strides = array<i32>} : memref<1024x16xf32, #tpu.memory_space<vmem>>, vector<1x16xf32>,
        %add3A_323 = arith.constant 13 : i32
        %add3A_324 = arith.addi %mul3A_104, %add3A_323 : i32
        %get3A_325 = arith.index_cast %add3A_324 : i32 to index
        %get3A_326 = arith.constant 0 : index
        %get3A_327 = tpu.vector_load %arg10[%get3A_325, %get3A_326] {strides = array<i32>} : memref<1024x16xf32, #tpu.memory_space<vmem>>, vector<1x16xf32>,
        %get3A_328 = vector.shape_cast %get3A_327 : vector<1x16xf32> to vector<16xf32>
        %slice3A_329 = vector.extract_strided_slice %get3A_102 {offsets = [13], sizes = [1], strides = [1]} : vector<16xf32> to vector<1xf32>
        %squeeze3A_330 = vector.extract %slice3A_329[0] : f32 from vector<1xf32>
        %mul3A_331 = vector.broadcast %squeeze3A_330 : f32 to vector<16xf32>
        %mul3A_332 = arith.mulf %get3A_328, %mul3A_331 : vector<16xf32>
        %add3A_333 = arith.constant 13 : i32
        %add3A_334 = arith.addi %mul3A_104, %add3A_333 : i32
        %swap3A_335 = arith.index_cast %add3A_334 : i32 to index
        %swap3A_336 = arith.constant 0 : index
        %swap3A_337 = tpu.vector_load %arg10[%swap3A_335, %swap3A_336] {strides = array<i32>} : memref<1024x16xf32, #tpu.memory_space<vmem>>, vector<1x16xf32>,
        %swap3A_338 = vector.shape_cast %swap3A_337 : vector<1x16xf32> to vector<16xf32>
        %swap3A_339 = vector.shape_cast %mul3A_332 : vector<16xf32> to vector<1x16xf32>
        tpu.vector_store %arg10[%swap3A_335, %swap3A_336], %swap3A_339 {strides = array<i32>} : memref<1024x16xf32, #tpu.memory_space<vmem>>, vector<1x16xf32>,
        %add3A_340 = arith.constant 14 : i32
        %add3A_341 = arith.addi %mul3A_104, %add3A_340 : i32
        %get3A_342 = arith.index_cast %add3A_341 : i32 to index
        %get3A_343 = arith.constant 0 : index
        %get3A_344 = tpu.vector_load %arg10[%get3A_342, %get3A_343] {strides = array<i32>} : memref<1024x16xf32, #tpu.memory_space<vmem>>, vector<1x16xf32>,
        %get3A_345 = vector.shape_cast %get3A_344 : vector<1x16xf32> to vector<16xf32>
        %slice3A_346 = vector.extract_strided_slice %get3A_102 {offsets = [14], sizes = [1], strides = [1]} : vector<16xf32> to vector<1xf32>
        %squeeze3A_347 = vector.extract %slice3A_346[0] : f32 from vector<1xf32>
        %mul3A_348 = vector.broadcast %squeeze3A_347 : f32 to vector<16xf32>
        %mul3A_349 = arith.mulf %get3A_345, %mul3A_348 : vector<16xf32>
        %add3A_350 = arith.constant 14 : i32
        %add3A_351 = arith.addi %mul3A_104, %add3A_350 : i32
        %swap3A_352 = arith.index_cast %add3A_351 : i32 to index
        %swap3A_353 = arith.constant 0 : index
        %swap3A_354 = tpu.vector_load %arg10[%swap3A_352, %swap3A_353] {strides = array<i32>} : memref<1024x16xf32, #tpu.memory_space<vmem>>, vector<1x16xf32>,
        %swap3A_355 = vector.shape_cast %swap3A_354 : vector<1x16xf32> to vector<16xf32>
        %swap3A_356 = vector.shape_cast %mul3A_349 : vector<16xf32> to vector<1x16xf32>
        tpu.vector_store %arg10[%swap3A_352, %swap3A_353], %swap3A_356 {strides = array<i32>} : memref<1024x16xf32, #tpu.memory_space<vmem>>, vector<1x16xf32>,
        %add3A_357 = arith.constant 15 : i32
        %add3A_358 = arith.addi %mul3A_104, %add3A_357 : i32
        %get3A_359 = arith.index_cast %add3A_358 : i32 to index
        %get3A_360 = arith.constant 0 : index
        %get3A_361 = tpu.vector_load %arg10[%get3A_359, %get3A_360] {strides = array<i32>} : memref<1024x16xf32, #tpu.memory_space<vmem>>, vector<1x16xf32>,
        %get3A_362 = vector.shape_cast %get3A_361 : vector<1x16xf32> to vector<16xf32>
        %slice3A_363 = vector.extract_strided_slice %get3A_102 {offsets = [15], sizes = [1], strides = [1]} : vector<16xf32> to vector<1xf32>
        %squeeze3A_364 = vector.extract %slice3A_363[0] : f32 from vector<1xf32>
        %mul3A_365 = vector.broadcast %squeeze3A_364 : f32 to vector<16xf32>
        %mul3A_366 = arith.mulf %get3A_362, %mul3A_365 : vector<16xf32>
        %add3A_367 = arith.constant 15 : i32
        %add3A_368 = arith.addi %mul3A_104, %add3A_367 : i32
        %swap3A_369 = arith.index_cast %add3A_368 : i32 to index
        %swap3A_370 = arith.constant 0 : index
        %swap3A_371 = tpu.vector_load %arg10[%swap3A_369, %swap3A_370] {strides = array<i32>} : memref<1024x16xf32, #tpu.memory_space<vmem>>, vector<1x16xf32>,
        %swap3A_372 = vector.shape_cast %swap3A_371 : vector<1x16xf32> to vector<16xf32>
        %swap3A_373 = vector.shape_cast %mul3A_366 : vector<16xf32> to vector<1x16xf32>
        tpu.vector_store %arg10[%swap3A_369, %swap3A_370], %swap3A_373 {strides = array<i32>} : memref<1024x16xf32, #tpu.memory_space<vmem>>, vector<1x16xf32>,
        %scan3A_374 = arith.constant 0 : i32
        scf.yield %scan3A_374 : i32
      }
      %scan3A_88 = arith.constant 64 : i32
      %scan3A_89 = arith.constant 0 : i32
      %scan3A_90 = arith.constant 0 : i32
      %scan3A_91 = arith.constant 8 : i32
      %scan3A_92 = arith.addi %scan3A_90, %scan3A_91 : i32
      %scan3A_93 = arith.constant 1 : i32
      %scan3A_94 = scf.for %scan3A_97 = %scan3A_90 to %scan3A_92 step %scan3A_93 iter_args(%scan3A_98 = %scan3A_89) -> (i32)  : i32 {
        %mul3A_99 = arith.constant 128 : i32
        %mul3A_100 = arith.muli %scan3A_97, %mul3A_99 : i32
        "tpu.region"() ({
          %run_scoped3A = tpu.sem_alloc : memref<!tpu.dma_semaphore, #tpu.memory_space<semaphore_mem>>
          %dma_start3A_102 = arith.constant 0 : i32
          %dma_start3A_103 = tpu.memref_slice %arg10[%mul3A_100, %dma_start3A_102] : memref<1024x16xf32, #tpu.memory_space<vmem>> -> memref<128x16xf32, #tpu.memory_space<vmem>>
          %dma_start3A_104 = arith.constant 0 : i32
          %dma_start3A_105 = tpu.memref_slice %arg8[%scan3A_97, %dma_start3A_104] : memref<8x128xi32, #tpu.memory_space<vmem>> -> memref<1x128xi32, #tpu.memory_space<vmem>>
          %dma_start3A_106 = tpu.memref_squeeze %dma_start3A_105 : memref<1x128xi32, #tpu.memory_space<vmem>> -> memref<128xi32, #tpu.memory_space<vmem>>
          %dma_start3A_107 = arith.constant 0 : i32
          %dma_start3A_108 = arith.constant 0 : i32
          %dma_start3A_109 = tpu.memref_slice %arg11[%dma_start3A_107, %dma_start3A_108] : memref<100000x16xf32, #tpu.memory_space<vmem_shared>> -> memref<100000x16xf32, #tpu.memory_space<vmem_shared>>
          tpu.enqueue_indirect_dma source(%dma_start3A_103 : memref<128x16xf32, #tpu.memory_space<vmem>>) target(%dma_start3A_109 : memref<100000x16xf32, #tpu.memory_space<vmem_shared>>) offsets(%dma_start3A_106 : memref<128xi32, #tpu.memory_space<vmem>>) semaphore(%run_scoped3A : memref<!tpu.dma_semaphore, #tpu.memory_space<semaphore_mem>>) {add = true}
          %dma_wait3A_110 = arith.constant 0 : i32
          %dma_wait3A_111 = tpu.memref_slice %arg10[%mul3A_100, %dma_wait3A_110] : memref<1024x16xf32, #tpu.memory_space<vmem>> -> memref<128x16xf32, #tpu.memory_space<vmem>>
          %dma_wait3A_112 = arith.constant 0 : i32
          %dma_wait3A_113 = tpu.memref_slice %arg8[%scan3A_97, %dma_wait3A_112] : memref<8x128xi32, #tpu.memory_space<vmem>> -> memref<1x128xi32, #tpu.memory_space<vmem>>
          %dma_wait3A_114 = tpu.memref_squeeze %dma_wait3A_113 : memref<1x128xi32, #tpu.memory_space<vmem>> -> memref<128xi32, #tpu.memory_space<vmem>>
          %dma_wait3A_115 = arith.constant 0 : i32
          %dma_wait3A_116 = arith.constant 0 : i32
          %dma_wait3A_117 = tpu.memref_slice %arg11[%dma_wait3A_115, %dma_wait3A_116] : memref<100000x16xf32, #tpu.memory_space<vmem_shared>> -> memref<100000x16xf32, #tpu.memory_space<vmem_shared>>
          tpu.wait_indirect_dma semaphore(%run_scoped3A : memref<!tpu.dma_semaphore, #tpu.memory_space<semaphore_mem>>) src(%dma_wait3A_111 : memref<128x16xf32, #tpu.memory_space<vmem>>) dst(%dma_wait3A_117 : memref<100000x16xf32, #tpu.memory_space<vmem_shared>>)
          tpu.yield
        }) : () -> ()
        %scan3A_101 = arith.constant 0 : i32
        scf.yield %scan3A_101 : i32
      }
      %scan3A_95 = arith.constant 8 : i32
      %scan3A_96 = arith.constant 0 : i32
      scf.yield %scan3A_96 : i32
    }
    %scan3A_45 = arith.constant 50 : i32
    %barrier3A_46 = arith.constant 0 : index
    tpu.barrier barrier_id(%barrier3A_46)
    %add3A_47 = arith.constant 0 : i32
    %add3A_48 = arith.addi %multiple_of3A, %add3A_47 : i32
    %add3A_49 = arith.constant 0 : i32
    %add3A_50 = arith.addi %multiple_of3A, %add3A_49 : i32
    "tpu.region"() ({
      %run_scoped3A = tpu.sem_alloc : memref<!tpu.dma_semaphore, #tpu.memory_space<semaphore_mem>>
      %dma_start3A = arith.constant 0 : i32
      %dma_start3A_68 = tpu.memref_slice %arg6[%arg0, %add3A_50, %dma_start3A] : memref<2x100000x16xf32, #tpu.memory_space<hbm>> -> memref<1x1024x16xf32, #tpu.memory_space<hbm>>
      %dma_start3A_69 = tpu.memref_squeeze %dma_start3A_68 : memref<1x1024x16xf32, #tpu.memory_space<hbm>> -> memref<1024x16xf32, #tpu.memory_space<hbm>>
      %dma_start3A_70 = arith.constant 0 : i32
      %dma_start3A_71 = tpu.memref_slice %arg11[%add3A_48, %dma_start3A_70] : memref<100000x16xf32, #tpu.memory_space<vmem_shared>> -> memref<1024x16xf32, #tpu.memory_space<vmem_shared>>
      tpu.enqueue_dma source(%dma_start3A_71 : memref<1024x16xf32, #tpu.memory_space<vmem_shared>>) target(%dma_start3A_69 : memref<1024x16xf32, #tpu.memory_space<hbm>>) target_semaphore(%run_scoped3A : memref<!tpu.dma_semaphore, #tpu.memory_space<semaphore_mem>>)
      %dma_wait3A = arith.constant 0 : i32
      %dma_wait3A_72 = tpu.memref_slice %arg6[%arg0, %add3A_50, %dma_wait3A] : memref<2x100000x16xf32, #tpu.memory_space<hbm>> -> memref<1x1024x16xf32, #tpu.memory_space<hbm>>
      %dma_wait3A_73 = tpu.memref_squeeze %dma_wait3A_72 : memref<1x1024x16xf32, #tpu.memory_space<hbm>> -> memref<1024x16xf32, #tpu.memory_space<hbm>>
      %dma_wait3A_74 = arith.constant 0 : i32
      %dma_wait3A_75 = tpu.memref_slice %arg11[%add3A_48, %dma_wait3A_74] : memref<100000x16xf32, #tpu.memory_space<vmem_shared>> -> memref<1024x16xf32, #tpu.memory_space<vmem_shared>>
      tpu.wait_dma2 semaphore(%run_scoped3A : memref<!tpu.dma_semaphore, #tpu.memory_space<semaphore_mem>>) src(%dma_wait3A_75 : memref<1024x16xf32, #tpu.memory_space<vmem_shared>>) dst(%dma_wait3A_73 : memref<1024x16xf32, #tpu.memory_space<hbm>>)
      tpu.yield
    }) : () -> ()
    %add3A_51 = arith.constant 1024 : i32
    %add3A_52 = arith.addi %multiple_of3A, %add3A_51 : i32
    %add3A_53 = arith.constant 1024 : i32
    %add3A_54 = arith.addi %multiple_of3A, %add3A_53 : i32
    "tpu.region"() ({
      %run_scoped3A = tpu.sem_alloc : memref<!tpu.dma_semaphore, #tpu.memory_space<semaphore_mem>>
      %dma_start3A = arith.constant 0 : i32
      %dma_start3A_68 = tpu.memref_slice %arg6[%arg0, %add3A_54, %dma_start3A] : memref<2x100000x16xf32, #tpu.memory_space<hbm>> -> memref<1x1024x16xf32, #tpu.memory_space<hbm>>
      %dma_start3A_69 = tpu.memref_squeeze %dma_start3A_68 : memref<1x1024x16xf32, #tpu.memory_space<hbm>> -> memref<1024x16xf32, #tpu.memory_space<hbm>>
      %dma_start3A_70 = arith.constant 0 : i32
      %dma_start3A_71 = tpu.memref_slice %arg11[%add3A_52, %dma_start3A_70] : memref<100000x16xf32, #tpu.memory_space<vmem_shared>> -> memref<1024x16xf32, #tpu.memory_space<vmem_shared>>
      tpu.enqueue_dma source(%dma_start3A_71 : memref<1024x16xf32, #tpu.memory_space<vmem_shared>>) target(%dma_start3A_69 : memref<1024x16xf32, #tpu.memory_space<hbm>>) target_semaphore(%run_scoped3A : memref<!tpu.dma_semaphore, #tpu.memory_space<semaphore_mem>>)
      %dma_wait3A = arith.constant 0 : i32
      %dma_wait3A_72 = tpu.memref_slice %arg6[%arg0, %add3A_54, %dma_wait3A] : memref<2x100000x16xf32, #tpu.memory_space<hbm>> -> memref<1x1024x16xf32, #tpu.memory_space<hbm>>
      %dma_wait3A_73 = tpu.memref_squeeze %dma_wait3A_72 : memref<1x1024x16xf32, #tpu.memory_space<hbm>> -> memref<1024x16xf32, #tpu.memory_space<hbm>>
      %dma_wait3A_74 = arith.constant 0 : i32
      %dma_wait3A_75 = tpu.memref_slice %arg11[%add3A_52, %dma_wait3A_74] : memref<100000x16xf32, #tpu.memory_space<vmem_shared>> -> memref<1024x16xf32, #tpu.memory_space<vmem_shared>>
      tpu.wait_dma2 semaphore(%run_scoped3A : memref<!tpu.dma_semaphore, #tpu.memory_space<semaphore_mem>>) src(%dma_wait3A_75 : memref<1024x16xf32, #tpu.memory_space<vmem_shared>>) dst(%dma_wait3A_73 : memref<1024x16xf32, #tpu.memory_space<hbm>>)
      tpu.yield
    }) : () -> ()
    %add3A_55 = arith.constant 2048 : i32
    %add3A_56 = arith.addi %multiple_of3A, %add3A_55 : i32
    %add3A_57 = arith.constant 2048 : i32
    %add3A_58 = arith.addi %multiple_of3A, %add3A_57 : i32
    "tpu.region"() ({
      %run_scoped3A = tpu.sem_alloc : memref<!tpu.dma_semaphore, #tpu.memory_space<semaphore_mem>>
      %dma_start3A = arith.constant 0 : i32
      %dma_start3A_68 = tpu.memref_slice %arg6[%arg0, %add3A_58, %dma_start3A] : memref<2x100000x16xf32, #tpu.memory_space<hbm>> -> memref<1x1024x16xf32, #tpu.memory_space<hbm>>
      %dma_start3A_69 = tpu.memref_squeeze %dma_start3A_68 : memref<1x1024x16xf32, #tpu.memory_space<hbm>> -> memref<1024x16xf32, #tpu.memory_space<hbm>>
      %dma_start3A_70 = arith.constant 0 : i32
      %dma_start3A_71 = tpu.memref_slice %arg11[%add3A_56, %dma_start3A_70] : memref<100000x16xf32, #tpu.memory_space<vmem_shared>> -> memref<1024x16xf32, #tpu.memory_space<vmem_shared>>
      tpu.enqueue_dma source(%dma_start3A_71 : memref<1024x16xf32, #tpu.memory_space<vmem_shared>>) target(%dma_start3A_69 : memref<1024x16xf32, #tpu.memory_space<hbm>>) target_semaphore(%run_scoped3A : memref<!tpu.dma_semaphore, #tpu.memory_space<semaphore_mem>>)
      %dma_wait3A = arith.constant 0 : i32
      %dma_wait3A_72 = tpu.memref_slice %arg6[%arg0, %add3A_58, %dma_wait3A] : memref<2x100000x16xf32, #tpu.memory_space<hbm>> -> memref<1x1024x16xf32, #tpu.memory_space<hbm>>
      %dma_wait3A_73 = tpu.memref_squeeze %dma_wait3A_72 : memref<1x1024x16xf32, #tpu.memory_space<hbm>> -> memref<1024x16xf32, #tpu.memory_space<hbm>>
      %dma_wait3A_74 = arith.constant 0 : i32
      %dma_wait3A_75 = tpu.memref_slice %arg11[%add3A_56, %dma_wait3A_74] : memref<100000x16xf32, #tpu.memory_space<vmem_shared>> -> memref<1024x16xf32, #tpu.memory_space<vmem_shared>>
      tpu.wait_dma2 semaphore(%run_scoped3A : memref<!tpu.dma_semaphore, #tpu.memory_space<semaphore_mem>>) src(%dma_wait3A_75 : memref<1024x16xf32, #tpu.memory_space<vmem_shared>>) dst(%dma_wait3A_73 : memref<1024x16xf32, #tpu.memory_space<hbm>>)
      tpu.yield
    }) : () -> ()
    %add3A_59 = arith.constant 3072 : i32
    %add3A_60 = arith.addi %multiple_of3A, %add3A_59 : i32
    %add3A_61 = arith.constant 3072 : i32
    %add3A_62 = arith.addi %multiple_of3A, %add3A_61 : i32
    "tpu.region"() ({
      %run_scoped3A = tpu.sem_alloc : memref<!tpu.dma_semaphore, #tpu.memory_space<semaphore_mem>>
      %dma_start3A = arith.constant 0 : i32
      %dma_start3A_68 = tpu.memref_slice %arg6[%arg0, %add3A_62, %dma_start3A] : memref<2x100000x16xf32, #tpu.memory_space<hbm>> -> memref<1x3176x16xf32, #tpu.memory_space<hbm>>
      %dma_start3A_69 = tpu.memref_squeeze %dma_start3A_68 : memref<1x3176x16xf32, #tpu.memory_space<hbm>> -> memref<3176x16xf32, #tpu.memory_space<hbm>>
      %dma_start3A_70 = arith.constant 0 : i32
      %dma_start3A_71 = tpu.memref_slice %arg11[%add3A_60, %dma_start3A_70] : memref<100000x16xf32, #tpu.memory_space<vmem_shared>> -> memref<3176x16xf32, #tpu.memory_space<vmem_shared>>
      tpu.enqueue_dma source(%dma_start3A_71 : memref<3176x16xf32, #tpu.memory_space<vmem_shared>>) target(%dma_start3A_69 : memref<3176x16xf32, #tpu.memory_space<hbm>>) target_semaphore(%run_scoped3A : memref<!tpu.dma_semaphore, #tpu.memory_space<semaphore_mem>>)
      %dma_wait3A = arith.constant 0 : i32
      %dma_wait3A_72 = tpu.memref_slice %arg6[%arg0, %add3A_62, %dma_wait3A] : memref<2x100000x16xf32, #tpu.memory_space<hbm>> -> memref<1x3176x16xf32, #tpu.memory_space<hbm>>
      %dma_wait3A_73 = tpu.memref_squeeze %dma_wait3A_72 : memref<1x3176x16xf32, #tpu.memory_space<hbm>> -> memref<3176x16xf32, #tpu.memory_space<hbm>>
      %dma_wait3A_74 = arith.constant 0 : i32
      %dma_wait3A_75 = tpu.memref_slice %arg11[%add3A_60, %dma_wait3A_74] : memref<100000x16xf32, #tpu.memory_space<vmem_shared>> -> memref<3176x16xf32, #tpu.memory_space<vmem_shared>>
      tpu.wait_dma2 semaphore(%run_scoped3A : memref<!tpu.dma_semaphore, #tpu.memory_space<semaphore_mem>>) src(%dma_wait3A_75 : memref<3176x16xf32, #tpu.memory_space<vmem_shared>>) dst(%dma_wait3A_73 : memref<3176x16xf32, #tpu.memory_space<hbm>>)
      tpu.yield
    }) : () -> ()
    %eq3A_63 = arith.constant 15 : i32
    %eq3A_64 = arith.cmpi eq, %arg1, %eq3A_63 : i32
    %convert_element_type3A_65 = arith.extui %eq3A_64 : i1 to i32
    %cond3A_66 = arith.constant 0 : i32
    %cond3A_67 = arith.cmpi ne, %convert_element_type3A_65, %cond3A_66 : i32
    scf.if %cond3A_67 {
      "tpu.region"() ({
        %run_scoped3A = tpu.sem_alloc : memref<!tpu.dma_semaphore, #tpu.memory_space<semaphore_mem>>
        %dma_start3A = arith.constant 99968 : i32
        %dma_start3A_68 = arith.constant 0 : i32
        %dma_start3A_69 = tpu.memref_slice %arg6[%arg0, %dma_start3A, %dma_start3A_68] : memref<2x100000x16xf32, #tpu.memory_space<hbm>> -> memref<1x32x16xf32, #tpu.memory_space<hbm>>
        %dma_start3A_70 = tpu.memref_squeeze %dma_start3A_69 : memref<1x32x16xf32, #tpu.memory_space<hbm>> -> memref<32x16xf32, #tpu.memory_space<hbm>>
        %dma_start3A_71 = arith.constant 99968 : i32
        %dma_start3A_72 = arith.constant 0 : i32
        %dma_start3A_73 = tpu.memref_slice %arg11[%dma_start3A_71, %dma_start3A_72] : memref<100000x16xf32, #tpu.memory_space<vmem_shared>> -> memref<32x16xf32, #tpu.memory_space<vmem_shared>>
        tpu.enqueue_dma source(%dma_start3A_73 : memref<32x16xf32, #tpu.memory_space<vmem_shared>>) target(%dma_start3A_70 : memref<32x16xf32, #tpu.memory_space<hbm>>) target_semaphore(%run_scoped3A : memref<!tpu.dma_semaphore, #tpu.memory_space<semaphore_mem>>)
        %dma_wait3A = arith.constant 99968 : i32
        %dma_wait3A_74 = arith.constant 0 : i32
        %dma_wait3A_75 = tpu.memref_slice %arg6[%arg0, %dma_wait3A, %dma_wait3A_74] : memref<2x100000x16xf32, #tpu.memory_space<hbm>> -> memref<1x32x16xf32, #tpu.memory_space<hbm>>
        %dma_wait3A_76 = tpu.memref_squeeze %dma_wait3A_75 : memref<1x32x16xf32, #tpu.memory_space<hbm>> -> memref<32x16xf32, #tpu.memory_space<hbm>>
        %dma_wait3A_77 = arith.constant 99968 : i32
        %dma_wait3A_78 = arith.constant 0 : i32
        %dma_wait3A_79 = tpu.memref_slice %arg11[%dma_wait3A_77, %dma_wait3A_78] : memref<100000x16xf32, #tpu.memory_space<vmem_shared>> -> memref<32x16xf32, #tpu.memory_space<vmem_shared>>
        tpu.wait_dma2 semaphore(%run_scoped3A : memref<!tpu.dma_semaphore, #tpu.memory_space<semaphore_mem>>) src(%dma_wait3A_79 : memref<32x16xf32, #tpu.memory_space<vmem_shared>>) dst(%dma_wait3A_76 : memref<32x16xf32, #tpu.memory_space<hbm>>)
        tpu.yield
      }) : () -> ()
    } else {
    }
    return
  }
}

#map = affine_map<(d0, d1) -> (0, 0)>
#map1 = affine_map<(d0, d1) -> (0)>
#map2 = affine_map<(d0, d1) -> (0, 0, 0)>
module attributes {stable_mosaic.version = 14 : i64} {
  func.func @agg(%arg0: i32, %arg1: i32, %arg2: memref<200000x16xf32, #tpu.memory_space<hbm>>, %arg3: memref<1638400xi32, #tpu.memory_space<hbm>>, %arg4: memref<12800x128xi32, #tpu.memory_space<hbm>>, %arg5: memref<1638400xf32, #tpu.memory_space<hbm>>, %arg6: memref<2x100000x16xf32, #tpu.memory_space<hbm>>, %arg7: memref<1024xi32, #tpu.memory_space<vmem>>, %arg8: memref<8x128xi32, #tpu.memory_space<vmem>>, %arg9: memref<1024xf32, #tpu.memory_space<vmem>>, %arg10: memref<1024x16xf32, #tpu.memory_space<vmem>>, %arg11: memref<100000x16xf32, #tpu.memory_space<vmem_shared>>, %arg12: memref<!tpu.dma_semaphore, #tpu.memory_space<semaphore_mem>>) attributes {dimension_semantics = [#tpu.dimension_semantics<core_parallel>, #tpu.dimension_semantics<subcore_parallel>], iteration_bounds = array<i64: 2, 16>, scalar_prefetch = 0 : i64, scratch_operands = 6 : i64, tpu.core_type = #tpu.core_type<sc_vector_subcore>, window_params = [{transform_indices = #map}, {transform_indices = #map1}, {transform_indices = #map}, {transform_indices = #map1}, {transform_indices = #map2}]} {
    %scan3A = arith.constant 0 : i32
    %scan3A_0 = arith.constant 0 : i32
    %scan3A_1 = arith.constant 1024 : i32
    %scan3A_2 = arith.addi %scan3A_0, %scan3A_1 : i32
    %scan3A_3 = arith.constant 8 : i32
    %scan3A_4 = scf.for %scan3A_65 = %scan3A_0 to %scan3A_2 step %scan3A_3 iter_args(%scan3A_66 = %scan3A) -> (i32)  : i32 {
      %broadcast_in_dim3A = arith.constant 0.000000e+00 : f32
      %broadcast_in_dim3A_67 = vector.broadcast %broadcast_in_dim3A : f32 to vector<16xf32>
      %swap3A = arith.index_cast %scan3A_65 : i32 to index
      %swap3A_68 = arith.constant 0 : index
      %swap3A_69 = tpu.vector_load %arg10[%swap3A, %swap3A_68] {strides = array<i32>} : memref<1024x16xf32, #tpu.memory_space<vmem>>, vector<1x16xf32>,
      %swap3A_70 = vector.shape_cast %swap3A_69 : vector<1x16xf32> to vector<16xf32>
      %swap3A_71 = vector.shape_cast %broadcast_in_dim3A_67 : vector<16xf32> to vector<1x16xf32>
      tpu.vector_store %arg10[%swap3A, %swap3A_68], %swap3A_71 {strides = array<i32>} : memref<1024x16xf32, #tpu.memory_space<vmem>>, vector<1x16xf32>,
      %scan3A_72 = arith.constant 0 : i32
      %scan3A_73 = arith.constant 1 : i32
      %scan3A_74 = arith.addi %scan3A_65, %scan3A_73 : i32
      %broadcast_in_dim3A_75 = arith.constant 0.000000e+00 : f32
      %broadcast_in_dim3A_76 = vector.broadcast %broadcast_in_dim3A_75 : f32 to vector<16xf32>
      %swap3A_77 = arith.index_cast %scan3A_74 : i32 to index
      %swap3A_78 = arith.constant 0 : index
      %swap3A_79 = tpu.vector_load %arg10[%swap3A_77, %swap3A_78] {strides = array<i32>} : memref<1024x16xf32, #tpu.memory_space<vmem>>, vector<1x16xf32>,
      %swap3A_80 = vector.shape_cast %swap3A_79 : vector<1x16xf32> to vector<16xf32>
      %swap3A_81 = vector.shape_cast %broadcast_in_dim3A_76 : vector<16xf32> to vector<1x16xf32>
      tpu.vector_store %arg10[%swap3A_77, %swap3A_78], %swap3A_81 {strides = array<i32>} : memref<1024x16xf32, #tpu.memory_space<vmem>>, vector<1x16xf32>,
      %scan3A_82 = arith.constant 0 : i32
      %scan3A_83 = arith.constant 2 : i32
      %scan3A_84 = arith.addi %scan3A_65, %scan3A_83 : i32
      %broadcast_in_dim3A_85 = arith.constant 0.000000e+00 : f32
      %broadcast_in_dim3A_86 = vector.broadcast %broadcast_in_dim3A_85 : f32 to vector<16xf32>
      %swap3A_87 = arith.index_cast %scan3A_84 : i32 to index
      %swap3A_88 = arith.constant 0 : index
      %swap3A_89 = tpu.vector_load %arg10[%swap3A_87, %swap3A_88] {strides = array<i32>} : memref<1024x16xf32, #tpu.memory_space<vmem>>, vector<1x16xf32>,
      %swap3A_90 = vector.shape_cast %swap3A_89 : vector<1x16xf32> to vector<16xf32>
      %swap3A_91 = vector.shape_cast %broadcast_in_dim3A_86 : vector<16xf32> to vector<1x16xf32>
      tpu.vector_store %arg10[%swap3A_87, %swap3A_88], %swap3A_91 {strides = array<i32>} : memref<1024x16xf32, #tpu.memory_space<vmem>>, vector<1x16xf32>,
      %scan3A_92 = arith.constant 0 : i32
      %scan3A_93 = arith.constant 3 : i32
      %scan3A_94 = arith.addi %scan3A_65, %scan3A_93 : i32
      %broadcast_in_dim3A_95 = arith.constant 0.000000e+00 : f32
      %broadcast_in_dim3A_96 = vector.broadcast %broadcast_in_dim3A_95 : f32 to vector<16xf32>
      %swap3A_97 = arith.index_cast %scan3A_94 : i32 to index
      %swap3A_98 = arith.constant 0 : index
      %swap3A_99 = tpu.vector_load %arg10[%swap3A_97, %swap3A_98] {strides = array<i32>} : memref<1024x16xf32, #tpu.memory_space<vmem>>, vector<1x16xf32>,
      %swap3A_100 = vector.shape_cast %swap3A_99 : vector<1x16xf32> to vector<16xf32>
      %swap3A_101 = vector.shape_cast %broadcast_in_dim3A_96 : vector<16xf32> to vector<1x16xf32>
      tpu.vector_store %arg10[%swap3A_97, %swap3A_98], %swap3A_101 {strides = array<i32>} : memref<1024x16xf32, #tpu.memory_space<vmem>>, vector<1x16xf32>,
      %scan3A_102 = arith.constant 0 : i32
      %scan3A_103 = arith.constant 4 : i32
      %scan3A_104 = arith.addi %scan3A_65, %scan3A_103 : i32
      %broadcast_in_dim3A_105 = arith.constant 0.000000e+00 : f32
      %broadcast_in_dim3A_106 = vector.broadcast %broadcast_in_dim3A_105 : f32 to vector<16xf32>
      %swap3A_107 = arith.index_cast %scan3A_104 : i32 to index
      %swap3A_108 = arith.constant 0 : index
      %swap3A_109 = tpu.vector_load %arg10[%swap3A_107, %swap3A_108] {strides = array<i32>} : memref<1024x16xf32, #tpu.memory_space<vmem>>, vector<1x16xf32>,
      %swap3A_110 = vector.shape_cast %swap3A_109 : vector<1x16xf32> to vector<16xf32>
      %swap3A_111 = vector.shape_cast %broadcast_in_dim3A_106 : vector<16xf32> to vector<1x16xf32>
      tpu.vector_store %arg10[%swap3A_107, %swap3A_108], %swap3A_111 {strides = array<i32>} : memref<1024x16xf32, #tpu.memory_space<vmem>>, vector<1x16xf32>,
      %scan3A_112 = arith.constant 0 : i32
      %scan3A_113 = arith.constant 5 : i32
      %scan3A_114 = arith.addi %scan3A_65, %scan3A_113 : i32
      %broadcast_in_dim3A_115 = arith.constant 0.000000e+00 : f32
      %broadcast_in_dim3A_116 = vector.broadcast %broadcast_in_dim3A_115 : f32 to vector<16xf32>
      %swap3A_117 = arith.index_cast %scan3A_114 : i32 to index
      %swap3A_118 = arith.constant 0 : index
      %swap3A_119 = tpu.vector_load %arg10[%swap3A_117, %swap3A_118] {strides = array<i32>} : memref<1024x16xf32, #tpu.memory_space<vmem>>, vector<1x16xf32>,
      %swap3A_120 = vector.shape_cast %swap3A_119 : vector<1x16xf32> to vector<16xf32>
      %swap3A_121 = vector.shape_cast %broadcast_in_dim3A_116 : vector<16xf32> to vector<1x16xf32>
      tpu.vector_store %arg10[%swap3A_117, %swap3A_118], %swap3A_121 {strides = array<i32>} : memref<1024x16xf32, #tpu.memory_space<vmem>>, vector<1x16xf32>,
      %scan3A_122 = arith.constant 0 : i32
      %scan3A_123 = arith.constant 6 : i32
      %scan3A_124 = arith.addi %scan3A_65, %scan3A_123 : i32
      %broadcast_in_dim3A_125 = arith.constant 0.000000e+00 : f32
      %broadcast_in_dim3A_126 = vector.broadcast %broadcast_in_dim3A_125 : f32 to vector<16xf32>
      %swap3A_127 = arith.index_cast %scan3A_124 : i32 to index
      %swap3A_128 = arith.constant 0 : index
      %swap3A_129 = tpu.vector_load %arg10[%swap3A_127, %swap3A_128] {strides = array<i32>} : memref<1024x16xf32, #tpu.memory_space<vmem>>, vector<1x16xf32>,
      %swap3A_130 = vector.shape_cast %swap3A_129 : vector<1x16xf32> to vector<16xf32>
      %swap3A_131 = vector.shape_cast %broadcast_in_dim3A_126 : vector<16xf32> to vector<1x16xf32>
      tpu.vector_store %arg10[%swap3A_127, %swap3A_128], %swap3A_131 {strides = array<i32>} : memref<1024x16xf32, #tpu.memory_space<vmem>>, vector<1x16xf32>,
      %scan3A_132 = arith.constant 0 : i32
      %scan3A_133 = arith.constant 7 : i32
      %scan3A_134 = arith.addi %scan3A_65, %scan3A_133 : i32
      %broadcast_in_dim3A_135 = arith.constant 0.000000e+00 : f32
      %broadcast_in_dim3A_136 = vector.broadcast %broadcast_in_dim3A_135 : f32 to vector<16xf32>
      %swap3A_137 = arith.index_cast %scan3A_134 : i32 to index
      %swap3A_138 = arith.constant 0 : index
      %swap3A_139 = tpu.vector_load %arg10[%swap3A_137, %swap3A_138] {strides = array<i32>} : memref<1024x16xf32, #tpu.memory_space<vmem>>, vector<1x16xf32>,
      %swap3A_140 = vector.shape_cast %swap3A_139 : vector<1x16xf32> to vector<16xf32>
      %swap3A_141 = vector.shape_cast %broadcast_in_dim3A_136 : vector<16xf32> to vector<1x16xf32>
      tpu.vector_store %arg10[%swap3A_137, %swap3A_138], %swap3A_141 {strides = array<i32>} : memref<1024x16xf32, #tpu.memory_space<vmem>>, vector<1x16xf32>,
      %scan3A_142 = arith.constant 0 : i32
      scf.yield %scan3A_142 : i32
    }
    %scan3A_5 = arith.constant 1024 : i32
    %mul3A = arith.constant 6248 : i32
    %mul3A_6 = arith.muli %arg1, %mul3A : i32
    %multiple_of3A = tpu.assume_multiple %mul3A_6, 8 : i32
    %add3A = arith.constant 0 : i32
    %add3A_7 = arith.addi %multiple_of3A, %add3A : i32
    "tpu.region"() ({
      %run_scoped3A = tpu.sem_alloc : memref<!tpu.dma_semaphore, #tpu.memory_space<semaphore_mem>>
      %dma_start3A = arith.constant 0 : i32
      %dma_start3A_65 = tpu.memref_slice %arg11[%add3A_7, %dma_start3A] : memref<100000x16xf32, #tpu.memory_space<vmem_shared>> -> memref<1024x16xf32, #tpu.memory_space<vmem_shared>>
      %dma_start3A_66 = arith.constant 0 : i32
      %dma_start3A_67 = tpu.memref_slice %arg11[%add3A_7, %dma_start3A_66] : memref<100000x16xf32, #tpu.memory_space<vmem_shared>> -> memref<1024x16xf32, #tpu.memory_space<vmem_shared>>
      tpu.enqueue_dma source(%arg10 : memref<1024x16xf32, #tpu.memory_space<vmem>>) target(%dma_start3A_67 : memref<1024x16xf32, #tpu.memory_space<vmem_shared>>) target_semaphore(%run_scoped3A : memref<!tpu.dma_semaphore, #tpu.memory_space<semaphore_mem>>)
      %dma_wait3A = arith.constant 0 : i32
      %dma_wait3A_68 = tpu.memref_slice %arg11[%add3A_7, %dma_wait3A] : memref<100000x16xf32, #tpu.memory_space<vmem_shared>> -> memref<1024x16xf32, #tpu.memory_space<vmem_shared>>
      %dma_wait3A_69 = arith.constant 0 : i32
      %dma_wait3A_70 = tpu.memref_slice %arg11[%add3A_7, %dma_wait3A_69] : memref<100000x16xf32, #tpu.memory_space<vmem_shared>> -> memref<1024x16xf32, #tpu.memory_space<vmem_shared>>
      tpu.wait_dma2 semaphore(%run_scoped3A : memref<!tpu.dma_semaphore, #tpu.memory_space<semaphore_mem>>) src(%arg10 : memref<1024x16xf32, #tpu.memory_space<vmem>>) dst(%dma_wait3A_70 : memref<1024x16xf32, #tpu.memory_space<vmem_shared>>)
      tpu.yield
    }) : () -> ()
    %add3A_8 = arith.constant 1024 : i32
    %add3A_9 = arith.addi %multiple_of3A, %add3A_8 : i32
    "tpu.region"() ({
      %run_scoped3A = tpu.sem_alloc : memref<!tpu.dma_semaphore, #tpu.memory_space<semaphore_mem>>
      %dma_start3A = arith.constant 0 : i32
      %dma_start3A_65 = tpu.memref_slice %arg11[%add3A_9, %dma_start3A] : memref<100000x16xf32, #tpu.memory_space<vmem_shared>> -> memref<1024x16xf32, #tpu.memory_space<vmem_shared>>
      %dma_start3A_66 = arith.constant 0 : i32
      %dma_start3A_67 = tpu.memref_slice %arg11[%add3A_9, %dma_start3A_66] : memref<100000x16xf32, #tpu.memory_space<vmem_shared>> -> memref<1024x16xf32, #tpu.memory_space<vmem_shared>>
      tpu.enqueue_dma source(%arg10 : memref<1024x16xf32, #tpu.memory_space<vmem>>) target(%dma_start3A_67 : memref<1024x16xf32, #tpu.memory_space<vmem_shared>>) target_semaphore(%run_scoped3A : memref<!tpu.dma_semaphore, #tpu.memory_space<semaphore_mem>>)
      %dma_wait3A = arith.constant 0 : i32
      %dma_wait3A_68 = tpu.memref_slice %arg11[%add3A_9, %dma_wait3A] : memref<100000x16xf32, #tpu.memory_space<vmem_shared>> -> memref<1024x16xf32, #tpu.memory_space<vmem_shared>>
      %dma_wait3A_69 = arith.constant 0 : i32
      %dma_wait3A_70 = tpu.memref_slice %arg11[%add3A_9, %dma_wait3A_69] : memref<100000x16xf32, #tpu.memory_space<vmem_shared>> -> memref<1024x16xf32, #tpu.memory_space<vmem_shared>>
      tpu.wait_dma2 semaphore(%run_scoped3A : memref<!tpu.dma_semaphore, #tpu.memory_space<semaphore_mem>>) src(%arg10 : memref<1024x16xf32, #tpu.memory_space<vmem>>) dst(%dma_wait3A_70 : memref<1024x16xf32, #tpu.memory_space<vmem_shared>>)
      tpu.yield
    }) : () -> ()
    %add3A_10 = arith.constant 2048 : i32
    %add3A_11 = arith.addi %multiple_of3A, %add3A_10 : i32
    "tpu.region"() ({
      %run_scoped3A = tpu.sem_alloc : memref<!tpu.dma_semaphore, #tpu.memory_space<semaphore_mem>>
      %dma_start3A = arith.constant 0 : i32
      %dma_start3A_65 = tpu.memref_slice %arg11[%add3A_11, %dma_start3A] : memref<100000x16xf32, #tpu.memory_space<vmem_shared>> -> memref<1024x16xf32, #tpu.memory_space<vmem_shared>>
      %dma_start3A_66 = arith.constant 0 : i32
      %dma_start3A_67 = tpu.memref_slice %arg11[%add3A_11, %dma_start3A_66] : memref<100000x16xf32, #tpu.memory_space<vmem_shared>> -> memref<1024x16xf32, #tpu.memory_space<vmem_shared>>
      tpu.enqueue_dma source(%arg10 : memref<1024x16xf32, #tpu.memory_space<vmem>>) target(%dma_start3A_67 : memref<1024x16xf32, #tpu.memory_space<vmem_shared>>) target_semaphore(%run_scoped3A : memref<!tpu.dma_semaphore, #tpu.memory_space<semaphore_mem>>)
      %dma_wait3A = arith.constant 0 : i32
      %dma_wait3A_68 = tpu.memref_slice %arg11[%add3A_11, %dma_wait3A] : memref<100000x16xf32, #tpu.memory_space<vmem_shared>> -> memref<1024x16xf32, #tpu.memory_space<vmem_shared>>
      %dma_wait3A_69 = arith.constant 0 : i32
      %dma_wait3A_70 = tpu.memref_slice %arg11[%add3A_11, %dma_wait3A_69] : memref<100000x16xf32, #tpu.memory_space<vmem_shared>> -> memref<1024x16xf32, #tpu.memory_space<vmem_shared>>
      tpu.wait_dma2 semaphore(%run_scoped3A : memref<!tpu.dma_semaphore, #tpu.memory_space<semaphore_mem>>) src(%arg10 : memref<1024x16xf32, #tpu.memory_space<vmem>>) dst(%dma_wait3A_70 : memref<1024x16xf32, #tpu.memory_space<vmem_shared>>)
      tpu.yield
    }) : () -> ()
    %add3A_12 = arith.constant 3072 : i32
    %add3A_13 = arith.addi %multiple_of3A, %add3A_12 : i32
    "tpu.region"() ({
      %run_scoped3A = tpu.sem_alloc : memref<!tpu.dma_semaphore, #tpu.memory_space<semaphore_mem>>
      %dma_start3A = arith.constant 0 : i32
      %dma_start3A_65 = arith.constant 0 : i32
      %dma_start3A_66 = tpu.memref_slice %arg10[%dma_start3A, %dma_start3A_65] : memref<1024x16xf32, #tpu.memory_space<vmem>> -> memref<3176x16xf32, #tpu.memory_space<vmem>>
      %dma_start3A_67 = arith.constant 0 : i32
      %dma_start3A_68 = tpu.memref_slice %arg11[%add3A_13, %dma_start3A_67] : memref<100000x16xf32, #tpu.memory_space<vmem_shared>> -> memref<3176x16xf32, #tpu.memory_space<vmem_shared>>
      %dma_start3A_69 = arith.constant 0 : i32
      %dma_start3A_70 = tpu.memref_slice %arg11[%add3A_13, %dma_start3A_69] : memref<100000x16xf32, #tpu.memory_space<vmem_shared>> -> memref<3176x16xf32, #tpu.memory_space<vmem_shared>>
      %dma_start3A_71 = arith.constant 0 : i32
      %dma_start3A_72 = arith.constant 0 : i32
      %dma_start3A_73 = tpu.memref_slice %arg10[%dma_start3A_71, %dma_start3A_72] : memref<1024x16xf32, #tpu.memory_space<vmem>> -> memref<3176x16xf32, #tpu.memory_space<vmem>>
      tpu.enqueue_dma source(%dma_start3A_73 : memref<3176x16xf32, #tpu.memory_space<vmem>>) target(%dma_start3A_70 : memref<3176x16xf32, #tpu.memory_space<vmem_shared>>) target_semaphore(%run_scoped3A : memref<!tpu.dma_semaphore, #tpu.memory_space<semaphore_mem>>)
      %dma_wait3A = arith.constant 0 : i32
      %dma_wait3A_74 = arith.constant 0 : i32
      %dma_wait3A_75 = tpu.memref_slice %arg10[%dma_wait3A, %dma_wait3A_74] : memref<1024x16xf32, #tpu.memory_space<vmem>> -> memref<3176x16xf32, #tpu.memory_space<vmem>>
      %dma_wait3A_76 = arith.constant 0 : i32
      %dma_wait3A_77 = tpu.memref_slice %arg11[%add3A_13, %dma_wait3A_76] : memref<100000x16xf32, #tpu.memory_space<vmem_shared>> -> memref<3176x16xf32, #tpu.memory_space<vmem_shared>>
      %dma_wait3A_78 = arith.constant 0 : i32
      %dma_wait3A_79 = tpu.memref_slice %arg11[%add3A_13, %dma_wait3A_78] : memref<100000x16xf32, #tpu.memory_space<vmem_shared>> -> memref<3176x16xf32, #tpu.memory_space<vmem_shared>>
      %dma_wait3A_80 = arith.constant 0 : i32
      %dma_wait3A_81 = arith.constant 0 : i32
      %dma_wait3A_82 = tpu.memref_slice %arg10[%dma_wait3A_80, %dma_wait3A_81] : memref<1024x16xf32, #tpu.memory_space<vmem>> -> memref<3176x16xf32, #tpu.memory_space<vmem>>
      tpu.wait_dma2 semaphore(%run_scoped3A : memref<!tpu.dma_semaphore, #tpu.memory_space<semaphore_mem>>) src(%dma_wait3A_82 : memref<3176x16xf32, #tpu.memory_space<vmem>>) dst(%dma_wait3A_79 : memref<3176x16xf32, #tpu.memory_space<vmem_shared>>)
      tpu.yield
    }) : () -> ()
    %eq3A = arith.constant 15 : i32
    %eq3A_14 = arith.cmpi eq, %arg1, %eq3A : i32
    %convert_element_type3A = arith.extui %eq3A_14 : i1 to i32
    %cond3A = arith.constant 0 : i32
    %cond3A_15 = arith.cmpi ne, %convert_element_type3A, %cond3A : i32
    scf.if %cond3A_15 {
      "tpu.region"() ({
        %run_scoped3A = tpu.sem_alloc : memref<!tpu.dma_semaphore, #tpu.memory_space<semaphore_mem>>
        %dma_start3A = arith.constant 0 : i32
        %dma_start3A_65 = arith.constant 0 : i32
        %dma_start3A_66 = tpu.memref_slice %arg10[%dma_start3A, %dma_start3A_65] : memref<1024x16xf32, #tpu.memory_space<vmem>> -> memref<32x16xf32, #tpu.memory_space<vmem>>
        %dma_start3A_67 = arith.constant 99968 : i32
        %dma_start3A_68 = arith.constant 0 : i32
        %dma_start3A_69 = tpu.memref_slice %arg11[%dma_start3A_67, %dma_start3A_68] : memref<100000x16xf32, #tpu.memory_space<vmem_shared>> -> memref<32x16xf32, #tpu.memory_space<vmem_shared>>
        %dma_start3A_70 = arith.constant 99968 : i32
        %dma_start3A_71 = arith.constant 0 : i32
        %dma_start3A_72 = tpu.memref_slice %arg11[%dma_start3A_70, %dma_start3A_71] : memref<100000x16xf32, #tpu.memory_space<vmem_shared>> -> memref<32x16xf32, #tpu.memory_space<vmem_shared>>
        %dma_start3A_73 = arith.constant 0 : i32
        %dma_start3A_74 = arith.constant 0 : i32
        %dma_start3A_75 = tpu.memref_slice %arg10[%dma_start3A_73, %dma_start3A_74] : memref<1024x16xf32, #tpu.memory_space<vmem>> -> memref<32x16xf32, #tpu.memory_space<vmem>>
        tpu.enqueue_dma source(%dma_start3A_75 : memref<32x16xf32, #tpu.memory_space<vmem>>) target(%dma_start3A_72 : memref<32x16xf32, #tpu.memory_space<vmem_shared>>) target_semaphore(%run_scoped3A : memref<!tpu.dma_semaphore, #tpu.memory_space<semaphore_mem>>)
        %dma_wait3A = arith.constant 0 : i32
        %dma_wait3A_76 = arith.constant 0 : i32
        %dma_wait3A_77 = tpu.memref_slice %arg10[%dma_wait3A, %dma_wait3A_76] : memref<1024x16xf32, #tpu.memory_space<vmem>> -> memref<32x16xf32, #tpu.memory_space<vmem>>
        %dma_wait3A_78 = arith.constant 99968 : i32
        %dma_wait3A_79 = arith.constant 0 : i32
        %dma_wait3A_80 = tpu.memref_slice %arg11[%dma_wait3A_78, %dma_wait3A_79] : memref<100000x16xf32, #tpu.memory_space<vmem_shared>> -> memref<32x16xf32, #tpu.memory_space<vmem_shared>>
        %dma_wait3A_81 = arith.constant 99968 : i32
        %dma_wait3A_82 = arith.constant 0 : i32
        %dma_wait3A_83 = tpu.memref_slice %arg11[%dma_wait3A_81, %dma_wait3A_82] : memref<100000x16xf32, #tpu.memory_space<vmem_shared>> -> memref<32x16xf32, #tpu.memory_space<vmem_shared>>
        %dma_wait3A_84 = arith.constant 0 : i32
        %dma_wait3A_85 = arith.constant 0 : i32
        %dma_wait3A_86 = tpu.memref_slice %arg10[%dma_wait3A_84, %dma_wait3A_85] : memref<1024x16xf32, #tpu.memory_space<vmem>> -> memref<32x16xf32, #tpu.memory_space<vmem>>
        tpu.wait_dma2 semaphore(%run_scoped3A : memref<!tpu.dma_semaphore, #tpu.memory_space<semaphore_mem>>) src(%dma_wait3A_86 : memref<32x16xf32, #tpu.memory_space<vmem>>) dst(%dma_wait3A_83 : memref<32x16xf32, #tpu.memory_space<vmem_shared>>)
        tpu.yield
      }) : () -> ()
    } else {
    }
    %barrier3A = arith.constant 0 : index
    tpu.barrier barrier_id(%barrier3A)
    %mul3A_16 = arith.constant 102400 : i32
    %mul3A_17 = arith.muli %arg1, %mul3A_16 : i32
    %jit3A = arith.constant 128 : i32
    %div3A = arith.divsi %mul3A_17, %jit3A : i32
    %sign3A = arith.constant 0 : i32
    %sign3A_18 = arith.cmpi sgt, %mul3A_17, %sign3A : i32
    %sign3A_19 = arith.extui %sign3A_18 : i1 to i32
    %sign3A_20 = arith.constant 0 : i32
    %sign3A_21 = arith.cmpi slt, %mul3A_17, %sign3A_20 : i32
    %sign3A_22 = arith.extui %sign3A_21 : i1 to i32
    %sign3A_23 = arith.subi %sign3A_19, %sign3A_22 : i32
    %sign3A_24 = arith.constant 0 : i32
    %sign3A_25 = arith.cmpi sgt, %jit3A, %sign3A_24 : i32
    %sign3A_26 = arith.extui %sign3A_25 : i1 to i32
    %sign3A_27 = arith.constant 0 : i32
    %sign3A_28 = arith.cmpi slt, %jit3A, %sign3A_27 : i32
    %sign3A_29 = arith.extui %sign3A_28 : i1 to i32
    %sign3A_30 = arith.subi %sign3A_26, %sign3A_29 : i32
    %ne3A = arith.cmpi ne, %sign3A_23, %sign3A_30 : i32
    %rem3A = arith.remsi %mul3A_17, %jit3A : i32
    %ne3A_31 = arith.constant 0 : i32
    %ne3A_32 = arith.cmpi ne, %rem3A, %ne3A_31 : i32
    %and3A = arith.andi %ne3A, %ne3A_32 : i1
    %sub3A = arith.constant 1 : i32
    %sub3A_33 = arith.subi %div3A, %sub3A : i32
    %select_n3A = arith.select %and3A, %sub3A_33, %div3A : i32
    %mul3A_34 = arith.constant 100000 : i32
    %mul3A_35 = arith.muli %arg0, %mul3A_34 : i32
    %scan3A_36 = arith.constant 0 : i32
    %scan3A_37 = arith.constant 0 : i32
    %scan3A_38 = arith.constant 100 : i32
    %scan3A_39 = arith.addi %scan3A_37, %scan3A_38 : i32
    %scan3A_40 = arith.constant 1 : i32
    %scan3A_41 = scf.for %scan3A_65 = %scan3A_37 to %scan3A_39 step %scan3A_40 iter_args(%scan3A_66 = %scan3A_36) -> (i32)  : i32 {
      %mul3A_67 = arith.constant 1024 : i32
      %mul3A_68 = arith.muli %scan3A_65, %mul3A_67 : i32
      %add3A_69 = arith.addi %mul3A_17, %mul3A_68 : i32
      %multiple_of3A_70 = tpu.assume_multiple %add3A_69, 1024 : i32
      %mul3A_71 = arith.constant 8 : i32
      %mul3A_72 = arith.muli %scan3A_65, %mul3A_71 : i32
      %add3A_73 = arith.addi %select_n3A, %mul3A_72 : i32
      %multiple_of3A_74 = tpu.assume_multiple %add3A_73, 8 : i32
      "tpu.region"() ({
        %run_scoped3A = tpu.sem_alloc : memref<!tpu.dma_semaphore, #tpu.memory_space<semaphore_mem>>
        %dma_start3A_101 = tpu.memref_slice %arg3[%multiple_of3A_70] : memref<1638400xi32, #tpu.memory_space<hbm>> -> memref<1024xi32, #tpu.memory_space<hbm>>
        %dma_start3A_102 = tpu.memref_slice %arg3[%multiple_of3A_70] : memref<1638400xi32, #tpu.memory_space<hbm>> -> memref<1024xi32, #tpu.memory_space<hbm>>
        tpu.enqueue_dma source(%dma_start3A_102 : memref<1024xi32, #tpu.memory_space<hbm>>) target(%arg7 : memref<1024xi32, #tpu.memory_space<vmem>>) target_semaphore(%run_scoped3A : memref<!tpu.dma_semaphore, #tpu.memory_space<semaphore_mem>>)
        %dma_wait3A_103 = tpu.memref_slice %arg3[%multiple_of3A_70] : memref<1638400xi32, #tpu.memory_space<hbm>> -> memref<1024xi32, #tpu.memory_space<hbm>>
        %dma_wait3A_104 = tpu.memref_slice %arg3[%multiple_of3A_70] : memref<1638400xi32, #tpu.memory_space<hbm>> -> memref<1024xi32, #tpu.memory_space<hbm>>
        tpu.wait_dma2 semaphore(%run_scoped3A : memref<!tpu.dma_semaphore, #tpu.memory_space<semaphore_mem>>) src(%dma_wait3A_104 : memref<1024xi32, #tpu.memory_space<hbm>>) dst(%arg7 : memref<1024xi32, #tpu.memory_space<vmem>>)
        tpu.yield
      }) : () -> ()
      "tpu.region"() ({
        %run_scoped3A = tpu.sem_alloc : memref<!tpu.dma_semaphore, #tpu.memory_space<semaphore_mem>>
        %dma_start3A_101 = arith.constant 0 : i32
        %dma_start3A_102 = tpu.memref_slice %arg4[%multiple_of3A_74, %dma_start3A_101] : memref<12800x128xi32, #tpu.memory_space<hbm>> -> memref<8x128xi32, #tpu.memory_space<hbm>>
        %dma_start3A_103 = arith.constant 0 : i32
        %dma_start3A_104 = tpu.memref_slice %arg4[%multiple_of3A_74, %dma_start3A_103] : memref<12800x128xi32, #tpu.memory_space<hbm>> -> memref<8x128xi32, #tpu.memory_space<hbm>>
        tpu.enqueue_dma source(%dma_start3A_104 : memref<8x128xi32, #tpu.memory_space<hbm>>) target(%arg8 : memref<8x128xi32, #tpu.memory_space<vmem>>) target_semaphore(%run_scoped3A : memref<!tpu.dma_semaphore, #tpu.memory_space<semaphore_mem>>)
        %dma_wait3A_105 = arith.constant 0 : i32
        %dma_wait3A_106 = tpu.memref_slice %arg4[%multiple_of3A_74, %dma_wait3A_105] : memref<12800x128xi32, #tpu.memory_space<hbm>> -> memref<8x128xi32, #tpu.memory_space<hbm>>
        %dma_wait3A_107 = arith.constant 0 : i32
        %dma_wait3A_108 = tpu.memref_slice %arg4[%multiple_of3A_74, %dma_wait3A_107] : memref<12800x128xi32, #tpu.memory_space<hbm>> -> memref<8x128xi32, #tpu.memory_space<hbm>>
        tpu.wait_dma2 semaphore(%run_scoped3A : memref<!tpu.dma_semaphore, #tpu.memory_space<semaphore_mem>>) src(%dma_wait3A_108 : memref<8x128xi32, #tpu.memory_space<hbm>>) dst(%arg8 : memref<8x128xi32, #tpu.memory_space<vmem>>)
        tpu.yield
      }) : () -> ()
      "tpu.region"() ({
        %run_scoped3A = tpu.sem_alloc : memref<!tpu.dma_semaphore, #tpu.memory_space<semaphore_mem>>
        %dma_start3A_101 = tpu.memref_slice %arg5[%multiple_of3A_70] : memref<1638400xf32, #tpu.memory_space<hbm>> -> memref<1024xf32, #tpu.memory_space<hbm>>
        %dma_start3A_102 = tpu.memref_slice %arg5[%multiple_of3A_70] : memref<1638400xf32, #tpu.memory_space<hbm>> -> memref<1024xf32, #tpu.memory_space<hbm>>
        tpu.enqueue_dma source(%dma_start3A_102 : memref<1024xf32, #tpu.memory_space<hbm>>) target(%arg9 : memref<1024xf32, #tpu.memory_space<vmem>>) target_semaphore(%run_scoped3A : memref<!tpu.dma_semaphore, #tpu.memory_space<semaphore_mem>>)
        %dma_wait3A_103 = tpu.memref_slice %arg5[%multiple_of3A_70] : memref<1638400xf32, #tpu.memory_space<hbm>> -> memref<1024xf32, #tpu.memory_space<hbm>>
        %dma_wait3A_104 = tpu.memref_slice %arg5[%multiple_of3A_70] : memref<1638400xf32, #tpu.memory_space<hbm>> -> memref<1024xf32, #tpu.memory_space<hbm>>
        tpu.wait_dma2 semaphore(%run_scoped3A : memref<!tpu.dma_semaphore, #tpu.memory_space<semaphore_mem>>) src(%dma_wait3A_104 : memref<1024xf32, #tpu.memory_space<hbm>>) dst(%arg9 : memref<1024xf32, #tpu.memory_space<vmem>>)
        tpu.yield
      }) : () -> ()
      %scan3A_75 = arith.constant 0 : i32
      %scan3A_76 = arith.constant 0 : i32
      %scan3A_77 = arith.constant 64 : i32
      %scan3A_78 = arith.addi %scan3A_76, %scan3A_77 : i32
      %scan3A_79 = arith.constant 8 : i32
      %scan3A_80 = scf.for %scan3A_101 = %scan3A_76 to %scan3A_78 step %scan3A_79 iter_args(%scan3A_102 = %scan3A_75) -> (i32)  : i32 {
        %mul3A_103 = arith.constant 16 : i32
        %mul3A_104 = arith.muli %scan3A_101, %mul3A_103 : i32
        %get3A = arith.index_cast %mul3A_104 : i32 to index
        %get3A_105 = tpu.vector_load %arg7[%get3A] {strides = array<i32>} : memref<1024xi32, #tpu.memory_space<vmem>>, vector<16xi32>,
        %get3A_106 = vector.shape_cast %get3A_105 : vector<16xi32> to vector<16xi32>
        %add3A_107 = vector.broadcast %mul3A_35 : i32 to vector<16xi32>
        %add3A_108 = arith.addi %get3A_106, %add3A_107 : vector<16xi32>
        %swap3A = arith.index_cast %mul3A_104 : i32 to index
        %swap3A_109 = tpu.vector_load %arg7[%swap3A] {strides = array<i32>} : memref<1024xi32, #tpu.memory_space<vmem>>, vector<16xi32>,
        %swap3A_110 = vector.shape_cast %swap3A_109 : vector<16xi32> to vector<16xi32>
        %swap3A_111 = vector.shape_cast %add3A_108 : vector<16xi32> to vector<16xi32>
        tpu.vector_store %arg7[%swap3A], %swap3A_111 {strides = array<i32>} : memref<1024xi32, #tpu.memory_space<vmem>>, vector<16xi32>,
        %scan3A_112 = arith.constant 0 : i32
        %scan3A_113 = arith.constant 1 : i32
        %scan3A_114 = arith.addi %scan3A_101, %scan3A_113 : i32
        %mul3A_115 = arith.constant 16 : i32
        %mul3A_116 = arith.muli %scan3A_114, %mul3A_115 : i32
        %get3A_117 = arith.index_cast %mul3A_116 : i32 to index
        %get3A_118 = tpu.vector_load %arg7[%get3A_117] {strides = array<i32>} : memref<1024xi32, #tpu.memory_space<vmem>>, vector<16xi32>,
        %get3A_119 = vector.shape_cast %get3A_118 : vector<16xi32> to vector<16xi32>
        %add3A_120 = vector.broadcast %mul3A_35 : i32 to vector<16xi32>
        %add3A_121 = arith.addi %get3A_119, %add3A_120 : vector<16xi32>
        %swap3A_122 = arith.index_cast %mul3A_116 : i32 to index
        %swap3A_123 = tpu.vector_load %arg7[%swap3A_122] {strides = array<i32>} : memref<1024xi32, #tpu.memory_space<vmem>>, vector<16xi32>,
        %swap3A_124 = vector.shape_cast %swap3A_123 : vector<16xi32> to vector<16xi32>
        %swap3A_125 = vector.shape_cast %add3A_121 : vector<16xi32> to vector<16xi32>
        tpu.vector_store %arg7[%swap3A_122], %swap3A_125 {strides = array<i32>} : memref<1024xi32, #tpu.memory_space<vmem>>, vector<16xi32>,
        %scan3A_126 = arith.constant 0 : i32
        %scan3A_127 = arith.constant 2 : i32
        %scan3A_128 = arith.addi %scan3A_101, %scan3A_127 : i32
        %mul3A_129 = arith.constant 16 : i32
        %mul3A_130 = arith.muli %scan3A_128, %mul3A_129 : i32
        %get3A_131 = arith.index_cast %mul3A_130 : i32 to index
        %get3A_132 = tpu.vector_load %arg7[%get3A_131] {strides = array<i32>} : memref<1024xi32, #tpu.memory_space<vmem>>, vector<16xi32>,
        %get3A_133 = vector.shape_cast %get3A_132 : vector<16xi32> to vector<16xi32>
        %add3A_134 = vector.broadcast %mul3A_35 : i32 to vector<16xi32>
        %add3A_135 = arith.addi %get3A_133, %add3A_134 : vector<16xi32>
        %swap3A_136 = arith.index_cast %mul3A_130 : i32 to index
        %swap3A_137 = tpu.vector_load %arg7[%swap3A_136] {strides = array<i32>} : memref<1024xi32, #tpu.memory_space<vmem>>, vector<16xi32>,
        %swap3A_138 = vector.shape_cast %swap3A_137 : vector<16xi32> to vector<16xi32>
        %swap3A_139 = vector.shape_cast %add3A_135 : vector<16xi32> to vector<16xi32>
        tpu.vector_store %arg7[%swap3A_136], %swap3A_139 {strides = array<i32>} : memref<1024xi32, #tpu.memory_space<vmem>>, vector<16xi32>,
        %scan3A_140 = arith.constant 0 : i32
        %scan3A_141 = arith.constant 3 : i32
        %scan3A_142 = arith.addi %scan3A_101, %scan3A_141 : i32
        %mul3A_143 = arith.constant 16 : i32
        %mul3A_144 = arith.muli %scan3A_142, %mul3A_143 : i32
        %get3A_145 = arith.index_cast %mul3A_144 : i32 to index
        %get3A_146 = tpu.vector_load %arg7[%get3A_145] {strides = array<i32>} : memref<1024xi32, #tpu.memory_space<vmem>>, vector<16xi32>,
        %get3A_147 = vector.shape_cast %get3A_146 : vector<16xi32> to vector<16xi32>
        %add3A_148 = vector.broadcast %mul3A_35 : i32 to vector<16xi32>
        %add3A_149 = arith.addi %get3A_147, %add3A_148 : vector<16xi32>
        %swap3A_150 = arith.index_cast %mul3A_144 : i32 to index
        %swap3A_151 = tpu.vector_load %arg7[%swap3A_150] {strides = array<i32>} : memref<1024xi32, #tpu.memory_space<vmem>>, vector<16xi32>,
        %swap3A_152 = vector.shape_cast %swap3A_151 : vector<16xi32> to vector<16xi32>
        %swap3A_153 = vector.shape_cast %add3A_149 : vector<16xi32> to vector<16xi32>
        tpu.vector_store %arg7[%swap3A_150], %swap3A_153 {strides = array<i32>} : memref<1024xi32, #tpu.memory_space<vmem>>, vector<16xi32>,
        %scan3A_154 = arith.constant 0 : i32
        %scan3A_155 = arith.constant 4 : i32
        %scan3A_156 = arith.addi %scan3A_101, %scan3A_155 : i32
        %mul3A_157 = arith.constant 16 : i32
        %mul3A_158 = arith.muli %scan3A_156, %mul3A_157 : i32
        %get3A_159 = arith.index_cast %mul3A_158 : i32 to index
        %get3A_160 = tpu.vector_load %arg7[%get3A_159] {strides = array<i32>} : memref<1024xi32, #tpu.memory_space<vmem>>, vector<16xi32>,
        %get3A_161 = vector.shape_cast %get3A_160 : vector<16xi32> to vector<16xi32>
        %add3A_162 = vector.broadcast %mul3A_35 : i32 to vector<16xi32>
        %add3A_163 = arith.addi %get3A_161, %add3A_162 : vector<16xi32>
        %swap3A_164 = arith.index_cast %mul3A_158 : i32 to index
        %swap3A_165 = tpu.vector_load %arg7[%swap3A_164] {strides = array<i32>} : memref<1024xi32, #tpu.memory_space<vmem>>, vector<16xi32>,
        %swap3A_166 = vector.shape_cast %swap3A_165 : vector<16xi32> to vector<16xi32>
        %swap3A_167 = vector.shape_cast %add3A_163 : vector<16xi32> to vector<16xi32>
        tpu.vector_store %arg7[%swap3A_164], %swap3A_167 {strides = array<i32>} : memref<1024xi32, #tpu.memory_space<vmem>>, vector<16xi32>,
        %scan3A_168 = arith.constant 0 : i32
        %scan3A_169 = arith.constant 5 : i32
        %scan3A_170 = arith.addi %scan3A_101, %scan3A_169 : i32
        %mul3A_171 = arith.constant 16 : i32
        %mul3A_172 = arith.muli %scan3A_170, %mul3A_171 : i32
        %get3A_173 = arith.index_cast %mul3A_172 : i32 to index
        %get3A_174 = tpu.vector_load %arg7[%get3A_173] {strides = array<i32>} : memref<1024xi32, #tpu.memory_space<vmem>>, vector<16xi32>,
        %get3A_175 = vector.shape_cast %get3A_174 : vector<16xi32> to vector<16xi32>
        %add3A_176 = vector.broadcast %mul3A_35 : i32 to vector<16xi32>
        %add3A_177 = arith.addi %get3A_175, %add3A_176 : vector<16xi32>
        %swap3A_178 = arith.index_cast %mul3A_172 : i32 to index
        %swap3A_179 = tpu.vector_load %arg7[%swap3A_178] {strides = array<i32>} : memref<1024xi32, #tpu.memory_space<vmem>>, vector<16xi32>,
        %swap3A_180 = vector.shape_cast %swap3A_179 : vector<16xi32> to vector<16xi32>
        %swap3A_181 = vector.shape_cast %add3A_177 : vector<16xi32> to vector<16xi32>
        tpu.vector_store %arg7[%swap3A_178], %swap3A_181 {strides = array<i32>} : memref<1024xi32, #tpu.memory_space<vmem>>, vector<16xi32>,
        %scan3A_182 = arith.constant 0 : i32
        %scan3A_183 = arith.constant 6 : i32
        %scan3A_184 = arith.addi %scan3A_101, %scan3A_183 : i32
        %mul3A_185 = arith.constant 16 : i32
        %mul3A_186 = arith.muli %scan3A_184, %mul3A_185 : i32
        %get3A_187 = arith.index_cast %mul3A_186 : i32 to index
        %get3A_188 = tpu.vector_load %arg7[%get3A_187] {strides = array<i32>} : memref<1024xi32, #tpu.memory_space<vmem>>, vector<16xi32>,
        %get3A_189 = vector.shape_cast %get3A_188 : vector<16xi32> to vector<16xi32>
        %add3A_190 = vector.broadcast %mul3A_35 : i32 to vector<16xi32>
        %add3A_191 = arith.addi %get3A_189, %add3A_190 : vector<16xi32>
        %swap3A_192 = arith.index_cast %mul3A_186 : i32 to index
        %swap3A_193 = tpu.vector_load %arg7[%swap3A_192] {strides = array<i32>} : memref<1024xi32, #tpu.memory_space<vmem>>, vector<16xi32>,
        %swap3A_194 = vector.shape_cast %swap3A_193 : vector<16xi32> to vector<16xi32>
        %swap3A_195 = vector.shape_cast %add3A_191 : vector<16xi32> to vector<16xi32>
        tpu.vector_store %arg7[%swap3A_192], %swap3A_195 {strides = array<i32>} : memref<1024xi32, #tpu.memory_space<vmem>>, vector<16xi32>,
        %scan3A_196 = arith.constant 0 : i32
        %scan3A_197 = arith.constant 7 : i32
        %scan3A_198 = arith.addi %scan3A_101, %scan3A_197 : i32
        %mul3A_199 = arith.constant 16 : i32
        %mul3A_200 = arith.muli %scan3A_198, %mul3A_199 : i32
        %get3A_201 = arith.index_cast %mul3A_200 : i32 to index
        %get3A_202 = tpu.vector_load %arg7[%get3A_201] {strides = array<i32>} : memref<1024xi32, #tpu.memory_space<vmem>>, vector<16xi32>,
        %get3A_203 = vector.shape_cast %get3A_202 : vector<16xi32> to vector<16xi32>
        %add3A_204 = vector.broadcast %mul3A_35 : i32 to vector<16xi32>
        %add3A_205 = arith.addi %get3A_203, %add3A_204 : vector<16xi32>
        %swap3A_206 = arith.index_cast %mul3A_200 : i32 to index
        %swap3A_207 = tpu.vector_load %arg7[%swap3A_206] {strides = array<i32>} : memref<1024xi32, #tpu.memory_space<vmem>>, vector<16xi32>,
        %swap3A_208 = vector.shape_cast %swap3A_207 : vector<16xi32> to vector<16xi32>
        %swap3A_209 = vector.shape_cast %add3A_205 : vector<16xi32> to vector<16xi32>
        tpu.vector_store %arg7[%swap3A_206], %swap3A_209 {strides = array<i32>} : memref<1024xi32, #tpu.memory_space<vmem>>, vector<16xi32>,
        %scan3A_210 = arith.constant 0 : i32
        scf.yield %scan3A_210 : i32
      }
      %scan3A_81 = arith.constant 64 : i32
      %dma_start3A = arith.constant 0 : i32
      %dma_start3A_82 = arith.constant 0 : i32
      %dma_start3A_83 = tpu.memref_slice %arg2[%dma_start3A, %dma_start3A_82] : memref<200000x16xf32, #tpu.memory_space<hbm>> -> memref<200000x16xf32, #tpu.memory_space<hbm>>
      tpu.enqueue_indirect_dma source(%dma_start3A_83 : memref<200000x16xf32, #tpu.memory_space<hbm>>) target(%arg10 : memref<1024x16xf32, #tpu.memory_space<vmem>>) offsets(%arg7 : memref<1024xi32, #tpu.memory_space<vmem>>) semaphore(%arg12 : memref<!tpu.dma_semaphore, #tpu.memory_space<semaphore_mem>>)
      %dma_wait3A = arith.constant 0 : i32
      %dma_wait3A_84 = arith.constant 0 : i32
      %dma_wait3A_85 = tpu.memref_slice %arg2[%dma_wait3A, %dma_wait3A_84] : memref<200000x16xf32, #tpu.memory_space<hbm>> -> memref<200000x16xf32, #tpu.memory_space<hbm>>
      tpu.wait_indirect_dma semaphore(%arg12 : memref<!tpu.dma_semaphore, #tpu.memory_space<semaphore_mem>>) src(%dma_wait3A_85 : memref<200000x16xf32, #tpu.memory_space<hbm>>) dst(%arg10 : memref<1024x16xf32, #tpu.memory_space<vmem>>)
      %scan3A_86 = arith.constant 0 : i32
      %scan3A_87 = arith.constant 0 : i32
      %scan3A_88 = arith.constant 64 : i32
      %scan3A_89 = arith.addi %scan3A_87, %scan3A_88 : i32
      %scan3A_90 = arith.constant 1 : i32
      %scan3A_91 = scf.for %scan3A_101 = %scan3A_87 to %scan3A_89 step %scan3A_90 iter_args(%scan3A_102 = %scan3A_86) -> (i32)  : i32 {
        %mul3A_103 = arith.constant 16 : i32
        %mul3A_104 = arith.muli %scan3A_101, %mul3A_103 : i32
        %get3A = arith.index_cast %mul3A_104 : i32 to index
        %get3A_105 = tpu.vector_load %arg9[%get3A] {strides = array<i32>} : memref<1024xf32, #tpu.memory_space<vmem>>, vector<16xf32>,
        %get3A_106 = vector.shape_cast %get3A_105 : vector<16xf32> to vector<16xf32>
        %mul3A_107 = arith.constant 16 : i32
        %mul3A_108 = arith.muli %scan3A_101, %mul3A_107 : i32
        %add3A_109 = arith.constant 0 : i32
        %add3A_110 = arith.addi %mul3A_108, %add3A_109 : i32
        %get3A_111 = arith.index_cast %add3A_110 : i32 to index
        %get3A_112 = arith.constant 0 : index
        %get3A_113 = tpu.vector_load %arg10[%get3A_111, %get3A_112] {strides = array<i32>} : memref<1024x16xf32, #tpu.memory_space<vmem>>, vector<1x16xf32>,
        %get3A_114 = vector.shape_cast %get3A_113 : vector<1x16xf32> to vector<16xf32>
        %slice3A = vector.extract_strided_slice %get3A_106 {offsets = [0], sizes = [1], strides = [1]} : vector<16xf32> to vector<1xf32>
        %squeeze3A = vector.extract %slice3A[0] : f32 from vector<1xf32>
        %mul3A_115 = vector.broadcast %squeeze3A : f32 to vector<16xf32>
        %mul3A_116 = arith.mulf %get3A_114, %mul3A_115 : vector<16xf32>
        %add3A_117 = arith.constant 0 : i32
        %add3A_118 = arith.addi %mul3A_108, %add3A_117 : i32
        %swap3A = arith.index_cast %add3A_118 : i32 to index
        %swap3A_119 = arith.constant 0 : index
        %swap3A_120 = tpu.vector_load %arg10[%swap3A, %swap3A_119] {strides = array<i32>} : memref<1024x16xf32, #tpu.memory_space<vmem>>, vector<1x16xf32>,
        %swap3A_121 = vector.shape_cast %swap3A_120 : vector<1x16xf32> to vector<16xf32>
        %swap3A_122 = vector.shape_cast %mul3A_116 : vector<16xf32> to vector<1x16xf32>
        tpu.vector_store %arg10[%swap3A, %swap3A_119], %swap3A_122 {strides = array<i32>} : memref<1024x16xf32, #tpu.memory_space<vmem>>, vector<1x16xf32>,
        %add3A_123 = arith.constant 1 : i32
        %add3A_124 = arith.addi %mul3A_108, %add3A_123 : i32
        %get3A_125 = arith.index_cast %add3A_124 : i32 to index
        %get3A_126 = arith.constant 0 : index
        %get3A_127 = tpu.vector_load %arg10[%get3A_125, %get3A_126] {strides = array<i32>} : memref<1024x16xf32, #tpu.memory_space<vmem>>, vector<1x16xf32>,
        %get3A_128 = vector.shape_cast %get3A_127 : vector<1x16xf32> to vector<16xf32>
        %slice3A_129 = vector.extract_strided_slice %get3A_106 {offsets = [1], sizes = [1], strides = [1]} : vector<16xf32> to vector<1xf32>
        %squeeze3A_130 = vector.extract %slice3A_129[0] : f32 from vector<1xf32>
        %mul3A_131 = vector.broadcast %squeeze3A_130 : f32 to vector<16xf32>
        %mul3A_132 = arith.mulf %get3A_128, %mul3A_131 : vector<16xf32>
        %add3A_133 = arith.constant 1 : i32
        %add3A_134 = arith.addi %mul3A_108, %add3A_133 : i32
        %swap3A_135 = arith.index_cast %add3A_134 : i32 to index
        %swap3A_136 = arith.constant 0 : index
        %swap3A_137 = tpu.vector_load %arg10[%swap3A_135, %swap3A_136] {strides = array<i32>} : memref<1024x16xf32, #tpu.memory_space<vmem>>, vector<1x16xf32>,
        %swap3A_138 = vector.shape_cast %swap3A_137 : vector<1x16xf32> to vector<16xf32>
        %swap3A_139 = vector.shape_cast %mul3A_132 : vector<16xf32> to vector<1x16xf32>
        tpu.vector_store %arg10[%swap3A_135, %swap3A_136], %swap3A_139 {strides = array<i32>} : memref<1024x16xf32, #tpu.memory_space<vmem>>, vector<1x16xf32>,
        %add3A_140 = arith.constant 2 : i32
        %add3A_141 = arith.addi %mul3A_108, %add3A_140 : i32
        %get3A_142 = arith.index_cast %add3A_141 : i32 to index
        %get3A_143 = arith.constant 0 : index
        %get3A_144 = tpu.vector_load %arg10[%get3A_142, %get3A_143] {strides = array<i32>} : memref<1024x16xf32, #tpu.memory_space<vmem>>, vector<1x16xf32>,
        %get3A_145 = vector.shape_cast %get3A_144 : vector<1x16xf32> to vector<16xf32>
        %slice3A_146 = vector.extract_strided_slice %get3A_106 {offsets = [2], sizes = [1], strides = [1]} : vector<16xf32> to vector<1xf32>
        %squeeze3A_147 = vector.extract %slice3A_146[0] : f32 from vector<1xf32>
        %mul3A_148 = vector.broadcast %squeeze3A_147 : f32 to vector<16xf32>
        %mul3A_149 = arith.mulf %get3A_145, %mul3A_148 : vector<16xf32>
        %add3A_150 = arith.constant 2 : i32
        %add3A_151 = arith.addi %mul3A_108, %add3A_150 : i32
        %swap3A_152 = arith.index_cast %add3A_151 : i32 to index
        %swap3A_153 = arith.constant 0 : index
        %swap3A_154 = tpu.vector_load %arg10[%swap3A_152, %swap3A_153] {strides = array<i32>} : memref<1024x16xf32, #tpu.memory_space<vmem>>, vector<1x16xf32>,
        %swap3A_155 = vector.shape_cast %swap3A_154 : vector<1x16xf32> to vector<16xf32>
        %swap3A_156 = vector.shape_cast %mul3A_149 : vector<16xf32> to vector<1x16xf32>
        tpu.vector_store %arg10[%swap3A_152, %swap3A_153], %swap3A_156 {strides = array<i32>} : memref<1024x16xf32, #tpu.memory_space<vmem>>, vector<1x16xf32>,
        %add3A_157 = arith.constant 3 : i32
        %add3A_158 = arith.addi %mul3A_108, %add3A_157 : i32
        %get3A_159 = arith.index_cast %add3A_158 : i32 to index
        %get3A_160 = arith.constant 0 : index
        %get3A_161 = tpu.vector_load %arg10[%get3A_159, %get3A_160] {strides = array<i32>} : memref<1024x16xf32, #tpu.memory_space<vmem>>, vector<1x16xf32>,
        %get3A_162 = vector.shape_cast %get3A_161 : vector<1x16xf32> to vector<16xf32>
        %slice3A_163 = vector.extract_strided_slice %get3A_106 {offsets = [3], sizes = [1], strides = [1]} : vector<16xf32> to vector<1xf32>
        %squeeze3A_164 = vector.extract %slice3A_163[0] : f32 from vector<1xf32>
        %mul3A_165 = vector.broadcast %squeeze3A_164 : f32 to vector<16xf32>
        %mul3A_166 = arith.mulf %get3A_162, %mul3A_165 : vector<16xf32>
        %add3A_167 = arith.constant 3 : i32
        %add3A_168 = arith.addi %mul3A_108, %add3A_167 : i32
        %swap3A_169 = arith.index_cast %add3A_168 : i32 to index
        %swap3A_170 = arith.constant 0 : index
        %swap3A_171 = tpu.vector_load %arg10[%swap3A_169, %swap3A_170] {strides = array<i32>} : memref<1024x16xf32, #tpu.memory_space<vmem>>, vector<1x16xf32>,
        %swap3A_172 = vector.shape_cast %swap3A_171 : vector<1x16xf32> to vector<16xf32>
        %swap3A_173 = vector.shape_cast %mul3A_166 : vector<16xf32> to vector<1x16xf32>
        tpu.vector_store %arg10[%swap3A_169, %swap3A_170], %swap3A_173 {strides = array<i32>} : memref<1024x16xf32, #tpu.memory_space<vmem>>, vector<1x16xf32>,
        %add3A_174 = arith.constant 4 : i32
        %add3A_175 = arith.addi %mul3A_108, %add3A_174 : i32
        %get3A_176 = arith.index_cast %add3A_175 : i32 to index
        %get3A_177 = arith.constant 0 : index
        %get3A_178 = tpu.vector_load %arg10[%get3A_176, %get3A_177] {strides = array<i32>} : memref<1024x16xf32, #tpu.memory_space<vmem>>, vector<1x16xf32>,
        %get3A_179 = vector.shape_cast %get3A_178 : vector<1x16xf32> to vector<16xf32>
        %slice3A_180 = vector.extract_strided_slice %get3A_106 {offsets = [4], sizes = [1], strides = [1]} : vector<16xf32> to vector<1xf32>
        %squeeze3A_181 = vector.extract %slice3A_180[0] : f32 from vector<1xf32>
        %mul3A_182 = vector.broadcast %squeeze3A_181 : f32 to vector<16xf32>
        %mul3A_183 = arith.mulf %get3A_179, %mul3A_182 : vector<16xf32>
        %add3A_184 = arith.constant 4 : i32
        %add3A_185 = arith.addi %mul3A_108, %add3A_184 : i32
        %swap3A_186 = arith.index_cast %add3A_185 : i32 to index
        %swap3A_187 = arith.constant 0 : index
        %swap3A_188 = tpu.vector_load %arg10[%swap3A_186, %swap3A_187] {strides = array<i32>} : memref<1024x16xf32, #tpu.memory_space<vmem>>, vector<1x16xf32>,
        %swap3A_189 = vector.shape_cast %swap3A_188 : vector<1x16xf32> to vector<16xf32>
        %swap3A_190 = vector.shape_cast %mul3A_183 : vector<16xf32> to vector<1x16xf32>
        tpu.vector_store %arg10[%swap3A_186, %swap3A_187], %swap3A_190 {strides = array<i32>} : memref<1024x16xf32, #tpu.memory_space<vmem>>, vector<1x16xf32>,
        %add3A_191 = arith.constant 5 : i32
        %add3A_192 = arith.addi %mul3A_108, %add3A_191 : i32
        %get3A_193 = arith.index_cast %add3A_192 : i32 to index
        %get3A_194 = arith.constant 0 : index
        %get3A_195 = tpu.vector_load %arg10[%get3A_193, %get3A_194] {strides = array<i32>} : memref<1024x16xf32, #tpu.memory_space<vmem>>, vector<1x16xf32>,
        %get3A_196 = vector.shape_cast %get3A_195 : vector<1x16xf32> to vector<16xf32>
        %slice3A_197 = vector.extract_strided_slice %get3A_106 {offsets = [5], sizes = [1], strides = [1]} : vector<16xf32> to vector<1xf32>
        %squeeze3A_198 = vector.extract %slice3A_197[0] : f32 from vector<1xf32>
        %mul3A_199 = vector.broadcast %squeeze3A_198 : f32 to vector<16xf32>
        %mul3A_200 = arith.mulf %get3A_196, %mul3A_199 : vector<16xf32>
        %add3A_201 = arith.constant 5 : i32
        %add3A_202 = arith.addi %mul3A_108, %add3A_201 : i32
        %swap3A_203 = arith.index_cast %add3A_202 : i32 to index
        %swap3A_204 = arith.constant 0 : index
        %swap3A_205 = tpu.vector_load %arg10[%swap3A_203, %swap3A_204] {strides = array<i32>} : memref<1024x16xf32, #tpu.memory_space<vmem>>, vector<1x16xf32>,
        %swap3A_206 = vector.shape_cast %swap3A_205 : vector<1x16xf32> to vector<16xf32>
        %swap3A_207 = vector.shape_cast %mul3A_200 : vector<16xf32> to vector<1x16xf32>
        tpu.vector_store %arg10[%swap3A_203, %swap3A_204], %swap3A_207 {strides = array<i32>} : memref<1024x16xf32, #tpu.memory_space<vmem>>, vector<1x16xf32>,
        %add3A_208 = arith.constant 6 : i32
        %add3A_209 = arith.addi %mul3A_108, %add3A_208 : i32
        %get3A_210 = arith.index_cast %add3A_209 : i32 to index
        %get3A_211 = arith.constant 0 : index
        %get3A_212 = tpu.vector_load %arg10[%get3A_210, %get3A_211] {strides = array<i32>} : memref<1024x16xf32, #tpu.memory_space<vmem>>, vector<1x16xf32>,
        %get3A_213 = vector.shape_cast %get3A_212 : vector<1x16xf32> to vector<16xf32>
        %slice3A_214 = vector.extract_strided_slice %get3A_106 {offsets = [6], sizes = [1], strides = [1]} : vector<16xf32> to vector<1xf32>
        %squeeze3A_215 = vector.extract %slice3A_214[0] : f32 from vector<1xf32>
        %mul3A_216 = vector.broadcast %squeeze3A_215 : f32 to vector<16xf32>
        %mul3A_217 = arith.mulf %get3A_213, %mul3A_216 : vector<16xf32>
        %add3A_218 = arith.constant 6 : i32
        %add3A_219 = arith.addi %mul3A_108, %add3A_218 : i32
        %swap3A_220 = arith.index_cast %add3A_219 : i32 to index
        %swap3A_221 = arith.constant 0 : index
        %swap3A_222 = tpu.vector_load %arg10[%swap3A_220, %swap3A_221] {strides = array<i32>} : memref<1024x16xf32, #tpu.memory_space<vmem>>, vector<1x16xf32>,
        %swap3A_223 = vector.shape_cast %swap3A_222 : vector<1x16xf32> to vector<16xf32>
        %swap3A_224 = vector.shape_cast %mul3A_217 : vector<16xf32> to vector<1x16xf32>
        tpu.vector_store %arg10[%swap3A_220, %swap3A_221], %swap3A_224 {strides = array<i32>} : memref<1024x16xf32, #tpu.memory_space<vmem>>, vector<1x16xf32>,
        %add3A_225 = arith.constant 7 : i32
        %add3A_226 = arith.addi %mul3A_108, %add3A_225 : i32
        %get3A_227 = arith.index_cast %add3A_226 : i32 to index
        %get3A_228 = arith.constant 0 : index
        %get3A_229 = tpu.vector_load %arg10[%get3A_227, %get3A_228] {strides = array<i32>} : memref<1024x16xf32, #tpu.memory_space<vmem>>, vector<1x16xf32>,
        %get3A_230 = vector.shape_cast %get3A_229 : vector<1x16xf32> to vector<16xf32>
        %slice3A_231 = vector.extract_strided_slice %get3A_106 {offsets = [7], sizes = [1], strides = [1]} : vector<16xf32> to vector<1xf32>
        %squeeze3A_232 = vector.extract %slice3A_231[0] : f32 from vector<1xf32>
        %mul3A_233 = vector.broadcast %squeeze3A_232 : f32 to vector<16xf32>
        %mul3A_234 = arith.mulf %get3A_230, %mul3A_233 : vector<16xf32>
        %add3A_235 = arith.constant 7 : i32
        %add3A_236 = arith.addi %mul3A_108, %add3A_235 : i32
        %swap3A_237 = arith.index_cast %add3A_236 : i32 to index
        %swap3A_238 = arith.constant 0 : index
        %swap3A_239 = tpu.vector_load %arg10[%swap3A_237, %swap3A_238] {strides = array<i32>} : memref<1024x16xf32, #tpu.memory_space<vmem>>, vector<1x16xf32>,
        %swap3A_240 = vector.shape_cast %swap3A_239 : vector<1x16xf32> to vector<16xf32>
        %swap3A_241 = vector.shape_cast %mul3A_234 : vector<16xf32> to vector<1x16xf32>
        tpu.vector_store %arg10[%swap3A_237, %swap3A_238], %swap3A_241 {strides = array<i32>} : memref<1024x16xf32, #tpu.memory_space<vmem>>, vector<1x16xf32>,
        %add3A_242 = arith.constant 8 : i32
        %add3A_243 = arith.addi %mul3A_108, %add3A_242 : i32
        %get3A_244 = arith.index_cast %add3A_243 : i32 to index
        %get3A_245 = arith.constant 0 : index
        %get3A_246 = tpu.vector_load %arg10[%get3A_244, %get3A_245] {strides = array<i32>} : memref<1024x16xf32, #tpu.memory_space<vmem>>, vector<1x16xf32>,
        %get3A_247 = vector.shape_cast %get3A_246 : vector<1x16xf32> to vector<16xf32>
        %slice3A_248 = vector.extract_strided_slice %get3A_106 {offsets = [8], sizes = [1], strides = [1]} : vector<16xf32> to vector<1xf32>
        %squeeze3A_249 = vector.extract %slice3A_248[0] : f32 from vector<1xf32>
        %mul3A_250 = vector.broadcast %squeeze3A_249 : f32 to vector<16xf32>
        %mul3A_251 = arith.mulf %get3A_247, %mul3A_250 : vector<16xf32>
        %add3A_252 = arith.constant 8 : i32
        %add3A_253 = arith.addi %mul3A_108, %add3A_252 : i32
        %swap3A_254 = arith.index_cast %add3A_253 : i32 to index
        %swap3A_255 = arith.constant 0 : index
        %swap3A_256 = tpu.vector_load %arg10[%swap3A_254, %swap3A_255] {strides = array<i32>} : memref<1024x16xf32, #tpu.memory_space<vmem>>, vector<1x16xf32>,
        %swap3A_257 = vector.shape_cast %swap3A_256 : vector<1x16xf32> to vector<16xf32>
        %swap3A_258 = vector.shape_cast %mul3A_251 : vector<16xf32> to vector<1x16xf32>
        tpu.vector_store %arg10[%swap3A_254, %swap3A_255], %swap3A_258 {strides = array<i32>} : memref<1024x16xf32, #tpu.memory_space<vmem>>, vector<1x16xf32>,
        %add3A_259 = arith.constant 9 : i32
        %add3A_260 = arith.addi %mul3A_108, %add3A_259 : i32
        %get3A_261 = arith.index_cast %add3A_260 : i32 to index
        %get3A_262 = arith.constant 0 : index
        %get3A_263 = tpu.vector_load %arg10[%get3A_261, %get3A_262] {strides = array<i32>} : memref<1024x16xf32, #tpu.memory_space<vmem>>, vector<1x16xf32>,
        %get3A_264 = vector.shape_cast %get3A_263 : vector<1x16xf32> to vector<16xf32>
        %slice3A_265 = vector.extract_strided_slice %get3A_106 {offsets = [9], sizes = [1], strides = [1]} : vector<16xf32> to vector<1xf32>
        %squeeze3A_266 = vector.extract %slice3A_265[0] : f32 from vector<1xf32>
        %mul3A_267 = vector.broadcast %squeeze3A_266 : f32 to vector<16xf32>
        %mul3A_268 = arith.mulf %get3A_264, %mul3A_267 : vector<16xf32>
        %add3A_269 = arith.constant 9 : i32
        %add3A_270 = arith.addi %mul3A_108, %add3A_269 : i32
        %swap3A_271 = arith.index_cast %add3A_270 : i32 to index
        %swap3A_272 = arith.constant 0 : index
        %swap3A_273 = tpu.vector_load %arg10[%swap3A_271, %swap3A_272] {strides = array<i32>} : memref<1024x16xf32, #tpu.memory_space<vmem>>, vector<1x16xf32>,
        %swap3A_274 = vector.shape_cast %swap3A_273 : vector<1x16xf32> to vector<16xf32>
        %swap3A_275 = vector.shape_cast %mul3A_268 : vector<16xf32> to vector<1x16xf32>
        tpu.vector_store %arg10[%swap3A_271, %swap3A_272], %swap3A_275 {strides = array<i32>} : memref<1024x16xf32, #tpu.memory_space<vmem>>, vector<1x16xf32>,
        %add3A_276 = arith.constant 10 : i32
        %add3A_277 = arith.addi %mul3A_108, %add3A_276 : i32
        %get3A_278 = arith.index_cast %add3A_277 : i32 to index
        %get3A_279 = arith.constant 0 : index
        %get3A_280 = tpu.vector_load %arg10[%get3A_278, %get3A_279] {strides = array<i32>} : memref<1024x16xf32, #tpu.memory_space<vmem>>, vector<1x16xf32>,
        %get3A_281 = vector.shape_cast %get3A_280 : vector<1x16xf32> to vector<16xf32>
        %slice3A_282 = vector.extract_strided_slice %get3A_106 {offsets = [10], sizes = [1], strides = [1]} : vector<16xf32> to vector<1xf32>
        %squeeze3A_283 = vector.extract %slice3A_282[0] : f32 from vector<1xf32>
        %mul3A_284 = vector.broadcast %squeeze3A_283 : f32 to vector<16xf32>
        %mul3A_285 = arith.mulf %get3A_281, %mul3A_284 : vector<16xf32>
        %add3A_286 = arith.constant 10 : i32
        %add3A_287 = arith.addi %mul3A_108, %add3A_286 : i32
        %swap3A_288 = arith.index_cast %add3A_287 : i32 to index
        %swap3A_289 = arith.constant 0 : index
        %swap3A_290 = tpu.vector_load %arg10[%swap3A_288, %swap3A_289] {strides = array<i32>} : memref<1024x16xf32, #tpu.memory_space<vmem>>, vector<1x16xf32>,
        %swap3A_291 = vector.shape_cast %swap3A_290 : vector<1x16xf32> to vector<16xf32>
        %swap3A_292 = vector.shape_cast %mul3A_285 : vector<16xf32> to vector<1x16xf32>
        tpu.vector_store %arg10[%swap3A_288, %swap3A_289], %swap3A_292 {strides = array<i32>} : memref<1024x16xf32, #tpu.memory_space<vmem>>, vector<1x16xf32>,
        %add3A_293 = arith.constant 11 : i32
        %add3A_294 = arith.addi %mul3A_108, %add3A_293 : i32
        %get3A_295 = arith.index_cast %add3A_294 : i32 to index
        %get3A_296 = arith.constant 0 : index
        %get3A_297 = tpu.vector_load %arg10[%get3A_295, %get3A_296] {strides = array<i32>} : memref<1024x16xf32, #tpu.memory_space<vmem>>, vector<1x16xf32>,
        %get3A_298 = vector.shape_cast %get3A_297 : vector<1x16xf32> to vector<16xf32>
        %slice3A_299 = vector.extract_strided_slice %get3A_106 {offsets = [11], sizes = [1], strides = [1]} : vector<16xf32> to vector<1xf32>
        %squeeze3A_300 = vector.extract %slice3A_299[0] : f32 from vector<1xf32>
        %mul3A_301 = vector.broadcast %squeeze3A_300 : f32 to vector<16xf32>
        %mul3A_302 = arith.mulf %get3A_298, %mul3A_301 : vector<16xf32>
        %add3A_303 = arith.constant 11 : i32
        %add3A_304 = arith.addi %mul3A_108, %add3A_303 : i32
        %swap3A_305 = arith.index_cast %add3A_304 : i32 to index
        %swap3A_306 = arith.constant 0 : index
        %swap3A_307 = tpu.vector_load %arg10[%swap3A_305, %swap3A_306] {strides = array<i32>} : memref<1024x16xf32, #tpu.memory_space<vmem>>, vector<1x16xf32>,
        %swap3A_308 = vector.shape_cast %swap3A_307 : vector<1x16xf32> to vector<16xf32>
        %swap3A_309 = vector.shape_cast %mul3A_302 : vector<16xf32> to vector<1x16xf32>
        tpu.vector_store %arg10[%swap3A_305, %swap3A_306], %swap3A_309 {strides = array<i32>} : memref<1024x16xf32, #tpu.memory_space<vmem>>, vector<1x16xf32>,
        %add3A_310 = arith.constant 12 : i32
        %add3A_311 = arith.addi %mul3A_108, %add3A_310 : i32
        %get3A_312 = arith.index_cast %add3A_311 : i32 to index
        %get3A_313 = arith.constant 0 : index
        %get3A_314 = tpu.vector_load %arg10[%get3A_312, %get3A_313] {strides = array<i32>} : memref<1024x16xf32, #tpu.memory_space<vmem>>, vector<1x16xf32>,
        %get3A_315 = vector.shape_cast %get3A_314 : vector<1x16xf32> to vector<16xf32>
        %slice3A_316 = vector.extract_strided_slice %get3A_106 {offsets = [12], sizes = [1], strides = [1]} : vector<16xf32> to vector<1xf32>
        %squeeze3A_317 = vector.extract %slice3A_316[0] : f32 from vector<1xf32>
        %mul3A_318 = vector.broadcast %squeeze3A_317 : f32 to vector<16xf32>
        %mul3A_319 = arith.mulf %get3A_315, %mul3A_318 : vector<16xf32>
        %add3A_320 = arith.constant 12 : i32
        %add3A_321 = arith.addi %mul3A_108, %add3A_320 : i32
        %swap3A_322 = arith.index_cast %add3A_321 : i32 to index
        %swap3A_323 = arith.constant 0 : index
        %swap3A_324 = tpu.vector_load %arg10[%swap3A_322, %swap3A_323] {strides = array<i32>} : memref<1024x16xf32, #tpu.memory_space<vmem>>, vector<1x16xf32>,
        %swap3A_325 = vector.shape_cast %swap3A_324 : vector<1x16xf32> to vector<16xf32>
        %swap3A_326 = vector.shape_cast %mul3A_319 : vector<16xf32> to vector<1x16xf32>
        tpu.vector_store %arg10[%swap3A_322, %swap3A_323], %swap3A_326 {strides = array<i32>} : memref<1024x16xf32, #tpu.memory_space<vmem>>, vector<1x16xf32>,
        %add3A_327 = arith.constant 13 : i32
        %add3A_328 = arith.addi %mul3A_108, %add3A_327 : i32
        %get3A_329 = arith.index_cast %add3A_328 : i32 to index
        %get3A_330 = arith.constant 0 : index
        %get3A_331 = tpu.vector_load %arg10[%get3A_329, %get3A_330] {strides = array<i32>} : memref<1024x16xf32, #tpu.memory_space<vmem>>, vector<1x16xf32>,
        %get3A_332 = vector.shape_cast %get3A_331 : vector<1x16xf32> to vector<16xf32>
        %slice3A_333 = vector.extract_strided_slice %get3A_106 {offsets = [13], sizes = [1], strides = [1]} : vector<16xf32> to vector<1xf32>
        %squeeze3A_334 = vector.extract %slice3A_333[0] : f32 from vector<1xf32>
        %mul3A_335 = vector.broadcast %squeeze3A_334 : f32 to vector<16xf32>
        %mul3A_336 = arith.mulf %get3A_332, %mul3A_335 : vector<16xf32>
        %add3A_337 = arith.constant 13 : i32
        %add3A_338 = arith.addi %mul3A_108, %add3A_337 : i32
        %swap3A_339 = arith.index_cast %add3A_338 : i32 to index
        %swap3A_340 = arith.constant 0 : index
        %swap3A_341 = tpu.vector_load %arg10[%swap3A_339, %swap3A_340] {strides = array<i32>} : memref<1024x16xf32, #tpu.memory_space<vmem>>, vector<1x16xf32>,
        %swap3A_342 = vector.shape_cast %swap3A_341 : vector<1x16xf32> to vector<16xf32>
        %swap3A_343 = vector.shape_cast %mul3A_336 : vector<16xf32> to vector<1x16xf32>
        tpu.vector_store %arg10[%swap3A_339, %swap3A_340], %swap3A_343 {strides = array<i32>} : memref<1024x16xf32, #tpu.memory_space<vmem>>, vector<1x16xf32>,
        %add3A_344 = arith.constant 14 : i32
        %add3A_345 = arith.addi %mul3A_108, %add3A_344 : i32
        %get3A_346 = arith.index_cast %add3A_345 : i32 to index
        %get3A_347 = arith.constant 0 : index
        %get3A_348 = tpu.vector_load %arg10[%get3A_346, %get3A_347] {strides = array<i32>} : memref<1024x16xf32, #tpu.memory_space<vmem>>, vector<1x16xf32>,
        %get3A_349 = vector.shape_cast %get3A_348 : vector<1x16xf32> to vector<16xf32>
        %slice3A_350 = vector.extract_strided_slice %get3A_106 {offsets = [14], sizes = [1], strides = [1]} : vector<16xf32> to vector<1xf32>
        %squeeze3A_351 = vector.extract %slice3A_350[0] : f32 from vector<1xf32>
        %mul3A_352 = vector.broadcast %squeeze3A_351 : f32 to vector<16xf32>
        %mul3A_353 = arith.mulf %get3A_349, %mul3A_352 : vector<16xf32>
        %add3A_354 = arith.constant 14 : i32
        %add3A_355 = arith.addi %mul3A_108, %add3A_354 : i32
        %swap3A_356 = arith.index_cast %add3A_355 : i32 to index
        %swap3A_357 = arith.constant 0 : index
        %swap3A_358 = tpu.vector_load %arg10[%swap3A_356, %swap3A_357] {strides = array<i32>} : memref<1024x16xf32, #tpu.memory_space<vmem>>, vector<1x16xf32>,
        %swap3A_359 = vector.shape_cast %swap3A_358 : vector<1x16xf32> to vector<16xf32>
        %swap3A_360 = vector.shape_cast %mul3A_353 : vector<16xf32> to vector<1x16xf32>
        tpu.vector_store %arg10[%swap3A_356, %swap3A_357], %swap3A_360 {strides = array<i32>} : memref<1024x16xf32, #tpu.memory_space<vmem>>, vector<1x16xf32>,
        %add3A_361 = arith.constant 15 : i32
        %add3A_362 = arith.addi %mul3A_108, %add3A_361 : i32
        %get3A_363 = arith.index_cast %add3A_362 : i32 to index
        %get3A_364 = arith.constant 0 : index
        %get3A_365 = tpu.vector_load %arg10[%get3A_363, %get3A_364] {strides = array<i32>} : memref<1024x16xf32, #tpu.memory_space<vmem>>, vector<1x16xf32>,
        %get3A_366 = vector.shape_cast %get3A_365 : vector<1x16xf32> to vector<16xf32>
        %slice3A_367 = vector.extract_strided_slice %get3A_106 {offsets = [15], sizes = [1], strides = [1]} : vector<16xf32> to vector<1xf32>
        %squeeze3A_368 = vector.extract %slice3A_367[0] : f32 from vector<1xf32>
        %mul3A_369 = vector.broadcast %squeeze3A_368 : f32 to vector<16xf32>
        %mul3A_370 = arith.mulf %get3A_366, %mul3A_369 : vector<16xf32>
        %add3A_371 = arith.constant 15 : i32
        %add3A_372 = arith.addi %mul3A_108, %add3A_371 : i32
        %swap3A_373 = arith.index_cast %add3A_372 : i32 to index
        %swap3A_374 = arith.constant 0 : index
        %swap3A_375 = tpu.vector_load %arg10[%swap3A_373, %swap3A_374] {strides = array<i32>} : memref<1024x16xf32, #tpu.memory_space<vmem>>, vector<1x16xf32>,
        %swap3A_376 = vector.shape_cast %swap3A_375 : vector<1x16xf32> to vector<16xf32>
        %swap3A_377 = vector.shape_cast %mul3A_370 : vector<16xf32> to vector<1x16xf32>
        tpu.vector_store %arg10[%swap3A_373, %swap3A_374], %swap3A_377 {strides = array<i32>} : memref<1024x16xf32, #tpu.memory_space<vmem>>, vector<1x16xf32>,
        %scan3A_378 = arith.constant 0 : i32
        scf.yield %scan3A_378 : i32
      }
      %scan3A_92 = arith.constant 64 : i32
      %scan3A_93 = arith.constant 0 : i32
      %scan3A_94 = arith.constant 0 : i32
      %scan3A_95 = arith.constant 8 : i32
      %scan3A_96 = arith.addi %scan3A_94, %scan3A_95 : i32
      %scan3A_97 = arith.constant 1 : i32
      %scan3A_98 = scf.for %scan3A_101 = %scan3A_94 to %scan3A_96 step %scan3A_97 iter_args(%scan3A_102 = %scan3A_93) -> (i32)  : i32 {
        %mul3A_103 = arith.constant 128 : i32
        %mul3A_104 = arith.muli %scan3A_101, %mul3A_103 : i32
        "tpu.region"() ({
          %run_scoped3A = tpu.sem_alloc : memref<!tpu.dma_semaphore, #tpu.memory_space<semaphore_mem>>
          %dma_start3A_106 = arith.constant 0 : i32
          %dma_start3A_107 = tpu.memref_slice %arg10[%mul3A_104, %dma_start3A_106] : memref<1024x16xf32, #tpu.memory_space<vmem>> -> memref<128x16xf32, #tpu.memory_space<vmem>>
          %dma_start3A_108 = arith.constant 0 : i32
          %dma_start3A_109 = tpu.memref_slice %arg8[%scan3A_101, %dma_start3A_108] : memref<8x128xi32, #tpu.memory_space<vmem>> -> memref<1x128xi32, #tpu.memory_space<vmem>>
          %dma_start3A_110 = tpu.memref_squeeze %dma_start3A_109 : memref<1x128xi32, #tpu.memory_space<vmem>> -> memref<128xi32, #tpu.memory_space<vmem>>
          %dma_start3A_111 = arith.constant 0 : i32
          %dma_start3A_112 = arith.constant 0 : i32
          %dma_start3A_113 = tpu.memref_slice %arg11[%dma_start3A_111, %dma_start3A_112] : memref<100000x16xf32, #tpu.memory_space<vmem_shared>> -> memref<100000x16xf32, #tpu.memory_space<vmem_shared>>
          tpu.enqueue_indirect_dma source(%dma_start3A_107 : memref<128x16xf32, #tpu.memory_space<vmem>>) target(%dma_start3A_113 : memref<100000x16xf32, #tpu.memory_space<vmem_shared>>) offsets(%dma_start3A_110 : memref<128xi32, #tpu.memory_space<vmem>>) semaphore(%run_scoped3A : memref<!tpu.dma_semaphore, #tpu.memory_space<semaphore_mem>>) {add = true}
          %dma_wait3A_114 = arith.constant 0 : i32
          %dma_wait3A_115 = tpu.memref_slice %arg10[%mul3A_104, %dma_wait3A_114] : memref<1024x16xf32, #tpu.memory_space<vmem>> -> memref<128x16xf32, #tpu.memory_space<vmem>>
          %dma_wait3A_116 = arith.constant 0 : i32
          %dma_wait3A_117 = tpu.memref_slice %arg8[%scan3A_101, %dma_wait3A_116] : memref<8x128xi32, #tpu.memory_space<vmem>> -> memref<1x128xi32, #tpu.memory_space<vmem>>
          %dma_wait3A_118 = tpu.memref_squeeze %dma_wait3A_117 : memref<1x128xi32, #tpu.memory_space<vmem>> -> memref<128xi32, #tpu.memory_space<vmem>>
          %dma_wait3A_119 = arith.constant 0 : i32
          %dma_wait3A_120 = arith.constant 0 : i32
          %dma_wait3A_121 = tpu.memref_slice %arg11[%dma_wait3A_119, %dma_wait3A_120] : memref<100000x16xf32, #tpu.memory_space<vmem_shared>> -> memref<100000x16xf32, #tpu.memory_space<vmem_shared>>
          tpu.wait_indirect_dma semaphore(%run_scoped3A : memref<!tpu.dma_semaphore, #tpu.memory_space<semaphore_mem>>) src(%dma_wait3A_115 : memref<128x16xf32, #tpu.memory_space<vmem>>) dst(%dma_wait3A_121 : memref<100000x16xf32, #tpu.memory_space<vmem_shared>>)
          tpu.yield
        }) : () -> ()
        %scan3A_105 = arith.constant 0 : i32
        scf.yield %scan3A_105 : i32
      }
      %scan3A_99 = arith.constant 8 : i32
      %scan3A_100 = arith.constant 0 : i32
      scf.yield %scan3A_100 : i32
    }
    %scan3A_42 = arith.constant 100 : i32
    %barrier3A_43 = arith.constant 0 : index
    tpu.barrier barrier_id(%barrier3A_43)
    %add3A_44 = arith.constant 0 : i32
    %add3A_45 = arith.addi %multiple_of3A, %add3A_44 : i32
    %add3A_46 = arith.constant 0 : i32
    %add3A_47 = arith.addi %multiple_of3A, %add3A_46 : i32
    "tpu.region"() ({
      %run_scoped3A = tpu.sem_alloc : memref<!tpu.dma_semaphore, #tpu.memory_space<semaphore_mem>>
      %dma_start3A = arith.constant 0 : i32
      %dma_start3A_65 = tpu.memref_slice %arg6[%arg0, %add3A_47, %dma_start3A] : memref<2x100000x16xf32, #tpu.memory_space<hbm>> -> memref<1x1024x16xf32, #tpu.memory_space<hbm>>
      %dma_start3A_66 = tpu.memref_squeeze %dma_start3A_65 : memref<1x1024x16xf32, #tpu.memory_space<hbm>> -> memref<1024x16xf32, #tpu.memory_space<hbm>>
      %dma_start3A_67 = arith.constant 0 : i32
      %dma_start3A_68 = tpu.memref_slice %arg11[%add3A_45, %dma_start3A_67] : memref<100000x16xf32, #tpu.memory_space<vmem_shared>> -> memref<1024x16xf32, #tpu.memory_space<vmem_shared>>
      tpu.enqueue_dma source(%dma_start3A_68 : memref<1024x16xf32, #tpu.memory_space<vmem_shared>>) target(%dma_start3A_66 : memref<1024x16xf32, #tpu.memory_space<hbm>>) target_semaphore(%run_scoped3A : memref<!tpu.dma_semaphore, #tpu.memory_space<semaphore_mem>>)
      %dma_wait3A = arith.constant 0 : i32
      %dma_wait3A_69 = tpu.memref_slice %arg6[%arg0, %add3A_47, %dma_wait3A] : memref<2x100000x16xf32, #tpu.memory_space<hbm>> -> memref<1x1024x16xf32, #tpu.memory_space<hbm>>
      %dma_wait3A_70 = tpu.memref_squeeze %dma_wait3A_69 : memref<1x1024x16xf32, #tpu.memory_space<hbm>> -> memref<1024x16xf32, #tpu.memory_space<hbm>>
      %dma_wait3A_71 = arith.constant 0 : i32
      %dma_wait3A_72 = tpu.memref_slice %arg11[%add3A_45, %dma_wait3A_71] : memref<100000x16xf32, #tpu.memory_space<vmem_shared>> -> memref<1024x16xf32, #tpu.memory_space<vmem_shared>>
      tpu.wait_dma2 semaphore(%run_scoped3A : memref<!tpu.dma_semaphore, #tpu.memory_space<semaphore_mem>>) src(%dma_wait3A_72 : memref<1024x16xf32, #tpu.memory_space<vmem_shared>>) dst(%dma_wait3A_70 : memref<1024x16xf32, #tpu.memory_space<hbm>>)
      tpu.yield
    }) : () -> ()
    %add3A_48 = arith.constant 1024 : i32
    %add3A_49 = arith.addi %multiple_of3A, %add3A_48 : i32
    %add3A_50 = arith.constant 1024 : i32
    %add3A_51 = arith.addi %multiple_of3A, %add3A_50 : i32
    "tpu.region"() ({
      %run_scoped3A = tpu.sem_alloc : memref<!tpu.dma_semaphore, #tpu.memory_space<semaphore_mem>>
      %dma_start3A = arith.constant 0 : i32
      %dma_start3A_65 = tpu.memref_slice %arg6[%arg0, %add3A_51, %dma_start3A] : memref<2x100000x16xf32, #tpu.memory_space<hbm>> -> memref<1x1024x16xf32, #tpu.memory_space<hbm>>
      %dma_start3A_66 = tpu.memref_squeeze %dma_start3A_65 : memref<1x1024x16xf32, #tpu.memory_space<hbm>> -> memref<1024x16xf32, #tpu.memory_space<hbm>>
      %dma_start3A_67 = arith.constant 0 : i32
      %dma_start3A_68 = tpu.memref_slice %arg11[%add3A_49, %dma_start3A_67] : memref<100000x16xf32, #tpu.memory_space<vmem_shared>> -> memref<1024x16xf32, #tpu.memory_space<vmem_shared>>
      tpu.enqueue_dma source(%dma_start3A_68 : memref<1024x16xf32, #tpu.memory_space<vmem_shared>>) target(%dma_start3A_66 : memref<1024x16xf32, #tpu.memory_space<hbm>>) target_semaphore(%run_scoped3A : memref<!tpu.dma_semaphore, #tpu.memory_space<semaphore_mem>>)
      %dma_wait3A = arith.constant 0 : i32
      %dma_wait3A_69 = tpu.memref_slice %arg6[%arg0, %add3A_51, %dma_wait3A] : memref<2x100000x16xf32, #tpu.memory_space<hbm>> -> memref<1x1024x16xf32, #tpu.memory_space<hbm>>
      %dma_wait3A_70 = tpu.memref_squeeze %dma_wait3A_69 : memref<1x1024x16xf32, #tpu.memory_space<hbm>> -> memref<1024x16xf32, #tpu.memory_space<hbm>>
      %dma_wait3A_71 = arith.constant 0 : i32
      %dma_wait3A_72 = tpu.memref_slice %arg11[%add3A_49, %dma_wait3A_71] : memref<100000x16xf32, #tpu.memory_space<vmem_shared>> -> memref<1024x16xf32, #tpu.memory_space<vmem_shared>>
      tpu.wait_dma2 semaphore(%run_scoped3A : memref<!tpu.dma_semaphore, #tpu.memory_space<semaphore_mem>>) src(%dma_wait3A_72 : memref<1024x16xf32, #tpu.memory_space<vmem_shared>>) dst(%dma_wait3A_70 : memref<1024x16xf32, #tpu.memory_space<hbm>>)
      tpu.yield
    }) : () -> ()
    %add3A_52 = arith.constant 2048 : i32
    %add3A_53 = arith.addi %multiple_of3A, %add3A_52 : i32
    %add3A_54 = arith.constant 2048 : i32
    %add3A_55 = arith.addi %multiple_of3A, %add3A_54 : i32
    "tpu.region"() ({
      %run_scoped3A = tpu.sem_alloc : memref<!tpu.dma_semaphore, #tpu.memory_space<semaphore_mem>>
      %dma_start3A = arith.constant 0 : i32
      %dma_start3A_65 = tpu.memref_slice %arg6[%arg0, %add3A_55, %dma_start3A] : memref<2x100000x16xf32, #tpu.memory_space<hbm>> -> memref<1x1024x16xf32, #tpu.memory_space<hbm>>
      %dma_start3A_66 = tpu.memref_squeeze %dma_start3A_65 : memref<1x1024x16xf32, #tpu.memory_space<hbm>> -> memref<1024x16xf32, #tpu.memory_space<hbm>>
      %dma_start3A_67 = arith.constant 0 : i32
      %dma_start3A_68 = tpu.memref_slice %arg11[%add3A_53, %dma_start3A_67] : memref<100000x16xf32, #tpu.memory_space<vmem_shared>> -> memref<1024x16xf32, #tpu.memory_space<vmem_shared>>
      tpu.enqueue_dma source(%dma_start3A_68 : memref<1024x16xf32, #tpu.memory_space<vmem_shared>>) target(%dma_start3A_66 : memref<1024x16xf32, #tpu.memory_space<hbm>>) target_semaphore(%run_scoped3A : memref<!tpu.dma_semaphore, #tpu.memory_space<semaphore_mem>>)
      %dma_wait3A = arith.constant 0 : i32
      %dma_wait3A_69 = tpu.memref_slice %arg6[%arg0, %add3A_55, %dma_wait3A] : memref<2x100000x16xf32, #tpu.memory_space<hbm>> -> memref<1x1024x16xf32, #tpu.memory_space<hbm>>
      %dma_wait3A_70 = tpu.memref_squeeze %dma_wait3A_69 : memref<1x1024x16xf32, #tpu.memory_space<hbm>> -> memref<1024x16xf32, #tpu.memory_space<hbm>>
      %dma_wait3A_71 = arith.constant 0 : i32
      %dma_wait3A_72 = tpu.memref_slice %arg11[%add3A_53, %dma_wait3A_71] : memref<100000x16xf32, #tpu.memory_space<vmem_shared>> -> memref<1024x16xf32, #tpu.memory_space<vmem_shared>>
      tpu.wait_dma2 semaphore(%run_scoped3A : memref<!tpu.dma_semaphore, #tpu.memory_space<semaphore_mem>>) src(%dma_wait3A_72 : memref<1024x16xf32, #tpu.memory_space<vmem_shared>>) dst(%dma_wait3A_70 : memref<1024x16xf32, #tpu.memory_space<hbm>>)
      tpu.yield
    }) : () -> ()
    %add3A_56 = arith.constant 3072 : i32
    %add3A_57 = arith.addi %multiple_of3A, %add3A_56 : i32
    %add3A_58 = arith.constant 3072 : i32
    %add3A_59 = arith.addi %multiple_of3A, %add3A_58 : i32
    "tpu.region"() ({
      %run_scoped3A = tpu.sem_alloc : memref<!tpu.dma_semaphore, #tpu.memory_space<semaphore_mem>>
      %dma_start3A = arith.constant 0 : i32
      %dma_start3A_65 = tpu.memref_slice %arg6[%arg0, %add3A_59, %dma_start3A] : memref<2x100000x16xf32, #tpu.memory_space<hbm>> -> memref<1x3176x16xf32, #tpu.memory_space<hbm>>
      %dma_start3A_66 = tpu.memref_squeeze %dma_start3A_65 : memref<1x3176x16xf32, #tpu.memory_space<hbm>> -> memref<3176x16xf32, #tpu.memory_space<hbm>>
      %dma_start3A_67 = arith.constant 0 : i32
      %dma_start3A_68 = tpu.memref_slice %arg11[%add3A_57, %dma_start3A_67] : memref<100000x16xf32, #tpu.memory_space<vmem_shared>> -> memref<3176x16xf32, #tpu.memory_space<vmem_shared>>
      tpu.enqueue_dma source(%dma_start3A_68 : memref<3176x16xf32, #tpu.memory_space<vmem_shared>>) target(%dma_start3A_66 : memref<3176x16xf32, #tpu.memory_space<hbm>>) target_semaphore(%run_scoped3A : memref<!tpu.dma_semaphore, #tpu.memory_space<semaphore_mem>>)
      %dma_wait3A = arith.constant 0 : i32
      %dma_wait3A_69 = tpu.memref_slice %arg6[%arg0, %add3A_59, %dma_wait3A] : memref<2x100000x16xf32, #tpu.memory_space<hbm>> -> memref<1x3176x16xf32, #tpu.memory_space<hbm>>
      %dma_wait3A_70 = tpu.memref_squeeze %dma_wait3A_69 : memref<1x3176x16xf32, #tpu.memory_space<hbm>> -> memref<3176x16xf32, #tpu.memory_space<hbm>>
      %dma_wait3A_71 = arith.constant 0 : i32
      %dma_wait3A_72 = tpu.memref_slice %arg11[%add3A_57, %dma_wait3A_71] : memref<100000x16xf32, #tpu.memory_space<vmem_shared>> -> memref<3176x16xf32, #tpu.memory_space<vmem_shared>>
      tpu.wait_dma2 semaphore(%run_scoped3A : memref<!tpu.dma_semaphore, #tpu.memory_space<semaphore_mem>>) src(%dma_wait3A_72 : memref<3176x16xf32, #tpu.memory_space<vmem_shared>>) dst(%dma_wait3A_70 : memref<3176x16xf32, #tpu.memory_space<hbm>>)
      tpu.yield
    }) : () -> ()
    %eq3A_60 = arith.constant 15 : i32
    %eq3A_61 = arith.cmpi eq, %arg1, %eq3A_60 : i32
    %convert_element_type3A_62 = arith.extui %eq3A_61 : i1 to i32
    %cond3A_63 = arith.constant 0 : i32
    %cond3A_64 = arith.cmpi ne, %convert_element_type3A_62, %cond3A_63 : i32
    scf.if %cond3A_64 {
      "tpu.region"() ({
        %run_scoped3A = tpu.sem_alloc : memref<!tpu.dma_semaphore, #tpu.memory_space<semaphore_mem>>
        %dma_start3A = arith.constant 99968 : i32
        %dma_start3A_65 = arith.constant 0 : i32
        %dma_start3A_66 = tpu.memref_slice %arg6[%arg0, %dma_start3A, %dma_start3A_65] : memref<2x100000x16xf32, #tpu.memory_space<hbm>> -> memref<1x32x16xf32, #tpu.memory_space<hbm>>
        %dma_start3A_67 = tpu.memref_squeeze %dma_start3A_66 : memref<1x32x16xf32, #tpu.memory_space<hbm>> -> memref<32x16xf32, #tpu.memory_space<hbm>>
        %dma_start3A_68 = arith.constant 99968 : i32
        %dma_start3A_69 = arith.constant 0 : i32
        %dma_start3A_70 = tpu.memref_slice %arg11[%dma_start3A_68, %dma_start3A_69] : memref<100000x16xf32, #tpu.memory_space<vmem_shared>> -> memref<32x16xf32, #tpu.memory_space<vmem_shared>>
        tpu.enqueue_dma source(%dma_start3A_70 : memref<32x16xf32, #tpu.memory_space<vmem_shared>>) target(%dma_start3A_67 : memref<32x16xf32, #tpu.memory_space<hbm>>) target_semaphore(%run_scoped3A : memref<!tpu.dma_semaphore, #tpu.memory_space<semaphore_mem>>)
        %dma_wait3A = arith.constant 99968 : i32
        %dma_wait3A_71 = arith.constant 0 : i32
        %dma_wait3A_72 = tpu.memref_slice %arg6[%arg0, %dma_wait3A, %dma_wait3A_71] : memref<2x100000x16xf32, #tpu.memory_space<hbm>> -> memref<1x32x16xf32, #tpu.memory_space<hbm>>
        %dma_wait3A_73 = tpu.memref_squeeze %dma_wait3A_72 : memref<1x32x16xf32, #tpu.memory_space<hbm>> -> memref<32x16xf32, #tpu.memory_space<hbm>>
        %dma_wait3A_74 = arith.constant 99968 : i32
        %dma_wait3A_75 = arith.constant 0 : i32
        %dma_wait3A_76 = tpu.memref_slice %arg11[%dma_wait3A_74, %dma_wait3A_75] : memref<100000x16xf32, #tpu.memory_space<vmem_shared>> -> memref<32x16xf32, #tpu.memory_space<vmem_shared>>
        tpu.wait_dma2 semaphore(%run_scoped3A : memref<!tpu.dma_semaphore, #tpu.memory_space<semaphore_mem>>) src(%dma_wait3A_76 : memref<32x16xf32, #tpu.memory_space<vmem_shared>>) dst(%dma_wait3A_73 : memref<32x16xf32, #tpu.memory_space<hbm>>)
        tpu.yield
      }) : () -> ()
    } else {
    }
    return
  }
}

#map = affine_map<(d0, d1) -> (0, 0)>
#map1 = affine_map<(d0, d1) -> (0)>
module attributes {stable_mosaic.version = 14 : i64} {
  func.func @_deg_pass(%arg0: i32, %arg1: i32, %arg2: memref<12800x128xi32, #tpu.memory_space<hbm>>, %arg3: memref<1638400xf32, #tpu.memory_space<hbm>>, %arg4: memref<200000xf32, #tpu.memory_space<hbm>>, %arg5: memref<8x128xi32, #tpu.memory_space<vmem>>, %arg6: memref<1024xf32, #tpu.memory_space<vmem>>, %arg7: memref<1024xf32, #tpu.memory_space<vmem>>, %arg8: memref<100000xf32, #tpu.memory_space<vmem_shared>>) attributes {dimension_semantics = [#tpu.dimension_semantics<core_parallel>, #tpu.dimension_semantics<subcore_parallel>], iteration_bounds = array<i64: 2, 16>, scalar_prefetch = 0 : i64, scratch_operands = 4 : i64, tpu.core_type = #tpu.core_type<sc_vector_subcore>, window_params = [{transform_indices = #map}, {transform_indices = #map1}, {transform_indices = #map1}]} {
    %scan3A = arith.constant 0 : i32
    %scan3A_0 = arith.constant 0 : i32
    %scan3A_1 = arith.constant 64 : i32
    %scan3A_2 = arith.addi %scan3A_0, %scan3A_1 : i32
    %scan3A_3 = arith.constant 8 : i32
    %scan3A_4 = scf.for %scan3A_70 = %scan3A_0 to %scan3A_2 step %scan3A_3 iter_args(%scan3A_71 = %scan3A) -> (i32)  : i32 {
      %broadcast_in_dim3A = arith.constant 0.000000e+00 : f32
      %broadcast_in_dim3A_72 = vector.broadcast %broadcast_in_dim3A : f32 to vector<16xf32>
      %mul3A_73 = arith.constant 16 : i32
      %mul3A_74 = arith.muli %scan3A_70, %mul3A_73 : i32
      %swap3A = arith.index_cast %mul3A_74 : i32 to index
      %swap3A_75 = tpu.vector_load %arg7[%swap3A] {strides = array<i32>} : memref<1024xf32, #tpu.memory_space<vmem>>, vector<16xf32>,
      %swap3A_76 = vector.shape_cast %swap3A_75 : vector<16xf32> to vector<16xf32>
      %swap3A_77 = vector.shape_cast %broadcast_in_dim3A_72 : vector<16xf32> to vector<16xf32>
      tpu.vector_store %arg7[%swap3A], %swap3A_77 {strides = array<i32>} : memref<1024xf32, #tpu.memory_space<vmem>>, vector<16xf32>,
      %scan3A_78 = arith.constant 0 : i32
      %scan3A_79 = arith.constant 1 : i32
      %scan3A_80 = arith.addi %scan3A_70, %scan3A_79 : i32
      %broadcast_in_dim3A_81 = arith.constant 0.000000e+00 : f32
      %broadcast_in_dim3A_82 = vector.broadcast %broadcast_in_dim3A_81 : f32 to vector<16xf32>
      %mul3A_83 = arith.constant 16 : i32
      %mul3A_84 = arith.muli %scan3A_80, %mul3A_83 : i32
      %swap3A_85 = arith.index_cast %mul3A_84 : i32 to index
      %swap3A_86 = tpu.vector_load %arg7[%swap3A_85] {strides = array<i32>} : memref<1024xf32, #tpu.memory_space<vmem>>, vector<16xf32>,
      %swap3A_87 = vector.shape_cast %swap3A_86 : vector<16xf32> to vector<16xf32>
      %swap3A_88 = vector.shape_cast %broadcast_in_dim3A_82 : vector<16xf32> to vector<16xf32>
      tpu.vector_store %arg7[%swap3A_85], %swap3A_88 {strides = array<i32>} : memref<1024xf32, #tpu.memory_space<vmem>>, vector<16xf32>,
      %scan3A_89 = arith.constant 0 : i32
      %scan3A_90 = arith.constant 2 : i32
      %scan3A_91 = arith.addi %scan3A_70, %scan3A_90 : i32
      %broadcast_in_dim3A_92 = arith.constant 0.000000e+00 : f32
      %broadcast_in_dim3A_93 = vector.broadcast %broadcast_in_dim3A_92 : f32 to vector<16xf32>
      %mul3A_94 = arith.constant 16 : i32
      %mul3A_95 = arith.muli %scan3A_91, %mul3A_94 : i32
      %swap3A_96 = arith.index_cast %mul3A_95 : i32 to index
      %swap3A_97 = tpu.vector_load %arg7[%swap3A_96] {strides = array<i32>} : memref<1024xf32, #tpu.memory_space<vmem>>, vector<16xf32>,
      %swap3A_98 = vector.shape_cast %swap3A_97 : vector<16xf32> to vector<16xf32>
      %swap3A_99 = vector.shape_cast %broadcast_in_dim3A_93 : vector<16xf32> to vector<16xf32>
      tpu.vector_store %arg7[%swap3A_96], %swap3A_99 {strides = array<i32>} : memref<1024xf32, #tpu.memory_space<vmem>>, vector<16xf32>,
      %scan3A_100 = arith.constant 0 : i32
      %scan3A_101 = arith.constant 3 : i32
      %scan3A_102 = arith.addi %scan3A_70, %scan3A_101 : i32
      %broadcast_in_dim3A_103 = arith.constant 0.000000e+00 : f32
      %broadcast_in_dim3A_104 = vector.broadcast %broadcast_in_dim3A_103 : f32 to vector<16xf32>
      %mul3A_105 = arith.constant 16 : i32
      %mul3A_106 = arith.muli %scan3A_102, %mul3A_105 : i32
      %swap3A_107 = arith.index_cast %mul3A_106 : i32 to index
      %swap3A_108 = tpu.vector_load %arg7[%swap3A_107] {strides = array<i32>} : memref<1024xf32, #tpu.memory_space<vmem>>, vector<16xf32>,
      %swap3A_109 = vector.shape_cast %swap3A_108 : vector<16xf32> to vector<16xf32>
      %swap3A_110 = vector.shape_cast %broadcast_in_dim3A_104 : vector<16xf32> to vector<16xf32>
      tpu.vector_store %arg7[%swap3A_107], %swap3A_110 {strides = array<i32>} : memref<1024xf32, #tpu.memory_space<vmem>>, vector<16xf32>,
      %scan3A_111 = arith.constant 0 : i32
      %scan3A_112 = arith.constant 4 : i32
      %scan3A_113 = arith.addi %scan3A_70, %scan3A_112 : i32
      %broadcast_in_dim3A_114 = arith.constant 0.000000e+00 : f32
      %broadcast_in_dim3A_115 = vector.broadcast %broadcast_in_dim3A_114 : f32 to vector<16xf32>
      %mul3A_116 = arith.constant 16 : i32
      %mul3A_117 = arith.muli %scan3A_113, %mul3A_116 : i32
      %swap3A_118 = arith.index_cast %mul3A_117 : i32 to index
      %swap3A_119 = tpu.vector_load %arg7[%swap3A_118] {strides = array<i32>} : memref<1024xf32, #tpu.memory_space<vmem>>, vector<16xf32>,
      %swap3A_120 = vector.shape_cast %swap3A_119 : vector<16xf32> to vector<16xf32>
      %swap3A_121 = vector.shape_cast %broadcast_in_dim3A_115 : vector<16xf32> to vector<16xf32>
      tpu.vector_store %arg7[%swap3A_118], %swap3A_121 {strides = array<i32>} : memref<1024xf32, #tpu.memory_space<vmem>>, vector<16xf32>,
      %scan3A_122 = arith.constant 0 : i32
      %scan3A_123 = arith.constant 5 : i32
      %scan3A_124 = arith.addi %scan3A_70, %scan3A_123 : i32
      %broadcast_in_dim3A_125 = arith.constant 0.000000e+00 : f32
      %broadcast_in_dim3A_126 = vector.broadcast %broadcast_in_dim3A_125 : f32 to vector<16xf32>
      %mul3A_127 = arith.constant 16 : i32
      %mul3A_128 = arith.muli %scan3A_124, %mul3A_127 : i32
      %swap3A_129 = arith.index_cast %mul3A_128 : i32 to index
      %swap3A_130 = tpu.vector_load %arg7[%swap3A_129] {strides = array<i32>} : memref<1024xf32, #tpu.memory_space<vmem>>, vector<16xf32>,
      %swap3A_131 = vector.shape_cast %swap3A_130 : vector<16xf32> to vector<16xf32>
      %swap3A_132 = vector.shape_cast %broadcast_in_dim3A_126 : vector<16xf32> to vector<16xf32>
      tpu.vector_store %arg7[%swap3A_129], %swap3A_132 {strides = array<i32>} : memref<1024xf32, #tpu.memory_space<vmem>>, vector<16xf32>,
      %scan3A_133 = arith.constant 0 : i32
      %scan3A_134 = arith.constant 6 : i32
      %scan3A_135 = arith.addi %scan3A_70, %scan3A_134 : i32
      %broadcast_in_dim3A_136 = arith.constant 0.000000e+00 : f32
      %broadcast_in_dim3A_137 = vector.broadcast %broadcast_in_dim3A_136 : f32 to vector<16xf32>
      %mul3A_138 = arith.constant 16 : i32
      %mul3A_139 = arith.muli %scan3A_135, %mul3A_138 : i32
      %swap3A_140 = arith.index_cast %mul3A_139 : i32 to index
      %swap3A_141 = tpu.vector_load %arg7[%swap3A_140] {strides = array<i32>} : memref<1024xf32, #tpu.memory_space<vmem>>, vector<16xf32>,
      %swap3A_142 = vector.shape_cast %swap3A_141 : vector<16xf32> to vector<16xf32>
      %swap3A_143 = vector.shape_cast %broadcast_in_dim3A_137 : vector<16xf32> to vector<16xf32>
      tpu.vector_store %arg7[%swap3A_140], %swap3A_143 {strides = array<i32>} : memref<1024xf32, #tpu.memory_space<vmem>>, vector<16xf32>,
      %scan3A_144 = arith.constant 0 : i32
      %scan3A_145 = arith.constant 7 : i32
      %scan3A_146 = arith.addi %scan3A_70, %scan3A_145 : i32
      %broadcast_in_dim3A_147 = arith.constant 0.000000e+00 : f32
      %broadcast_in_dim3A_148 = vector.broadcast %broadcast_in_dim3A_147 : f32 to vector<16xf32>
      %mul3A_149 = arith.constant 16 : i32
      %mul3A_150 = arith.muli %scan3A_146, %mul3A_149 : i32
      %swap3A_151 = arith.index_cast %mul3A_150 : i32 to index
      %swap3A_152 = tpu.vector_load %arg7[%swap3A_151] {strides = array<i32>} : memref<1024xf32, #tpu.memory_space<vmem>>, vector<16xf32>,
      %swap3A_153 = vector.shape_cast %swap3A_152 : vector<16xf32> to vector<16xf32>
      %swap3A_154 = vector.shape_cast %broadcast_in_dim3A_148 : vector<16xf32> to vector<16xf32>
      tpu.vector_store %arg7[%swap3A_151], %swap3A_154 {strides = array<i32>} : memref<1024xf32, #tpu.memory_space<vmem>>, vector<16xf32>,
      %scan3A_155 = arith.constant 0 : i32
      scf.yield %scan3A_155 : i32
    }
    %scan3A_5 = arith.constant 64 : i32
    %mul3A = arith.constant 6248 : i32
    %mul3A_6 = arith.muli %arg1, %mul3A : i32
    %multiple_of3A = tpu.assume_multiple %mul3A_6, 8 : i32
    %add3A = arith.constant 0 : i32
    %add3A_7 = arith.addi %multiple_of3A, %add3A : i32
    "tpu.region"() ({
      %run_scoped3A = tpu.sem_alloc : memref<!tpu.dma_semaphore, #tpu.memory_space<semaphore_mem>>
      %dma_start3A = tpu.memref_slice %arg8[%add3A_7] : memref<100000xf32, #tpu.memory_space<vmem_shared>> -> memref<1024xf32, #tpu.memory_space<vmem_shared>>
      %dma_start3A_70 = tpu.memref_slice %arg8[%add3A_7] : memref<100000xf32, #tpu.memory_space<vmem_shared>> -> memref<1024xf32, #tpu.memory_space<vmem_shared>>
      tpu.enqueue_dma source(%arg7 : memref<1024xf32, #tpu.memory_space<vmem>>) target(%dma_start3A_70 : memref<1024xf32, #tpu.memory_space<vmem_shared>>) target_semaphore(%run_scoped3A : memref<!tpu.dma_semaphore, #tpu.memory_space<semaphore_mem>>)
      %dma_wait3A = tpu.memref_slice %arg8[%add3A_7] : memref<100000xf32, #tpu.memory_space<vmem_shared>> -> memref<1024xf32, #tpu.memory_space<vmem_shared>>
      %dma_wait3A_71 = tpu.memref_slice %arg8[%add3A_7] : memref<100000xf32, #tpu.memory_space<vmem_shared>> -> memref<1024xf32, #tpu.memory_space<vmem_shared>>
      tpu.wait_dma2 semaphore(%run_scoped3A : memref<!tpu.dma_semaphore, #tpu.memory_space<semaphore_mem>>) src(%arg7 : memref<1024xf32, #tpu.memory_space<vmem>>) dst(%dma_wait3A_71 : memref<1024xf32, #tpu.memory_space<vmem_shared>>)
      tpu.yield
    }) : () -> ()
    %add3A_8 = arith.constant 1024 : i32
    %add3A_9 = arith.addi %multiple_of3A, %add3A_8 : i32
    "tpu.region"() ({
      %run_scoped3A = tpu.sem_alloc : memref<!tpu.dma_semaphore, #tpu.memory_space<semaphore_mem>>
      %dma_start3A = tpu.memref_slice %arg8[%add3A_9] : memref<100000xf32, #tpu.memory_space<vmem_shared>> -> memref<1024xf32, #tpu.memory_space<vmem_shared>>
      %dma_start3A_70 = tpu.memref_slice %arg8[%add3A_9] : memref<100000xf32, #tpu.memory_space<vmem_shared>> -> memref<1024xf32, #tpu.memory_space<vmem_shared>>
      tpu.enqueue_dma source(%arg7 : memref<1024xf32, #tpu.memory_space<vmem>>) target(%dma_start3A_70 : memref<1024xf32, #tpu.memory_space<vmem_shared>>) target_semaphore(%run_scoped3A : memref<!tpu.dma_semaphore, #tpu.memory_space<semaphore_mem>>)
      %dma_wait3A = tpu.memref_slice %arg8[%add3A_9] : memref<100000xf32, #tpu.memory_space<vmem_shared>> -> memref<1024xf32, #tpu.memory_space<vmem_shared>>
      %dma_wait3A_71 = tpu.memref_slice %arg8[%add3A_9] : memref<100000xf32, #tpu.memory_space<vmem_shared>> -> memref<1024xf32, #tpu.memory_space<vmem_shared>>
      tpu.wait_dma2 semaphore(%run_scoped3A : memref<!tpu.dma_semaphore, #tpu.memory_space<semaphore_mem>>) src(%arg7 : memref<1024xf32, #tpu.memory_space<vmem>>) dst(%dma_wait3A_71 : memref<1024xf32, #tpu.memory_space<vmem_shared>>)
      tpu.yield
    }) : () -> ()
    %add3A_10 = arith.constant 2048 : i32
    %add3A_11 = arith.addi %multiple_of3A, %add3A_10 : i32
    "tpu.region"() ({
      %run_scoped3A = tpu.sem_alloc : memref<!tpu.dma_semaphore, #tpu.memory_space<semaphore_mem>>
      %dma_start3A = tpu.memref_slice %arg8[%add3A_11] : memref<100000xf32, #tpu.memory_space<vmem_shared>> -> memref<1024xf32, #tpu.memory_space<vmem_shared>>
      %dma_start3A_70 = tpu.memref_slice %arg8[%add3A_11] : memref<100000xf32, #tpu.memory_space<vmem_shared>> -> memref<1024xf32, #tpu.memory_space<vmem_shared>>
      tpu.enqueue_dma source(%arg7 : memref<1024xf32, #tpu.memory_space<vmem>>) target(%dma_start3A_70 : memref<1024xf32, #tpu.memory_space<vmem_shared>>) target_semaphore(%run_scoped3A : memref<!tpu.dma_semaphore, #tpu.memory_space<semaphore_mem>>)
      %dma_wait3A = tpu.memref_slice %arg8[%add3A_11] : memref<100000xf32, #tpu.memory_space<vmem_shared>> -> memref<1024xf32, #tpu.memory_space<vmem_shared>>
      %dma_wait3A_71 = tpu.memref_slice %arg8[%add3A_11] : memref<100000xf32, #tpu.memory_space<vmem_shared>> -> memref<1024xf32, #tpu.memory_space<vmem_shared>>
      tpu.wait_dma2 semaphore(%run_scoped3A : memref<!tpu.dma_semaphore, #tpu.memory_space<semaphore_mem>>) src(%arg7 : memref<1024xf32, #tpu.memory_space<vmem>>) dst(%dma_wait3A_71 : memref<1024xf32, #tpu.memory_space<vmem_shared>>)
      tpu.yield
    }) : () -> ()
    %add3A_12 = arith.constant 3072 : i32
    %add3A_13 = arith.addi %multiple_of3A, %add3A_12 : i32
    "tpu.region"() ({
      %run_scoped3A = tpu.sem_alloc : memref<!tpu.dma_semaphore, #tpu.memory_space<semaphore_mem>>
      %dma_start3A = arith.constant 0 : i32
      %dma_start3A_70 = tpu.memref_slice %arg7[%dma_start3A] : memref<1024xf32, #tpu.memory_space<vmem>> -> memref<3176xf32, #tpu.memory_space<vmem>>
      %dma_start3A_71 = tpu.memref_slice %arg8[%add3A_13] : memref<100000xf32, #tpu.memory_space<vmem_shared>> -> memref<3176xf32, #tpu.memory_space<vmem_shared>>
      %dma_start3A_72 = tpu.memref_slice %arg8[%add3A_13] : memref<100000xf32, #tpu.memory_space<vmem_shared>> -> memref<3176xf32, #tpu.memory_space<vmem_shared>>
      %dma_start3A_73 = arith.constant 0 : i32
      %dma_start3A_74 = tpu.memref_slice %arg7[%dma_start3A_73] : memref<1024xf32, #tpu.memory_space<vmem>> -> memref<3176xf32, #tpu.memory_space<vmem>>
      tpu.enqueue_dma source(%dma_start3A_74 : memref<3176xf32, #tpu.memory_space<vmem>>) target(%dma_start3A_72 : memref<3176xf32, #tpu.memory_space<vmem_shared>>) target_semaphore(%run_scoped3A : memref<!tpu.dma_semaphore, #tpu.memory_space<semaphore_mem>>)
      %dma_wait3A = arith.constant 0 : i32
      %dma_wait3A_75 = tpu.memref_slice %arg7[%dma_wait3A] : memref<1024xf32, #tpu.memory_space<vmem>> -> memref<3176xf32, #tpu.memory_space<vmem>>
      %dma_wait3A_76 = tpu.memref_slice %arg8[%add3A_13] : memref<100000xf32, #tpu.memory_space<vmem_shared>> -> memref<3176xf32, #tpu.memory_space<vmem_shared>>
      %dma_wait3A_77 = tpu.memref_slice %arg8[%add3A_13] : memref<100000xf32, #tpu.memory_space<vmem_shared>> -> memref<3176xf32, #tpu.memory_space<vmem_shared>>
      %dma_wait3A_78 = arith.constant 0 : i32
      %dma_wait3A_79 = tpu.memref_slice %arg7[%dma_wait3A_78] : memref<1024xf32, #tpu.memory_space<vmem>> -> memref<3176xf32, #tpu.memory_space<vmem>>
      tpu.wait_dma2 semaphore(%run_scoped3A : memref<!tpu.dma_semaphore, #tpu.memory_space<semaphore_mem>>) src(%dma_wait3A_79 : memref<3176xf32, #tpu.memory_space<vmem>>) dst(%dma_wait3A_77 : memref<3176xf32, #tpu.memory_space<vmem_shared>>)
      tpu.yield
    }) : () -> ()
    %eq3A = arith.constant 15 : i32
    %eq3A_14 = arith.cmpi eq, %arg1, %eq3A : i32
    %convert_element_type3A = arith.extui %eq3A_14 : i1 to i32
    %cond3A = arith.constant 0 : i32
    %cond3A_15 = arith.cmpi ne, %convert_element_type3A, %cond3A : i32
    scf.if %cond3A_15 {
      "tpu.region"() ({
        %run_scoped3A = tpu.sem_alloc : memref<!tpu.dma_semaphore, #tpu.memory_space<semaphore_mem>>
        %dma_start3A = arith.constant 0 : i32
        %dma_start3A_70 = tpu.memref_slice %arg7[%dma_start3A] : memref<1024xf32, #tpu.memory_space<vmem>> -> memref<32xf32, #tpu.memory_space<vmem>>
        %dma_start3A_71 = arith.constant 99968 : i32
        %dma_start3A_72 = tpu.memref_slice %arg8[%dma_start3A_71] : memref<100000xf32, #tpu.memory_space<vmem_shared>> -> memref<32xf32, #tpu.memory_space<vmem_shared>>
        %dma_start3A_73 = arith.constant 99968 : i32
        %dma_start3A_74 = tpu.memref_slice %arg8[%dma_start3A_73] : memref<100000xf32, #tpu.memory_space<vmem_shared>> -> memref<32xf32, #tpu.memory_space<vmem_shared>>
        %dma_start3A_75 = arith.constant 0 : i32
        %dma_start3A_76 = tpu.memref_slice %arg7[%dma_start3A_75] : memref<1024xf32, #tpu.memory_space<vmem>> -> memref<32xf32, #tpu.memory_space<vmem>>
        tpu.enqueue_dma source(%dma_start3A_76 : memref<32xf32, #tpu.memory_space<vmem>>) target(%dma_start3A_74 : memref<32xf32, #tpu.memory_space<vmem_shared>>) target_semaphore(%run_scoped3A : memref<!tpu.dma_semaphore, #tpu.memory_space<semaphore_mem>>)
        %dma_wait3A = arith.constant 0 : i32
        %dma_wait3A_77 = tpu.memref_slice %arg7[%dma_wait3A] : memref<1024xf32, #tpu.memory_space<vmem>> -> memref<32xf32, #tpu.memory_space<vmem>>
        %dma_wait3A_78 = arith.constant 99968 : i32
        %dma_wait3A_79 = tpu.memref_slice %arg8[%dma_wait3A_78] : memref<100000xf32, #tpu.memory_space<vmem_shared>> -> memref<32xf32, #tpu.memory_space<vmem_shared>>
        %dma_wait3A_80 = arith.constant 99968 : i32
        %dma_wait3A_81 = tpu.memref_slice %arg8[%dma_wait3A_80] : memref<100000xf32, #tpu.memory_space<vmem_shared>> -> memref<32xf32, #tpu.memory_space<vmem_shared>>
        %dma_wait3A_82 = arith.constant 0 : i32
        %dma_wait3A_83 = tpu.memref_slice %arg7[%dma_wait3A_82] : memref<1024xf32, #tpu.memory_space<vmem>> -> memref<32xf32, #tpu.memory_space<vmem>>
        tpu.wait_dma2 semaphore(%run_scoped3A : memref<!tpu.dma_semaphore, #tpu.memory_space<semaphore_mem>>) src(%dma_wait3A_83 : memref<32xf32, #tpu.memory_space<vmem>>) dst(%dma_wait3A_81 : memref<32xf32, #tpu.memory_space<vmem_shared>>)
        tpu.yield
      }) : () -> ()
    } else {
    }
    %barrier3A = arith.constant 0 : index
    tpu.barrier barrier_id(%barrier3A)
    %mul3A_16 = arith.constant 16 : i32
    %mul3A_17 = arith.muli %arg0, %mul3A_16 : i32
    %add3A_18 = arith.addi %mul3A_17, %arg1 : i32
    %mul3A_19 = arith.constant 51200 : i32
    %mul3A_20 = arith.muli %add3A_18, %mul3A_19 : i32
    %jit3A = arith.constant 128 : i32
    %div3A = arith.divsi %mul3A_20, %jit3A : i32
    %sign3A = arith.constant 0 : i32
    %sign3A_21 = arith.cmpi sgt, %mul3A_20, %sign3A : i32
    %sign3A_22 = arith.extui %sign3A_21 : i1 to i32
    %sign3A_23 = arith.constant 0 : i32
    %sign3A_24 = arith.cmpi slt, %mul3A_20, %sign3A_23 : i32
    %sign3A_25 = arith.extui %sign3A_24 : i1 to i32
    %sign3A_26 = arith.subi %sign3A_22, %sign3A_25 : i32
    %sign3A_27 = arith.constant 0 : i32
    %sign3A_28 = arith.cmpi sgt, %jit3A, %sign3A_27 : i32
    %sign3A_29 = arith.extui %sign3A_28 : i1 to i32
    %sign3A_30 = arith.constant 0 : i32
    %sign3A_31 = arith.cmpi slt, %jit3A, %sign3A_30 : i32
    %sign3A_32 = arith.extui %sign3A_31 : i1 to i32
    %sign3A_33 = arith.subi %sign3A_29, %sign3A_32 : i32
    %ne3A = arith.cmpi ne, %sign3A_26, %sign3A_33 : i32
    %rem3A = arith.remsi %mul3A_20, %jit3A : i32
    %ne3A_34 = arith.constant 0 : i32
    %ne3A_35 = arith.cmpi ne, %rem3A, %ne3A_34 : i32
    %and3A = arith.andi %ne3A, %ne3A_35 : i1
    %sub3A = arith.constant 1 : i32
    %sub3A_36 = arith.subi %div3A, %sub3A : i32
    %select_n3A = arith.select %and3A, %sub3A_36, %div3A : i32
    %scan3A_37 = arith.constant 0 : i32
    %scan3A_38 = arith.constant 0 : i32
    %scan3A_39 = arith.constant 50 : i32
    %scan3A_40 = arith.addi %scan3A_38, %scan3A_39 : i32
    %scan3A_41 = arith.constant 1 : i32
    %scan3A_42 = scf.for %scan3A_70 = %scan3A_38 to %scan3A_40 step %scan3A_41 iter_args(%scan3A_71 = %scan3A_37) -> (i32)  : i32 {
      %mul3A_72 = arith.constant 1024 : i32
      %mul3A_73 = arith.muli %scan3A_70, %mul3A_72 : i32
      %add3A_74 = arith.addi %mul3A_20, %mul3A_73 : i32
      %multiple_of3A_75 = tpu.assume_multiple %add3A_74, 1024 : i32
      %mul3A_76 = arith.constant 8 : i32
      %mul3A_77 = arith.muli %scan3A_70, %mul3A_76 : i32
      %add3A_78 = arith.addi %select_n3A, %mul3A_77 : i32
      %multiple_of3A_79 = tpu.assume_multiple %add3A_78, 8 : i32
      "tpu.region"() ({
        %run_scoped3A = tpu.sem_alloc : memref<!tpu.dma_semaphore, #tpu.memory_space<semaphore_mem>>
        %dma_start3A = arith.constant 0 : i32
        %dma_start3A_88 = tpu.memref_slice %arg2[%multiple_of3A_79, %dma_start3A] : memref<12800x128xi32, #tpu.memory_space<hbm>> -> memref<8x128xi32, #tpu.memory_space<hbm>>
        %dma_start3A_89 = arith.constant 0 : i32
        %dma_start3A_90 = tpu.memref_slice %arg2[%multiple_of3A_79, %dma_start3A_89] : memref<12800x128xi32, #tpu.memory_space<hbm>> -> memref<8x128xi32, #tpu.memory_space<hbm>>
        tpu.enqueue_dma source(%dma_start3A_90 : memref<8x128xi32, #tpu.memory_space<hbm>>) target(%arg5 : memref<8x128xi32, #tpu.memory_space<vmem>>) target_semaphore(%run_scoped3A : memref<!tpu.dma_semaphore, #tpu.memory_space<semaphore_mem>>)
        %dma_wait3A = arith.constant 0 : i32
        %dma_wait3A_91 = tpu.memref_slice %arg2[%multiple_of3A_79, %dma_wait3A] : memref<12800x128xi32, #tpu.memory_space<hbm>> -> memref<8x128xi32, #tpu.memory_space<hbm>>
        %dma_wait3A_92 = arith.constant 0 : i32
        %dma_wait3A_93 = tpu.memref_slice %arg2[%multiple_of3A_79, %dma_wait3A_92] : memref<12800x128xi32, #tpu.memory_space<hbm>> -> memref<8x128xi32, #tpu.memory_space<hbm>>
        tpu.wait_dma2 semaphore(%run_scoped3A : memref<!tpu.dma_semaphore, #tpu.memory_space<semaphore_mem>>) src(%dma_wait3A_93 : memref<8x128xi32, #tpu.memory_space<hbm>>) dst(%arg5 : memref<8x128xi32, #tpu.memory_space<vmem>>)
        tpu.yield
      }) : () -> ()
      "tpu.region"() ({
        %run_scoped3A = tpu.sem_alloc : memref<!tpu.dma_semaphore, #tpu.memory_space<semaphore_mem>>
        %dma_start3A = tpu.memref_slice %arg3[%multiple_of3A_75] : memref<1638400xf32, #tpu.memory_space<hbm>> -> memref<1024xf32, #tpu.memory_space<hbm>>
        %dma_start3A_88 = tpu.memref_slice %arg3[%multiple_of3A_75] : memref<1638400xf32, #tpu.memory_space<hbm>> -> memref<1024xf32, #tpu.memory_space<hbm>>
        tpu.enqueue_dma source(%dma_start3A_88 : memref<1024xf32, #tpu.memory_space<hbm>>) target(%arg6 : memref<1024xf32, #tpu.memory_space<vmem>>) target_semaphore(%run_scoped3A : memref<!tpu.dma_semaphore, #tpu.memory_space<semaphore_mem>>)
        %dma_wait3A = tpu.memref_slice %arg3[%multiple_of3A_75] : memref<1638400xf32, #tpu.memory_space<hbm>> -> memref<1024xf32, #tpu.memory_space<hbm>>
        %dma_wait3A_89 = tpu.memref_slice %arg3[%multiple_of3A_75] : memref<1638400xf32, #tpu.memory_space<hbm>> -> memref<1024xf32, #tpu.memory_space<hbm>>
        tpu.wait_dma2 semaphore(%run_scoped3A : memref<!tpu.dma_semaphore, #tpu.memory_space<semaphore_mem>>) src(%dma_wait3A_89 : memref<1024xf32, #tpu.memory_space<hbm>>) dst(%arg6 : memref<1024xf32, #tpu.memory_space<vmem>>)
        tpu.yield
      }) : () -> ()
      %scan3A_80 = arith.constant 0 : i32
      %scan3A_81 = arith.constant 0 : i32
      %scan3A_82 = arith.constant 8 : i32
      %scan3A_83 = arith.addi %scan3A_81, %scan3A_82 : i32
      %scan3A_84 = arith.constant 1 : i32
      %scan3A_85 = scf.for %scan3A_88 = %scan3A_81 to %scan3A_83 step %scan3A_84 iter_args(%scan3A_89 = %scan3A_80) -> (i32)  : i32 {
        %mul3A_90 = arith.constant 128 : i32
        %mul3A_91 = arith.muli %scan3A_88, %mul3A_90 : i32
        "tpu.region"() ({
          %run_scoped3A = tpu.sem_alloc : memref<!tpu.dma_semaphore, #tpu.memory_space<semaphore_mem>>
          %dma_start3A = tpu.memref_slice %arg6[%mul3A_91] : memref<1024xf32, #tpu.memory_space<vmem>> -> memref<128xf32, #tpu.memory_space<vmem>>
          %dma_start3A_93 = arith.constant 0 : i32
          %dma_start3A_94 = tpu.memref_slice %arg5[%scan3A_88, %dma_start3A_93] : memref<8x128xi32, #tpu.memory_space<vmem>> -> memref<1x128xi32, #tpu.memory_space<vmem>>
          %dma_start3A_95 = tpu.memref_squeeze %dma_start3A_94 : memref<1x128xi32, #tpu.memory_space<vmem>> -> memref<128xi32, #tpu.memory_space<vmem>>
          %dma_start3A_96 = arith.constant 0 : i32
          %dma_start3A_97 = tpu.memref_slice %arg8[%dma_start3A_96] : memref<100000xf32, #tpu.memory_space<vmem_shared>> -> memref<100000xf32, #tpu.memory_space<vmem_shared>>
          tpu.enqueue_indirect_dma source(%dma_start3A : memref<128xf32, #tpu.memory_space<vmem>>) target(%dma_start3A_97 : memref<100000xf32, #tpu.memory_space<vmem_shared>>) offsets(%dma_start3A_95 : memref<128xi32, #tpu.memory_space<vmem>>) semaphore(%run_scoped3A : memref<!tpu.dma_semaphore, #tpu.memory_space<semaphore_mem>>) {add = true}
          %dma_wait3A = tpu.memref_slice %arg6[%mul3A_91] : memref<1024xf32, #tpu.memory_space<vmem>> -> memref<128xf32, #tpu.memory_space<vmem>>
          %dma_wait3A_98 = arith.constant 0 : i32
          %dma_wait3A_99 = tpu.memref_slice %arg5[%scan3A_88, %dma_wait3A_98] : memref<8x128xi32, #tpu.memory_space<vmem>> -> memref<1x128xi32, #tpu.memory_space<vmem>>
          %dma_wait3A_100 = tpu.memref_squeeze %dma_wait3A_99 : memref<1x128xi32, #tpu.memory_space<vmem>> -> memref<128xi32, #tpu.memory_space<vmem>>
          %dma_wait3A_101 = arith.constant 0 : i32
          %dma_wait3A_102 = tpu.memref_slice %arg8[%dma_wait3A_101] : memref<100000xf32, #tpu.memory_space<vmem_shared>> -> memref<100000xf32, #tpu.memory_space<vmem_shared>>
          tpu.wait_indirect_dma semaphore(%run_scoped3A : memref<!tpu.dma_semaphore, #tpu.memory_space<semaphore_mem>>) src(%dma_wait3A : memref<128xf32, #tpu.memory_space<vmem>>) dst(%dma_wait3A_102 : memref<100000xf32, #tpu.memory_space<vmem_shared>>)
          tpu.yield
        }) : () -> ()
        %scan3A_92 = arith.constant 0 : i32
        scf.yield %scan3A_92 : i32
      }
      %scan3A_86 = arith.constant 8 : i32
      %scan3A_87 = arith.constant 0 : i32
      scf.yield %scan3A_87 : i32
    }
    %scan3A_43 = arith.constant 50 : i32
    %barrier3A_44 = arith.constant 0 : index
    tpu.barrier barrier_id(%barrier3A_44)
    %mul3A_45 = arith.constant 100000 : i32
    %mul3A_46 = arith.muli %arg0, %mul3A_45 : i32
    %add3A_47 = arith.addi %mul3A_46, %multiple_of3A : i32
    %multiple_of3A_48 = tpu.assume_multiple %add3A_47, 8 : i32
    %add3A_49 = arith.constant 0 : i32
    %add3A_50 = arith.addi %multiple_of3A, %add3A_49 : i32
    "tpu.region"() ({
      %run_scoped3A = tpu.sem_alloc : memref<!tpu.dma_semaphore, #tpu.memory_space<semaphore_mem>>
      %dma_start3A = tpu.memref_slice %arg8[%add3A_50] : memref<100000xf32, #tpu.memory_space<vmem_shared>> -> memref<1024xf32, #tpu.memory_space<vmem_shared>>
      %dma_start3A_70 = tpu.memref_slice %arg8[%add3A_50] : memref<100000xf32, #tpu.memory_space<vmem_shared>> -> memref<1024xf32, #tpu.memory_space<vmem_shared>>
      tpu.enqueue_dma source(%dma_start3A_70 : memref<1024xf32, #tpu.memory_space<vmem_shared>>) target(%arg7 : memref<1024xf32, #tpu.memory_space<vmem>>) target_semaphore(%run_scoped3A : memref<!tpu.dma_semaphore, #tpu.memory_space<semaphore_mem>>)
      %dma_wait3A = tpu.memref_slice %arg8[%add3A_50] : memref<100000xf32, #tpu.memory_space<vmem_shared>> -> memref<1024xf32, #tpu.memory_space<vmem_shared>>
      %dma_wait3A_71 = tpu.memref_slice %arg8[%add3A_50] : memref<100000xf32, #tpu.memory_space<vmem_shared>> -> memref<1024xf32, #tpu.memory_space<vmem_shared>>
      tpu.wait_dma2 semaphore(%run_scoped3A : memref<!tpu.dma_semaphore, #tpu.memory_space<semaphore_mem>>) src(%dma_wait3A_71 : memref<1024xf32, #tpu.memory_space<vmem_shared>>) dst(%arg7 : memref<1024xf32, #tpu.memory_space<vmem>>)
      tpu.yield
    }) : () -> ()
    %add3A_51 = arith.constant 0 : i32
    %add3A_52 = arith.addi %multiple_of3A_48, %add3A_51 : i32
    "tpu.region"() ({
      %run_scoped3A = tpu.sem_alloc : memref<!tpu.dma_semaphore, #tpu.memory_space<semaphore_mem>>
      %dma_start3A = tpu.memref_slice %arg4[%add3A_52] : memref<200000xf32, #tpu.memory_space<hbm>> -> memref<1024xf32, #tpu.memory_space<hbm>>
      %dma_start3A_70 = tpu.memref_slice %arg4[%add3A_52] : memref<200000xf32, #tpu.memory_space<hbm>> -> memref<1024xf32, #tpu.memory_space<hbm>>
      tpu.enqueue_dma source(%arg7 : memref<1024xf32, #tpu.memory_space<vmem>>) target(%dma_start3A_70 : memref<1024xf32, #tpu.memory_space<hbm>>) target_semaphore(%run_scoped3A : memref<!tpu.dma_semaphore, #tpu.memory_space<semaphore_mem>>)
      %dma_wait3A = tpu.memref_slice %arg4[%add3A_52] : memref<200000xf32, #tpu.memory_space<hbm>> -> memref<1024xf32, #tpu.memory_space<hbm>>
      %dma_wait3A_71 = tpu.memref_slice %arg4[%add3A_52] : memref<200000xf32, #tpu.memory_space<hbm>> -> memref<1024xf32, #tpu.memory_space<hbm>>
      tpu.wait_dma2 semaphore(%run_scoped3A : memref<!tpu.dma_semaphore, #tpu.memory_space<semaphore_mem>>) src(%arg7 : memref<1024xf32, #tpu.memory_space<vmem>>) dst(%dma_wait3A_71 : memref<1024xf32, #tpu.memory_space<hbm>>)
      tpu.yield
    }) : () -> ()
    %add3A_53 = arith.constant 1024 : i32
    %add3A_54 = arith.addi %multiple_of3A, %add3A_53 : i32
    "tpu.region"() ({
      %run_scoped3A = tpu.sem_alloc : memref<!tpu.dma_semaphore, #tpu.memory_space<semaphore_mem>>
      %dma_start3A = tpu.memref_slice %arg8[%add3A_54] : memref<100000xf32, #tpu.memory_space<vmem_shared>> -> memref<1024xf32, #tpu.memory_space<vmem_shared>>
      %dma_start3A_70 = tpu.memref_slice %arg8[%add3A_54] : memref<100000xf32, #tpu.memory_space<vmem_shared>> -> memref<1024xf32, #tpu.memory_space<vmem_shared>>
      tpu.enqueue_dma source(%dma_start3A_70 : memref<1024xf32, #tpu.memory_space<vmem_shared>>) target(%arg7 : memref<1024xf32, #tpu.memory_space<vmem>>) target_semaphore(%run_scoped3A : memref<!tpu.dma_semaphore, #tpu.memory_space<semaphore_mem>>)
      %dma_wait3A = tpu.memref_slice %arg8[%add3A_54] : memref<100000xf32, #tpu.memory_space<vmem_shared>> -> memref<1024xf32, #tpu.memory_space<vmem_shared>>
      %dma_wait3A_71 = tpu.memref_slice %arg8[%add3A_54] : memref<100000xf32, #tpu.memory_space<vmem_shared>> -> memref<1024xf32, #tpu.memory_space<vmem_shared>>
      tpu.wait_dma2 semaphore(%run_scoped3A : memref<!tpu.dma_semaphore, #tpu.memory_space<semaphore_mem>>) src(%dma_wait3A_71 : memref<1024xf32, #tpu.memory_space<vmem_shared>>) dst(%arg7 : memref<1024xf32, #tpu.memory_space<vmem>>)
      tpu.yield
    }) : () -> ()
    %add3A_55 = arith.constant 1024 : i32
    %add3A_56 = arith.addi %multiple_of3A_48, %add3A_55 : i32
    "tpu.region"() ({
      %run_scoped3A = tpu.sem_alloc : memref<!tpu.dma_semaphore, #tpu.memory_space<semaphore_mem>>
      %dma_start3A = tpu.memref_slice %arg4[%add3A_56] : memref<200000xf32, #tpu.memory_space<hbm>> -> memref<1024xf32, #tpu.memory_space<hbm>>
      %dma_start3A_70 = tpu.memref_slice %arg4[%add3A_56] : memref<200000xf32, #tpu.memory_space<hbm>> -> memref<1024xf32, #tpu.memory_space<hbm>>
      tpu.enqueue_dma source(%arg7 : memref<1024xf32, #tpu.memory_space<vmem>>) target(%dma_start3A_70 : memref<1024xf32, #tpu.memory_space<hbm>>) target_semaphore(%run_scoped3A : memref<!tpu.dma_semaphore, #tpu.memory_space<semaphore_mem>>)
      %dma_wait3A = tpu.memref_slice %arg4[%add3A_56] : memref<200000xf32, #tpu.memory_space<hbm>> -> memref<1024xf32, #tpu.memory_space<hbm>>
      %dma_wait3A_71 = tpu.memref_slice %arg4[%add3A_56] : memref<200000xf32, #tpu.memory_space<hbm>> -> memref<1024xf32, #tpu.memory_space<hbm>>
      tpu.wait_dma2 semaphore(%run_scoped3A : memref<!tpu.dma_semaphore, #tpu.memory_space<semaphore_mem>>) src(%arg7 : memref<1024xf32, #tpu.memory_space<vmem>>) dst(%dma_wait3A_71 : memref<1024xf32, #tpu.memory_space<hbm>>)
      tpu.yield
    }) : () -> ()
    %add3A_57 = arith.constant 2048 : i32
    %add3A_58 = arith.addi %multiple_of3A, %add3A_57 : i32
    "tpu.region"() ({
      %run_scoped3A = tpu.sem_alloc : memref<!tpu.dma_semaphore, #tpu.memory_space<semaphore_mem>>
      %dma_start3A = tpu.memref_slice %arg8[%add3A_58] : memref<100000xf32, #tpu.memory_space<vmem_shared>> -> memref<1024xf32, #tpu.memory_space<vmem_shared>>
      %dma_start3A_70 = tpu.memref_slice %arg8[%add3A_58] : memref<100000xf32, #tpu.memory_space<vmem_shared>> -> memref<1024xf32, #tpu.memory_space<vmem_shared>>
      tpu.enqueue_dma source(%dma_start3A_70 : memref<1024xf32, #tpu.memory_space<vmem_shared>>) target(%arg7 : memref<1024xf32, #tpu.memory_space<vmem>>) target_semaphore(%run_scoped3A : memref<!tpu.dma_semaphore, #tpu.memory_space<semaphore_mem>>)
      %dma_wait3A = tpu.memref_slice %arg8[%add3A_58] : memref<100000xf32, #tpu.memory_space<vmem_shared>> -> memref<1024xf32, #tpu.memory_space<vmem_shared>>
      %dma_wait3A_71 = tpu.memref_slice %arg8[%add3A_58] : memref<100000xf32, #tpu.memory_space<vmem_shared>> -> memref<1024xf32, #tpu.memory_space<vmem_shared>>
      tpu.wait_dma2 semaphore(%run_scoped3A : memref<!tpu.dma_semaphore, #tpu.memory_space<semaphore_mem>>) src(%dma_wait3A_71 : memref<1024xf32, #tpu.memory_space<vmem_shared>>) dst(%arg7 : memref<1024xf32, #tpu.memory_space<vmem>>)
      tpu.yield
    }) : () -> ()
    %add3A_59 = arith.constant 2048 : i32
    %add3A_60 = arith.addi %multiple_of3A_48, %add3A_59 : i32
    "tpu.region"() ({
      %run_scoped3A = tpu.sem_alloc : memref<!tpu.dma_semaphore, #tpu.memory_space<semaphore_mem>>
      %dma_start3A = tpu.memref_slice %arg4[%add3A_60] : memref<200000xf32, #tpu.memory_space<hbm>> -> memref<1024xf32, #tpu.memory_space<hbm>>
      %dma_start3A_70 = tpu.memref_slice %arg4[%add3A_60] : memref<200000xf32, #tpu.memory_space<hbm>> -> memref<1024xf32, #tpu.memory_space<hbm>>
      tpu.enqueue_dma source(%arg7 : memref<1024xf32, #tpu.memory_space<vmem>>) target(%dma_start3A_70 : memref<1024xf32, #tpu.memory_space<hbm>>) target_semaphore(%run_scoped3A : memref<!tpu.dma_semaphore, #tpu.memory_space<semaphore_mem>>)
      %dma_wait3A = tpu.memref_slice %arg4[%add3A_60] : memref<200000xf32, #tpu.memory_space<hbm>> -> memref<1024xf32, #tpu.memory_space<hbm>>
      %dma_wait3A_71 = tpu.memref_slice %arg4[%add3A_60] : memref<200000xf32, #tpu.memory_space<hbm>> -> memref<1024xf32, #tpu.memory_space<hbm>>
      tpu.wait_dma2 semaphore(%run_scoped3A : memref<!tpu.dma_semaphore, #tpu.memory_space<semaphore_mem>>) src(%arg7 : memref<1024xf32, #tpu.memory_space<vmem>>) dst(%dma_wait3A_71 : memref<1024xf32, #tpu.memory_space<hbm>>)
      tpu.yield
    }) : () -> ()
    %add3A_61 = arith.constant 3072 : i32
    %add3A_62 = arith.addi %multiple_of3A, %add3A_61 : i32
    "tpu.region"() ({
      %run_scoped3A = tpu.sem_alloc : memref<!tpu.dma_semaphore, #tpu.memory_space<semaphore_mem>>
      %dma_start3A = arith.constant 0 : i32
      %dma_start3A_70 = tpu.memref_slice %arg7[%dma_start3A] : memref<1024xf32, #tpu.memory_space<vmem>> -> memref<3176xf32, #tpu.memory_space<vmem>>
      %dma_start3A_71 = tpu.memref_slice %arg8[%add3A_62] : memref<100000xf32, #tpu.memory_space<vmem_shared>> -> memref<3176xf32, #tpu.memory_space<vmem_shared>>
      %dma_start3A_72 = arith.constant 0 : i32
      %dma_start3A_73 = tpu.memref_slice %arg7[%dma_start3A_72] : memref<1024xf32, #tpu.memory_space<vmem>> -> memref<3176xf32, #tpu.memory_space<vmem>>
      %dma_start3A_74 = tpu.memref_slice %arg8[%add3A_62] : memref<100000xf32, #tpu.memory_space<vmem_shared>> -> memref<3176xf32, #tpu.memory_space<vmem_shared>>
      tpu.enqueue_dma source(%dma_start3A_74 : memref<3176xf32, #tpu.memory_space<vmem_shared>>) target(%dma_start3A_73 : memref<3176xf32, #tpu.memory_space<vmem>>) target_semaphore(%run_scoped3A : memref<!tpu.dma_semaphore, #tpu.memory_space<semaphore_mem>>)
      %dma_wait3A = arith.constant 0 : i32
      %dma_wait3A_75 = tpu.memref_slice %arg7[%dma_wait3A] : memref<1024xf32, #tpu.memory_space<vmem>> -> memref<3176xf32, #tpu.memory_space<vmem>>
      %dma_wait3A_76 = tpu.memref_slice %arg8[%add3A_62] : memref<100000xf32, #tpu.memory_space<vmem_shared>> -> memref<3176xf32, #tpu.memory_space<vmem_shared>>
      %dma_wait3A_77 = arith.constant 0 : i32
      %dma_wait3A_78 = tpu.memref_slice %arg7[%dma_wait3A_77] : memref<1024xf32, #tpu.memory_space<vmem>> -> memref<3176xf32, #tpu.memory_space<vmem>>
      %dma_wait3A_79 = tpu.memref_slice %arg8[%add3A_62] : memref<100000xf32, #tpu.memory_space<vmem_shared>> -> memref<3176xf32, #tpu.memory_space<vmem_shared>>
      tpu.wait_dma2 semaphore(%run_scoped3A : memref<!tpu.dma_semaphore, #tpu.memory_space<semaphore_mem>>) src(%dma_wait3A_79 : memref<3176xf32, #tpu.memory_space<vmem_shared>>) dst(%dma_wait3A_78 : memref<3176xf32, #tpu.memory_space<vmem>>)
      tpu.yield
    }) : () -> ()
    %add3A_63 = arith.constant 3072 : i32
    %add3A_64 = arith.addi %multiple_of3A_48, %add3A_63 : i32
    "tpu.region"() ({
      %run_scoped3A = tpu.sem_alloc : memref<!tpu.dma_semaphore, #tpu.memory_space<semaphore_mem>>
      %dma_start3A = arith.constant 0 : i32
      %dma_start3A_70 = tpu.memref_slice %arg7[%dma_start3A] : memref<1024xf32, #tpu.memory_space<vmem>> -> memref<3176xf32, #tpu.memory_space<vmem>>
      %dma_start3A_71 = tpu.memref_slice %arg4[%add3A_64] : memref<200000xf32, #tpu.memory_space<hbm>> -> memref<3176xf32, #tpu.memory_space<hbm>>
      %dma_start3A_72 = tpu.memref_slice %arg4[%add3A_64] : memref<200000xf32, #tpu.memory_space<hbm>> -> memref<3176xf32, #tpu.memory_space<hbm>>
      %dma_start3A_73 = arith.constant 0 : i32
      %dma_start3A_74 = tpu.memref_slice %arg7[%dma_start3A_73] : memref<1024xf32, #tpu.memory_space<vmem>> -> memref<3176xf32, #tpu.memory_space<vmem>>
      tpu.enqueue_dma source(%dma_start3A_74 : memref<3176xf32, #tpu.memory_space<vmem>>) target(%dma_start3A_72 : memref<3176xf32, #tpu.memory_space<hbm>>) target_semaphore(%run_scoped3A : memref<!tpu.dma_semaphore, #tpu.memory_space<semaphore_mem>>)
      %dma_wait3A = arith.constant 0 : i32
      %dma_wait3A_75 = tpu.memref_slice %arg7[%dma_wait3A] : memref<1024xf32, #tpu.memory_space<vmem>> -> memref<3176xf32, #tpu.memory_space<vmem>>
      %dma_wait3A_76 = tpu.memref_slice %arg4[%add3A_64] : memref<200000xf32, #tpu.memory_space<hbm>> -> memref<3176xf32, #tpu.memory_space<hbm>>
      %dma_wait3A_77 = tpu.memref_slice %arg4[%add3A_64] : memref<200000xf32, #tpu.memory_space<hbm>> -> memref<3176xf32, #tpu.memory_space<hbm>>
      %dma_wait3A_78 = arith.constant 0 : i32
      %dma_wait3A_79 = tpu.memref_slice %arg7[%dma_wait3A_78] : memref<1024xf32, #tpu.memory_space<vmem>> -> memref<3176xf32, #tpu.memory_space<vmem>>
      tpu.wait_dma2 semaphore(%run_scoped3A : memref<!tpu.dma_semaphore, #tpu.memory_space<semaphore_mem>>) src(%dma_wait3A_79 : memref<3176xf32, #tpu.memory_space<vmem>>) dst(%dma_wait3A_77 : memref<3176xf32, #tpu.memory_space<hbm>>)
      tpu.yield
    }) : () -> ()
    %eq3A_65 = arith.constant 15 : i32
    %eq3A_66 = arith.cmpi eq, %arg1, %eq3A_65 : i32
    %convert_element_type3A_67 = arith.extui %eq3A_66 : i1 to i32
    %cond3A_68 = arith.constant 0 : i32
    %cond3A_69 = arith.cmpi ne, %convert_element_type3A_67, %cond3A_68 : i32
    scf.if %cond3A_69 {
      %mul3A_70 = arith.constant 100000 : i32
      %mul3A_71 = arith.muli %arg0, %mul3A_70 : i32
      %add3A_72 = arith.constant 99968 : i32
      %add3A_73 = arith.addi %mul3A_71, %add3A_72 : i32
      %multiple_of3A_74 = tpu.assume_multiple %add3A_73, 8 : i32
      "tpu.region"() ({
        %run_scoped3A = tpu.sem_alloc : memref<!tpu.dma_semaphore, #tpu.memory_space<semaphore_mem>>
        %dma_start3A = arith.constant 0 : i32
        %dma_start3A_75 = tpu.memref_slice %arg7[%dma_start3A] : memref<1024xf32, #tpu.memory_space<vmem>> -> memref<32xf32, #tpu.memory_space<vmem>>
        %dma_start3A_76 = arith.constant 99968 : i32
        %dma_start3A_77 = tpu.memref_slice %arg8[%dma_start3A_76] : memref<100000xf32, #tpu.memory_space<vmem_shared>> -> memref<32xf32, #tpu.memory_space<vmem_shared>>
        %dma_start3A_78 = arith.constant 0 : i32
        %dma_start3A_79 = tpu.memref_slice %arg7[%dma_start3A_78] : memref<1024xf32, #tpu.memory_space<vmem>> -> memref<32xf32, #tpu.memory_space<vmem>>
        %dma_start3A_80 = arith.constant 99968 : i32
        %dma_start3A_81 = tpu.memref_slice %arg8[%dma_start3A_80] : memref<100000xf32, #tpu.memory_space<vmem_shared>> -> memref<32xf32, #tpu.memory_space<vmem_shared>>
        tpu.enqueue_dma source(%dma_start3A_81 : memref<32xf32, #tpu.memory_space<vmem_shared>>) target(%dma_start3A_79 : memref<32xf32, #tpu.memory_space<vmem>>) target_semaphore(%run_scoped3A : memref<!tpu.dma_semaphore, #tpu.memory_space<semaphore_mem>>)
        %dma_wait3A = arith.constant 0 : i32
        %dma_wait3A_82 = tpu.memref_slice %arg7[%dma_wait3A] : memref<1024xf32, #tpu.memory_space<vmem>> -> memref<32xf32, #tpu.memory_space<vmem>>
        %dma_wait3A_83 = arith.constant 99968 : i32
        %dma_wait3A_84 = tpu.memref_slice %arg8[%dma_wait3A_83] : memref<100000xf32, #tpu.memory_space<vmem_shared>> -> memref<32xf32, #tpu.memory_space<vmem_shared>>
        %dma_wait3A_85 = arith.constant 0 : i32
        %dma_wait3A_86 = tpu.memref_slice %arg7[%dma_wait3A_85] : memref<1024xf32, #tpu.memory_space<vmem>> -> memref<32xf32, #tpu.memory_space<vmem>>
        %dma_wait3A_87 = arith.constant 99968 : i32
        %dma_wait3A_88 = tpu.memref_slice %arg8[%dma_wait3A_87] : memref<100000xf32, #tpu.memory_space<vmem_shared>> -> memref<32xf32, #tpu.memory_space<vmem_shared>>
        tpu.wait_dma2 semaphore(%run_scoped3A : memref<!tpu.dma_semaphore, #tpu.memory_space<semaphore_mem>>) src(%dma_wait3A_88 : memref<32xf32, #tpu.memory_space<vmem_shared>>) dst(%dma_wait3A_86 : memref<32xf32, #tpu.memory_space<vmem>>)
        tpu.yield
      }) : () -> ()
      "tpu.region"() ({
        %run_scoped3A = tpu.sem_alloc : memref<!tpu.dma_semaphore, #tpu.memory_space<semaphore_mem>>
        %dma_start3A = arith.constant 0 : i32
        %dma_start3A_75 = tpu.memref_slice %arg7[%dma_start3A] : memref<1024xf32, #tpu.memory_space<vmem>> -> memref<32xf32, #tpu.memory_space<vmem>>
        %dma_start3A_76 = tpu.memref_slice %arg4[%multiple_of3A_74] : memref<200000xf32, #tpu.memory_space<hbm>> -> memref<32xf32, #tpu.memory_space<hbm>>
        %dma_start3A_77 = tpu.memref_slice %arg4[%multiple_of3A_74] : memref<200000xf32, #tpu.memory_space<hbm>> -> memref<32xf32, #tpu.memory_space<hbm>>
        %dma_start3A_78 = arith.constant 0 : i32
        %dma_start3A_79 = tpu.memref_slice %arg7[%dma_start3A_78] : memref<1024xf32, #tpu.memory_space<vmem>> -> memref<32xf32, #tpu.memory_space<vmem>>
        tpu.enqueue_dma source(%dma_start3A_79 : memref<32xf32, #tpu.memory_space<vmem>>) target(%dma_start3A_77 : memref<32xf32, #tpu.memory_space<hbm>>) target_semaphore(%run_scoped3A : memref<!tpu.dma_semaphore, #tpu.memory_space<semaphore_mem>>)
        %dma_wait3A = arith.constant 0 : i32
        %dma_wait3A_80 = tpu.memref_slice %arg7[%dma_wait3A] : memref<1024xf32, #tpu.memory_space<vmem>> -> memref<32xf32, #tpu.memory_space<vmem>>
        %dma_wait3A_81 = tpu.memref_slice %arg4[%multiple_of3A_74] : memref<200000xf32, #tpu.memory_space<hbm>> -> memref<32xf32, #tpu.memory_space<hbm>>
        %dma_wait3A_82 = tpu.memref_slice %arg4[%multiple_of3A_74] : memref<200000xf32, #tpu.memory_space<hbm>> -> memref<32xf32, #tpu.memory_space<hbm>>
        %dma_wait3A_83 = arith.constant 0 : i32
        %dma_wait3A_84 = tpu.memref_slice %arg7[%dma_wait3A_83] : memref<1024xf32, #tpu.memory_space<vmem>> -> memref<32xf32, #tpu.memory_space<vmem>>
        tpu.wait_dma2 semaphore(%run_scoped3A : memref<!tpu.dma_semaphore, #tpu.memory_space<semaphore_mem>>) src(%dma_wait3A_84 : memref<32xf32, #tpu.memory_space<vmem>>) dst(%dma_wait3A_82 : memref<32xf32, #tpu.memory_space<hbm>>)
        tpu.yield
      }) : () -> ()
    } else {
    }
    return
  }
}

</mosaic_0001>

<sc_bundles>
// kernel: kernel.12.cloned.1.call-start
scs
__scs_entry_jumppad:
0x0: {  	(pc) =	sbr.rel $0x88, $3  }
0x1: {  	(tag) =	ssettag $0x0;
	lr =	simm.s32 $0x1  }
0x2: {  	[smem:$0x3F96] =	sst lr;
	_ =	strace $0xD0000000  }
0x3: {  	_ = 	snop  }
0x4: {  	_ = 	snop  }
0x5: {  	_ = 	snop  }
0x6: {  	_ = 	snop  }
0x7: {  	_ = 	snop  }
__scs_overlays_trampoline_lowered:
0x8: {  	[smem:$0x3FA5] =	sst s0  }
0x9: {  	[smem:$0x3FA6] =	sst s1  }
0xa: {  	[smem:$0x3FA7] =	sst s2  }
0xb: {  	[smem:$0x3FA8] =	sst s3  }
0xc: {  	[smem:$0x3FA9] =	sst s4  }
0xd: {  	[smem:$0x3FAA] =	sst s5  }
0xe: {  	[smem:$0x3FAB] =	sst s6  }
0xf: {  	[smem:$0x3FAC] =	sst s7  }
0x10: {  	[smem:$0x3FAD] =	sst s8  }
0x11: {  	[smem:$0x3FAE] =	sst s9;
	s0 =	simm.s32 @!p0 $0x0  }
0x12: {  	s1 =	sld [smem:$0x3F94];
	s0 =	simm.s32 @p0 $0x1  }
0x13: {  	[smem:$0x3FAF] =	sst s0;
	s0 =	simm.s32 @!p1 $0x0  }
0x14: {  	s2 =	sld [smem:$0x3F93];
	s0 =	simm.s32 @p1 $0x1  }
0x15: {  	[smem:$0x3FB0] =	sst s0;
	s0 =	simm.s32 @!p2 $0x0  }
0x16: {  	s3 =	sld [smem:$0x3FDB];
	s0 =	simm.s32 @p2 $0x1  }
0x17: {  	s4 =	simm.s32 $0x1BF5;
	[smem:$0x3FB2] =	sst s0  }
0x18: {  	s0 =	sld [smem:$0x3F95];
	_ =	swait.ge [sflag:s4], $0x0  }
0x19: {  	s7 =	sld [smem:$0x3F96]  }
0x1a: {  	s8 =	sadd.s32 $0xFFFFE003, lr  }
0x1b: {  	s9 =	sadd.s32 $0xFFFFFEF7, lr;
	s5 =	simm.s32 $0xFFFFFFFF;
	p2 =	slt.u32 s8, $0xFFFFF086  }
0x1c: {  	p1 =	slt.u32 s9, $0xF7A;
	s5 =	simm.s32 @!p2 $0x0  }
0x1d: {  	s5 =	simm.s32 @p1 $0x1;
	p0 =	seq.s32 s7, s2  }
0x1e: {  	s7 =	smul.u32 @!p0 $0xF7A, s2;
	p2 =	seq.s32 @!p0 s5, $0x0  }
0x1f: {  	s9 =	smul.u32 $0xF7A, s1;
	s8 =	simm.s32 @!p0 $0x1BF5;
	p2 =	por !p2, p0  }
0x20: {  	[sflag:s8] =	ssyncset.s32 @!p0 $0xFFFFF086;
	s6 =	sadd.s32 @!p0 s3, s7;
	s7 =	simm.s32 @!p0 $0x108  }
0x21: {  	s3 =	sadd.s32 s3, s9;
	s6 =	sadd.s32 @!p0 $0x88, s6;
	s7 =	simm.s32 @p2 $0x1082  }
0x22: {  	[simem:s7], [sflag:s8] =	dma.local @!p0 [hbm:s6], $0xF7A  }
0x23: {  	s9 =	sor.u32 $0xD0000000, s2;
	s6 =	simm.s32 $0x108;
	_ =	swait.ge @!p0 [sflag:s8], $0x0  }
0x24: {  	s3 =	sadd.s32 $0x88, s3;
	s6 =	simm.s32 @!p1 $0x1082;
	[sflag:s4] =	ssyncset.s32 $0xFFFFF086  }
0x25: {  	[simem:s6], [sflag:s4] =	dma.local [hbm:s3], $0xF7A  }
0x26: {  	[smem:$0x3F96] =	sst s1;
	(tag) =	ssettag s2;
	_ =	strace s9  }
0x27: {  	s1 =	sld [smem:$0x3FA6]  }
0x28: {  	s2 =	sld [smem:$0x3FA7]  }
0x29: {  	s4 =	sld [smem:$0x3FA9]  }
0x2a: {  	p0 =	seq.s32 s5, $0x0;
	s5 =	sld [smem:$0x3FAA]  }
0x2b: {  	s6 =	sld [smem:$0x3FAB]  }
0x2c: {  	s7 =	sld [smem:$0x3FAC]  }
0x2d: {  	s3 =	simm.s32 $0x108;
	s8 =	sld [smem:$0x3FAD]  }
0x2e: {  	s3 =	simm.s32 @!p0 $0x1082;
	s9 =	sld [smem:$0x3FAE]  }
0x2f: {  	lr =	sadd.s32 s0, s3;
	s0 =	sld [smem:$0x3FA5]  }
0x30: {  	s3 =	sld [smem:$0x3FA8]  }
0x31: {  	[smem:$0x3FB1] =	sst s10  }
0x32: {  	s10 =	sld [smem:$0x3FAF];
	_ =	sdelay $0x3  }
0x33: {  	p0 =	seq.s32 s10, $0x1;
	s10 =	sld [smem:$0x3FB1];
	_ =	sdelay $0x3  }
0x34: {  	[smem:$0x3FB1] =	sst s10  }
0x35: {  	s10 =	sld [smem:$0x3FB0];
	_ =	sdelay $0x3  }
0x36: {  	p1 =	seq.s32 s10, $0x1;
	s10 =	sld [smem:$0x3FB1];
	_ =	sdelay $0x3  }
0x37: {  	[smem:$0x3FB1] =	sst s10  }
0x38: {  	s10 =	sld [smem:$0x3FB2]  }
0x39: {  	_ = 	snop;
	(pc) =	sbr.ind lr, $3  }
0x3a: {  	_ = 	snop  }
0x3b: {  	_ = 	snop  }
0x3c: {  	p2 =	seq.s32 s10, $0x1;
	s10 =	sld [smem:$0x3FB1]  }
0x3d: {  	_ =	shalt  }
0x3e: {  	_ =	shalt  }
0x3f: {  	_ =	shalt  }
0x40: {  	_ =	shalt  }
0x41: {  	_ =	shalt  }
0x42: {  	_ =	shalt  }
0x43: {  	_ =	shalt  }
0x44: {  	_ =	shalt  }
0x45: {  	_ =	shalt  }
0x46: {  	_ =	shalt  }
0x47: {  	_ =	shalt  }
0x48: {  	_ =	shalt  }
0x49: {  	_ =	shalt  }
0x4a: {  	_ =	shalt  }
0x4b: {  	_ =	shalt  }
0x4c: {  	_ =	shalt  }
0x4d: {  	_ =	shalt  }
0x4e: {  	_ =	shalt  }
0x4f: {  	_ =	shalt  }
0x50: {  	_ =	shalt  }
0x51: {  	_ =	shalt  }
0x52: {  	_ =	shalt  }
0x53: {  	_ =	shalt  }
0x54: {  	_ =	shalt  }
0x55: {  	_ =	shalt  }
0x56: {  	_ =	shalt  }
0x57: {  	_ =	shalt  }
0x58: {  	_ =	shalt  }
0x59: {  	_ =	shalt  }
0x5a: {  	_ =	shalt  }
0x5b: {  	_ =	shalt  }
0x5c: {  	_ =	shalt  }
0x5d: {  	_ =	shalt  }
0x5e: {  	_ =	shalt  }
0x5f: {  	_ =	shalt  }
0x60: {  	_ =	shalt  }
0x61: {  	_ =	shalt  }
0x62: {  	_ =	shalt  }
0x63: {  	_ =	shalt  }
0x64: {  	_ =	shalt  }
0x65: {  	_ =	shalt  }
0x66: {  	_ =	shalt  }
0x67: {  	_ =	shalt  }
0x68: {  	_ =	shalt  }
0x69: {  	_ =	shalt  }
0x6a: {  	_ =	shalt  }
0x6b: {  	_ =	shalt  }
0x6c: {  	_ =	shalt  }
0x6d: {  	_ =	shalt  }
0x6e: {  	_ =	shalt  }
0x6f: {  	_ =	shalt  }
0x70: {  	_ =	shalt  }
0x71: {  	_ =	shalt  }
0x72: {  	_ =	shalt  }
0x73: {  	_ =	shalt  }
0x74: {  	_ =	shalt  }
0x75: {  	_ =	shalt  }
0x76: {  	_ =	shalt  }
0x77: {  	_ =	shalt  }
0x78: {  	_ =	shalt  }
0x79: {  	_ =	shalt  }
0x7a: {  	_ =	shalt  }
0x7b: {  	_ =	shalt  }
0x7c: {  	_ =	shalt  }
0x7d: {  	_ =	shalt  }
0x7e: {  	_ =	shalt  }
0x7f: {  	_ =	shalt  }
0x80: {  	_ =	shalt  }
0x81: {  	_ =	shalt  }
0x82: {  	_ =	shalt  }
0x83: {  	_ =	shalt  }
0x84: {  	_ =	shalt  }
0x85: {  	_ =	shalt  }
0x86: {  	_ =	shalt  }
0x87: {  	_ =	shalt  }
.Lfunc_end0:
.L_simem_size_0:
called_computation.2_lowered:
.L_overlay_start_0:
0x88: {  	s2 =	sld [smem:$0x3FD9]  }
0x89: {  	s3 =	sld [smem:$0x3FFE];
	_ =	sdelay $0x1  }
0x8a: {  	s1 =	srdreg.scid  }
0x8b: {  	s0 =	sand.u32 $0x1, s1  }
0x8c: {  	s16 =	sshll.u32 s0, $0xA;
	s2 =	sadd.s32 s3, s2  }
0x8d: {  	s2 =	sadd.s32 s2, s16  }
0x8e: {  	[smem:$0x3FBD] =	sst s2  }
0x8f: {  	_ = 	snop  }
0x90: {  	(tm) =	ssettm $0x1  }
0x91: {  	s17 =	sld [smem:$0x3FFB];
	_ =	sdelay $0x3  }
0x92: {  	_ =	strace s17  }
0x93: {  	s2 =	sld [smem:$0x3FFC];
	_ =	sdelay $0x3  }
0x94: {  	_ =	strace s2  }
0x95: {  	s2 =	sld [smem:$0x3FFD];
	_ =	sdelay $0x3  }
0x96: {  	_ =	strace s2  }
0x97: {  	_ =	strace $0x8FFFFFFF  }
0x98: {  	s18 =	sld [smem:$0x3FDB];
	_ =	sdelay $0x1  }
0x99: {  	s19 =	simm.s32 $_scs_section_size  }
0x9a: {  	s4 =	simm.s32 $_size__tile_overlayer_lowered;
	s5 =	simm.s32 $_tile_overlayer_lowered  }
0x9b: {  	s22 =	simm.s32 $0x1BFF;
	s21 =	sshll.u32 s5, $0x1;
	s2 =	sadd.s32 s19, s18  }
0x9c: {  	s6 =	simm.s32 $0x0;
	s20 =	sshll.u32 s4, $0x1;
	s4 =	sadd.s32 s21, s2  }
0x9d: {  	[timem:s6], [sflag:s22] =	dma.local [hbm:s4], s20  }
0x9e: {  	_ =	swait.ge [sflag:s22], s20  }
0x9f: {  	s3 =	ssub.s32 $0x0, s20;
	[sflag:s22] =	ssyncset.done $0x0  }
0xa0: {  	[sflag:s22] =	ssyncadd.s32 s3;
	_ =	sdelay $0x1  }
0xa1: {  	s23 =	simm.s32 $0x1B8B  }
0xa2: {  	_ =	swait.ge [sflag:s23], $0x1  }
0xa3: {  	[sflag:s23] =	ssyncset.done $0x0  }
0xa4: {  	s25 =	simm.s32 $0x1B8E;
	s24 =	sld [smem:$0x3FFE];
	[sflag:s23] =	ssyncadd.s32 $0xFFFFFFFF  }
0xa5: {  	s26 =	simm.s32 $execute0_lowered;
	[smem:$0x3FD2] =	sst s25  }
0xa6: {  	s4 =	sshll.u32 s26, $0x1;
	_ =	strace $0x8000004C;
	[dreg:$0x1] =	wrdreg $0xFFFFFFFF  }
0xa7: {  	s28 =	simm.s32 $_size_execute0_lowered;
	s2 =	sadd.s32 s2, s4;
	[dreg:$0x0] =	wrdreg $0x0  }
0xa8: {  	s4 =	sshll.u32 s28, $0x1;
	[dreg:$0x2] =	wrdreg s2  }
0xa9: {  	[dreg:$0x3] =	wrdreg s4  }
0xaa: {  	[dreg:$0x4] =	wrdreg $0xC0  }
0xab: {  	_ =	task [dreg:s6], $0x5FFFF  }
0xac: {  	[dreg:$0x1] =	wrdreg $0xFFFFFFFF  }
0xad: {  	[dreg:$0x0] =	wrdreg $0x60  }
0xae: {  	[dreg:$0x2] =	wrdreg s24  }
0xaf: {  	[dreg:$0x3] =	wrdreg $0x4C000  }
0xb0: {  	[dreg:$0x4] =	wrdreg $0x9  }
0xb1: {  	_ =	task.clear_ibuf [dreg:s6], $0x5FFFF;
	_ =	strace $0x9000004C  }
0xb2: {  	s29 =	simm.s32 $0x9;
	_ =	strace $0x8000004E  }
0xb3: {  	_ =	swait.ge [sflag:s29], $0x1  }
0xb4: {  	[sflag:s29] =	ssyncadd.s32 $0xFFFFFFFF  }
0xb5: {  	_ =	strace $0x9000004E  }
0xb6: {  	_ =	sfence  }
0xb7: {  	s30 =	sld [smem:$0x0];
	_ =	sdelay $0x2  }
0xb8: {  	s31 =	sshll.u32 s1, $0xD;
	s1 =	sshrl.u32 s1, $0x2  }
0xb9: {  	s3 =	sand.u32 $0x4000, s31;
	s1 =	sadd.s32 s1, s30  }
0xba: {  	s0 =	sor.u32 s3, s0;
	s1 =	sshll.u32 s1, $0x11  }
0xbb: {  	s0 =	sor.u32 s1, s0  }
0xbc: {  	s0 =	sadd.s32 $0x8F2B, s0  }
0xbd: {  	[sflag:s0] =	ssyncadd.remote.s32 $0x1  }
0xbe: {  	_ =	sfence.sel $0xFFFF  }
0xbf: {  	[dreg:$0x0] =	wrdreg $0xFFFFFFFF;
	(pc) =	sbr.abs _section_cstart, $3  }
0xc0: {  	[dreg:$0x1] =	wrdreg $0xFFFFFFFF  }
0xc1: {  	_ =	task.clear_ibuf [dreg:s6], $0x2FFFF;
	_ =	strace $0x9FFFFFFF  }
0xc2: {  	(tm) =	ssettm $0x7FFFFFFF  }
0xc3: {  	_ =	shalt  }
tec
execute0_lowered:
.L_overlay_start_1:
0x0: {  	(tag) =	ssettag $0x1  }
0x1: {  	s0 =	rddreg [dreg:$0x0]  }
0x2: {  	s1 =	rddreg [dreg:$0x1];
	s23 =	simm.s32 $0x0;
	s2 =	srdreg.scid  }
0x3: {  	s14 =	stileid.u32;
	s28 =	simm.s32 $0x1400;
	s29 =	simm.s32 $0x500  }
0x4: {  	s30 =	simm.s32 $0x1C00;
	s31 =	simm.s32 $0x580;
	[smem:$0x7FF] =	sst s23  }
0x5: {  	s4 =	sadd.s32 $0x222E00, s0;
	s2 =	sand.u32 $0x1, s2;
	s5 =	sadd.s32 $0x35200, s0  }
0x6: {  	s6 =	sadd.s32 $0x67200, s0;
	s7 =	sadd.s32 $0x3200, s0;
	s0 =	sadd.s32 $0x253C00, s0  }
0x7: {  	s8 =	smul.u32 $0x18680, s14;
	s15 =	sadd.s32 $0x186800, s1;
	p0 =	sne.s32 s14, $0xF  }
0x8: {  	_ =	strace $0x8000004D;
	s3 =	ssub.s32 $0x2, s2;
	s12 =	smul.u32 $0x186A00, s2  }
0x9: {  	[dreg:$0x8] =	wrdreg s15;
	s2 =	sshll.u32 s2, $0x4;
	s15 =	simm.s32 $0x680  }
0xa: {  	s9 =	sshrl.u32 s3, $0x1;
	s22 =	sadd.s32 $0x4000, s8;
	s10 =	sadd.s32 s8, s1  }
0xb: {  	s25 =	sadd.s32 $0x8000, s8;
	s26 =	sadd.s32 $0xC000, s8;
	s2 =	sor.u32 s14, s2  }
0xc: {  	s14 =	simm.s32 $0x2C00;
	s3 =	ssub.s32 s3, s9;
	[dreg:$0x4] =	wrdreg s10  }
0xd: {  	s24 =	sadd.s32 s22, s1;
	s11 =	sadd.s32 s25, s1;
	s13 =	sadd.s32 s26, s1  }
0xe: {  	s8 =	sadd.s32 s8, s12;
	s9 =	sadd.s32 s12, s22;
	[dreg:$0x5] =	wrdreg s24  }
0xf: {  	s19 =	sadd.s32 s12, s25;
	s20 =	sadd.s32 s12, s26;
	[dreg:$0x6] =	wrdreg s11  }
0x10: {  	s21 =	sshrl.u32 s12, $0x3;
	[dreg:$0x7] =	wrdreg s13;
	s13 =	smul.u32 $0xC800, s2  }
0x11: {  	s16 =	sshrl.u32 s8, $0x3;
	s17 =	sshrl.u32 s9, $0x3;
	s22 =	sshrl.u32 s20, $0x3  }
0x12: {  	s24 =	sadd.s32 s0, s21;
	s26 =	smax.u32 s3, $0x1;
	s20 =	simm.s32 $0xC00  }
0x13: {  	s21 =	simm.s32 $0x2;
	s3 =	simm.s32 $0x600;
	s8 =	simm.s32 $0x4400  }
0x14: {  	s2 =	sadd.s32 s0, s16;
	s18 =	sadd.s32 s0, s17;
	[dreg:$0xe] =	wrdreg s26  }
0x15: {  	s25 =	sadd.s32 $0x30D00, s24;
	s24 =	simm.s32 $0x1;
	[dreg:$0x9] =	wrdreg s2  }
0x16: {  	s26 =	simm.s32 $0x480;
	s16 =	simm.s32 $0x3400;
	[dreg:$0xa] =	wrdreg s18  }
0x17: {  	s17 =	simm.s32 $0x700;
	s2 =	sshrl.u32 s19, $0x3;
	[dreg:$0xd] =	wrdreg s25  }
0x18: {  	s25 =	simm.s32 $0x80;
	s18 =	simm.s32 $0x3C00;
	s2 =	sadd.s32 s0, s2  }
0x19: {  	s19 =	simm.s32 $0x780;
	s0 =	sadd.s32 s0, s22;
	[dreg:$0xb] =	wrdreg s2  }
0x1a: {  	v0 =	vimm.f32 $0.0e+00;
	s22 =	simm.s32 $0x400;
	[dreg:$0xc] =	wrdreg s0;
	s0 =	simm.s32 $0x2400  }
.LBB2_1:
0x1b: {  	s2 =	simm.s32 $0xC40  }
0x1c: {  	[tilespmem:s2+$0xFFFFFFC0] =	vst v0  }
0x1d: {  	[tilespmem:s2+$0x30] =	vst v0  }
0x1e: {  	[tilespmem:s2+$0x20] =	vst v0  }
0x1f: {  	[tilespmem:s2+$0x10] =	vst v0  }
0x20: {  	[tilespmem:s2+$0x0] =	vst v0  }
0x21: {  	[tilespmem:s2+$0xFFFFFFF0] =	vst v0  }
0x22: {  	[dreg:$0x3] =	wrdreg s23;
	s9 =	simm.s32 $0x0;
	[tilespmem:s2+$0xFFFFFFE0] =	vst v0  }
.LBB2_2:
0x23: {  	s9 =	sadd.s32 $0x8, s9;
	[tilespmem:s2+$0xFFFFFFD0] =	vst v0;
	s2 =	sadd.s32 $0x80, s2  }
0x24: {  	[tilespmem:s2+$0xFFFFFFC0] =	vst v0;
	p1 =	slt.u32 s9, $0x3F8  }
0x25: {  	[tilespmem:s2+$0x30] =	vst v0  }
.Ltmp0:
0x26: {  	[tilespmem:s2+$0x20] =	vst v0;
	(pc) =	sbr.rel @p1 .LBB2_2-.Ltmp0, $4  }
0x27: {  	[tilespmem:s2+$0x10] =	vst v0  }
0x28: {  	[tilespmem:s2+$0x0] =	vst v0  }
0x29: {  	[tilespmem:s2+$0xFFFFFFF0] =	vst v0  }
0x2a: {  	[tilespmem:s2+$0xFFFFFFE0] =	vst v0  }
0x2b: {  	[tilespmem:s2+$0xFFFFFFD0] =	vst v0;
	s10 =	rddreg [dreg:$0x4]  }
0x2c: {  	[spmem:s10] =	stream.linear.scatter [tilespmem:s20], [sflag:$0x2], $0x4000, $0x38;
	[tilespmem:$0x1D2A0] =	vst v63  }
0x2d: {  	_ =	swait.ge [sflag:s21], $0x4000  }
0x2e: {  	[sflag:s21] =	ssyncset.done $0x0  }
0x2f: {  	s11 =	rddreg [dreg:$0x5];
	[sflag:s21] =	ssyncadd.s32 $0xFFFFC000  }
0x30: {  	[spmem:s11] =	stream.linear.scatter [tilespmem:s20], [sflag:$0x2], $0x4000, $0x38;
	[tilespmem:$0x1D2A0] =	vst v63  }
0x31: {  	_ =	swait.ge [sflag:s21], $0x4000  }
0x32: {  	[sflag:s21] =	ssyncset.done $0x0  }
0x33: {  	s12 =	rddreg [dreg:$0x6];
	[sflag:s21] =	ssyncadd.s32 $0xFFFFC000  }
0x34: {  	[spmem:s12] =	stream.linear.scatter [tilespmem:s20], [sflag:$0x2], $0x4000, $0x38;
	[tilespmem:$0x1D2A0] =	vst v63  }
0x35: {  	_ =	swait.ge [sflag:s21], $0x4000  }
0x36: {  	[sflag:s21] =	ssyncset.done $0x0  }
0x37: {  	s23 =	rddreg [dreg:$0x7];
	[sflag:s21] =	ssyncadd.s32 $0xFFFFC000  }
0x38: {  	[spmem:s23] =	stream.linear.scatter [tilespmem:s20], [sflag:$0x2], $0xC680, $0x38;
	[tilespmem:$0x1D2A0] =	vst v63  }
0x39: {  	_ =	swait.ge [sflag:s21], $0xC680  }
0x3a: {  	[sflag:s21] =	ssyncset.done $0x0  }
0x3b: {  	s2 =	simm.s32 @!p0 $0xC00;
	s9 =	rddreg [dreg:$0x8];
	[sflag:s21] =	ssyncadd.s32 $0xFFFF3980  }
0x3c: {  	[spmem:s9] =	stream.linear.scatter @!p0 [tilespmem:s2], [sflag:$0x2], $0x200, $0x38;
	[tilespmem:$0x1D2A0] =	vst v63  }
0x3d: {  	s2 =	simm.s32 @!p0 $0x2  }
0x3e: {  	_ =	swait.ge @!p0 [sflag:s2], $0x200  }
0x3f: {  	[sflag:s2] =	ssyncset.done @!p0 $0x0  }
0x40: {  	[sflag:s2] =	ssyncadd.s32 @!p0 $0xFFFFFE00  }
0x41: {  	s10 =	simm.s32 $0x0;
	s9 =	simm.s32 $0x0;
	[bflag:$0x0] =	sbarrier.arrive $0xFFFF  }
.LBB2_4:
0x42: {  	s2 =	sshll.u32 s10, $0xA  }
0x43: {  	s2 =	sadd.s32 s13, s2  }
0x44: {  	s2 =	sshrl.u32 s2, $0x3  }
0x45: {  	s11 =	sadd.s32 s5, s2  }
0x46: {  	[tilespmem:s9], [sflag:$0x2] =	stream.linear.gather [hbm4b:s11+s9], $0x400, $0x38;
	[tilespmem:$0x1D2A0] =	vst v63  }
0x47: {  	_ =	swait.ge [sflag:s21], $0x400  }
0x48: {  	[sflag:s21] =	ssyncset.done $0x0  }
0x49: {  	s12 =	sadd.s32 s6, s2;
	[sflag:s21] =	ssyncadd.s32 $0xFFFFFC00  }
0x4a: {  	[tilespmem:s22], [sflag:$0x2] =	stream.linear.gather [hbm4b:s12+s9], $0x400, $0x38;
	[tilespmem:$0x1D2A0] =	vst v63  }
0x4b: {  	_ =	swait.ge [sflag:s21], $0x400  }
0x4c: {  	[sflag:s21] =	ssyncset.done $0x0  }
0x4d: {  	s23 =	simm.s32 $0x800;
	s2 =	sadd.s32 s7, s2;
	[sflag:s21] =	ssyncadd.s32 $0xFFFFFC00  }
0x4e: {  	[tilespmem:s23], [sflag:$0x2] =	stream.linear.gather [hbm4b:s2+s9], $0x400, $0x38;
	[tilespmem:$0x1D2A0] =	vst v63  }
0x4f: {  	_ =	swait.ge [sflag:s21], $0x400  }
0x50: {  	[sflag:s21] =	ssyncset.done $0x0  }
0x51: {  	[sflag:s21] =	ssyncadd.s32 $0xFFFFFC00  }
0x52: {  	[tilespmem:s20], [sflag:$0x1] =	stream.indirect.gather [hbm4b:s4+s22], $0x10, s9, s22, $0xb8;
	[tilespmem:$0x1D2A0] =	vst v63  }
0x53: {  	_ =	swait.ge [sflag:s24], $0x4000  }
0x54: {  	[sflag:s24] =	ssyncset.done $0x0  }
0x55: {  	s11 =	simm.s32 $0xC80;
	[sflag:s24] =	ssyncadd.s32 $0xFFFFC000  }
0x56: {  	s12 =	simm.s32 $0xC80;
	s23 =	simm.s32 $0x0;
	s2 =	simm.s32 $0x40;
	v1 =	vld [tilespmem:s11+$0xFFFFFFB0]  }
.LBB2_5:
0x57: {  	p1 =	sne.s32 s2, $0xFC0;
	v2 =	vld [tilespmem:s23+$0x800]  }
0x58: {  	v3 =	vld [tilespmem:s11+$0xFFFFFF90]  }
0x59: {  	v4 =	vld [tilespmem:s11+$0xFFFFFF80]  }
0x5a: {  	v5 =	vld [tilespmem:s11+$0xFFFFFFA0]  }
0x5b: {  	v6 =	vld [tilespmem:s11+$0xFFFFFFF0]  }
0x5c: {  	v7 =	vbroadcast v2, $0x0;
	v8 =	vbroadcast v2, $0x1;
	v9 =	vld [tilespmem:s11+$0xFFFFFFD0]  }
0x5d: {  	v10 =	vbroadcast v2, $0x2;
	v11 =	vbroadcast v2, $0x3;
	v12 =	vld [tilespmem:s11+$0xFFFFFFC0]  }
0x5e: {  	v4 =	vmul.f32 v7, v4;
	v3 =	vmul.f32 v3, v8;
	v7 =	vld [tilespmem:s11+$0xFFFFFFE0]  }
0x5f: {  	v1 =	vmul.f32 v1, v11;
	v5 =	vmul.f32 v5, v10;
	v8 =	vld [tilespmem:s11+$0x30]  }
0x60: {  	v10 =	vbroadcast v2, $0x5;
	[tilespmem:s11+$0xFFFFFF80] =	vst v4;
	v4 =	vbroadcast v2, $0x4;
	v11 =	vld [tilespmem:s11+$0x10]  }
0x61: {  	v13 =	vbroadcast v2, $0x7;
	[tilespmem:s11+$0xFFFFFF90] =	vst v3;
	v3 =	vbroadcast v2, $0x6;
	v14 =	vld [tilespmem:s11+$0x0]  }
0x62: {  	[tilespmem:s11+$0xFFFFFFA0] =	vst v5;
	v4 =	vmul.f32 v12, v4;
	v5 =	vmul.f32 v9, v10;
	v9 =	vld [tilespmem:s11+$0x20]  }
0x63: {  	[tilespmem:s11+$0xFFFFFFB0] =	vst v1;
	v1 =	vmul.f32 v7, v3;
	v3 =	vmul.f32 v6, v13;
	v6 =	vld [tilespmem:s11+$0x70]  }
0x64: {  	v7 =	vbroadcast v2, $0x9;
	[tilespmem:s11+$0xFFFFFFC0] =	vst v4;
	v4 =	vbroadcast v2, $0x8;
	v10 =	vld [tilespmem:s11+$0x50]  }
0x65: {  	v12 =	vbroadcast v2, $0xB;
	[tilespmem:s11+$0xFFFFFFD0] =	vst v5;
	v5 =	vbroadcast v2, $0xA;
	v13 =	vld [tilespmem:s11+$0x40]  }
0x66: {  	[tilespmem:s11+$0xFFFFFFE0] =	vst v1;
	v1 =	vmul.f32 v14, v4;
	v4 =	vmul.f32 v11, v7;
	v7 =	vld [tilespmem:s11+$0x60]  }
0x67: {  	[tilespmem:s11+$0xFFFFFFF0] =	vst v3;
	v3 =	vmul.f32 v9, v5;
	v5 =	vmul.f32 v8, v12  }
0x68: {  	v8 =	vbroadcast v2, $0xD;
	[tilespmem:s11+$0x0] =	vst v1;
	v1 =	vbroadcast v2, $0xC  }
0x69: {  	[tilespmem:s11+$0x10] =	vst v4;
	v4 =	vbroadcast v2, $0xE;
	v2 =	vbroadcast v2, $0xF  }
0x6a: {  	[tilespmem:s11+$0x20] =	vst v3;
	v1 =	vmul.f32 v13, v1;
	v3 =	vmul.f32 v10, v8  }
.Ltmp1:
0x6b: {  	[tilespmem:s11+$0x30] =	vst v5;
	v4 =	vmul.f32 v7, v4;
	v2 =	vmul.f32 v6, v2;
	(pc) =	sbr.rel @p1 .LBB2_5-.Ltmp1, $4  }
0x6c: {  	[tilespmem:s11+$0x40] =	vst v1  }
0x6d: {  	[tilespmem:s11+$0x50] =	vst v3  }
0x6e: {  	s11 =	sadd.s32 $0x100, s11;
	[tilespmem:s12+$0x60] =	vst v4  }
0x6f: {  	s23 =	sshra.s32 s2, $0x2;
	s2 =	sadd.s32 $0x40, s2;
	v1 =	vld [tilespmem:s11+$0xFFFFFFB0];
	[tilespmem:s12+$0x70] =	vst v2;
	s12 =	smov.u32 s11  }
0x70: {  	v2 =	vld [tilespmem:s23+$0x800];
	_ =	sdelay $0x1  }
0x71: {  	v3 =	vld [tilespmem:s11+$0xFFFFFF80]  }
0x72: {  	v4 =	vld [tilespmem:s11+$0xFFFFFF90]  }
0x73: {  	v5 =	vld [tilespmem:s11+$0xFFFFFFA0]  }
0x74: {  	v6 =	vbroadcast v2, $0x0  }
0x75: {  	v9 =	vld [tilespmem:s11+$0xFFFFFFD0];
	v7 =	vbroadcast v2, $0x1  }
0x76: {  	v8 =	vld [tilespmem:s11+$0xFFFFFFC0];
	v10 =	vbroadcast v2, $0x2;
	v3 =	vmul.f32 v6, v3  }
0x77: {  	v48 =	vld [tilespmem:s11+$0xFFFFFFE0];
	v47 =	vbroadcast v2, $0x3;
	v4 =	vmul.f32 v4, v7  }
0x78: {  	v51 =	vld [tilespmem:s11+$0x10];
	v49 =	vbroadcast v2, $0x5;
	v5 =	vmul.f32 v5, v10;
	[tilespmem:s11+$0xFFFFFF80] =	vst v3  }
0x79: {  	v11 =	vld [tilespmem:s11+$0xFFFFFFF0];
	v1 =	vmul.f32 v1, v47;
	v3 =	vbroadcast v2, $0x4;
	[tilespmem:s11+$0xFFFFFF90] =	vst v4  }
0x7a: {  	v50 =	vld [tilespmem:s11+$0x0];
	v12 =	vbroadcast v2, $0x6;
	v6 =	vmul.f32 v9, v49;
	[tilespmem:s11+$0xFFFFFFA0] =	vst v5  }
0x7b: {  	v56 =	vld [tilespmem:s11+$0x50];
	v54 =	vbroadcast v2, $0x9;
	[tilespmem:s11+$0xFFFFFFB0] =	vst v1;
	v3 =	vmul.f32 v8, v3  }
0x7c: {  	v53 =	vld [tilespmem:s11+$0x20];
	v52 =	vbroadcast v2, $0x7;
	v7 =	vmul.f32 v48, v12;
	[tilespmem:s11+$0xFFFFFFD0] =	vst v6  }
0x7d: {  	v59 =	vmul.f32 v51, v54;
	v1 =	vld [tilespmem:s11+$0x30];
	[tilespmem:s11+$0xFFFFFFC0] =	vst v3;
	v3 =	vbroadcast v2, $0x8  }
0x7e: {  	v55 =	vld [tilespmem:s11+$0x40];
	v62 =	vbroadcast v2, $0xD;
	v5 =	vmul.f32 v11, v52;
	[tilespmem:s11+$0xFFFFFFE0] =	vst v7  }
0x7f: {  	v60 =	vld [tilespmem:s11+$0x60];
	v57 =	vbroadcast v2, $0xA;
	[tilespmem:s11+$0x10] =	vst v59;
	v3 =	vmul.f32 v50, v3  }
0x80: {  	v61 =	vld [tilespmem:s11+$0x70];
	v58 =	vbroadcast v2, $0xB;
	v4 =	vmul.f32 v56, v62;
	[tilespmem:s11+$0xFFFFFFF0] =	vst v5  }
0x81: {  	v8 =	vmul.f32 v53, v57;
	[tilespmem:s11+$0x0] =	vst v3;
	v3 =	vbroadcast v2, $0xC  }
0x82: {  	v63 =	vbroadcast v2, $0xE;
	[tilespmem:s11+$0x50] =	vst v4;
	v1 =	vmul.f32 v1, v58  }
0x83: {  	[tilespmem:s11+$0x20] =	vst v8;
	v2 =	vbroadcast v2, $0xF;
	v3 =	vmul.f32 v55, v3  }
0x84: {  	[tilespmem:s11+$0x30] =	vst v1;
	v1 =	vmul.f32 v60, v63  }
0x85: {  	v2 =	vmul.f32 v61, v2;
	[tilespmem:s11+$0x40] =	vst v3  }
0x86: {  	[tilespmem:s12+$0x60] =	vst v1  }
0x87: {  	[tilespmem:s12+$0x70] =	vst v2  }
0x88: {  	[spmem:s1] =	stream.indirect.scatter.add.f32 [tilespmem:s20], [sflag:$0x2], $0x10, s22, s25, $0xb8;
	[tilespmem:$0x1D2A0] =	vst v63  }
0x89: {  	_ =	swait.ge [sflag:s21], $0x800  }
0x8a: {  	[sflag:s21] =	ssyncset.done $0x0  }
0x8b: {  	[sflag:s21] =	ssyncadd.s32 $0xFFFFF800  }
0x8c: {  	[spmem:s1] =	stream.indirect.scatter.add.f32 [tilespmem:s28], [sflag:$0x2], $0x10, s26, s25, $0xb8;
	[tilespmem:$0x1D2A0] =	vst v63  }
0x8d: {  	_ =	swait.ge [sflag:s21], $0x800  }
0x8e: {  	[sflag:s21] =	ssyncset.done $0x0  }
0x8f: {  	[sflag:s21] =	ssyncadd.s32 $0xFFFFF800  }
0x90: {  	[spmem:s1] =	stream.indirect.scatter.add.f32 [tilespmem:s30], [sflag:$0x2], $0x10, s29, s25, $0xb8;
	[tilespmem:$0x1D2A0] =	vst v63  }
0x91: {  	_ =	swait.ge [sflag:s21], $0x800  }
0x92: {  	[sflag:s21] =	ssyncset.done $0x0  }
0x93: {  	[sflag:s21] =	ssyncadd.s32 $0xFFFFF800  }
0x94: {  	[spmem:s1] =	stream.indirect.scatter.add.f32 [tilespmem:s0], [sflag:$0x2], $0x10, s31, s25, $0xb8;
	[tilespmem:$0x1D2A0] =	vst v63  }
0x95: {  	_ =	swait.ge [sflag:s21], $0x800  }
0x96: {  	[sflag:s21] =	ssyncset.done $0x0  }
0x97: {  	[sflag:s21] =	ssyncadd.s32 $0xFFFFF800  }
0x98: {  	[spmem:s1] =	stream.indirect.scatter.add.f32 [tilespmem:s14], [sflag:$0x2], $0x10, s3, s25, $0xb8;
	[tilespmem:$0x1D2A0] =	vst v63  }
0x99: {  	_ =	swait.ge [sflag:s21], $0x800  }
0x9a: {  	[sflag:s21] =	ssyncset.done $0x0  }
0x9b: {  	[sflag:s21] =	ssyncadd.s32 $0xFFFFF800  }
0x9c: {  	[spmem:s1] =	stream.indirect.scatter.add.f32 [tilespmem:s16], [sflag:$0x2], $0x10, s15, s25, $0xb8;
	[tilespmem:$0x1D2A0] =	vst v63  }
0x9d: {  	_ =	swait.ge [sflag:s21], $0x800  }
0x9e: {  	[sflag:s21] =	ssyncset.done $0x0  }
0x9f: {  	[sflag:s21] =	ssyncadd.s32 $0xFFFFF800  }
0xa0: {  	[spmem:s1] =	stream.indirect.scatter.add.f32 [tilespmem:s18], [sflag:$0x2], $0x10, s17, s25, $0xb8;
	[tilespmem:$0x1D2A0] =	vst v63  }
0xa1: {  	s10 =	sadd.s32 $0x1, s10;
	_ =	swait.ge [sflag:s21], $0x800  }
0xa2: {  	p1 =	sne.s32 s10, $0x32;
	[sflag:s21] =	ssyncset.done $0x0  }
.Ltmp2:
0xa3: {  	[sflag:s21] =	ssyncadd.s32 $0xFFFFF800;
	(pc) =	sbr.rel @p1 .LBB2_4-.Ltmp2, $4  }
0xa4: {  	[spmem:s1] =	stream.indirect.scatter.add.f32 [tilespmem:s8], [sflag:$0x2], $0x10, s19, s25, $0xb8;
	[tilespmem:$0x1D2A0] =	vst v63  }
0xa5: {  	_ =	swait.ge [sflag:s21], $0x800  }
0xa6: {  	[sflag:s21] =	ssyncset.done $0x0  }
0xa7: {  	[sflag:s21] =	ssyncadd.s32 $0xFFFFF800  }
0xa8: {  	s2 =	stileid.u32;
	[bflag:$0x0] =	sbarrier.arrive $0xFFFF  }
0xa9: {  	s2 =	sshll.u32 s2, $0x6;
	s9 =	rddreg [dreg:$0x4]  }
0xaa: {  	s10 =	rddreg [dreg:$0x9];
	s2 =	sor.u32 $0x1C02, s2;
	s9 =	sshrl.u32 s9, $0x3  }
0xab: {  	[hbm:s10], [sflag:s2] =	dma.local [spmem:s9], $0x800  }
0xac: {  	_ =	swait.ge [sflag:s21], $0x800  }
0xad: {  	[sflag:s21] =	ssyncset.done $0x0;
	s10 =	rddreg [dreg:$0x5]  }
0xae: {  	s11 =	rddreg [dreg:$0xa];
	[sflag:s21] =	ssyncadd.s32 $0xFFFFF800;
	s9 =	sshrl.u32 s10, $0x3  }
0xaf: {  	[hbm:s11], [sflag:s2] =	dma.local [spmem:s9], $0x800  }
0xb0: {  	_ =	swait.ge [sflag:s21], $0x800  }
0xb1: {  	[sflag:s21] =	ssyncset.done $0x0;
	s12 =	rddreg [dreg:$0x6]  }
0xb2: {  	s23 =	rddreg [dreg:$0xb];
	[sflag:s21] =	ssyncadd.s32 $0xFFFFF800;
	s9 =	sshrl.u32 s12, $0x3  }
0xb3: {  	[hbm:s23], [sflag:s2] =	dma.local [spmem:s9], $0x800  }
0xb4: {  	_ =	swait.ge [sflag:s21], $0x800  }
0xb5: {  	[sflag:s21] =	ssyncset.done $0x0;
	s10 =	rddreg [dreg:$0x7]  }
0xb6: {  	s11 =	rddreg [dreg:$0xc];
	[sflag:s21] =	ssyncadd.s32 $0xFFFFF800;
	s9 =	sshrl.u32 s10, $0x3  }
0xb7: {  	[hbm:s11], [sflag:s2] =	dma.local [spmem:s9], $0x18D0  }
0xb8: {  	_ =	swait.ge [sflag:s21], $0x18D0  }
0xb9: {  	[sflag:s21] =	ssyncset.done $0x0;
	s9 =	rddreg [dreg:$0x8]  }
0xba: {  	s10 =	rddreg [dreg:$0xd];
	[sflag:s21] =	ssyncadd.s32 $0xFFFFE730;
	s9 =	sshrl.u32 @!p0 s9, $0x3  }
0xbb: {  	[hbm:s10], [sflag:s2] =	dma.local @!p0 [spmem:s9], $0x40  }
0xbc: {  	s2 =	simm.s32 @!p0 $0x2  }
0xbd: {  	_ =	swait.ge @!p0 [sflag:s2], $0x40  }
0xbe: {  	s23 =	rddreg [dreg:$0x3]  }
0xbf: {  	s12 =	rddreg [dreg:$0xe];
	s23 =	sadd.s32 $0x1, s23  }
0xc0: {  	p1 =	sne.s32 s23, s12  }
.Ltmp3:
0xc1: {  	_ = 	snop;
	(pc) =	sbr.rel @p1 .LBB2_1-.Ltmp3, $3  }
0xc2: {  	_ =	sdelay $0x1  }
0xc3: {  	[sflag:s2] =	ssyncset.done @!p0 $0x0  }
0xc4: {  	[sflag:s2] =	ssyncadd.s32 @!p0 $0xFFFFFFC0  }
0xc5: {  	_ =	sfence.sel $0x180000  }
0xc6: {  	[bflag:$0x0] =	sbarrier.arrive $0xFFFF  }
0xc7: {  	_ =	strace $0x9000004D  }
0xc8: {  	s0 =	stileid.u32;
	[bflag:$0x2] =	sbarrier.arrive $0xFFFF  }
0xc9: {  	p0 =	sne.s32 s0, $0x0;
	s0 =	rddreg [dreg:$0x2]  }
0xca: {  	s0 =	sadd.s32 @!p0 $0x100000, s0  }
0xcb: {  	[sflag:s0] =	ssyncadd.tile.s32 @!p0 $0x1;
	_ =	shalt  }
.Lfunc_end2:
_tile_overlayer_lowered:
.L_overlay_start_2:
0xcc: {  	(tag) =	ssettag $0x2  }
0xcd: {  	s0 =	rddreg [dreg:$0x0];
	s2 =	stileid.u32  }
0xce: {  	s1 =	rddreg [dreg:$0x1];
	p0 =	sne.s32 s2, $0x0  }
0xcf: {  	s3 =	rddreg [dreg:$0x2];
	[bflag:$0x3] =	sbarrier.arrive $0xFFFF;
	s2 =	simm.s32 @!p0 $0x1C02  }
0xd0: {  	[timem:s3], [sflag:s2] =	dma.local @!p0 [hbm:s0], s1  }
0xd1: {  	s0 =	simm.s32 @!p0 $0x2  }
0xd2: {  	_ =	swait.ge @!p0 [sflag:s0], s1  }
0xd3: {  	s1 =	ssub.s32 @!p0 $0x0, s1;
	[sflag:s0] =	ssyncset.done @!p0 $0x0  }
0xd4: {  	[sflag:s0] =	ssyncadd.s32 @!p0 s1  }
0xd5: {  	[bflag:$0x3] =	sbarrier.arrive $0xFFFF  }
0xd6: {  	_ =	shalt  }

// kernel: kernel.15.cloned.1.call-start
scs
__scs_entry_jumppad:
0x0: {  	(pc) =	sbr.rel $0x88, $3  }
0x1: {  	(tag) =	ssettag $0x0;
	lr =	simm.s32 $0x1  }
0x2: {  	[smem:$0x3F96] =	sst lr;
	_ =	strace $0xD0000000  }
0x3: {  	_ = 	snop  }
0x4: {  	_ = 	snop  }
0x5: {  	_ = 	snop  }
0x6: {  	_ = 	snop  }
0x7: {  	_ = 	snop  }
__scs_overlays_trampoline_lowered:
0x8: {  	[smem:$0x3FA5] =	sst s0  }
0x9: {  	[smem:$0x3FA6] =	sst s1  }
0xa: {  	[smem:$0x3FA7] =	sst s2  }
0xb: {  	[smem:$0x3FA8] =	sst s3  }
0xc: {  	[smem:$0x3FA9] =	sst s4  }
0xd: {  	[smem:$0x3FAA] =	sst s5  }
0xe: {  	[smem:$0x3FAB] =	sst s6  }
0xf: {  	[smem:$0x3FAC] =	sst s7  }
0x10: {  	[smem:$0x3FAD] =	sst s8  }
0x11: {  	[smem:$0x3FAE] =	sst s9;
	s0 =	simm.s32 @!p0 $0x0  }
0x12: {  	s1 =	sld [smem:$0x3F94];
	s0 =	simm.s32 @p0 $0x1  }
0x13: {  	[smem:$0x3FAF] =	sst s0;
	s0 =	simm.s32 @!p1 $0x0  }
0x14: {  	s2 =	sld [smem:$0x3F93];
	s0 =	simm.s32 @p1 $0x1  }
0x15: {  	[smem:$0x3FB0] =	sst s0;
	s0 =	simm.s32 @!p2 $0x0  }
0x16: {  	s3 =	sld [smem:$0x3FDB];
	s0 =	simm.s32 @p2 $0x1  }
0x17: {  	s4 =	simm.s32 $0x1BF5;
	[smem:$0x3FB2] =	sst s0  }
0x18: {  	s0 =	sld [smem:$0x3F95];
	_ =	swait.ge [sflag:s4], $0x0  }
0x19: {  	s7 =	sld [smem:$0x3F96]  }
0x1a: {  	s8 =	sadd.s32 $0xFFFFE003, lr  }
0x1b: {  	s9 =	sadd.s32 $0xFFFFFEF7, lr;
	s5 =	simm.s32 $0xFFFFFFFF;
	p2 =	slt.u32 s8, $0xFFFFF086  }
0x1c: {  	p1 =	slt.u32 s9, $0xF7A;
	s5 =	simm.s32 @!p2 $0x0  }
0x1d: {  	s5 =	simm.s32 @p1 $0x1;
	p0 =	seq.s32 s7, s2  }
0x1e: {  	s7 =	smul.u32 @!p0 $0xF7A, s2;
	p2 =	seq.s32 @!p0 s5, $0x0  }
0x1f: {  	s9 =	smul.u32 $0xF7A, s1;
	s8 =	simm.s32 @!p0 $0x1BF5;
	p2 =	por !p2, p0  }
0x20: {  	[sflag:s8] =	ssyncset.s32 @!p0 $0xFFFFF086;
	s6 =	sadd.s32 @!p0 s3, s7;
	s7 =	simm.s32 @!p0 $0x108  }
0x21: {  	s3 =	sadd.s32 s3, s9;
	s6 =	sadd.s32 @!p0 $0x88, s6;
	s7 =	simm.s32 @p2 $0x1082  }
0x22: {  	[simem:s7], [sflag:s8] =	dma.local @!p0 [hbm:s6], $0xF7A  }
0x23: {  	s9 =	sor.u32 $0xD0000000, s2;
	s6 =	simm.s32 $0x108;
	_ =	swait.ge @!p0 [sflag:s8], $0x0  }
0x24: {  	s3 =	sadd.s32 $0x88, s3;
	s6 =	simm.s32 @!p1 $0x1082;
	[sflag:s4] =	ssyncset.s32 $0xFFFFF086  }
0x25: {  	[simem:s6], [sflag:s4] =	dma.local [hbm:s3], $0xF7A  }
0x26: {  	[smem:$0x3F96] =	sst s1;
	(tag) =	ssettag s2;
	_ =	strace s9  }
0x27: {  	s1 =	sld [smem:$0x3FA6]  }
0x28: {  	s2 =	sld [smem:$0x3FA7]  }
0x29: {  	s4 =	sld [smem:$0x3FA9]  }
0x2a: {  	p0 =	seq.s32 s5, $0x0;
	s5 =	sld [smem:$0x3FAA]  }
0x2b: {  	s6 =	sld [smem:$0x3FAB]  }
0x2c: {  	s7 =	sld [smem:$0x3FAC]  }
0x2d: {  	s3 =	simm.s32 $0x108;
	s8 =	sld [smem:$0x3FAD]  }
0x2e: {  	s3 =	simm.s32 @!p0 $0x1082;
	s9 =	sld [smem:$0x3FAE]  }
0x2f: {  	lr =	sadd.s32 s0, s3;
	s0 =	sld [smem:$0x3FA5]  }
0x30: {  	s3 =	sld [smem:$0x3FA8]  }
0x31: {  	[smem:$0x3FB1] =	sst s10  }
0x32: {  	s10 =	sld [smem:$0x3FAF];
	_ =	sdelay $0x3  }
0x33: {  	p0 =	seq.s32 s10, $0x1;
	s10 =	sld [smem:$0x3FB1];
	_ =	sdelay $0x3  }
0x34: {  	[smem:$0x3FB1] =	sst s10  }
0x35: {  	s10 =	sld [smem:$0x3FB0];
	_ =	sdelay $0x3  }
0x36: {  	p1 =	seq.s32 s10, $0x1;
	s10 =	sld [smem:$0x3FB1];
	_ =	sdelay $0x3  }
0x37: {  	[smem:$0x3FB1] =	sst s10  }
0x38: {  	s10 =	sld [smem:$0x3FB2]  }
0x39: {  	_ = 	snop;
	(pc) =	sbr.ind lr, $3  }
0x3a: {  	_ = 	snop  }
0x3b: {  	_ = 	snop  }
0x3c: {  	p2 =	seq.s32 s10, $0x1;
	s10 =	sld [smem:$0x3FB1]  }
0x3d: {  	_ =	shalt  }
0x3e: {  	_ =	shalt  }
0x3f: {  	_ =	shalt  }
0x40: {  	_ =	shalt  }
0x41: {  	_ =	shalt  }
0x42: {  	_ =	shalt  }
0x43: {  	_ =	shalt  }
0x44: {  	_ =	shalt  }
0x45: {  	_ =	shalt  }
0x46: {  	_ =	shalt  }
0x47: {  	_ =	shalt  }
0x48: {  	_ =	shalt  }
0x49: {  	_ =	shalt  }
0x4a: {  	_ =	shalt  }
0x4b: {  	_ =	shalt  }
0x4c: {  	_ =	shalt  }
0x4d: {  	_ =	shalt  }
0x4e: {  	_ =	shalt  }
0x4f: {  	_ =	shalt  }
0x50: {  	_ =	shalt  }
0x51: {  	_ =	shalt  }
0x52: {  	_ =	shalt  }
0x53: {  	_ =	shalt  }
0x54: {  	_ =	shalt  }
0x55: {  	_ =	shalt  }
0x56: {  	_ =	shalt  }
0x57: {  	_ =	shalt  }
0x58: {  	_ =	shalt  }
0x59: {  	_ =	shalt  }
0x5a: {  	_ =	shalt  }
0x5b: {  	_ =	shalt  }
0x5c: {  	_ =	shalt  }
0x5d: {  	_ =	shalt  }
0x5e: {  	_ =	shalt  }
0x5f: {  	_ =	shalt  }
0x60: {  	_ =	shalt  }
0x61: {  	_ =	shalt  }
0x62: {  	_ =	shalt  }
0x63: {  	_ =	shalt  }
0x64: {  	_ =	shalt  }
0x65: {  	_ =	shalt  }
0x66: {  	_ =	shalt  }
0x67: {  	_ =	shalt  }
0x68: {  	_ =	shalt  }
0x69: {  	_ =	shalt  }
0x6a: {  	_ =	shalt  }
0x6b: {  	_ =	shalt  }
0x6c: {  	_ =	shalt  }
0x6d: {  	_ =	shalt  }
0x6e: {  	_ =	shalt  }
0x6f: {  	_ =	shalt  }
0x70: {  	_ =	shalt  }
0x71: {  	_ =	shalt  }
0x72: {  	_ =	shalt  }
0x73: {  	_ =	shalt  }
0x74: {  	_ =	shalt  }
0x75: {  	_ =	shalt  }
0x76: {  	_ =	shalt  }
0x77: {  	_ =	shalt  }
0x78: {  	_ =	shalt  }
0x79: {  	_ =	shalt  }
0x7a: {  	_ =	shalt  }
0x7b: {  	_ =	shalt  }
0x7c: {  	_ =	shalt  }
0x7d: {  	_ =	shalt  }
0x7e: {  	_ =	shalt  }
0x7f: {  	_ =	shalt  }
0x80: {  	_ =	shalt  }
0x81: {  	_ =	shalt  }
0x82: {  	_ =	shalt  }
0x83: {  	_ =	shalt  }
0x84: {  	_ =	shalt  }
0x85: {  	_ =	shalt  }
0x86: {  	_ =	shalt  }
0x87: {  	_ =	shalt  }
.Lfunc_end0:
.L_simem_size_0:
called_computation.3_lowered:
.L_overlay_start_0:
0x88: {  	s2 =	sld [smem:$0x3FD9]  }
0x89: {  	s3 =	sld [smem:$0x3FFE];
	_ =	sdelay $0x1  }
0x8a: {  	s1 =	srdreg.scid  }
0x8b: {  	s0 =	sand.u32 $0x1, s1  }
0x8c: {  	s16 =	sshll.u32 s0, $0xA;
	s2 =	sadd.s32 s3, s2  }
0x8d: {  	s2 =	sadd.s32 s2, s16  }
0x8e: {  	[smem:$0x3FBD] =	sst s2  }
0x8f: {  	_ = 	snop  }
0x90: {  	(tm) =	ssettm $0x1  }
0x91: {  	s17 =	sld [smem:$0x3FFB];
	_ =	sdelay $0x3  }
0x92: {  	_ =	strace s17  }
0x93: {  	s2 =	sld [smem:$0x3FFC];
	_ =	sdelay $0x3  }
0x94: {  	_ =	strace s2  }
0x95: {  	s2 =	sld [smem:$0x3FFD];
	_ =	sdelay $0x3  }
0x96: {  	_ =	strace s2  }
0x97: {  	_ =	strace $0x8FFFFFFF  }
0x98: {  	s18 =	sld [smem:$0x3FDB];
	_ =	sdelay $0x1  }
0x99: {  	s19 =	simm.s32 $_scs_section_size  }
0x9a: {  	s4 =	simm.s32 $_size__tile_overlayer_lowered;
	s5 =	simm.s32 $_tile_overlayer_lowered  }
0x9b: {  	s22 =	simm.s32 $0x1BFF;
	s21 =	sshll.u32 s5, $0x1;
	s2 =	sadd.s32 s19, s18  }
0x9c: {  	s6 =	simm.s32 $0x0;
	s20 =	sshll.u32 s4, $0x1;
	s4 =	sadd.s32 s21, s2  }
0x9d: {  	[timem:s6], [sflag:s22] =	dma.local [hbm:s4], s20  }
0x9e: {  	_ =	swait.ge [sflag:s22], s20  }
0x9f: {  	s3 =	ssub.s32 $0x0, s20;
	[sflag:s22] =	ssyncset.done $0x0  }
0xa0: {  	[sflag:s22] =	ssyncadd.s32 s3;
	_ =	sdelay $0x1  }
0xa1: {  	s23 =	simm.s32 $0x1B8B  }
0xa2: {  	_ =	swait.ge [sflag:s23], $0x1  }
0xa3: {  	[sflag:s23] =	ssyncset.done $0x0  }
0xa4: {  	s25 =	simm.s32 $0x1B8E;
	s24 =	sld [smem:$0x3FFE];
	[sflag:s23] =	ssyncadd.s32 $0xFFFFFFFF  }
0xa5: {  	s26 =	simm.s32 $execute0_lowered;
	[smem:$0x3FD2] =	sst s25  }
0xa6: {  	s4 =	sshll.u32 s26, $0x1;
	_ =	strace $0x8000004F;
	[dreg:$0x1] =	wrdreg $0xFFFFFFFF  }
0xa7: {  	s28 =	simm.s32 $_size_execute0_lowered;
	s2 =	sadd.s32 s2, s4;
	[dreg:$0x0] =	wrdreg $0x0  }
0xa8: {  	s4 =	sshll.u32 s28, $0x1;
	[dreg:$0x2] =	wrdreg s2  }
0xa9: {  	[dreg:$0x3] =	wrdreg s4  }
0xaa: {  	[dreg:$0x4] =	wrdreg $0xC0  }
0xab: {  	_ =	task [dreg:s6], $0x5FFFF  }
0xac: {  	[dreg:$0x1] =	wrdreg $0xFFFFFFFF  }
0xad: {  	[dreg:$0x0] =	wrdreg $0x60  }
0xae: {  	[dreg:$0x2] =	wrdreg s24  }
0xaf: {  	[dreg:$0x3] =	wrdreg $0x4C000  }
0xb0: {  	[dreg:$0x4] =	wrdreg $0x9  }
0xb1: {  	_ =	task.clear_ibuf [dreg:s6], $0x5FFFF;
	_ =	strace $0x9000004F  }
0xb2: {  	s29 =	simm.s32 $0x9;
	_ =	strace $0x80000051  }
0xb3: {  	_ =	swait.ge [sflag:s29], $0x1  }
0xb4: {  	[sflag:s29] =	ssyncadd.s32 $0xFFFFFFFF  }
0xb5: {  	_ =	strace $0x90000051  }
0xb6: {  	_ =	sfence  }
0xb7: {  	s30 =	sld [smem:$0x0];
	_ =	sdelay $0x2  }
0xb8: {  	s31 =	sshll.u32 s1, $0xD;
	s1 =	sshrl.u32 s1, $0x2  }
0xb9: {  	s3 =	sand.u32 $0x4000, s31;
	s1 =	sadd.s32 s1, s30  }
0xba: {  	s0 =	sor.u32 s3, s0;
	s1 =	sshll.u32 s1, $0x11  }
0xbb: {  	s0 =	sor.u32 s1, s0  }
0xbc: {  	s0 =	sadd.s32 $0x8F2B, s0  }
0xbd: {  	[sflag:s0] =	ssyncadd.remote.s32 $0x1  }
0xbe: {  	_ =	sfence.sel $0xFFFF  }
0xbf: {  	[dreg:$0x0] =	wrdreg $0xFFFFFFFF;
	(pc) =	sbr.abs _section_cstart, $3  }
0xc0: {  	[dreg:$0x1] =	wrdreg $0xFFFFFFFF  }
0xc1: {  	_ =	task.clear_ibuf [dreg:s6], $0x2FFFF;
	_ =	strace $0x9FFFFFFF  }
0xc2: {  	(tm) =	ssettm $0x7FFFFFFF  }
0xc3: {  	_ =	shalt  }
tec
execute0_lowered:
.L_overlay_start_1:
0x0: {  	(tag) =	ssettag $0x1  }
0x1: {  	s0 =	rddreg [dreg:$0x0]  }
0x2: {  	s1 =	rddreg [dreg:$0x1];
	s2 =	simm.s32 $0x0;
	s3 =	srdreg.scid  }
0x3: {  	s15 =	stileid.u32;
	s28 =	simm.s32 $0x1400;
	s29 =	simm.s32 $0x500  }
0x4: {  	s30 =	simm.s32 $0x1C00;
	s31 =	simm.s32 $0x580;
	[smem:$0x7FF] =	sst s2  }
0x5: {  	s4 =	sadd.s32 $0x40B400, s0;
	s3 =	sand.u32 $0x1, s3;
	s5 =	sadd.s32 $0x35200, s0  }
0x6: {  	s9 =	smul.u32 $0x18680, s15;
	s6 =	sadd.s32 $0x67200, s0;
	s7 =	sadd.s32 $0x3200, s0  }
0x7: {  	s0 =	sadd.s32 $0xFE000, s0;
	s17 =	sadd.s32 $0x186800, s1;
	p0 =	sne.s32 s15, $0xF  }
0x8: {  	_ =	strace $0x80000050;
	s8 =	ssub.s32 $0x2, s3;
	s12 =	smul.u32 $0x186A00, s3  }
0x9: {  	[dreg:$0x7] =	wrdreg s17;
	s19 =	smul.u32 $0x186A0, s3;
	s17 =	simm.s32 $0x700  }
0xa: {  	s10 =	sshrl.u32 s8, $0x1;
	s23 =	sadd.s32 s9, s1;
	s26 =	sadd.s32 $0x4000, s9  }
0xb: {  	s11 =	sadd.s32 $0x8000, s9;
	s8 =	ssub.s32 s8, s10;
	s13 =	sadd.s32 s26, s1  }
0xc: {  	s14 =	sadd.s32 s11, s1;
	s10 =	sadd.s32 s12, s26;
	[dreg:$0x3] =	wrdreg s23  }
0xd: {  	s21 =	sadd.s32 s12, s11;
	s24 =	sshrl.u32 s12, $0x3;
	[dreg:$0x4] =	wrdreg s13  }
0xe: {  	v0 =	vmov s19;
	s19 =	simm.s32 $0x780;
	s11 =	simm.s32 $0x0;
	[dreg:$0x5] =	wrdreg s14  }
0xf: {  	s14 =	sadd.s32 $0xC000, s9;
	s9 =	sadd.s32 s9, s12;
	s13 =	smul.u32 $0x19000, s15  }
0x10: {  	s20 =	sshrl.u32 s10, $0x3;
	s26 =	smax.u32 s8, $0x1;
	s15 =	simm.s32 $0x680  }
0x11: {  	s8 =	simm.s32 $0x4400;
	s16 =	sadd.s32 s14, s1;
	s9 =	sshrl.u32 s9, $0x3  }
0x12: {  	s3 =	sadd.s32 s0, s20;
	s22 =	sadd.s32 s12, s14;
	[dreg:$0xd] =	wrdreg s26  }
0x13: {  	s20 =	simm.s32 $0xC00;
	s26 =	simm.s32 $0x480;
	[dreg:$0x6] =	wrdreg s16  }
0x14: {  	s14 =	simm.s32 $0x2C00;
	s18 =	sadd.s32 s0, s9;
	[dreg:$0x9] =	wrdreg s3  }
0x15: {  	s3 =	sshrl.u32 s21, $0x3;
	s9 =	sshrl.u32 s22, $0x3;
	s21 =	simm.s32 $0x2  }
0x16: {  	s22 =	simm.s32 $0x400;
	s16 =	simm.s32 $0x3400;
	[dreg:$0x8] =	wrdreg s18  }
0x17: {  	s3 =	sadd.s32 s0, s3;
	s25 =	sadd.s32 s0, s9;
	s0 =	sadd.s32 s0, s24  }
0x18: {  	s24 =	simm.s32 $0x1;
	s18 =	simm.s32 $0x3C00;
	[dreg:$0xa] =	wrdreg s3  }
0x19: {  	[dreg:$0xb] =	wrdreg s25;
	s0 =	sadd.s32 $0x30D00, s0;
	s25 =	simm.s32 $0x80  }
0x1a: {  	v1 =	vimm.f32 $0.0e+00;
	s3 =	simm.s32 $0x600;
	[dreg:$0xc] =	wrdreg s0;
	s0 =	simm.s32 $0x2400  }
.LBB2_1:
0x1b: {  	s9 =	simm.s32 $0xC40  }
0x1c: {  	[tilespmem:s9+$0xFFFFFFC0] =	vst v1  }
0x1d: {  	[tilespmem:s9+$0x30] =	vst v1  }
0x1e: {  	[tilespmem:s9+$0x20] =	vst v1  }
0x1f: {  	[tilespmem:s9+$0x10] =	vst v1  }
0x20: {  	[tilespmem:s9+$0x0] =	vst v1  }
0x21: {  	[tilespmem:s9+$0xFFFFFFF0] =	vst v1  }
0x22: {  	s10 =	simm.s32 $0x0;
	[tilespmem:s9+$0xFFFFFFE0] =	vst v1  }
.LBB2_2:
0x23: {  	s10 =	sadd.s32 $0x8, s10;
	[tilespmem:s9+$0xFFFFFFD0] =	vst v1;
	s9 =	sadd.s32 $0x80, s9  }
0x24: {  	[tilespmem:s9+$0xFFFFFFC0] =	vst v1;
	p1 =	slt.u32 s10, $0x3F8  }
0x25: {  	[tilespmem:s9+$0x30] =	vst v1  }
.Ltmp0:
0x26: {  	[tilespmem:s9+$0x20] =	vst v1;
	(pc) =	sbr.rel @p1 .LBB2_2-.Ltmp0, $4  }
0x27: {  	[tilespmem:s9+$0x10] =	vst v1  }
0x28: {  	[tilespmem:s9+$0x0] =	vst v1  }
0x29: {  	[tilespmem:s9+$0xFFFFFFF0] =	vst v1  }
0x2a: {  	[tilespmem:s9+$0xFFFFFFE0] =	vst v1  }
0x2b: {  	[dreg:$0xe] =	wrdreg s11;
	[tilespmem:s9+$0xFFFFFFD0] =	vst v1  }
0x2c: {  	[spmem:s23] =	stream.linear.scatter [tilespmem:s20], [sflag:$0x2], $0x4000, $0x38;
	[tilespmem:$0x1D2A0] =	vst v63  }
0x2d: {  	_ =	swait.ge [sflag:s21], $0x4000  }
0x2e: {  	[sflag:s21] =	ssyncset.done $0x0  }
0x2f: {  	s11 =	rddreg [dreg:$0x4];
	[sflag:s21] =	ssyncadd.s32 $0xFFFFC000  }
0x30: {  	[spmem:s11] =	stream.linear.scatter [tilespmem:s20], [sflag:$0x2], $0x4000, $0x38;
	[tilespmem:$0x1D2A0] =	vst v63  }
0x31: {  	_ =	swait.ge [sflag:s21], $0x4000  }
0x32: {  	[sflag:s21] =	ssyncset.done $0x0  }
0x33: {  	s12 =	rddreg [dreg:$0x5];
	[sflag:s21] =	ssyncadd.s32 $0xFFFFC000  }
0x34: {  	[spmem:s12] =	stream.linear.scatter [tilespmem:s20], [sflag:$0x2], $0x4000, $0x38;
	[tilespmem:$0x1D2A0] =	vst v63  }
0x35: {  	_ =	swait.ge [sflag:s21], $0x4000  }
0x36: {  	[sflag:s21] =	ssyncset.done $0x0  }
0x37: {  	s23 =	rddreg [dreg:$0x6];
	[sflag:s21] =	ssyncadd.s32 $0xFFFFC000  }
0x38: {  	[spmem:s23] =	stream.linear.scatter [tilespmem:s20], [sflag:$0x2], $0xC680, $0x38;
	[tilespmem:$0x1D2A0] =	vst v63  }
0x39: {  	_ =	swait.ge [sflag:s21], $0xC680  }
0x3a: {  	[sflag:s21] =	ssyncset.done $0x0  }
0x3b: {  	s9 =	simm.s32 @!p0 $0xC00;
	s10 =	rddreg [dreg:$0x7];
	[sflag:s21] =	ssyncadd.s32 $0xFFFF3980  }
0x3c: {  	[spmem:s10] =	stream.linear.scatter @!p0 [tilespmem:s9], [sflag:$0x2], $0x200, $0x38;
	[tilespmem:$0x1D2A0] =	vst v63  }
0x3d: {  	s9 =	simm.s32 @!p0 $0x2  }
0x3e: {  	_ =	swait.ge @!p0 [sflag:s9], $0x200  }
0x3f: {  	[sflag:s9] =	ssyncset.done @!p0 $0x0  }
0x40: {  	[sflag:s9] =	ssyncadd.s32 @!p0 $0xFFFFFE00  }
0x41: {  	s10 =	simm.s32 $0x0;
	[bflag:$0x0] =	sbarrier.arrive $0xFFFF  }
.LBB2_4:
0x42: {  	s9 =	sshll.u32 s10, $0xA  }
0x43: {  	s9 =	sadd.s32 s13, s9  }
0x44: {  	s9 =	sshrl.u32 s9, $0x3  }
0x45: {  	s11 =	sadd.s32 s5, s9  }
0x46: {  	[tilespmem:s2], [sflag:$0x2] =	stream.linear.gather [hbm4b:s11+s2], $0x400, $0x38;
	[tilespmem:$0x1D2A0] =	vst v63  }
0x47: {  	_ =	swait.ge [sflag:s21], $0x400  }
0x48: {  	[sflag:s21] =	ssyncset.done $0x0  }
0x49: {  	s12 =	sadd.s32 s6, s9;
	[sflag:s21] =	ssyncadd.s32 $0xFFFFFC00  }
0x4a: {  	[tilespmem:s22], [sflag:$0x2] =	stream.linear.gather [hbm4b:s12+s2], $0x400, $0x38;
	[tilespmem:$0x1D2A0] =	vst v63  }
0x4b: {  	_ =	swait.ge [sflag:s21], $0x400  }
0x4c: {  	[sflag:s21] =	ssyncset.done $0x0  }
0x4d: {  	s23 =	simm.s32 $0x800;
	s9 =	sadd.s32 s7, s9;
	[sflag:s21] =	ssyncadd.s32 $0xFFFFFC00  }
0x4e: {  	[tilespmem:s23], [sflag:$0x2] =	stream.linear.gather [hbm4b:s9+s2], $0x400, $0x38;
	[tilespmem:$0x1D2A0] =	vst v63  }
0x4f: {  	_ =	swait.ge [sflag:s21], $0x400  }
0x50: {  	[sflag:s21] =	ssyncset.done $0x0  }
0x51: {  	s9 =	simm.s32 $0x40;
	[sflag:s21] =	ssyncadd.s32 $0xFFFFFC00  }
0x52: {  	v4 =	vld [tilespmem:s9+$0xFFFFFFC0]  }
0x53: {  	v5 =	vld [tilespmem:s9+$0xFFFFFFD0]  }
0x54: {  	v6 =	vld [tilespmem:s9+$0xFFFFFFE0]  }
0x55: {  	v3 =	vld [tilespmem:s9+$0x0]  }
0x56: {  	v2 =	vld [tilespmem:s9+$0x10]  }
0x57: {  	v7 =	vadd.s32 v0, v4;
	v4 =	vld [tilespmem:s9+$0x20]  }
0x58: {  	[tilespmem:s9+$0xFFFFFFC0] =	vst v7;
	v7 =	vadd.s32 v0, v5;
	v5 =	vld [tilespmem:s9+$0x30]  }
0x59: {  	s11 =	simm.s32 $0x0;
	s12 =	simm.s32 $0xC0;
	[tilespmem:s9+$0xFFFFFFD0] =	vst v7;
	v7 =	vadd.s32 v0, v6;
	v6 =	vld [tilespmem:s9+$0xFFFFFFF0]  }
.LBB2_5:
0x5a: {  	v8 =	vld [tilespmem:s12+$0xFFFFFFC0];
	[tilespmem:s9+$0xFFFFFFE0] =	vst v7;
	v3 =	vadd.s32 v0, v3  }
0x5b: {  	s11 =	sadd.s32 $0x8, s11;
	v7 =	vld [tilespmem:s12+$0xFFFFFFD0];
	[tilespmem:s9+$0x0] =	vst v3;
	v2 =	vadd.s32 v0, v2  }
0x5c: {  	p1 =	slt.u32 s11, $0x38;
	v9 =	vld [tilespmem:s12+$0xFFFFFFE0];
	[tilespmem:s9+$0x10] =	vst v2;
	v2 =	vadd.s32 v0, v4  }
.Ltmp1:
0x5d: {  	v3 =	vld [tilespmem:s12+$0x0];
	[tilespmem:s9+$0x20] =	vst v2;
	v4 =	vadd.s32 v0, v5;
	(pc) =	sbr.rel @p1 .LBB2_5-.Ltmp1, $4  }
0x5e: {  	v2 =	vld [tilespmem:s12+$0x10];
	v5 =	vadd.s32 v0, v6;
	[tilespmem:s9+$0x30] =	vst v4  }
0x5f: {  	v6 =	vadd.s32 v0, v8;
	v4 =	vld [tilespmem:s12+$0x20];
	[tilespmem:s9+$0xFFFFFFF0] =	vst v5;
	s9 =	smov.u32 s12  }
0x60: {  	[tilespmem:s12+$0xFFFFFFC0] =	vst v6;
	v6 =	vadd.s32 v0, v7;
	v5 =	vld [tilespmem:s12+$0x30]  }
0x61: {  	s12 =	sadd.s32 $0x80, s12;
	[tilespmem:s9+$0xFFFFFFD0] =	vst v6;
	v7 =	vadd.s32 v0, v9;
	v6 =	vld [tilespmem:s9+$0xFFFFFFF0]  }
0x62: {  	[tilespmem:s9+$0xFFFFFFE0] =	vst v7;
	v3 =	vadd.s32 v0, v3  }
0x63: {  	[tilespmem:s9+$0x0] =	vst v3;
	v2 =	vadd.s32 v0, v2  }
0x64: {  	[tilespmem:s9+$0x10] =	vst v2;
	v2 =	vadd.s32 v0, v4  }
0x65: {  	[tilespmem:s9+$0x20] =	vst v2;
	v2 =	vadd.s32 v0, v5  }
0x66: {  	v3 =	vadd.s32 v0, v6;
	[tilespmem:s9+$0x30] =	vst v2  }
0x67: {  	s23 =	simm.s32 $0x0;
	[tilespmem:s9+$0xFFFFFFF0] =	vst v3  }
0x68: {  	[tilespmem:s20], [sflag:$0x1] =	stream.indirect.gather [hbm4b:s4+s22], $0x10, s23, s22, $0xb8;
	[tilespmem:$0x1D2A0] =	vst v63  }
0x69: {  	_ =	swait.ge [sflag:s24], $0x4000  }
0x6a: {  	[sflag:s24] =	ssyncset.done $0x0  }
0x6b: {  	s11 =	simm.s32 $0xC80;
	[sflag:s24] =	ssyncadd.s32 $0xFFFFC000  }
0x6c: {  	s12 =	simm.s32 $0xC80;
	s9 =	simm.s32 $0x40;
	s23 =	simm.s32 $0x0;
	v2 =	vld [tilespmem:s11+$0xFFFFFFB0]  }
.LBB2_7:
0x6d: {  	p1 =	sne.s32 s9, $0xFC0;
	v3 =	vld [tilespmem:s23+$0x800]  }
0x6e: {  	v4 =	vld [tilespmem:s11+$0xFFFFFF90]  }
0x6f: {  	v5 =	vld [tilespmem:s11+$0xFFFFFF80]  }
0x70: {  	v6 =	vld [tilespmem:s11+$0xFFFFFFA0]  }
0x71: {  	v7 =	vld [tilespmem:s11+$0xFFFFFFF0]  }
0x72: {  	v8 =	vbroadcast v3, $0x0;
	v9 =	vbroadcast v3, $0x1;
	v10 =	vld [tilespmem:s11+$0xFFFFFFD0]  }
0x73: {  	v11 =	vbroadcast v3, $0x2;
	v12 =	vbroadcast v3, $0x3;
	v13 =	vld [tilespmem:s11+$0xFFFFFFC0]  }
0x74: {  	v5 =	vmul.f32 v8, v5;
	v4 =	vmul.f32 v4, v9;
	v8 =	vld [tilespmem:s11+$0xFFFFFFE0]  }
0x75: {  	v2 =	vmul.f32 v2, v12;
	v6 =	vmul.f32 v6, v11;
	v9 =	vld [tilespmem:s11+$0x30]  }
0x76: {  	v11 =	vbroadcast v3, $0x5;
	[tilespmem:s11+$0xFFFFFF80] =	vst v5;
	v5 =	vbroadcast v3, $0x4;
	v12 =	vld [tilespmem:s11+$0x10]  }
0x77: {  	v14 =	vbroadcast v3, $0x7;
	[tilespmem:s11+$0xFFFFFF90] =	vst v4;
	v4 =	vbroadcast v3, $0x6;
	v15 =	vld [tilespmem:s11+$0x0]  }
0x78: {  	[tilespmem:s11+$0xFFFFFFA0] =	vst v6;
	v5 =	vmul.f32 v13, v5;
	v6 =	vmul.f32 v10, v11;
	v10 =	vld [tilespmem:s11+$0x20]  }
0x79: {  	[tilespmem:s11+$0xFFFFFFB0] =	vst v2;
	v2 =	vmul.f32 v8, v4;
	v4 =	vmul.f32 v7, v14;
	v7 =	vld [tilespmem:s11+$0x70]  }
0x7a: {  	v8 =	vbroadcast v3, $0x9;
	[tilespmem:s11+$0xFFFFFFC0] =	vst v5;
	v5 =	vbroadcast v3, $0x8;
	v11 =	vld [tilespmem:s11+$0x50]  }
0x7b: {  	v13 =	vbroadcast v3, $0xB;
	[tilespmem:s11+$0xFFFFFFD0] =	vst v6;
	v6 =	vbroadcast v3, $0xA;
	v14 =	vld [tilespmem:s11+$0x40]  }
0x7c: {  	[tilespmem:s11+$0xFFFFFFE0] =	vst v2;
	v2 =	vmul.f32 v15, v5;
	v5 =	vmul.f32 v12, v8;
	v8 =	vld [tilespmem:s11+$0x60]  }
0x7d: {  	[tilespmem:s11+$0xFFFFFFF0] =	vst v4;
	v4 =	vmul.f32 v10, v6;
	v6 =	vmul.f32 v9, v13  }
0x7e: {  	v9 =	vbroadcast v3, $0xD;
	[tilespmem:s11+$0x0] =	vst v2;
	v2 =	vbroadcast v3, $0xC  }
0x7f: {  	[tilespmem:s11+$0x10] =	vst v5;
	v5 =	vbroadcast v3, $0xE;
	v3 =	vbroadcast v3, $0xF  }
0x80: {  	[tilespmem:s11+$0x20] =	vst v4;
	v2 =	vmul.f32 v14, v2;
	v4 =	vmul.f32 v11, v9  }
.Ltmp2:
0x81: {  	[tilespmem:s11+$0x30] =	vst v6;
	v5 =	vmul.f32 v8, v5;
	v3 =	vmul.f32 v7, v3;
	(pc) =	sbr.rel @p1 .LBB2_7-.Ltmp2, $4  }
0x82: {  	[tilespmem:s11+$0x40] =	vst v2  }
0x83: {  	[tilespmem:s11+$0x50] =	vst v4  }
0x84: {  	s11 =	sadd.s32 $0x100, s11;
	[tilespmem:s12+$0x60] =	vst v5  }
0x85: {  	s23 =	sshra.s32 s9, $0x2;
	s9 =	sadd.s32 $0x40, s9;
	v2 =	vld [tilespmem:s11+$0xFFFFFFB0];
	[tilespmem:s12+$0x70] =	vst v3;
	s12 =	smov.u32 s11  }
0x86: {  	v3 =	vld [tilespmem:s23+$0x800];
	_ =	sdelay $0x1  }
0x87: {  	v4 =	vld [tilespmem:s11+$0xFFFFFF80]  }
0x88: {  	v5 =	vld [tilespmem:s11+$0xFFFFFF90]  }
0x89: {  	v6 =	vld [tilespmem:s11+$0xFFFFFFA0]  }
0x8a: {  	v7 =	vbroadcast v3, $0x0  }
0x8b: {  	v10 =	vld [tilespmem:s11+$0xFFFFFFD0];
	v8 =	vbroadcast v3, $0x1;
	v11 =	vbroadcast v3, $0x2  }
0x8c: {  	v45 =	vld [tilespmem:s11+$0xFFFFFFE0];
	v44 =	vbroadcast v3, $0x3;
	v4 =	vmul.f32 v7, v4  }
0x8d: {  	v49 =	vld [tilespmem:s11+$0x10];
	v46 =	vbroadcast v3, $0x4;
	v5 =	vmul.f32 v5, v8  }
0x8e: {  	v9 =	vld [tilespmem:s11+$0xFFFFFFC0];
	v47 =	vbroadcast v3, $0x5;
	v6 =	vmul.f32 v6, v11;
	[tilespmem:s11+$0xFFFFFF80] =	vst v4  }
0x8f: {  	v12 =	vld [tilespmem:s11+$0xFFFFFFF0];
	v13 =	vbroadcast v3, $0x6;
	v2 =	vmul.f32 v2, v44;
	[tilespmem:s11+$0xFFFFFF90] =	vst v5  }
0x90: {  	v51 =	vld [tilespmem:s11+$0x20];
	v53 =	vbroadcast v3, $0x9;
	v7 =	vmul.f32 v10, v47;
	[tilespmem:s11+$0xFFFFFFA0] =	vst v6  }
0x91: {  	v48 =	vld [tilespmem:s11+$0x0];
	v50 =	vbroadcast v3, $0x7;
	v8 =	vmul.f32 v45, v13;
	[tilespmem:s11+$0xFFFFFFB0] =	vst v2  }
0x92: {  	v55 =	vld [tilespmem:s11+$0x50];
	v52 =	vbroadcast v3, $0x8;
	v58 =	vmul.f32 v49, v53;
	[tilespmem:s11+$0xFFFFFFD0] =	vst v7  }
0x93: {  	v54 =	vld [tilespmem:s11+$0x40];
	v56 =	vbroadcast v3, $0xA;
	v4 =	vmul.f32 v9, v46;
	[tilespmem:s11+$0xFFFFFFE0] =	vst v8  }
0x94: {  	v57 =	vbroadcast v3, $0xB;
	v2 =	vld [tilespmem:s11+$0x30];
	v6 =	vmul.f32 v12, v50;
	[tilespmem:s11+$0x10] =	vst v58  }
0x95: {  	v60 =	vld [tilespmem:s11+$0x70];
	v62 =	vbroadcast v3, $0xD;
	v9 =	vmul.f32 v51, v56;
	[tilespmem:s11+$0xFFFFFFC0] =	vst v4  }
0x96: {  	v59 =	vld [tilespmem:s11+$0x60];
	v61 =	vbroadcast v3, $0xC;
	v4 =	vmul.f32 v48, v52;
	[tilespmem:s11+$0xFFFFFFF0] =	vst v6  }
0x97: {  	v63 =	vbroadcast v3, $0xE;
	v5 =	vmul.f32 v55, v62;
	[tilespmem:s11+$0x20] =	vst v9  }
0x98: {  	v3 =	vbroadcast v3, $0xF;
	[tilespmem:s11+$0x0] =	vst v4;
	v4 =	vmul.f32 v54, v61  }
0x99: {  	[tilespmem:s11+$0x50] =	vst v5;
	v2 =	vmul.f32 v2, v57  }
0x9a: {  	v3 =	vmul.f32 v60, v3;
	[tilespmem:s11+$0x40] =	vst v4  }
0x9b: {  	[tilespmem:s11+$0x30] =	vst v2;
	v2 =	vmul.f32 v59, v63  }
0x9c: {  	[tilespmem:s12+$0x70] =	vst v3  }
0x9d: {  	[tilespmem:s12+$0x60] =	vst v2  }
0x9e: {  	[spmem:s1] =	stream.indirect.scatter.add.f32 [tilespmem:s20], [sflag:$0x2], $0x10, s22, s25, $0xb8;
	[tilespmem:$0x1D2A0] =	vst v63  }
0x9f: {  	_ =	swait.ge [sflag:s21], $0x800  }
0xa0: {  	[sflag:s21] =	ssyncset.done $0x0  }
0xa1: {  	[sflag:s21] =	ssyncadd.s32 $0xFFFFF800  }
0xa2: {  	[spmem:s1] =	stream.indirect.scatter.add.f32 [tilespmem:s28], [sflag:$0x2], $0x10, s26, s25, $0xb8;
	[tilespmem:$0x1D2A0] =	vst v63  }
0xa3: {  	_ =	swait.ge [sflag:s21], $0x800  }
0xa4: {  	[sflag:s21] =	ssyncset.done $0x0  }
0xa5: {  	[sflag:s21] =	ssyncadd.s32 $0xFFFFF800  }
0xa6: {  	[spmem:s1] =	stream.indirect.scatter.add.f32 [tilespmem:s30], [sflag:$0x2], $0x10, s29, s25, $0xb8;
	[tilespmem:$0x1D2A0] =	vst v63  }
0xa7: {  	_ =	swait.ge [sflag:s21], $0x800  }
0xa8: {  	[sflag:s21] =	ssyncset.done $0x0  }
0xa9: {  	[sflag:s21] =	ssyncadd.s32 $0xFFFFF800  }
0xaa: {  	[spmem:s1] =	stream.indirect.scatter.add.f32 [tilespmem:s0], [sflag:$0x2], $0x10, s31, s25, $0xb8;
	[tilespmem:$0x1D2A0] =	vst v63  }
0xab: {  	_ =	swait.ge [sflag:s21], $0x800  }
0xac: {  	[sflag:s21] =	ssyncset.done $0x0  }
0xad: {  	[sflag:s21] =	ssyncadd.s32 $0xFFFFF800  }
0xae: {  	[spmem:s1] =	stream.indirect.scatter.add.f32 [tilespmem:s14], [sflag:$0x2], $0x10, s3, s25, $0xb8;
	[tilespmem:$0x1D2A0] =	vst v63  }
0xaf: {  	_ =	swait.ge [sflag:s21], $0x800  }
0xb0: {  	[sflag:s21] =	ssyncset.done $0x0  }
0xb1: {  	[sflag:s21] =	ssyncadd.s32 $0xFFFFF800  }
0xb2: {  	[spmem:s1] =	stream.indirect.scatter.add.f32 [tilespmem:s16], [sflag:$0x2], $0x10, s15, s25, $0xb8;
	[tilespmem:$0x1D2A0] =	vst v63  }
0xb3: {  	_ =	swait.ge [sflag:s21], $0x800  }
0xb4: {  	[sflag:s21] =	ssyncset.done $0x0  }
0xb5: {  	[sflag:s21] =	ssyncadd.s32 $0xFFFFF800  }
0xb6: {  	[spmem:s1] =	stream.indirect.scatter.add.f32 [tilespmem:s18], [sflag:$0x2], $0x10, s17, s25, $0xb8;
	[tilespmem:$0x1D2A0] =	vst v63  }
0xb7: {  	s10 =	sadd.s32 $0x1, s10;
	_ =	swait.ge [sflag:s21], $0x800  }
0xb8: {  	p1 =	sne.s32 s10, $0x64;
	[sflag:s21] =	ssyncset.done $0x0  }
.Ltmp3:
0xb9: {  	[sflag:s21] =	ssyncadd.s32 $0xFFFFF800;
	(pc) =	sbr.rel @p1 .LBB2_4-.Ltmp3, $4  }
0xba: {  	[spmem:s1] =	stream.indirect.scatter.add.f32 [tilespmem:s8], [sflag:$0x2], $0x10, s19, s25, $0xb8;
	[tilespmem:$0x1D2A0] =	vst v63  }
0xbb: {  	_ =	swait.ge [sflag:s21], $0x800  }
0xbc: {  	[sflag:s21] =	ssyncset.done $0x0  }
0xbd: {  	[sflag:s21] =	ssyncadd.s32 $0xFFFFF800  }
0xbe: {  	s9 =	stileid.u32;
	[bflag:$0x0] =	sbarrier.arrive $0xFFFF  }
0xbf: {  	s9 =	sshll.u32 s9, $0x6;
	s23 =	rddreg [dreg:$0x3]  }
0xc0: {  	s11 =	rddreg [dreg:$0x8];
	s9 =	sor.u32 $0x1C02, s9;
	s10 =	sshrl.u32 s23, $0x3  }
0xc1: {  	[hbm:s11], [sflag:s9] =	dma.local [spmem:s10], $0x800  }
0xc2: {  	_ =	swait.ge [sflag:s21], $0x800  }
0xc3: {  	[sflag:s21] =	ssyncset.done $0x0;
	s11 =	rddreg [dreg:$0x4]  }
0xc4: {  	s12 =	rddreg [dreg:$0x9];
	[sflag:s21] =	ssyncadd.s32 $0xFFFFF800;
	s10 =	sshrl.u32 s11, $0x3  }
0xc5: {  	[hbm:s12], [sflag:s9] =	dma.local [spmem:s10], $0x800  }
0xc6: {  	_ =	swait.ge [sflag:s21], $0x800  }
0xc7: {  	[sflag:s21] =	ssyncset.done $0x0;
	s11 =	rddreg [dreg:$0x5]  }
0xc8: {  	s12 =	rddreg [dreg:$0xa];
	[sflag:s21] =	ssyncadd.s32 $0xFFFFF800;
	s10 =	sshrl.u32 s11, $0x3  }
0xc9: {  	[hbm:s12], [sflag:s9] =	dma.local [spmem:s10], $0x800  }
0xca: {  	_ =	swait.ge [sflag:s21], $0x800  }
0xcb: {  	[sflag:s21] =	ssyncset.done $0x0;
	s11 =	rddreg [dreg:$0x6]  }
0xcc: {  	s12 =	rddreg [dreg:$0xb];
	[sflag:s21] =	ssyncadd.s32 $0xFFFFF800;
	s10 =	sshrl.u32 s11, $0x3  }
0xcd: {  	[hbm:s12], [sflag:s9] =	dma.local [spmem:s10], $0x18D0  }
0xce: {  	_ =	swait.ge [sflag:s21], $0x18D0  }
0xcf: {  	[sflag:s21] =	ssyncset.done $0x0;
	s10 =	rddreg [dreg:$0x7]  }
0xd0: {  	s11 =	rddreg [dreg:$0xc];
	[sflag:s21] =	ssyncadd.s32 $0xFFFFE730;
	s10 =	sshrl.u32 @!p0 s10, $0x3  }
0xd1: {  	[hbm:s11], [sflag:s9] =	dma.local @!p0 [spmem:s10], $0x40  }
0xd2: {  	s9 =	simm.s32 @!p0 $0x2  }
0xd3: {  	_ =	swait.ge @!p0 [sflag:s9], $0x40  }
0xd4: {  	s10 =	rddreg [dreg:$0xe]  }
0xd5: {  	s12 =	rddreg [dreg:$0xd];
	s11 =	sadd.s32 $0x1, s10  }
0xd6: {  	p1 =	sne.s32 s11, s12  }
.Ltmp4:
0xd7: {  	_ = 	snop;
	(pc) =	sbr.rel @p1 .LBB2_1-.Ltmp4, $3  }
0xd8: {  	_ =	sdelay $0x1  }
0xd9: {  	[sflag:s9] =	ssyncset.done @!p0 $0x0  }
0xda: {  	[sflag:s9] =	ssyncadd.s32 @!p0 $0xFFFFFFC0  }
0xdb: {  	_ =	sfence.sel $0x180000  }
0xdc: {  	[bflag:$0x0] =	sbarrier.arrive $0xFFFF  }
0xdd: {  	_ =	strace $0x90000050  }
0xde: {  	s0 =	stileid.u32;
	[bflag:$0x2] =	sbarrier.arrive $0xFFFF  }
0xdf: {  	p0 =	sne.s32 s0, $0x0;
	s0 =	rddreg [dreg:$0x2]  }
0xe0: {  	s0 =	sadd.s32 @!p0 $0x100000, s0  }
0xe1: {  	[sflag:s0] =	ssyncadd.tile.s32 @!p0 $0x1;
	_ =	shalt  }
.Lfunc_end2:
_tile_overlayer_lowered:
.L_overlay_start_2:
0xe2: {  	(tag) =	ssettag $0x2  }
0xe3: {  	s0 =	rddreg [dreg:$0x0];
	s2 =	stileid.u32  }
0xe4: {  	s1 =	rddreg [dreg:$0x1];
	p0 =	sne.s32 s2, $0x0  }
0xe5: {  	s3 =	rddreg [dreg:$0x2];
	[bflag:$0x3] =	sbarrier.arrive $0xFFFF;
	s2 =	simm.s32 @!p0 $0x1C02  }
0xe6: {  	[timem:s3], [sflag:s2] =	dma.local @!p0 [hbm:s0], s1  }
0xe7: {  	s0 =	simm.s32 @!p0 $0x2  }
0xe8: {  	_ =	swait.ge @!p0 [sflag:s0], s1  }
0xe9: {  	s1 =	ssub.s32 @!p0 $0x0, s1;
	[sflag:s0] =	ssyncset.done @!p0 $0x0  }
0xea: {  	[sflag:s0] =	ssyncadd.s32 @!p0 s1  }
0xeb: {  	[bflag:$0x3] =	sbarrier.arrive $0xFFFF  }
0xec: {  	_ =	shalt  }

// kernel: kernel.6.cloned.1.call-start
scs
__scs_entry_jumppad:
0x0: {  	(pc) =	sbr.rel $0x88, $3  }
0x1: {  	(tag) =	ssettag $0x0;
	lr =	simm.s32 $0x1  }
0x2: {  	[smem:$0x3F96] =	sst lr;
	_ =	strace $0xD0000000  }
0x3: {  	_ = 	snop  }
0x4: {  	_ = 	snop  }
0x5: {  	_ = 	snop  }
0x6: {  	_ = 	snop  }
0x7: {  	_ = 	snop  }
__scs_overlays_trampoline_lowered:
0x8: {  	[smem:$0x3FA5] =	sst s0  }
0x9: {  	[smem:$0x3FA6] =	sst s1  }
0xa: {  	[smem:$0x3FA7] =	sst s2  }
0xb: {  	[smem:$0x3FA8] =	sst s3  }
0xc: {  	[smem:$0x3FA9] =	sst s4  }
0xd: {  	[smem:$0x3FAA] =	sst s5  }
0xe: {  	[smem:$0x3FAB] =	sst s6  }
0xf: {  	[smem:$0x3FAC] =	sst s7  }
0x10: {  	[smem:$0x3FAD] =	sst s8  }
0x11: {  	[smem:$0x3FAE] =	sst s9;
	s0 =	simm.s32 @!p0 $0x0  }
0x12: {  	s1 =	sld [smem:$0x3F94];
	s0 =	simm.s32 @p0 $0x1  }
0x13: {  	[smem:$0x3FAF] =	sst s0;
	s0 =	simm.s32 @!p1 $0x0  }
0x14: {  	s2 =	sld [smem:$0x3F93];
	s0 =	simm.s32 @p1 $0x1  }
0x15: {  	[smem:$0x3FB0] =	sst s0;
	s0 =	simm.s32 @!p2 $0x0  }
0x16: {  	s3 =	sld [smem:$0x3FDB];
	s0 =	simm.s32 @p2 $0x1  }
0x17: {  	s4 =	simm.s32 $0x1BF5;
	[smem:$0x3FB2] =	sst s0  }
0x18: {  	s0 =	sld [smem:$0x3F95];
	_ =	swait.ge [sflag:s4], $0x0  }
0x19: {  	s7 =	sld [smem:$0x3F96]  }
0x1a: {  	s8 =	sadd.s32 $0xFFFFE003, lr  }
0x1b: {  	s9 =	sadd.s32 $0xFFFFFEF7, lr;
	s5 =	simm.s32 $0xFFFFFFFF;
	p2 =	slt.u32 s8, $0xFFFFF086  }
0x1c: {  	p1 =	slt.u32 s9, $0xF7A;
	s5 =	simm.s32 @!p2 $0x0  }
0x1d: {  	s5 =	simm.s32 @p1 $0x1;
	p0 =	seq.s32 s7, s2  }
0x1e: {  	s7 =	smul.u32 @!p0 $0xF7A, s2;
	p2 =	seq.s32 @!p0 s5, $0x0  }
0x1f: {  	s9 =	smul.u32 $0xF7A, s1;
	s8 =	simm.s32 @!p0 $0x1BF5;
	p2 =	por !p2, p0  }
0x20: {  	[sflag:s8] =	ssyncset.s32 @!p0 $0xFFFFF086;
	s6 =	sadd.s32 @!p0 s3, s7;
	s7 =	simm.s32 @!p0 $0x108  }
0x21: {  	s3 =	sadd.s32 s3, s9;
	s6 =	sadd.s32 @!p0 $0x88, s6;
	s7 =	simm.s32 @p2 $0x1082  }
0x22: {  	[simem:s7], [sflag:s8] =	dma.local @!p0 [hbm:s6], $0xF7A  }
0x23: {  	s9 =	sor.u32 $0xD0000000, s2;
	s6 =	simm.s32 $0x108;
	_ =	swait.ge @!p0 [sflag:s8], $0x0  }
0x24: {  	s3 =	sadd.s32 $0x88, s3;
	s6 =	simm.s32 @!p1 $0x1082;
	[sflag:s4] =	ssyncset.s32 $0xFFFFF086  }
0x25: {  	[simem:s6], [sflag:s4] =	dma.local [hbm:s3], $0xF7A  }
0x26: {  	[smem:$0x3F96] =	sst s1;
	(tag) =	ssettag s2;
	_ =	strace s9  }
0x27: {  	s1 =	sld [smem:$0x3FA6]  }
0x28: {  	s2 =	sld [smem:$0x3FA7]  }
0x29: {  	s4 =	sld [smem:$0x3FA9]  }
0x2a: {  	p0 =	seq.s32 s5, $0x0;
	s5 =	sld [smem:$0x3FAA]  }
0x2b: {  	s6 =	sld [smem:$0x3FAB]  }
0x2c: {  	s7 =	sld [smem:$0x3FAC]  }
0x2d: {  	s3 =	simm.s32 $0x108;
	s8 =	sld [smem:$0x3FAD]  }
0x2e: {  	s3 =	simm.s32 @!p0 $0x1082;
	s9 =	sld [smem:$0x3FAE]  }
0x2f: {  	lr =	sadd.s32 s0, s3;
	s0 =	sld [smem:$0x3FA5]  }
0x30: {  	s3 =	sld [smem:$0x3FA8]  }
0x31: {  	[smem:$0x3FB1] =	sst s10  }
0x32: {  	s10 =	sld [smem:$0x3FAF];
	_ =	sdelay $0x3  }
0x33: {  	p0 =	seq.s32 s10, $0x1;
	s10 =	sld [smem:$0x3FB1];
	_ =	sdelay $0x3  }
0x34: {  	[smem:$0x3FB1] =	sst s10  }
0x35: {  	s10 =	sld [smem:$0x3FB0];
	_ =	sdelay $0x3  }
0x36: {  	p1 =	seq.s32 s10, $0x1;
	s10 =	sld [smem:$0x3FB1];
	_ =	sdelay $0x3  }
0x37: {  	[smem:$0x3FB1] =	sst s10  }
0x38: {  	s10 =	sld [smem:$0x3FB2]  }
0x39: {  	_ = 	snop;
	(pc) =	sbr.ind lr, $3  }
0x3a: {  	_ = 	snop  }
0x3b: {  	_ = 	snop  }
0x3c: {  	p2 =	seq.s32 s10, $0x1;
	s10 =	sld [smem:$0x3FB1]  }
0x3d: {  	_ =	shalt  }
0x3e: {  	_ =	shalt  }
0x3f: {  	_ =	shalt  }
0x40: {  	_ =	shalt  }
0x41: {  	_ =	shalt  }
0x42: {  	_ =	shalt  }
0x43: {  	_ =	shalt  }
0x44: {  	_ =	shalt  }
0x45: {  	_ =	shalt  }
0x46: {  	_ =	shalt  }
0x47: {  	_ =	shalt  }
0x48: {  	_ =	shalt  }
0x49: {  	_ =	shalt  }
0x4a: {  	_ =	shalt  }
0x4b: {  	_ =	shalt  }
0x4c: {  	_ =	shalt  }
0x4d: {  	_ =	shalt  }
0x4e: {  	_ =	shalt  }
0x4f: {  	_ =	shalt  }
0x50: {  	_ =	shalt  }
0x51: {  	_ =	shalt  }
0x52: {  	_ =	shalt  }
0x53: {  	_ =	shalt  }
0x54: {  	_ =	shalt  }
0x55: {  	_ =	shalt  }
0x56: {  	_ =	shalt  }
0x57: {  	_ =	shalt  }
0x58: {  	_ =	shalt  }
0x59: {  	_ =	shalt  }
0x5a: {  	_ =	shalt  }
0x5b: {  	_ =	shalt  }
0x5c: {  	_ =	shalt  }
0x5d: {  	_ =	shalt  }
0x5e: {  	_ =	shalt  }
0x5f: {  	_ =	shalt  }
0x60: {  	_ =	shalt  }
0x61: {  	_ =	shalt  }
0x62: {  	_ =	shalt  }
0x63: {  	_ =	shalt  }
0x64: {  	_ =	shalt  }
0x65: {  	_ =	shalt  }
0x66: {  	_ =	shalt  }
0x67: {  	_ =	shalt  }
0x68: {  	_ =	shalt  }
0x69: {  	_ =	shalt  }
0x6a: {  	_ =	shalt  }
0x6b: {  	_ =	shalt  }
0x6c: {  	_ =	shalt  }
0x6d: {  	_ =	shalt  }
0x6e: {  	_ =	shalt  }
0x6f: {  	_ =	shalt  }
0x70: {  	_ =	shalt  }
0x71: {  	_ =	shalt  }
0x72: {  	_ =	shalt  }
0x73: {  	_ =	shalt  }
0x74: {  	_ =	shalt  }
0x75: {  	_ =	shalt  }
0x76: {  	_ =	shalt  }
0x77: {  	_ =	shalt  }
0x78: {  	_ =	shalt  }
0x79: {  	_ =	shalt  }
0x7a: {  	_ =	shalt  }
0x7b: {  	_ =	shalt  }
0x7c: {  	_ =	shalt  }
0x7d: {  	_ =	shalt  }
0x7e: {  	_ =	shalt  }
0x7f: {  	_ =	shalt  }
0x80: {  	_ =	shalt  }
0x81: {  	_ =	shalt  }
0x82: {  	_ =	shalt  }
0x83: {  	_ =	shalt  }
0x84: {  	_ =	shalt  }
0x85: {  	_ =	shalt  }
0x86: {  	_ =	shalt  }
0x87: {  	_ =	shalt  }
.Lfunc_end0:
.L_simem_size_0:
called_computation_lowered:
.L_overlay_start_0:
0x88: {  	s2 =	sld [smem:$0x3FD9]  }
0x89: {  	s3 =	sld [smem:$0x3FFE];
	_ =	sdelay $0x1  }
0x8a: {  	s1 =	srdreg.scid  }
0x8b: {  	s0 =	sand.u32 $0x1, s1  }
0x8c: {  	s16 =	sshll.u32 s0, $0xA;
	s2 =	sadd.s32 s3, s2  }
0x8d: {  	s2 =	sadd.s32 s2, s16  }
0x8e: {  	[smem:$0x3FBD] =	sst s2  }
0x8f: {  	_ = 	snop  }
0x90: {  	(tm) =	ssettm $0x1  }
0x91: {  	s17 =	sld [smem:$0x3FFB];
	_ =	sdelay $0x3  }
0x92: {  	_ =	strace s17  }
0x93: {  	s2 =	sld [smem:$0x3FFC];
	_ =	sdelay $0x3  }
0x94: {  	_ =	strace s2  }
0x95: {  	s2 =	sld [smem:$0x3FFD];
	_ =	sdelay $0x3  }
0x96: {  	_ =	strace s2  }
0x97: {  	_ =	strace $0x8FFFFFFF  }
0x98: {  	s18 =	sld [smem:$0x3FDB];
	_ =	sdelay $0x1  }
0x99: {  	s19 =	simm.s32 $_scs_section_size  }
0x9a: {  	s4 =	simm.s32 $_size__tile_overlayer_lowered;
	s5 =	simm.s32 $_tile_overlayer_lowered  }
0x9b: {  	s22 =	simm.s32 $0x1BFF;
	s21 =	sshll.u32 s5, $0x1;
	s2 =	sadd.s32 s19, s18  }
0x9c: {  	s6 =	simm.s32 $0x0;
	s20 =	sshll.u32 s4, $0x1;
	s4 =	sadd.s32 s21, s2  }
0x9d: {  	[timem:s6], [sflag:s22] =	dma.local [hbm:s4], s20  }
0x9e: {  	_ =	swait.ge [sflag:s22], s20  }
0x9f: {  	s3 =	ssub.s32 $0x0, s20;
	[sflag:s22] =	ssyncset.done $0x0  }
0xa0: {  	[sflag:s22] =	ssyncadd.s32 s3;
	_ =	sdelay $0x1  }
0xa1: {  	s23 =	simm.s32 $0x1B8B  }
0xa2: {  	_ =	swait.ge [sflag:s23], $0x1  }
0xa3: {  	[sflag:s23] =	ssyncset.done $0x0  }
0xa4: {  	s25 =	simm.s32 $0x1B8E;
	s24 =	sld [smem:$0x3FFE];
	[sflag:s23] =	ssyncadd.s32 $0xFFFFFFFF  }
0xa5: {  	s26 =	simm.s32 $execute0_lowered;
	[smem:$0x3FD2] =	sst s25  }
0xa6: {  	s4 =	sshll.u32 s26, $0x1;
	_ =	strace $0x80000046;
	[dreg:$0x1] =	wrdreg $0xFFFFFFFF  }
0xa7: {  	s28 =	simm.s32 $_size_execute0_lowered;
	s2 =	sadd.s32 s2, s4;
	[dreg:$0x0] =	wrdreg $0x0  }
0xa8: {  	s4 =	sshll.u32 s28, $0x1;
	[dreg:$0x2] =	wrdreg s2  }
0xa9: {  	[dreg:$0x3] =	wrdreg s4  }
0xaa: {  	[dreg:$0x4] =	wrdreg $0xC0  }
0xab: {  	_ =	task [dreg:s6], $0x5FFFF  }
0xac: {  	[dreg:$0x1] =	wrdreg $0xFFFFFFFF  }
0xad: {  	[dreg:$0x0] =	wrdreg $0x60  }
0xae: {  	[dreg:$0x2] =	wrdreg s24  }
0xaf: {  	[dreg:$0x3] =	wrdreg $0xC000  }
0xb0: {  	[dreg:$0x4] =	wrdreg $0x9  }
0xb1: {  	_ =	task.clear_ibuf [dreg:s6], $0x5FFFF;
	_ =	strace $0x90000046  }
0xb2: {  	s29 =	simm.s32 $0x9;
	_ =	strace $0x80000048  }
0xb3: {  	_ =	swait.ge [sflag:s29], $0x1  }
0xb4: {  	[sflag:s29] =	ssyncadd.s32 $0xFFFFFFFF  }
0xb5: {  	_ =	strace $0x90000048  }
0xb6: {  	_ =	sfence  }
0xb7: {  	s30 =	sld [smem:$0x0];
	_ =	sdelay $0x2  }
0xb8: {  	s31 =	sshll.u32 s1, $0xD;
	s1 =	sshrl.u32 s1, $0x2  }
0xb9: {  	s3 =	sand.u32 $0x4000, s31;
	s1 =	sadd.s32 s1, s30  }
0xba: {  	s0 =	sor.u32 s3, s0;
	s1 =	sshll.u32 s1, $0x11  }
0xbb: {  	s0 =	sor.u32 s1, s0  }
0xbc: {  	s0 =	sadd.s32 $0x8F2B, s0  }
0xbd: {  	[sflag:s0] =	ssyncadd.remote.s32 $0x1  }
0xbe: {  	_ =	sfence.sel $0xFFFF  }
0xbf: {  	[dreg:$0x0] =	wrdreg $0xFFFFFFFF;
	(pc) =	sbr.abs _section_cstart, $3  }
0xc0: {  	[dreg:$0x1] =	wrdreg $0xFFFFFFFF  }
0xc1: {  	_ =	task.clear_ibuf [dreg:s6], $0x2FFFF;
	_ =	strace $0x9FFFFFFF  }
0xc2: {  	(tm) =	ssettm $0x7FFFFFFF  }
0xc3: {  	_ =	shalt  }
tec
execute0_lowered:
.L_overlay_start_1:
0x0: {  	(tag) =	ssettag $0x1  }
0x1: {  	s0 =	srdreg.scid  }
0x2: {  	s1 =	rddreg [dreg:$0x0];
	s12 =	stileid.u32  }
0x3: {  	s2 =	rddreg [dreg:$0x1];
	s3 =	simm.s32 $0x0;
	s17 =	simm.s32 $0x800  }
0x4: {  	s18 =	simm.s32 $0x1;
	s19 =	simm.s32 $0x400;
	s28 =	simm.s32 $0x600  }
0x5: {  	s29 =	simm.s32 $0x280;
	s30 =	simm.s32 $0x680;
	s5 =	smul.u32 $0xC800, s12  }
0x6: {  	s31 =	simm.s32 $0x300;
	s0 =	sand.u32 $0x1, s0;
	s6 =	smul.u32 $0x1868, s12  }
0x7: {  	[smem:$0x7FF] =	sst s3;
	p0 =	sne.s32 s12, $0xF;
	s4 =	smul.u32 $0xC8000, s0  }
0x8: {  	_ =	strace $0x80000047;
	s20 =	ssub.s32 $0x2, s0;
	s0 =	smul.u32 $0x186A0, s0  }
0x9: {  	s7 =	sshrl.u32 s20, $0x1;
	s21 =	sadd.s32 s6, s2;
	s4 =	sadd.s32 s5, s4  }
0xa: {  	s11 =	ssub.s32 s20, s7;
	s13 =	sadd.s32 $0x400, s21;
	s8 =	sadd.s32 s6, s0  }
0xb: {  	s6 =	smov.u32 s21;
	s14 =	sadd.s32 $0x800, s21;
	s5 =	sadd.s32 $0xC00, s21  }
0xc: {  	s0 =	sshrl.u32 s0, $0x3;
	s20 =	simm.s32 $0x80;
	s21 =	simm.s32 $0x480  }
0xd: {  	s4 =	sshrl.u32 s4, $0x3;
	s9 =	sshrl.u32 s8, $0x3;
	s26 =	smax.u32 s11, $0x1  }
0xe: {  	s11 =	simm.s32 $0x0;
	s10 =	sadd.s32 s4, s1;
	s1 =	sadd.s32 $0x99200, s1  }
0xf: {  	s4 =	sadd.s32 $0x18680, s2;
	[dreg:$0x9] =	wrdreg s26;
	s26 =	simm.s32 $0x200  }
0x10: {  	s22 =	sadd.s32 s1, s9;
	s0 =	sadd.s32 s1, s0;
	[dreg:$0x3] =	wrdreg s4  }
0x11: {  	s15 =	sadd.s32 $0x3200, s10;
	s23 =	sadd.s32 $0x80, s22;
	[dreg:$0x4] =	wrdreg s22  }
0x12: {  	s16 =	sadd.s32 $0x67200, s10;
	s24 =	sadd.s32 $0x100, s22;
	[dreg:$0x5] =	wrdreg s23  }
0x13: {  	s1 =	simm.s32 $0x700;
	s25 =	sadd.s32 $0x180, s22;
	[dreg:$0x6] =	wrdreg s24  }
0x14: {  	s10 =	simm.s32 $0x780;
	s0 =	sadd.s32 $0x30D0, s0;
	[dreg:$0x7] =	wrdreg s25  }
0x15: {  	s22 =	simm.s32 $0x100;
	[dreg:$0x8] =	wrdreg s0;
	s23 =	simm.s32 $0x500  }
0x16: {  	v0 =	vimm.f32 $0.0e+00;
	s24 =	simm.s32 $0x180;
	s25 =	simm.s32 $0x580;
	s0 =	simm.s32 $0x380  }
.LBB2_1:
0x17: {  	[tilespmem:$0x800] =	vst v0  }
0x18: {  	[tilespmem:$0x810] =	vst v0  }
0x19: {  	[tilespmem:$0x820] =	vst v0  }
0x1a: {  	[tilespmem:$0x830] =	vst v0  }
0x1b: {  	[tilespmem:$0x840] =	vst v0  }
0x1c: {  	[tilespmem:$0x850] =	vst v0  }
0x1d: {  	[tilespmem:$0x860] =	vst v0  }
0x1e: {  	[tilespmem:$0x870] =	vst v0  }
0x1f: {  	[tilespmem:$0x880] =	vst v0  }
0x20: {  	[tilespmem:$0x890] =	vst v0  }
0x21: {  	[tilespmem:$0x8A0] =	vst v0  }
0x22: {  	[tilespmem:$0x8B0] =	vst v0  }
0x23: {  	[tilespmem:$0x8C0] =	vst v0  }
0x24: {  	[tilespmem:$0x8D0] =	vst v0  }
0x25: {  	[tilespmem:$0x8E0] =	vst v0  }
0x26: {  	[tilespmem:$0x8F0] =	vst v0  }
0x27: {  	[tilespmem:$0x900] =	vst v0  }
0x28: {  	[tilespmem:$0x910] =	vst v0  }
0x29: {  	[tilespmem:$0x920] =	vst v0  }
0x2a: {  	[tilespmem:$0x930] =	vst v0  }
0x2b: {  	[tilespmem:$0x940] =	vst v0  }
0x2c: {  	[tilespmem:$0x950] =	vst v0  }
0x2d: {  	[tilespmem:$0x960] =	vst v0  }
0x2e: {  	[tilespmem:$0x970] =	vst v0  }
0x2f: {  	[tilespmem:$0x980] =	vst v0  }
0x30: {  	[tilespmem:$0x990] =	vst v0  }
0x31: {  	[tilespmem:$0x9A0] =	vst v0  }
0x32: {  	[tilespmem:$0x9B0] =	vst v0  }
0x33: {  	[tilespmem:$0x9C0] =	vst v0  }
0x34: {  	[tilespmem:$0x9D0] =	vst v0  }
0x35: {  	[tilespmem:$0x9E0] =	vst v0  }
0x36: {  	[tilespmem:$0x9F0] =	vst v0  }
0x37: {  	[tilespmem:$0xA00] =	vst v0  }
0x38: {  	[tilespmem:$0xA10] =	vst v0  }
0x39: {  	[tilespmem:$0xA20] =	vst v0  }
0x3a: {  	[tilespmem:$0xA30] =	vst v0  }
0x3b: {  	[tilespmem:$0xA40] =	vst v0  }
0x3c: {  	[tilespmem:$0xA50] =	vst v0  }
0x3d: {  	[tilespmem:$0xA60] =	vst v0  }
0x3e: {  	[tilespmem:$0xA70] =	vst v0  }
0x3f: {  	[tilespmem:$0xA80] =	vst v0  }
0x40: {  	[tilespmem:$0xA90] =	vst v0  }
0x41: {  	[tilespmem:$0xAA0] =	vst v0  }
0x42: {  	[tilespmem:$0xAB0] =	vst v0  }
0x43: {  	[tilespmem:$0xAC0] =	vst v0  }
0x44: {  	[tilespmem:$0xAD0] =	vst v0  }
0x45: {  	[tilespmem:$0xAE0] =	vst v0  }
0x46: {  	[tilespmem:$0xAF0] =	vst v0  }
0x47: {  	[tilespmem:$0xB00] =	vst v0  }
0x48: {  	[tilespmem:$0xB10] =	vst v0  }
0x49: {  	[tilespmem:$0xB20] =	vst v0  }
0x4a: {  	[tilespmem:$0xB30] =	vst v0  }
0x4b: {  	[tilespmem:$0xB40] =	vst v0  }
0x4c: {  	[tilespmem:$0xB50] =	vst v0  }
0x4d: {  	[tilespmem:$0xB60] =	vst v0  }
0x4e: {  	[tilespmem:$0xB70] =	vst v0  }
0x4f: {  	[tilespmem:$0xB80] =	vst v0  }
0x50: {  	[tilespmem:$0xB90] =	vst v0  }
0x51: {  	[tilespmem:$0xBA0] =	vst v0  }
0x52: {  	[tilespmem:$0xBB0] =	vst v0  }
0x53: {  	[tilespmem:$0xBC0] =	vst v0  }
0x54: {  	[tilespmem:$0xBD0] =	vst v0  }
0x55: {  	[tilespmem:$0xBE0] =	vst v0  }
0x56: {  	[tilespmem:$0xBF0] =	vst v0  }
0x57: {  	[spmem:s6] =	stream.linear.scatter [tilespmem:s17], [sflag:$0x1], $0x400, $0x38;
	[tilespmem:$0x2470] =	vst v63  }
0x58: {  	_ =	swait.ge [sflag:s18], $0x400  }
0x59: {  	[sflag:s18] =	ssyncset.done $0x0  }
0x5a: {  	[sflag:s18] =	ssyncadd.s32 $0xFFFFFC00  }
0x5b: {  	[spmem:s13] =	stream.linear.scatter [tilespmem:s17], [sflag:$0x1], $0x400, $0x38;
	[tilespmem:$0x2470] =	vst v63  }
0x5c: {  	_ =	swait.ge [sflag:s18], $0x400  }
0x5d: {  	[sflag:s18] =	ssyncset.done $0x0  }
0x5e: {  	[sflag:s18] =	ssyncadd.s32 $0xFFFFFC00  }
0x5f: {  	[spmem:s14] =	stream.linear.scatter [tilespmem:s17], [sflag:$0x1], $0x400, $0x38;
	[tilespmem:$0x2470] =	vst v63  }
0x60: {  	_ =	swait.ge [sflag:s18], $0x400  }
0x61: {  	[sflag:s18] =	ssyncset.done $0x0  }
0x62: {  	[sflag:s18] =	ssyncadd.s32 $0xFFFFFC00  }
0x63: {  	[spmem:s5] =	stream.linear.scatter [tilespmem:s17], [sflag:$0x1], $0xC68, $0x38;
	[tilespmem:$0x2470] =	vst v63  }
0x64: {  	_ =	swait.ge [sflag:s18], $0xC68  }
0x65: {  	[sflag:s18] =	ssyncset.done $0x0  }
0x66: {  	s9 =	smov.u32 s4;
	s12 =	simm.s32 @!p0 $0x800;
	[sflag:s18] =	ssyncadd.s32 $0xFFFFF398  }
0x67: {  	[spmem:s9] =	stream.linear.scatter @!p0 [tilespmem:s12], [sflag:$0x1], $0x20, $0x38;
	[tilespmem:$0x2470] =	vst v63  }
0x68: {  	s12 =	simm.s32 @!p0 $0x1  }
0x69: {  	_ =	swait.ge @!p0 [sflag:s12], $0x20  }
0x6a: {  	[sflag:s12] =	ssyncset.done @!p0 $0x0  }
0x6b: {  	s8 =	smov.u32 s6;
	[sflag:s12] =	ssyncadd.s32 @!p0 $0xFFFFFFE0  }
0x6c: {  	s6 =	smov.u32 s13;
	s13 =	sadd.s32 $0x0, s16;
	[bflag:$0x0] =	sbarrier.arrive $0xFFFF  }
0x6d: {  	[tilespmem:s3], [sflag:$0x1] =	stream.linear.gather [hbm4b:s13+s3], $0x400, $0x38;
	[tilespmem:$0x2470] =	vst v63  }
0x6e: {  	_ =	swait.ge [sflag:s18], $0x400  }
0x6f: {  	[sflag:s18] =	ssyncset.done $0x0  }
0x70: {  	s7 =	smov.u32 s14;
	s14 =	sadd.s32 $0x0, s15;
	[sflag:s18] =	ssyncadd.s32 $0xFFFFFC00  }
0x71: {  	[tilespmem:s19], [sflag:$0x1] =	stream.linear.gather [hbm4b:s14+s3], $0x400, $0x38;
	[tilespmem:$0x2470] =	vst v63  }
0x72: {  	_ =	swait.ge [sflag:s18], $0x400  }
0x73: {  	[sflag:s18] =	ssyncset.done $0x0  }
0x74: {  	[sflag:s18] =	ssyncadd.s32 $0xFFFFFC00  }
0x75: {  	[spmem:s2] =	stream.indirect.scatter.add.f32 [tilespmem:s19], [sflag:$0x1], $0x1, s3, s20, $0xb8;
	[tilespmem:$0x2470] =	vst v63  }
0x76: {  	_ =	swait.ge [sflag:s18], $0x80  }
0x77: {  	[sflag:s18] =	ssyncset.done $0x0  }
0x78: {  	[sflag:s18] =	ssyncadd.s32 $0xFFFFFF80  }
0x79: {  	[spmem:s2] =	stream.indirect.scatter.add.f32 [tilespmem:s21], [sflag:$0x1], $0x1, s20, s20, $0xb8;
	[tilespmem:$0x2470] =	vst v63  }
0x7a: {  	_ =	swait.ge [sflag:s18], $0x80  }
0x7b: {  	[sflag:s18] =	ssyncset.done $0x0  }
0x7c: {  	[sflag:s18] =	ssyncadd.s32 $0xFFFFFF80  }
0x7d: {  	[spmem:s2] =	stream.indirect.scatter.add.f32 [tilespmem:s23], [sflag:$0x1], $0x1, s22, s20, $0xb8;
	[tilespmem:$0x2470] =	vst v63  }
0x7e: {  	_ =	swait.ge [sflag:s18], $0x80  }
0x7f: {  	[sflag:s18] =	ssyncset.done $0x0  }
0x80: {  	[sflag:s18] =	ssyncadd.s32 $0xFFFFFF80  }
0x81: {  	[spmem:s2] =	stream.indirect.scatter.add.f32 [tilespmem:s25], [sflag:$0x1], $0x1, s24, s20, $0xb8;
	[tilespmem:$0x2470] =	vst v63  }
0x82: {  	_ =	swait.ge [sflag:s18], $0x80  }
0x83: {  	[sflag:s18] =	ssyncset.done $0x0  }
0x84: {  	[sflag:s18] =	ssyncadd.s32 $0xFFFFFF80  }
0x85: {  	[spmem:s2] =	stream.indirect.scatter.add.f32 [tilespmem:s28], [sflag:$0x1], $0x1, s26, s20, $0xb8;
	[tilespmem:$0x2470] =	vst v63  }
0x86: {  	_ =	swait.ge [sflag:s18], $0x80  }
0x87: {  	[sflag:s18] =	ssyncset.done $0x0  }
0x88: {  	[sflag:s18] =	ssyncadd.s32 $0xFFFFFF80  }
0x89: {  	[spmem:s2] =	stream.indirect.scatter.add.f32 [tilespmem:s30], [sflag:$0x1], $0x1, s29, s20, $0xb8;
	[tilespmem:$0x2470] =	vst v63  }
0x8a: {  	_ =	swait.ge [sflag:s18], $0x80  }
0x8b: {  	[sflag:s18] =	ssyncset.done $0x0  }
0x8c: {  	[sflag:s18] =	ssyncadd.s32 $0xFFFFFF80  }
0x8d: {  	[spmem:s2] =	stream.indirect.scatter.add.f32 [tilespmem:s1], [sflag:$0x1], $0x1, s31, s20, $0xb8;
	[tilespmem:$0x2470] =	vst v63  }
0x8e: {  	_ =	swait.ge [sflag:s18], $0x80  }
0x8f: {  	[sflag:s18] =	ssyncset.done $0x0  }
0x90: {  	[sflag:s18] =	ssyncadd.s32 $0xFFFFFF80  }
0x91: {  	[spmem:s2] =	stream.indirect.scatter.add.f32 [tilespmem:s10], [sflag:$0x1], $0x1, s0, s20, $0xb8;
	[tilespmem:$0x2470] =	vst v63  }
0x92: {  	s4 =	smov.u32 s5;
	_ =	swait.ge [sflag:s18], $0x80  }
0x93: {  	s12 =	simm.s32 $0x80;
	s13 =	simm.s32 $0x100;
	[sflag:s18] =	ssyncset.done $0x0  }
.LBB2_2:
0x94: {  	s9 =	sadd.s32 s12, s16  }
0x95: {  	[sflag:s18] =	ssyncadd.s32 $0xFFFFFF80;
	s5 =	smov.u32 s13;
	s14 =	sadd.s32 $0x80, s13  }
0x96: {  	[tilespmem:s3], [sflag:$0x1] =	stream.linear.gather [hbm4b:s9+s3], $0x400, $0x38;
	[tilespmem:$0x2470] =	vst v63  }
0x97: {  	p1 =	sne.s32 s13, $0x1880;
	_ =	swait.ge [sflag:s18], $0x400  }
0x98: {  	[sflag:s18] =	ssyncset.done $0x0  }
0x99: {  	s9 =	sadd.s32 s12, s15;
	s12 =	smov.u32 s5;
	[sflag:s18] =	ssyncadd.s32 $0xFFFFFC00  }
0x9a: {  	[tilespmem:s19], [sflag:$0x1] =	stream.linear.gather [hbm4b:s9+s3], $0x400, $0x38;
	[tilespmem:$0x2470] =	vst v63  }
0x9b: {  	_ =	swait.ge [sflag:s18], $0x400  }
0x9c: {  	[sflag:s18] =	ssyncset.done $0x0  }
0x9d: {  	[sflag:s18] =	ssyncadd.s32 $0xFFFFFC00  }
0x9e: {  	[spmem:s2] =	stream.indirect.scatter.add.f32 [tilespmem:s19], [sflag:$0x1], $0x1, s3, s20, $0xb8;
	[tilespmem:$0x2470] =	vst v63  }
0x9f: {  	_ =	swait.ge [sflag:s18], $0x80  }
0xa0: {  	[sflag:s18] =	ssyncset.done $0x0  }
0xa1: {  	[sflag:s18] =	ssyncadd.s32 $0xFFFFFF80  }
0xa2: {  	[spmem:s2] =	stream.indirect.scatter.add.f32 [tilespmem:s21], [sflag:$0x1], $0x1, s20, s20, $0xb8;
	[tilespmem:$0x2470] =	vst v63  }
0xa3: {  	_ =	swait.ge [sflag:s18], $0x80  }
0xa4: {  	[sflag:s18] =	ssyncset.done $0x0  }
0xa5: {  	[sflag:s18] =	ssyncadd.s32 $0xFFFFFF80  }
0xa6: {  	[spmem:s2] =	stream.indirect.scatter.add.f32 [tilespmem:s23], [sflag:$0x1], $0x1, s22, s20, $0xb8;
	[tilespmem:$0x2470] =	vst v63  }
0xa7: {  	_ =	swait.ge [sflag:s18], $0x80  }
0xa8: {  	[sflag:s18] =	ssyncset.done $0x0  }
0xa9: {  	[sflag:s18] =	ssyncadd.s32 $0xFFFFFF80  }
0xaa: {  	[spmem:s2] =	stream.indirect.scatter.add.f32 [tilespmem:s25], [sflag:$0x1], $0x1, s24, s20, $0xb8;
	[tilespmem:$0x2470] =	vst v63  }
0xab: {  	_ =	swait.ge [sflag:s18], $0x80  }
0xac: {  	[sflag:s18] =	ssyncset.done $0x0  }
0xad: {  	[sflag:s18] =	ssyncadd.s32 $0xFFFFFF80  }
0xae: {  	[spmem:s2] =	stream.indirect.scatter.add.f32 [tilespmem:s28], [sflag:$0x1], $0x1, s26, s20, $0xb8;
	[tilespmem:$0x2470] =	vst v63  }
0xaf: {  	_ =	swait.ge [sflag:s18], $0x80  }
0xb0: {  	[sflag:s18] =	ssyncset.done $0x0  }
0xb1: {  	[sflag:s18] =	ssyncadd.s32 $0xFFFFFF80  }
0xb2: {  	[spmem:s2] =	stream.indirect.scatter.add.f32 [tilespmem:s30], [sflag:$0x1], $0x1, s29, s20, $0xb8;
	[tilespmem:$0x2470] =	vst v63  }
0xb3: {  	_ =	swait.ge [sflag:s18], $0x80  }
0xb4: {  	[sflag:s18] =	ssyncset.done $0x0  }
0xb5: {  	[sflag:s18] =	ssyncadd.s32 $0xFFFFFF80  }
0xb6: {  	[spmem:s2] =	stream.indirect.scatter.add.f32 [tilespmem:s1], [sflag:$0x1], $0x1, s31, s20, $0xb8;
	[tilespmem:$0x2470] =	vst v63  }
0xb7: {  	_ =	swait.ge [sflag:s18], $0x80  }
.Ltmp0:
0xb8: {  	[sflag:s18] =	ssyncset.done $0x0;
	(pc) =	sbr.rel @p1 .LBB2_2-.Ltmp0, $4  }
0xb9: {  	[sflag:s18] =	ssyncadd.s32 $0xFFFFFF80  }
0xba: {  	[spmem:s2] =	stream.indirect.scatter.add.f32 [tilespmem:s10], [sflag:$0x1], $0x1, s0, s20, $0xb8;
	[tilespmem:$0x2470] =	vst v63  }
0xbb: {  	_ =	swait.ge [sflag:s18], $0x80  }
0xbc: {  	s13 =	smov.u32 s14;
	[sflag:s18] =	ssyncset.done $0x0  }
0xbd: {  	s5 =	sadd.s32 s12, s16;
	[sflag:s18] =	ssyncadd.s32 $0xFFFFFF80  }
0xbe: {  	[tilespmem:s3], [sflag:$0x1] =	stream.linear.gather [hbm4b:s5+s3], $0x400, $0x38;
	[tilespmem:$0x2470] =	vst v63  }
0xbf: {  	_ =	swait.ge [sflag:s18], $0x400  }
0xc0: {  	[sflag:s18] =	ssyncset.done $0x0  }
0xc1: {  	s12 =	sadd.s32 s12, s15;
	[sflag:s18] =	ssyncadd.s32 $0xFFFFFC00  }
0xc2: {  	[tilespmem:s19], [sflag:$0x1] =	stream.linear.gather [hbm4b:s12+s3], $0x400, $0x38;
	[tilespmem:$0x2470] =	vst v63  }
0xc3: {  	_ =	swait.ge [sflag:s18], $0x400  }
0xc4: {  	[sflag:s18] =	ssyncset.done $0x0  }
0xc5: {  	[sflag:s18] =	ssyncadd.s32 $0xFFFFFC00  }
0xc6: {  	[spmem:s2] =	stream.indirect.scatter.add.f32 [tilespmem:s19], [sflag:$0x1], $0x1, s3, s20, $0xb8;
	[tilespmem:$0x2470] =	vst v63  }
0xc7: {  	_ =	swait.ge [sflag:s18], $0x80  }
0xc8: {  	[sflag:s18] =	ssyncset.done $0x0  }
0xc9: {  	[sflag:s18] =	ssyncadd.s32 $0xFFFFFF80  }
0xca: {  	[spmem:s2] =	stream.indirect.scatter.add.f32 [tilespmem:s21], [sflag:$0x1], $0x1, s20, s20, $0xb8;
	[tilespmem:$0x2470] =	vst v63  }
0xcb: {  	_ =	swait.ge [sflag:s18], $0x80  }
0xcc: {  	[sflag:s18] =	ssyncset.done $0x0  }
0xcd: {  	[sflag:s18] =	ssyncadd.s32 $0xFFFFFF80  }
0xce: {  	[spmem:s2] =	stream.indirect.scatter.add.f32 [tilespmem:s23], [sflag:$0x1], $0x1, s22, s20, $0xb8;
	[tilespmem:$0x2470] =	vst v63  }
0xcf: {  	_ =	swait.ge [sflag:s18], $0x80  }
0xd0: {  	[sflag:s18] =	ssyncset.done $0x0  }
0xd1: {  	[sflag:s18] =	ssyncadd.s32 $0xFFFFFF80  }
0xd2: {  	[spmem:s2] =	stream.indirect.scatter.add.f32 [tilespmem:s25], [sflag:$0x1], $0x1, s24, s20, $0xb8;
	[tilespmem:$0x2470] =	vst v63  }
0xd3: {  	_ =	swait.ge [sflag:s18], $0x80  }
0xd4: {  	[sflag:s18] =	ssyncset.done $0x0  }
0xd5: {  	[sflag:s18] =	ssyncadd.s32 $0xFFFFFF80  }
0xd6: {  	[spmem:s2] =	stream.indirect.scatter.add.f32 [tilespmem:s28], [sflag:$0x1], $0x1, s26, s20, $0xb8;
	[tilespmem:$0x2470] =	vst v63  }
0xd7: {  	_ =	swait.ge [sflag:s18], $0x80  }
0xd8: {  	[sflag:s18] =	ssyncset.done $0x0  }
0xd9: {  	[sflag:s18] =	ssyncadd.s32 $0xFFFFFF80  }
0xda: {  	[spmem:s2] =	stream.indirect.scatter.add.f32 [tilespmem:s30], [sflag:$0x1], $0x1, s29, s20, $0xb8;
	[tilespmem:$0x2470] =	vst v63  }
0xdb: {  	_ =	swait.ge [sflag:s18], $0x80  }
0xdc: {  	[sflag:s18] =	ssyncset.done $0x0  }
0xdd: {  	[sflag:s18] =	ssyncadd.s32 $0xFFFFFF80  }
0xde: {  	[spmem:s2] =	stream.indirect.scatter.add.f32 [tilespmem:s1], [sflag:$0x1], $0x1, s31, s20, $0xb8;
	[tilespmem:$0x2470] =	vst v63  }
0xdf: {  	_ =	swait.ge [sflag:s18], $0x80  }
0xe0: {  	[sflag:s18] =	ssyncset.done $0x0  }
0xe1: {  	[sflag:s18] =	ssyncadd.s32 $0xFFFFFF80  }
0xe2: {  	[spmem:s2] =	stream.indirect.scatter.add.f32 [tilespmem:s10], [sflag:$0x1], $0x1, s0, s20, $0xb8;
	[tilespmem:$0x2470] =	vst v63  }
0xe3: {  	_ =	swait.ge [sflag:s18], $0x80  }
0xe4: {  	[sflag:s18] =	ssyncset.done $0x0  }
0xe5: {  	[sflag:s18] =	ssyncadd.s32 $0xFFFFFF80  }
0xe6: {  	[bflag:$0x0] =	sbarrier.arrive $0xFFFF  }
0xe7: {  	[tilespmem:s17], [sflag:$0x1] =	stream.linear.gather [spmem:s8], $0x400, $0x38;
	[tilespmem:$0x2470] =	vst v63  }
0xe8: {  	_ =	swait.ge [sflag:s18], $0x400  }
0xe9: {  	[sflag:s18] =	ssyncset.done $0x0  }
0xea: {  	s13 =	rddreg [dreg:$0x4];
	[sflag:s18] =	ssyncadd.s32 $0xFFFFFC00  }
0xeb: {  	[hbm4b:s13+s3] =	stream.linear.scatter [tilespmem:s17], [sflag:$0x1], $0x400, $0x38;
	[tilespmem:$0x2470] =	vst v63  }
0xec: {  	_ =	swait.ge [sflag:s18], $0x400  }
0xed: {  	[sflag:s18] =	ssyncset.done $0x0  }
0xee: {  	s13 =	smov.u32 s6;
	[sflag:s18] =	ssyncadd.s32 $0xFFFFFC00  }
0xef: {  	[tilespmem:s17], [sflag:$0x1] =	stream.linear.gather [spmem:s13], $0x400, $0x38;
	[tilespmem:$0x2470] =	vst v63  }
0xf0: {  	_ =	swait.ge [sflag:s18], $0x400  }
0xf1: {  	[sflag:s18] =	ssyncset.done $0x0  }
0xf2: {  	s14 =	rddreg [dreg:$0x5];
	[sflag:s18] =	ssyncadd.s32 $0xFFFFFC00  }
0xf3: {  	[hbm4b:s14+s3] =	stream.linear.scatter [tilespmem:s17], [sflag:$0x1], $0x400, $0x38;
	[tilespmem:$0x2470] =	vst v63  }
0xf4: {  	_ =	swait.ge [sflag:s18], $0x400  }
0xf5: {  	[sflag:s18] =	ssyncset.done $0x0  }
0xf6: {  	[sflag:s18] =	ssyncadd.s32 $0xFFFFFC00  }
0xf7: {  	[tilespmem:s17], [sflag:$0x1] =	stream.linear.gather [spmem:s7], $0x400, $0x38;
	[tilespmem:$0x2470] =	vst v63  }
0xf8: {  	_ =	swait.ge [sflag:s18], $0x400  }
0xf9: {  	[sflag:s18] =	ssyncset.done $0x0  }
0xfa: {  	s6 =	smov.u32 s8;
	s8 =	rddreg [dreg:$0x6];
	[sflag:s18] =	ssyncadd.s32 $0xFFFFFC00  }
0xfb: {  	[hbm4b:s8+s3] =	stream.linear.scatter [tilespmem:s17], [sflag:$0x1], $0x400, $0x38;
	[tilespmem:$0x2470] =	vst v63  }
0xfc: {  	_ =	swait.ge [sflag:s18], $0x400  }
0xfd: {  	[sflag:s18] =	ssyncset.done $0x0  }
0xfe: {  	[sflag:s18] =	ssyncadd.s32 $0xFFFFFC00  }
0xff: {  	[tilespmem:s17], [sflag:$0x1] =	stream.linear.gather [spmem:s4], $0xC68, $0x38;
	[tilespmem:$0x2470] =	vst v63  }
0x100: {  	_ =	swait.ge [sflag:s18], $0xC68  }
0x101: {  	[sflag:s18] =	ssyncset.done $0x0  }
0x102: {  	s9 =	rddreg [dreg:$0x7];
	[sflag:s18] =	ssyncadd.s32 $0xFFFFF398  }
0x103: {  	[hbm4b:s9+s3] =	stream.linear.scatter [tilespmem:s17], [sflag:$0x1], $0xC68, $0x38;
	[tilespmem:$0x2470] =	vst v63  }
0x104: {  	_ =	swait.ge [sflag:s18], $0xC68  }
0x105: {  	s5 =	simm.s32 @!p0 $0x800;
	s8 =	smov.u32 s4;
	[sflag:s18] =	ssyncset.done $0x0  }
0x106: {  	s9 =	simm.s32 @!p0 $0x1;
	s4 =	rddreg [dreg:$0x3];
	[sflag:s18] =	ssyncadd.s32 $0xFFFFF398  }
0x107: {  	[tilespmem:s5], [sflag:$0x1] =	stream.linear.gather @!p0 [spmem:s4], $0x20, $0x38;
	[tilespmem:$0x2470] =	vst v63  }
0x108: {  	_ =	swait.ge @!p0 [sflag:s9], $0x20  }
0x109: {  	s12 =	simm.s32 @!p0 $0x0;
	[sflag:s9] =	ssyncset.done @!p0 $0x0  }
0x10a: {  	s14 =	smov.u32 s7;
	s7 =	rddreg [dreg:$0x8];
	[sflag:s9] =	ssyncadd.s32 @!p0 $0xFFFFFFE0  }
0x10b: {  	[hbm4b:s7+s12] =	stream.linear.scatter @!p0 [tilespmem:s5], [sflag:$0x1], $0x20, $0x38;
	[tilespmem:$0x2470] =	vst v63  }
0x10c: {  	_ =	swait.ge @!p0 [sflag:s9], $0x20  }
0x10d: {  	s11 =	sadd.s32 $0x1, s11;
	s12 =	rddreg [dreg:$0x9]  }
0x10e: {  	p1 =	sne.s32 s11, s12  }
.Ltmp1:
0x10f: {  	_ = 	snop;
	(pc) =	sbr.rel @p1 .LBB2_1-.Ltmp1, $3  }
0x110: {  	_ =	sdelay $0x1  }
0x111: {  	[sflag:s9] =	ssyncset.done @!p0 $0x0  }
0x112: {  	s5 =	smov.u32 s8;
	[sflag:s9] =	ssyncadd.s32 @!p0 $0xFFFFFFE0  }
0x113: {  	_ =	sfence.sel $0x180000  }
0x114: {  	[bflag:$0x0] =	sbarrier.arrive $0xFFFF  }
0x115: {  	_ =	strace $0x90000047  }
0x116: {  	s0 =	stileid.u32;
	[bflag:$0x2] =	sbarrier.arrive $0xFFFF  }
0x117: {  	p0 =	sne.s32 s0, $0x0;
	s0 =	rddreg [dreg:$0x2]  }
0x118: {  	s0 =	sadd.s32 @!p0 $0x100000, s0  }
0x119: {  	[sflag:s0] =	ssyncadd.tile.s32 @!p0 $0x1;
	_ =	shalt  }
.Lfunc_end2:
_tile_overlayer_lowered:
.L_overlay_start_2:
0x11a: {  	(tag) =	ssettag $0x2  }
0x11b: {  	s0 =	rddreg [dreg:$0x0];
	s2 =	stileid.u32  }
0x11c: {  	s1 =	rddreg [dreg:$0x1];
	p0 =	sne.s32 s2, $0x0  }
0x11d: {  	s3 =	rddreg [dreg:$0x2];
	[bflag:$0x3] =	sbarrier.arrive $0xFFFF;
	s2 =	simm.s32 @!p0 $0x1C01  }
0x11e: {  	[timem:s3], [sflag:s2] =	dma.local @!p0 [hbm:s0], s1  }
0x11f: {  	s0 =	simm.s32 @!p0 $0x1  }
0x120: {  	_ =	swait.ge @!p0 [sflag:s0], s1  }
0x121: {  	s1 =	ssub.s32 @!p0 $0x0, s1;
	[sflag:s0] =	ssyncset.done @!p0 $0x0  }
0x122: {  	[sflag:s0] =	ssyncadd.s32 @!p0 s1  }
0x123: {  	[bflag:$0x3] =	sbarrier.arrive $0xFFFF  }
0x124: {  	_ =	shalt  }

// kernel: kernel.9.cloned.1.call-start
scs
__scs_entry_jumppad:
0x0: {  	(pc) =	sbr.rel $0x88, $3  }
0x1: {  	(tag) =	ssettag $0x0;
	lr =	simm.s32 $0x1  }
0x2: {  	[smem:$0x3F96] =	sst lr;
	_ =	strace $0xD0000000  }
0x3: {  	_ = 	snop  }
0x4: {  	_ = 	snop  }
0x5: {  	_ = 	snop  }
0x6: {  	_ = 	snop  }
0x7: {  	_ = 	snop  }
__scs_overlays_trampoline_lowered:
0x8: {  	[smem:$0x3FA5] =	sst s0  }
0x9: {  	[smem:$0x3FA6] =	sst s1  }
0xa: {  	[smem:$0x3FA7] =	sst s2  }
0xb: {  	[smem:$0x3FA8] =	sst s3  }
0xc: {  	[smem:$0x3FA9] =	sst s4  }
0xd: {  	[smem:$0x3FAA] =	sst s5  }
0xe: {  	[smem:$0x3FAB] =	sst s6  }
0xf: {  	[smem:$0x3FAC] =	sst s7  }
0x10: {  	[smem:$0x3FAD] =	sst s8  }
0x11: {  	[smem:$0x3FAE] =	sst s9;
	s0 =	simm.s32 @!p0 $0x0  }
0x12: {  	s1 =	sld [smem:$0x3F94];
	s0 =	simm.s32 @p0 $0x1  }
0x13: {  	[smem:$0x3FAF] =	sst s0;
	s0 =	simm.s32 @!p1 $0x0  }
0x14: {  	s2 =	sld [smem:$0x3F93];
	s0 =	simm.s32 @p1 $0x1  }
0x15: {  	[smem:$0x3FB0] =	sst s0;
	s0 =	simm.s32 @!p2 $0x0  }
0x16: {  	s3 =	sld [smem:$0x3FDB];
	s0 =	simm.s32 @p2 $0x1  }
0x17: {  	s4 =	simm.s32 $0x1BF5;
	[smem:$0x3FB2] =	sst s0  }
0x18: {  	s0 =	sld [smem:$0x3F95];
	_ =	swait.ge [sflag:s4], $0x0  }
0x19: {  	s7 =	sld [smem:$0x3F96]  }
0x1a: {  	s8 =	sadd.s32 $0xFFFFE003, lr  }
0x1b: {  	s9 =	sadd.s32 $0xFFFFFEF7, lr;
	s5 =	simm.s32 $0xFFFFFFFF;
	p2 =	slt.u32 s8, $0xFFFFF086  }
0x1c: {  	p1 =	slt.u32 s9, $0xF7A;
	s5 =	simm.s32 @!p2 $0x0  }
0x1d: {  	s5 =	simm.s32 @p1 $0x1;
	p0 =	seq.s32 s7, s2  }
0x1e: {  	s7 =	smul.u32 @!p0 $0xF7A, s2;
	p2 =	seq.s32 @!p0 s5, $0x0  }
0x1f: {  	s9 =	smul.u32 $0xF7A, s1;
	s8 =	simm.s32 @!p0 $0x1BF5;
	p2 =	por !p2, p0  }
0x20: {  	[sflag:s8] =	ssyncset.s32 @!p0 $0xFFFFF086;
	s6 =	sadd.s32 @!p0 s3, s7;
	s7 =	simm.s32 @!p0 $0x108  }
0x21: {  	s3 =	sadd.s32 s3, s9;
	s6 =	sadd.s32 @!p0 $0x88, s6;
	s7 =	simm.s32 @p2 $0x1082  }
0x22: {  	[simem:s7], [sflag:s8] =	dma.local @!p0 [hbm:s6], $0xF7A  }
0x23: {  	s9 =	sor.u32 $0xD0000000, s2;
	s6 =	simm.s32 $0x108;
	_ =	swait.ge @!p0 [sflag:s8], $0x0  }
0x24: {  	s3 =	sadd.s32 $0x88, s3;
	s6 =	simm.s32 @!p1 $0x1082;
	[sflag:s4] =	ssyncset.s32 $0xFFFFF086  }
0x25: {  	[simem:s6], [sflag:s4] =	dma.local [hbm:s3], $0xF7A  }
0x26: {  	[smem:$0x3F96] =	sst s1;
	(tag) =	ssettag s2;
	_ =	strace s9  }
0x27: {  	s1 =	sld [smem:$0x3FA6]  }
0x28: {  	s2 =	sld [smem:$0x3FA7]  }
0x29: {  	s4 =	sld [smem:$0x3FA9]  }
0x2a: {  	p0 =	seq.s32 s5, $0x0;
	s5 =	sld [smem:$0x3FAA]  }
0x2b: {  	s6 =	sld [smem:$0x3FAB]  }
0x2c: {  	s7 =	sld [smem:$0x3FAC]  }
0x2d: {  	s3 =	simm.s32 $0x108;
	s8 =	sld [smem:$0x3FAD]  }
0x2e: {  	s3 =	simm.s32 @!p0 $0x1082;
	s9 =	sld [smem:$0x3FAE]  }
0x2f: {  	lr =	sadd.s32 s0, s3;
	s0 =	sld [smem:$0x3FA5]  }
0x30: {  	s3 =	sld [smem:$0x3FA8]  }
0x31: {  	[smem:$0x3FB1] =	sst s10  }
0x32: {  	s10 =	sld [smem:$0x3FAF];
	_ =	sdelay $0x3  }
0x33: {  	p0 =	seq.s32 s10, $0x1;
	s10 =	sld [smem:$0x3FB1];
	_ =	sdelay $0x3  }
0x34: {  	[smem:$0x3FB1] =	sst s10  }
0x35: {  	s10 =	sld [smem:$0x3FB0];
	_ =	sdelay $0x3  }
0x36: {  	p1 =	seq.s32 s10, $0x1;
	s10 =	sld [smem:$0x3FB1];
	_ =	sdelay $0x3  }
0x37: {  	[smem:$0x3FB1] =	sst s10  }
0x38: {  	s10 =	sld [smem:$0x3FB2]  }
0x39: {  	_ = 	snop;
	(pc) =	sbr.ind lr, $3  }
0x3a: {  	_ = 	snop  }
0x3b: {  	_ = 	snop  }
0x3c: {  	p2 =	seq.s32 s10, $0x1;
	s10 =	sld [smem:$0x3FB1]  }
0x3d: {  	_ =	shalt  }
0x3e: {  	_ =	shalt  }
0x3f: {  	_ =	shalt  }
0x40: {  	_ =	shalt  }
0x41: {  	_ =	shalt  }
0x42: {  	_ =	shalt  }
0x43: {  	_ =	shalt  }
0x44: {  	_ =	shalt  }
0x45: {  	_ =	shalt  }
0x46: {  	_ =	shalt  }
0x47: {  	_ =	shalt  }
0x48: {  	_ =	shalt  }
0x49: {  	_ =	shalt  }
0x4a: {  	_ =	shalt  }
0x4b: {  	_ =	shalt  }
0x4c: {  	_ =	shalt  }
0x4d: {  	_ =	shalt  }
0x4e: {  	_ =	shalt  }
0x4f: {  	_ =	shalt  }
0x50: {  	_ =	shalt  }
0x51: {  	_ =	shalt  }
0x52: {  	_ =	shalt  }
0x53: {  	_ =	shalt  }
0x54: {  	_ =	shalt  }
0x55: {  	_ =	shalt  }
0x56: {  	_ =	shalt  }
0x57: {  	_ =	shalt  }
0x58: {  	_ =	shalt  }
0x59: {  	_ =	shalt  }
0x5a: {  	_ =	shalt  }
0x5b: {  	_ =	shalt  }
0x5c: {  	_ =	shalt  }
0x5d: {  	_ =	shalt  }
0x5e: {  	_ =	shalt  }
0x5f: {  	_ =	shalt  }
0x60: {  	_ =	shalt  }
0x61: {  	_ =	shalt  }
0x62: {  	_ =	shalt  }
0x63: {  	_ =	shalt  }
0x64: {  	_ =	shalt  }
0x65: {  	_ =	shalt  }
0x66: {  	_ =	shalt  }
0x67: {  	_ =	shalt  }
0x68: {  	_ =	shalt  }
0x69: {  	_ =	shalt  }
0x6a: {  	_ =	shalt  }
0x6b: {  	_ =	shalt  }
0x6c: {  	_ =	shalt  }
0x6d: {  	_ =	shalt  }
0x6e: {  	_ =	shalt  }
0x6f: {  	_ =	shalt  }
0x70: {  	_ =	shalt  }
0x71: {  	_ =	shalt  }
0x72: {  	_ =	shalt  }
0x73: {  	_ =	shalt  }
0x74: {  	_ =	shalt  }
0x75: {  	_ =	shalt  }
0x76: {  	_ =	shalt  }
0x77: {  	_ =	shalt  }
0x78: {  	_ =	shalt  }
0x79: {  	_ =	shalt  }
0x7a: {  	_ =	shalt  }
0x7b: {  	_ =	shalt  }
0x7c: {  	_ =	shalt  }
0x7d: {  	_ =	shalt  }
0x7e: {  	_ =	shalt  }
0x7f: {  	_ =	shalt  }
0x80: {  	_ =	shalt  }
0x81: {  	_ =	shalt  }
0x82: {  	_ =	shalt  }
0x83: {  	_ =	shalt  }
0x84: {  	_ =	shalt  }
0x85: {  	_ =	shalt  }
0x86: {  	_ =	shalt  }
0x87: {  	_ =	shalt  }
.Lfunc_end0:
.L_simem_size_0:
called_computation.1_lowered:
.L_overlay_start_0:
0x88: {  	s2 =	sld [smem:$0x3FD9]  }
0x89: {  	s3 =	sld [smem:$0x3FFE];
	_ =	sdelay $0x1  }
0x8a: {  	s1 =	srdreg.scid  }
0x8b: {  	s0 =	sand.u32 $0x1, s1  }
0x8c: {  	s16 =	sshll.u32 s0, $0xA;
	s2 =	sadd.s32 s3, s2  }
0x8d: {  	s2 =	sadd.s32 s2, s16  }
0x8e: {  	[smem:$0x3FBD] =	sst s2  }
0x8f: {  	_ = 	snop  }
0x90: {  	(tm) =	ssettm $0x1  }
0x91: {  	s17 =	sld [smem:$0x3FFB];
	_ =	sdelay $0x3  }
0x92: {  	_ =	strace s17  }
0x93: {  	s2 =	sld [smem:$0x3FFC];
	_ =	sdelay $0x3  }
0x94: {  	_ =	strace s2  }
0x95: {  	s2 =	sld [smem:$0x3FFD];
	_ =	sdelay $0x3  }
0x96: {  	_ =	strace s2  }
0x97: {  	_ =	strace $0x8FFFFFFF  }
0x98: {  	s18 =	sld [smem:$0x3FDB];
	_ =	sdelay $0x1  }
0x99: {  	s19 =	simm.s32 $_scs_section_size  }
0x9a: {  	s4 =	simm.s32 $_size__tile_overlayer_lowered;
	s5 =	simm.s32 $_tile_overlayer_lowered  }
0x9b: {  	s22 =	simm.s32 $0x1BFF;
	s21 =	sshll.u32 s5, $0x1;
	s2 =	sadd.s32 s19, s18  }
0x9c: {  	s6 =	simm.s32 $0x0;
	s20 =	sshll.u32 s4, $0x1;
	s4 =	sadd.s32 s21, s2  }
0x9d: {  	[timem:s6], [sflag:s22] =	dma.local [hbm:s4], s20  }
0x9e: {  	_ =	swait.ge [sflag:s22], s20  }
0x9f: {  	s3 =	ssub.s32 $0x0, s20;
	[sflag:s22] =	ssyncset.done $0x0  }
0xa0: {  	[sflag:s22] =	ssyncadd.s32 s3;
	_ =	sdelay $0x1  }
0xa1: {  	s23 =	simm.s32 $0x1B8B  }
0xa2: {  	_ =	swait.ge [sflag:s23], $0x1  }
0xa3: {  	[sflag:s23] =	ssyncset.done $0x0  }
0xa4: {  	s25 =	simm.s32 $0x1B8E;
	s24 =	sld [smem:$0x3FFE];
	[sflag:s23] =	ssyncadd.s32 $0xFFFFFFFF  }
0xa5: {  	s26 =	simm.s32 $execute0_lowered;
	[smem:$0x3FD2] =	sst s25  }
0xa6: {  	s4 =	sshll.u32 s26, $0x1;
	_ =	strace $0x80000049;
	[dreg:$0x1] =	wrdreg $0xFFFFFFFF  }
0xa7: {  	s28 =	simm.s32 $_size_execute0_lowered;
	s2 =	sadd.s32 s2, s4;
	[dreg:$0x0] =	wrdreg $0x0  }
0xa8: {  	s4 =	sshll.u32 s28, $0x1;
	[dreg:$0x2] =	wrdreg s2  }
0xa9: {  	[dreg:$0x3] =	wrdreg s4  }
0xaa: {  	[dreg:$0x4] =	wrdreg $0xC0  }
0xab: {  	_ =	task [dreg:s6], $0x5FFFF  }
0xac: {  	[dreg:$0x1] =	wrdreg $0xFFFFFFFF  }
0xad: {  	[dreg:$0x0] =	wrdreg $0x60  }
0xae: {  	[dreg:$0x2] =	wrdreg s24  }
0xaf: {  	[dreg:$0x3] =	wrdreg $0x4C000  }
0xb0: {  	[dreg:$0x4] =	wrdreg $0x9  }
0xb1: {  	_ =	task.clear_ibuf [dreg:s6], $0x5FFFF;
	_ =	strace $0x90000049  }
0xb2: {  	s29 =	simm.s32 $0x9;
	_ =	strace $0x8000004B  }
0xb3: {  	_ =	swait.ge [sflag:s29], $0x1  }
0xb4: {  	[sflag:s29] =	ssyncadd.s32 $0xFFFFFFFF  }
0xb5: {  	_ =	strace $0x9000004B  }
0xb6: {  	_ =	sfence  }
0xb7: {  	s30 =	sld [smem:$0x0];
	_ =	sdelay $0x2  }
0xb8: {  	s31 =	sshll.u32 s1, $0xD;
	s1 =	sshrl.u32 s1, $0x2  }
0xb9: {  	s3 =	sand.u32 $0x4000, s31;
	s1 =	sadd.s32 s1, s30  }
0xba: {  	s0 =	sor.u32 s3, s0;
	s1 =	sshll.u32 s1, $0x11  }
0xbb: {  	s0 =	sor.u32 s1, s0  }
0xbc: {  	s0 =	sadd.s32 $0x8F2B, s0  }
0xbd: {  	[sflag:s0] =	ssyncadd.remote.s32 $0x1  }
0xbe: {  	_ =	sfence.sel $0xFFFF  }
0xbf: {  	[dreg:$0x0] =	wrdreg $0xFFFFFFFF;
	(pc) =	sbr.abs _section_cstart, $3  }
0xc0: {  	[dreg:$0x1] =	wrdreg $0xFFFFFFFF  }
0xc1: {  	_ =	task.clear_ibuf [dreg:s6], $0x2FFFF;
	_ =	strace $0x9FFFFFFF  }
0xc2: {  	(tm) =	ssettm $0x7FFFFFFF  }
0xc3: {  	_ =	shalt  }
tec
execute0_lowered:
.L_overlay_start_1:
0x0: {  	(tag) =	ssettag $0x1  }
0x1: {  	s0 =	rddreg [dreg:$0x0]  }
0x2: {  	s1 =	rddreg [dreg:$0x1];
	s23 =	simm.s32 $0x0;
	s2 =	srdreg.scid  }
0x3: {  	s14 =	stileid.u32;
	s28 =	simm.s32 $0x1400;
	s29 =	simm.s32 $0x500  }
0x4: {  	s30 =	simm.s32 $0x1C00;
	s31 =	simm.s32 $0x580;
	[smem:$0x7FF] =	sst s23  }
0x5: {  	s4 =	sadd.s32 $0x222E00, s0;
	s2 =	sand.u32 $0x1, s2;
	s5 =	sadd.s32 $0x35200, s0  }
0x6: {  	s6 =	sadd.s32 $0x67200, s0;
	s7 =	sadd.s32 $0x3200, s0;
	s0 =	sadd.s32 $0x253C00, s0  }
0x7: {  	s8 =	smul.u32 $0x18680, s14;
	s15 =	sadd.s32 $0x186800, s1;
	p0 =	sne.s32 s14, $0xF  }
0x8: {  	_ =	strace $0x8000004A;
	s3 =	ssub.s32 $0x2, s2;
	s12 =	smul.u32 $0x186A00, s2  }
0x9: {  	[dreg:$0x8] =	wrdreg s15;
	s2 =	sshll.u32 s2, $0x4;
	s15 =	simm.s32 $0x680  }
0xa: {  	s9 =	sshrl.u32 s3, $0x1;
	s22 =	sadd.s32 $0x4000, s8;
	s10 =	sadd.s32 s8, s1  }
0xb: {  	s25 =	sadd.s32 $0x8000, s8;
	s26 =	sadd.s32 $0xC000, s8;
	s2 =	sor.u32 s14, s2  }
0xc: {  	s14 =	simm.s32 $0x2C00;
	s3 =	ssub.s32 s3, s9;
	[dreg:$0x4] =	wrdreg s10  }
0xd: {  	s24 =	sadd.s32 s22, s1;
	s11 =	sadd.s32 s25, s1;
	s13 =	sadd.s32 s26, s1  }
0xe: {  	s8 =	sadd.s32 s8, s12;
	s9 =	sadd.s32 s12, s22;
	[dreg:$0x5] =	wrdreg s24  }
0xf: {  	s19 =	sadd.s32 s12, s25;
	s20 =	sadd.s32 s12, s26;
	[dreg:$0x6] =	wrdreg s11  }
0x10: {  	s21 =	sshrl.u32 s12, $0x3;
	[dreg:$0x7] =	wrdreg s13;
	s13 =	smul.u32 $0xC800, s2  }
0x11: {  	s16 =	sshrl.u32 s8, $0x3;
	s17 =	sshrl.u32 s9, $0x3;
	s22 =	sshrl.u32 s20, $0x3  }
0x12: {  	s24 =	sadd.s32 s0, s21;
	s26 =	smax.u32 s3, $0x1;
	s20 =	simm.s32 $0xC00  }
0x13: {  	s21 =	simm.s32 $0x2;
	s3 =	simm.s32 $0x600;
	s8 =	simm.s32 $0x4400  }
0x14: {  	s2 =	sadd.s32 s0, s16;
	s18 =	sadd.s32 s0, s17;
	[dreg:$0xe] =	wrdreg s26  }
0x15: {  	s25 =	sadd.s32 $0x30D00, s24;
	s24 =	simm.s32 $0x1;
	[dreg:$0x9] =	wrdreg s2  }
0x16: {  	s26 =	simm.s32 $0x480;
	s16 =	simm.s32 $0x3400;
	[dreg:$0xa] =	wrdreg s18  }
0x17: {  	s17 =	simm.s32 $0x700;
	s2 =	sshrl.u32 s19, $0x3;
	[dreg:$0xd] =	wrdreg s25  }
0x18: {  	s25 =	simm.s32 $0x80;
	s18 =	simm.s32 $0x3C00;
	s2 =	sadd.s32 s0, s2  }
0x19: {  	s19 =	simm.s32 $0x780;
	s0 =	sadd.s32 s0, s22;
	[dreg:$0xb] =	wrdreg s2  }
0x1a: {  	v0 =	vimm.f32 $0.0e+00;
	s22 =	simm.s32 $0x400;
	[dreg:$0xc] =	wrdreg s0;
	s0 =	simm.s32 $0x2400  }
.LBB2_1:
0x1b: {  	s2 =	simm.s32 $0xC40  }
0x1c: {  	[tilespmem:s2+$0xFFFFFFC0] =	vst v0  }
0x1d: {  	[tilespmem:s2+$0x30] =	vst v0  }
0x1e: {  	[tilespmem:s2+$0x20] =	vst v0  }
0x1f: {  	[tilespmem:s2+$0x10] =	vst v0  }
0x20: {  	[tilespmem:s2+$0x0] =	vst v0  }
0x21: {  	[tilespmem:s2+$0xFFFFFFF0] =	vst v0  }
0x22: {  	[dreg:$0x3] =	wrdreg s23;
	s9 =	simm.s32 $0x0;
	[tilespmem:s2+$0xFFFFFFE0] =	vst v0  }
.LBB2_2:
0x23: {  	s9 =	sadd.s32 $0x8, s9;
	[tilespmem:s2+$0xFFFFFFD0] =	vst v0;
	s2 =	sadd.s32 $0x80, s2  }
0x24: {  	[tilespmem:s2+$0xFFFFFFC0] =	vst v0;
	p1 =	slt.u32 s9, $0x3F8  }
0x25: {  	[tilespmem:s2+$0x30] =	vst v0  }
.Ltmp0:
0x26: {  	[tilespmem:s2+$0x20] =	vst v0;
	(pc) =	sbr.rel @p1 .LBB2_2-.Ltmp0, $4  }
0x27: {  	[tilespmem:s2+$0x10] =	vst v0  }
0x28: {  	[tilespmem:s2+$0x0] =	vst v0  }
0x29: {  	[tilespmem:s2+$0xFFFFFFF0] =	vst v0  }
0x2a: {  	[tilespmem:s2+$0xFFFFFFE0] =	vst v0  }
0x2b: {  	[tilespmem:s2+$0xFFFFFFD0] =	vst v0;
	s10 =	rddreg [dreg:$0x4]  }
0x2c: {  	[spmem:s10] =	stream.linear.scatter [tilespmem:s20], [sflag:$0x2], $0x4000, $0x38;
	[tilespmem:$0x1D2A0] =	vst v63  }
0x2d: {  	_ =	swait.ge [sflag:s21], $0x4000  }
0x2e: {  	[sflag:s21] =	ssyncset.done $0x0  }
0x2f: {  	s11 =	rddreg [dreg:$0x5];
	[sflag:s21] =	ssyncadd.s32 $0xFFFFC000  }
0x30: {  	[spmem:s11] =	stream.linear.scatter [tilespmem:s20], [sflag:$0x2], $0x4000, $0x38;
	[tilespmem:$0x1D2A0] =	vst v63  }
0x31: {  	_ =	swait.ge [sflag:s21], $0x4000  }
0x32: {  	[sflag:s21] =	ssyncset.done $0x0  }
0x33: {  	s12 =	rddreg [dreg:$0x6];
	[sflag:s21] =	ssyncadd.s32 $0xFFFFC000  }
0x34: {  	[spmem:s12] =	stream.linear.scatter [tilespmem:s20], [sflag:$0x2], $0x4000, $0x38;
	[tilespmem:$0x1D2A0] =	vst v63  }
0x35: {  	_ =	swait.ge [sflag:s21], $0x4000  }
0x36: {  	[sflag:s21] =	ssyncset.done $0x0  }
0x37: {  	s23 =	rddreg [dreg:$0x7];
	[sflag:s21] =	ssyncadd.s32 $0xFFFFC000  }
0x38: {  	[spmem:s23] =	stream.linear.scatter [tilespmem:s20], [sflag:$0x2], $0xC680, $0x38;
	[tilespmem:$0x1D2A0] =	vst v63  }
0x39: {  	_ =	swait.ge [sflag:s21], $0xC680  }
0x3a: {  	[sflag:s21] =	ssyncset.done $0x0  }
0x3b: {  	s2 =	simm.s32 @!p0 $0xC00;
	s9 =	rddreg [dreg:$0x8];
	[sflag:s21] =	ssyncadd.s32 $0xFFFF3980  }
0x3c: {  	[spmem:s9] =	stream.linear.scatter @!p0 [tilespmem:s2], [sflag:$0x2], $0x200, $0x38;
	[tilespmem:$0x1D2A0] =	vst v63  }
0x3d: {  	s2 =	simm.s32 @!p0 $0x2  }
0x3e: {  	_ =	swait.ge @!p0 [sflag:s2], $0x200  }
0x3f: {  	[sflag:s2] =	ssyncset.done @!p0 $0x0  }
0x40: {  	[sflag:s2] =	ssyncadd.s32 @!p0 $0xFFFFFE00  }
0x41: {  	s10 =	simm.s32 $0x0;
	s9 =	simm.s32 $0x0;
	[bflag:$0x0] =	sbarrier.arrive $0xFFFF  }
.LBB2_4:
0x42: {  	s2 =	sshll.u32 s10, $0xA  }
0x43: {  	s2 =	sadd.s32 s13, s2  }
0x44: {  	s2 =	sshrl.u32 s2, $0x3  }
0x45: {  	s11 =	sadd.s32 s5, s2  }
0x46: {  	[tilespmem:s9], [sflag:$0x2] =	stream.linear.gather [hbm4b:s11+s9], $0x400, $0x38;
	[tilespmem:$0x1D2A0] =	vst v63  }
0x47: {  	_ =	swait.ge [sflag:s21], $0x400  }
0x48: {  	[sflag:s21] =	ssyncset.done $0x0  }
0x49: {  	s12 =	sadd.s32 s6, s2;
	[sflag:s21] =	ssyncadd.s32 $0xFFFFFC00  }
0x4a: {  	[tilespmem:s22], [sflag:$0x2] =	stream.linear.gather [hbm4b:s12+s9], $0x400, $0x38;
	[tilespmem:$0x1D2A0] =	vst v63  }
0x4b: {  	_ =	swait.ge [sflag:s21], $0x400  }
0x4c: {  	[sflag:s21] =	ssyncset.done $0x0  }
0x4d: {  	s23 =	simm.s32 $0x800;
	s2 =	sadd.s32 s7, s2;
	[sflag:s21] =	ssyncadd.s32 $0xFFFFFC00  }
0x4e: {  	[tilespmem:s23], [sflag:$0x2] =	stream.linear.gather [hbm4b:s2+s9], $0x400, $0x38;
	[tilespmem:$0x1D2A0] =	vst v63  }
0x4f: {  	_ =	swait.ge [sflag:s21], $0x400  }
0x50: {  	[sflag:s21] =	ssyncset.done $0x0  }
0x51: {  	[sflag:s21] =	ssyncadd.s32 $0xFFFFFC00  }
0x52: {  	[tilespmem:s20], [sflag:$0x1] =	stream.indirect.gather [hbm4b:s4+s22], $0x10, s9, s22, $0xb8;
	[tilespmem:$0x1D2A0] =	vst v63  }
0x53: {  	_ =	swait.ge [sflag:s24], $0x4000  }
0x54: {  	[sflag:s24] =	ssyncset.done $0x0  }
0x55: {  	s11 =	simm.s32 $0xC80;
	[sflag:s24] =	ssyncadd.s32 $0xFFFFC000  }
0x56: {  	s12 =	simm.s32 $0xC80;
	s23 =	simm.s32 $0x0;
	s2 =	simm.s32 $0x40;
	v1 =	vld [tilespmem:s11+$0xFFFFFFB0]  }
.LBB2_5:
0x57: {  	p1 =	sne.s32 s2, $0xFC0;
	v2 =	vld [tilespmem:s23+$0x800]  }
0x58: {  	v3 =	vld [tilespmem:s11+$0xFFFFFF90]  }
0x59: {  	v4 =	vld [tilespmem:s11+$0xFFFFFF80]  }
0x5a: {  	v5 =	vld [tilespmem:s11+$0xFFFFFFA0]  }
0x5b: {  	v6 =	vld [tilespmem:s11+$0xFFFFFFF0]  }
0x5c: {  	v7 =	vbroadcast v2, $0x0;
	v8 =	vbroadcast v2, $0x1;
	v9 =	vld [tilespmem:s11+$0xFFFFFFD0]  }
0x5d: {  	v10 =	vbroadcast v2, $0x2;
	v11 =	vbroadcast v2, $0x3;
	v12 =	vld [tilespmem:s11+$0xFFFFFFC0]  }
0x5e: {  	v4 =	vmul.f32 v7, v4;
	v3 =	vmul.f32 v3, v8;
	v7 =	vld [tilespmem:s11+$0xFFFFFFE0]  }
0x5f: {  	v1 =	vmul.f32 v1, v11;
	v5 =	vmul.f32 v5, v10;
	v8 =	vld [tilespmem:s11+$0x30]  }
0x60: {  	v10 =	vbroadcast v2, $0x5;
	[tilespmem:s11+$0xFFFFFF80] =	vst v4;
	v4 =	vbroadcast v2, $0x4;
	v11 =	vld [tilespmem:s11+$0x10]  }
0x61: {  	v13 =	vbroadcast v2, $0x7;
	[tilespmem:s11+$0xFFFFFF90] =	vst v3;
	v3 =	vbroadcast v2, $0x6;
	v14 =	vld [tilespmem:s11+$0x0]  }
0x62: {  	[tilespmem:s11+$0xFFFFFFA0] =	vst v5;
	v4 =	vmul.f32 v12, v4;
	v5 =	vmul.f32 v9, v10;
	v9 =	vld [tilespmem:s11+$0x20]  }
0x63: {  	[tilespmem:s11+$0xFFFFFFB0] =	vst v1;
	v1 =	vmul.f32 v7, v3;
	v3 =	vmul.f32 v6, v13;
	v6 =	vld [tilespmem:s11+$0x70]  }
0x64: {  	v7 =	vbroadcast v2, $0x9;
	[tilespmem:s11+$0xFFFFFFC0] =	vst v4;
	v4 =	vbroadcast v2, $0x8;
	v10 =	vld [tilespmem:s11+$0x50]  }
0x65: {  	v12 =	vbroadcast v2, $0xB;
	[tilespmem:s11+$0xFFFFFFD0] =	vst v5;
	v5 =	vbroadcast v2, $0xA;
	v13 =	vld [tilespmem:s11+$0x40]  }
0x66: {  	[tilespmem:s11+$0xFFFFFFE0] =	vst v1;
	v1 =	vmul.f32 v14, v4;
	v4 =	vmul.f32 v11, v7;
	v7 =	vld [tilespmem:s11+$0x60]  }
0x67: {  	[tilespmem:s11+$0xFFFFFFF0] =	vst v3;
	v3 =	vmul.f32 v9, v5;
	v5 =	vmul.f32 v8, v12  }
0x68: {  	v8 =	vbroadcast v2, $0xD;
	[tilespmem:s11+$0x0] =	vst v1;
	v1 =	vbroadcast v2, $0xC  }
0x69: {  	[tilespmem:s11+$0x10] =	vst v4;
	v4 =	vbroadcast v2, $0xE;
	v2 =	vbroadcast v2, $0xF  }
0x6a: {  	[tilespmem:s11+$0x20] =	vst v3;
	v1 =	vmul.f32 v13, v1;
	v3 =	vmul.f32 v10, v8  }
.Ltmp1:
0x6b: {  	[tilespmem:s11+$0x30] =	vst v5;
	v4 =	vmul.f32 v7, v4;
	v2 =	vmul.f32 v6, v2;
	(pc) =	sbr.rel @p1 .LBB2_5-.Ltmp1, $4  }
0x6c: {  	[tilespmem:s11+$0x40] =	vst v1  }
0x6d: {  	[tilespmem:s11+$0x50] =	vst v3  }
0x6e: {  	s11 =	sadd.s32 $0x100, s11;
	[tilespmem:s12+$0x60] =	vst v4  }
0x6f: {  	s23 =	sshra.s32 s2, $0x2;
	s2 =	sadd.s32 $0x40, s2;
	v1 =	vld [tilespmem:s11+$0xFFFFFFB0];
	[tilespmem:s12+$0x70] =	vst v2;
	s12 =	smov.u32 s11  }
0x70: {  	v2 =	vld [tilespmem:s23+$0x800];
	_ =	sdelay $0x1  }
0x71: {  	v3 =	vld [tilespmem:s11+$0xFFFFFF80]  }
0x72: {  	v4 =	vld [tilespmem:s11+$0xFFFFFF90]  }
0x73: {  	v5 =	vld [tilespmem:s11+$0xFFFFFFA0]  }
0x74: {  	v6 =	vbroadcast v2, $0x0  }
0x75: {  	v9 =	vld [tilespmem:s11+$0xFFFFFFD0];
	v7 =	vbroadcast v2, $0x1  }
0x76: {  	v8 =	vld [tilespmem:s11+$0xFFFFFFC0];
	v10 =	vbroadcast v2, $0x2;
	v3 =	vmul.f32 v6, v3  }
0x77: {  	v48 =	vld [tilespmem:s11+$0xFFFFFFE0];
	v47 =	vbroadcast v2, $0x3;
	v4 =	vmul.f32 v4, v7  }
0x78: {  	v51 =	vld [tilespmem:s11+$0x10];
	v49 =	vbroadcast v2, $0x5;
	v5 =	vmul.f32 v5, v10;
	[tilespmem:s11+$0xFFFFFF80] =	vst v3  }
0x79: {  	v11 =	vld [tilespmem:s11+$0xFFFFFFF0];
	v1 =	vmul.f32 v1, v47;
	v3 =	vbroadcast v2, $0x4;
	[tilespmem:s11+$0xFFFFFF90] =	vst v4  }
0x7a: {  	v50 =	vld [tilespmem:s11+$0x0];
	v12 =	vbroadcast v2, $0x6;
	v6 =	vmul.f32 v9, v49;
	[tilespmem:s11+$0xFFFFFFA0] =	vst v5  }
0x7b: {  	v56 =	vld [tilespmem:s11+$0x50];
	v54 =	vbroadcast v2, $0x9;
	[tilespmem:s11+$0xFFFFFFB0] =	vst v1;
	v3 =	vmul.f32 v8, v3  }
0x7c: {  	v53 =	vld [tilespmem:s11+$0x20];
	v52 =	vbroadcast v2, $0x7;
	v7 =	vmul.f32 v48, v12;
	[tilespmem:s11+$0xFFFFFFD0] =	vst v6  }
0x7d: {  	v59 =	vmul.f32 v51, v54;
	v1 =	vld [tilespmem:s11+$0x30];
	[tilespmem:s11+$0xFFFFFFC0] =	vst v3;
	v3 =	vbroadcast v2, $0x8  }
0x7e: {  	v55 =	vld [tilespmem:s11+$0x40];
	v62 =	vbroadcast v2, $0xD;
	v5 =	vmul.f32 v11, v52;
	[tilespmem:s11+$0xFFFFFFE0] =	vst v7  }
0x7f: {  	v60 =	vld [tilespmem:s11+$0x60];
	v57 =	vbroadcast v2, $0xA;
	[tilespmem:s11+$0x10] =	vst v59;
	v3 =	vmul.f32 v50, v3  }
0x80: {  	v61 =	vld [tilespmem:s11+$0x70];
	v58 =	vbroadcast v2, $0xB;
	v4 =	vmul.f32 v56, v62;
	[tilespmem:s11+$0xFFFFFFF0] =	vst v5  }
0x81: {  	v8 =	vmul.f32 v53, v57;
	[tilespmem:s11+$0x0] =	vst v3;
	v3 =	vbroadcast v2, $0xC  }
0x82: {  	v63 =	vbroadcast v2, $0xE;
	[tilespmem:s11+$0x50] =	vst v4;
	v1 =	vmul.f32 v1, v58  }
0x83: {  	[tilespmem:s11+$0x20] =	vst v8;
	v2 =	vbroadcast v2, $0xF;
	v3 =	vmul.f32 v55, v3  }
0x84: {  	[tilespmem:s11+$0x30] =	vst v1;
	v1 =	vmul.f32 v60, v63  }
0x85: {  	v2 =	vmul.f32 v61, v2;
	[tilespmem:s11+$0x40] =	vst v3  }
0x86: {  	[tilespmem:s12+$0x60] =	vst v1  }
0x87: {  	[tilespmem:s12+$0x70] =	vst v2  }
0x88: {  	[spmem:s1] =	stream.indirect.scatter.add.f32 [tilespmem:s20], [sflag:$0x2], $0x10, s22, s25, $0xb8;
	[tilespmem:$0x1D2A0] =	vst v63  }
0x89: {  	_ =	swait.ge [sflag:s21], $0x800  }
0x8a: {  	[sflag:s21] =	ssyncset.done $0x0  }
0x8b: {  	[sflag:s21] =	ssyncadd.s32 $0xFFFFF800  }
0x8c: {  	[spmem:s1] =	stream.indirect.scatter.add.f32 [tilespmem:s28], [sflag:$0x2], $0x10, s26, s25, $0xb8;
	[tilespmem:$0x1D2A0] =	vst v63  }
0x8d: {  	_ =	swait.ge [sflag:s21], $0x800  }
0x8e: {  	[sflag:s21] =	ssyncset.done $0x0  }
0x8f: {  	[sflag:s21] =	ssyncadd.s32 $0xFFFFF800  }
0x90: {  	[spmem:s1] =	stream.indirect.scatter.add.f32 [tilespmem:s30], [sflag:$0x2], $0x10, s29, s25, $0xb8;
	[tilespmem:$0x1D2A0] =	vst v63  }
0x91: {  	_ =	swait.ge [sflag:s21], $0x800  }
0x92: {  	[sflag:s21] =	ssyncset.done $0x0  }
0x93: {  	[sflag:s21] =	ssyncadd.s32 $0xFFFFF800  }
0x94: {  	[spmem:s1] =	stream.indirect.scatter.add.f32 [tilespmem:s0], [sflag:$0x2], $0x10, s31, s25, $0xb8;
	[tilespmem:$0x1D2A0] =	vst v63  }
0x95: {  	_ =	swait.ge [sflag:s21], $0x800  }
0x96: {  	[sflag:s21] =	ssyncset.done $0x0  }
0x97: {  	[sflag:s21] =	ssyncadd.s32 $0xFFFFF800  }
0x98: {  	[spmem:s1] =	stream.indirect.scatter.add.f32 [tilespmem:s14], [sflag:$0x2], $0x10, s3, s25, $0xb8;
	[tilespmem:$0x1D2A0] =	vst v63  }
0x99: {  	_ =	swait.ge [sflag:s21], $0x800  }
0x9a: {  	[sflag:s21] =	ssyncset.done $0x0  }
0x9b: {  	[sflag:s21] =	ssyncadd.s32 $0xFFFFF800  }
0x9c: {  	[spmem:s1] =	stream.indirect.scatter.add.f32 [tilespmem:s16], [sflag:$0x2], $0x10, s15, s25, $0xb8;
	[tilespmem:$0x1D2A0] =	vst v63  }
0x9d: {  	_ =	swait.ge [sflag:s21], $0x800  }
0x9e: {  	[sflag:s21] =	ssyncset.done $0x0  }
0x9f: {  	[sflag:s21] =	ssyncadd.s32 $0xFFFFF800  }
0xa0: {  	[spmem:s1] =	stream.indirect.scatter.add.f32 [tilespmem:s18], [sflag:$0x2], $0x10, s17, s25, $0xb8;
	[tilespmem:$0x1D2A0] =	vst v63  }
0xa1: {  	s10 =	sadd.s32 $0x1, s10;
	_ =	swait.ge [sflag:s21], $0x800  }
0xa2: {  	p1 =	sne.s32 s10, $0x32;
	[sflag:s21] =	ssyncset.done $0x0  }
.Ltmp2:
0xa3: {  	[sflag:s21] =	ssyncadd.s32 $0xFFFFF800;
	(pc) =	sbr.rel @p1 .LBB2_4-.Ltmp2, $4  }
0xa4: {  	[spmem:s1] =	stream.indirect.scatter.add.f32 [tilespmem:s8], [sflag:$0x2], $0x10, s19, s25, $0xb8;
	[tilespmem:$0x1D2A0] =	vst v63  }
0xa5: {  	_ =	swait.ge [sflag:s21], $0x800  }
0xa6: {  	[sflag:s21] =	ssyncset.done $0x0  }
0xa7: {  	[sflag:s21] =	ssyncadd.s32 $0xFFFFF800  }
0xa8: {  	s2 =	stileid.u32;
	[bflag:$0x0] =	sbarrier.arrive $0xFFFF  }
0xa9: {  	s2 =	sshll.u32 s2, $0x6;
	s9 =	rddreg [dreg:$0x4]  }
0xaa: {  	s10 =	rddreg [dreg:$0x9];
	s2 =	sor.u32 $0x1C02, s2;
	s9 =	sshrl.u32 s9, $0x3  }
0xab: {  	[hbm:s10], [sflag:s2] =	dma.local [spmem:s9], $0x800  }
0xac: {  	_ =	swait.ge [sflag:s21], $0x800  }
0xad: {  	[sflag:s21] =	ssyncset.done $0x0;
	s10 =	rddreg [dreg:$0x5]  }
0xae: {  	s11 =	rddreg [dreg:$0xa];
	[sflag:s21] =	ssyncadd.s32 $0xFFFFF800;
	s9 =	sshrl.u32 s10, $0x3  }
0xaf: {  	[hbm:s11], [sflag:s2] =	dma.local [spmem:s9], $0x800  }
0xb0: {  	_ =	swait.ge [sflag:s21], $0x800  }
0xb1: {  	[sflag:s21] =	ssyncset.done $0x0;
	s12 =	rddreg [dreg:$0x6]  }
0xb2: {  	s23 =	rddreg [dreg:$0xb];
	[sflag:s21] =	ssyncadd.s32 $0xFFFFF800;
	s9 =	sshrl.u32 s12, $0x3  }
0xb3: {  	[hbm:s23], [sflag:s2] =	dma.local [spmem:s9], $0x800  }
0xb4: {  	_ =	swait.ge [sflag:s21], $0x800  }
0xb5: {  	[sflag:s21] =	ssyncset.done $0x0;
	s10 =	rddreg [dreg:$0x7]  }
0xb6: {  	s11 =	rddreg [dreg:$0xc];
	[sflag:s21] =	ssyncadd.s32 $0xFFFFF800;
	s9 =	sshrl.u32 s10, $0x3  }
0xb7: {  	[hbm:s11], [sflag:s2] =	dma.local [spmem:s9], $0x18D0  }
0xb8: {  	_ =	swait.ge [sflag:s21], $0x18D0  }
0xb9: {  	[sflag:s21] =	ssyncset.done $0x0;
	s9 =	rddreg [dreg:$0x8]  }
0xba: {  	s10 =	rddreg [dreg:$0xd];
	[sflag:s21] =	ssyncadd.s32 $0xFFFFE730;
	s9 =	sshrl.u32 @!p0 s9, $0x3  }
0xbb: {  	[hbm:s10], [sflag:s2] =	dma.local @!p0 [spmem:s9], $0x40  }
0xbc: {  	s2 =	simm.s32 @!p0 $0x2  }
0xbd: {  	_ =	swait.ge @!p0 [sflag:s2], $0x40  }
0xbe: {  	s23 =	rddreg [dreg:$0x3]  }
0xbf: {  	s12 =	rddreg [dreg:$0xe];
	s23 =	sadd.s32 $0x1, s23  }
0xc0: {  	p1 =	sne.s32 s23, s12  }
.Ltmp3:
0xc1: {  	_ = 	snop;
	(pc) =	sbr.rel @p1 .LBB2_1-.Ltmp3, $3  }
0xc2: {  	_ =	sdelay $0x1  }
0xc3: {  	[sflag:s2] =	ssyncset.done @!p0 $0x0  }
0xc4: {  	[sflag:s2] =	ssyncadd.s32 @!p0 $0xFFFFFFC0  }
0xc5: {  	_ =	sfence.sel $0x180000  }
0xc6: {  	[bflag:$0x0] =	sbarrier.arrive $0xFFFF  }
0xc7: {  	_ =	strace $0x9000004A  }
0xc8: {  	s0 =	stileid.u32;
	[bflag:$0x2] =	sbarrier.arrive $0xFFFF  }
0xc9: {  	p0 =	sne.s32 s0, $0x0;
	s0 =	rddreg [dreg:$0x2]  }
0xca: {  	s0 =	sadd.s32 @!p0 $0x100000, s0  }
0xcb: {  	[sflag:s0] =	ssyncadd.tile.s32 @!p0 $0x1;
	_ =	shalt  }
.Lfunc_end2:
_tile_overlayer_lowered:
.L_overlay_start_2:
0xcc: {  	(tag) =	ssettag $0x2  }
0xcd: {  	s0 =	rddreg [dreg:$0x0];
	s2 =	stileid.u32  }
0xce: {  	s1 =	rddreg [dreg:$0x1];
	p0 =	sne.s32 s2, $0x0  }
0xcf: {  	s3 =	rddreg [dreg:$0x2];
	[bflag:$0x3] =	sbarrier.arrive $0xFFFF;
	s2 =	simm.s32 @!p0 $0x1C02  }
0xd0: {  	[timem:s3], [sflag:s2] =	dma.local @!p0 [hbm:s0], s1  }
0xd1: {  	s0 =	simm.s32 @!p0 $0x2  }
0xd2: {  	_ =	swait.ge @!p0 [sflag:s0], s1  }
0xd3: {  	s1 =	ssub.s32 @!p0 $0x0, s1;
	[sflag:s0] =	ssyncset.done @!p0 $0x0  }
0xd4: {  	[sflag:s0] =	ssyncadd.s32 @!p0 s1  }
0xd5: {  	[bflag:$0x3] =	sbarrier.arrive $0xFFFF  }
0xd6: {  	_ =	shalt  }

</sc_bundles>
